<compile_context>
chip_gen: v7x
topology: tpu7x:2x2x1
jax: 0.10.2.dev20260603
libtpu: 0.0.44.dev20260713+nightly
codegen_flags: <defaults>
</compile_context>

<pallas_src>
import functools

import jax
import jax.numpy as jnp
from jax import lax
from jax.experimental import pallas as pl
from jax.experimental.pallas import tpu as pltpu
from jax.experimental.pallas import tpu_sc as plsc

NC = 2
NS = 16
NW = NC * NS
L = 16
R = 8
NBI = 2
NQ = 2
NBO = 2

assert NBI * NQ % NBO == 0


@functools.partial(jax.jit, static_argnums=(2, 3))
def _permute_rows(x2, perm, n_rows, d):
    rows_per_w = n_rows // NW
    n_chunks = rows_per_w // R
    dq = d // NQ
    mesh = plsc.VectorSubcoreMesh(core_axis_name="c", subcore_axis_name="s")

    def body(x_hbm, perm_hbm, out_hbm, perm_v, *bufs):
        ins = bufs[:NBI]
        oqs = bufs[NBI:NBI + NBO]
        isems = bufs[NBI + NBO:NBI + NBO + NBI]
        osems = bufs[NBI + NBO + NBI:]
        wid = lax.axis_index("s") * NC + lax.axis_index("c")
        base_r = wid * rows_per_w

        def start_in(c, b):
            pltpu.async_copy(
                x_hbm.at[pl.ds(base_r + c * R, R), :], ins[b], isems[b])

        def wait_in(b):
            pltpu.make_async_copy(
                x_hbm.at[pl.ds(0, R), :], ins[b], isems[b]).wait()

        def start_out(c, q, s):
            pltpu.async_copy(
                oqs[s],
                out_hbm.at[pl.ds(base_r + c * R, R), pl.ds(q * dq, dq)],
                osems[s])

        def wait_out(s):
            pltpu.make_async_copy(
                oqs[s], out_hbm.at[pl.ds(0, R), pl.ds(0, dq)], osems[s]).wait()

        def gather_chunk(c, b, first_round):
            iv = ins[b]
            wait_in(b)
            for q in range(NQ):
                s = (b * NQ + q) % NBO
                if not (first_round and b * NQ + q < NBO):
                    wait_out(s)
                ov = oqs[s]

                @plsc.parallel_loop(q * (dq // L), (q + 1) * (dq // L),
                                    unroll=2)
                def jloop(j):
                    idx = perm_v[pl.ds(j * L, L)]
                    jq = j - q * (dq // L)
                    for r in range(R):
                        rvec = jnp.full((L,), r, dtype=jnp.int32)
                        ov[r, pl.ds(jq * L, L)] = plsc.load_gather(
                            iv, [rvec, idx])

                start_out(c, q, s)

        for b in range(NBI):
            start_in(b, b)
        pltpu.sync_copy(perm_hbm, perm_v)
        for b in range(NBI):
            gather_chunk(b, b, True)
            start_in(b + NBI, b)

        n_main_groups = (n_chunks - 2 * NBI) // NBI

        @pl.loop(NBI, NBI + n_main_groups * NBI, step=NBI)
        def main(g):
            for b in range(NBI):
                gather_chunk(g + b, b, False)
                start_in(g + b + NBI, b)

        for c in range(NBI + n_main_groups * NBI, n_chunks):
            gather_chunk(c, c % NBI, False)
            if c + NBI < n_chunks:
                start_in(c + NBI, c % NBI)
        for s in range(NBO):
            wait_out(s)

    fn = pl.kernel(
        body,
        out_type=jax.ShapeDtypeStruct((n_rows, d), jnp.float32),
        mesh=mesh,
        scratch_types=(
            [pltpu.VMEM((d,), jnp.int32)]
            + [pltpu.VMEM((R, d), jnp.float32)] * NBI
            + [pltpu.VMEM((R, d // NQ), jnp.float32)] * NBO
            + [pltpu.SemaphoreType.DMA] * (NBI + NBO)
        ),
        compiler_params=pltpu.CompilerParams(needs_layout_passes=False),
    )
    return fn(x2, perm)


def kernel(x, perm):
    b, s, d = x.shape
    x2 = x.reshape(b * s, d)
    out = _permute_rows(x2, perm, b * s, d)
    return out.reshape(b, s, d)

# --- scband reference (transcript-rebuilt; emitter-appended) ---
"""Pipeline reference for scband-permutation-87995289960512 (READ-ONLY COPY).

The authoritative reference and input builder live on the scoring server;
editing this copy changes nothing except your own understanding.
"""

import jax, jax.numpy as jnp
import numpy as np


def setup_inputs(seed: int = 0) -> dict:
    key = jax.random.key(seed)
    kx, kp = jax.random.split(key)
    x = jax.random.normal(kx, (2, 4096, 4096), dtype=jnp.float32)
    # build() with permutation_arrangement=random: a random permutation of the last dim
    perm = jax.random.permutation(kp, 4096).astype(jnp.int32)
    return {"x": x, "perm": perm}


def reference(x, perm):
    # tf.gather(inputs, self.permutation, axis=-1)
    return jnp.take(x, perm, axis=-1)

if __name__ == "__main__":
    import jax
    _d = setup_inputs()
    print(jax.jit(kernel)(*tuple(_d.values())))

</pallas_src>

<mosaic_0001>
#map = affine_map<(d0, d1) -> (0, 0)>
#map1 = affine_map<(d0, d1) -> (0)>
module attributes {stable_mosaic.version = 14 : i64} {
  func.func @body(%arg0: i32, %arg1: i32, %arg2: memref<8192x4096xf32, #tpu.memory_space<hbm>>, %arg3: memref<4096xi32, #tpu.memory_space<hbm>>, %arg4: memref<8192x4096xf32, #tpu.memory_space<hbm>>, %arg5: memref<4096xi32, #tpu.memory_space<vmem>>, %arg6: memref<8x4096xf32, #tpu.memory_space<vmem>>, %arg7: memref<8x4096xf32, #tpu.memory_space<vmem>>, %arg8: memref<8x2048xf32, #tpu.memory_space<vmem>>, %arg9: memref<8x2048xf32, #tpu.memory_space<vmem>>, %arg10: memref<!tpu.dma_semaphore, #tpu.memory_space<semaphore_mem>>, %arg11: memref<!tpu.dma_semaphore, #tpu.memory_space<semaphore_mem>>, %arg12: memref<!tpu.dma_semaphore, #tpu.memory_space<semaphore_mem>>, %arg13: memref<!tpu.dma_semaphore, #tpu.memory_space<semaphore_mem>>) attributes {dimension_semantics = [#tpu.dimension_semantics<core_parallel>, #tpu.dimension_semantics<subcore_parallel>], iteration_bounds = array<i64: 2, 16>, scalar_prefetch = 0 : i64, scratch_operands = 9 : i64, tpu.core_type = #tpu.core_type<sc_vector_subcore>, window_params = [{transform_indices = #map}, {transform_indices = #map1}, {transform_indices = #map}]} {
    %mul3A = arith.constant 2 : i32
    %mul3A_0 = arith.muli %arg1, %mul3A : i32
    %add3A = arith.addi %mul3A_0, %arg0 : i32
    %mul3A_1 = arith.constant 256 : i32
    %mul3A_2 = arith.muli %add3A, %mul3A_1 : i32
    %add3A_3 = arith.constant 0 : i32
    %add3A_4 = arith.addi %mul3A_2, %add3A_3 : i32
    %dma_start3A = arith.constant 0 : i32
    %dma_start3A_5 = tpu.memref_slice %arg2[%add3A_4, %dma_start3A] : memref<8192x4096xf32, #tpu.memory_space<hbm>> -> memref<8x4096xf32, #tpu.memory_space<hbm>>
    %dma_start3A_6 = arith.constant 0 : i32
    %dma_start3A_7 = tpu.memref_slice %arg2[%add3A_4, %dma_start3A_6] : memref<8192x4096xf32, #tpu.memory_space<hbm>> -> memref<8x4096xf32, #tpu.memory_space<hbm>>
    tpu.enqueue_dma source(%dma_start3A_7 : memref<8x4096xf32, #tpu.memory_space<hbm>>) target(%arg6 : memref<8x4096xf32, #tpu.memory_space<vmem>>) target_semaphore(%arg10 : memref<!tpu.dma_semaphore, #tpu.memory_space<semaphore_mem>>)
    %add3A_8 = arith.constant 8 : i32
    %add3A_9 = arith.addi %mul3A_2, %add3A_8 : i32
    %dma_start3A_10 = arith.constant 0 : i32
    %dma_start3A_11 = tpu.memref_slice %arg2[%add3A_9, %dma_start3A_10] : memref<8192x4096xf32, #tpu.memory_space<hbm>> -> memref<8x4096xf32, #tpu.memory_space<hbm>>
    %dma_start3A_12 = arith.constant 0 : i32
    %dma_start3A_13 = tpu.memref_slice %arg2[%add3A_9, %dma_start3A_12] : memref<8192x4096xf32, #tpu.memory_space<hbm>> -> memref<8x4096xf32, #tpu.memory_space<hbm>>
    tpu.enqueue_dma source(%dma_start3A_13 : memref<8x4096xf32, #tpu.memory_space<hbm>>) target(%arg7 : memref<8x4096xf32, #tpu.memory_space<vmem>>) target_semaphore(%arg11 : memref<!tpu.dma_semaphore, #tpu.memory_space<semaphore_mem>>)
    "tpu.region"() ({
      %run_scoped3A = tpu.sem_alloc : memref<!tpu.dma_semaphore, #tpu.memory_space<semaphore_mem>>
      tpu.enqueue_dma source(%arg3 : memref<4096xi32, #tpu.memory_space<hbm>>) target(%arg5 : memref<4096xi32, #tpu.memory_space<vmem>>) target_semaphore(%run_scoped3A : memref<!tpu.dma_semaphore, #tpu.memory_space<semaphore_mem>>)
      tpu.wait_dma2 semaphore(%run_scoped3A : memref<!tpu.dma_semaphore, #tpu.memory_space<semaphore_mem>>) src(%arg3 : memref<4096xi32, #tpu.memory_space<hbm>>) dst(%arg5 : memref<4096xi32, #tpu.memory_space<vmem>>)
      tpu.yield
    }) : () -> ()
    %dma_wait3A = arith.constant 0 : i32
    %dma_wait3A_14 = arith.constant 0 : i32
    %dma_wait3A_15 = tpu.memref_slice %arg2[%dma_wait3A, %dma_wait3A_14] : memref<8192x4096xf32, #tpu.memory_space<hbm>> -> memref<8x4096xf32, #tpu.memory_space<hbm>>
    %dma_wait3A_16 = arith.constant 0 : i32
    %dma_wait3A_17 = arith.constant 0 : i32
    %dma_wait3A_18 = tpu.memref_slice %arg2[%dma_wait3A_16, %dma_wait3A_17] : memref<8192x4096xf32, #tpu.memory_space<hbm>> -> memref<8x4096xf32, #tpu.memory_space<hbm>>
    tpu.wait_dma2 semaphore(%arg10 : memref<!tpu.dma_semaphore, #tpu.memory_space<semaphore_mem>>) src(%dma_wait3A_18 : memref<8x4096xf32, #tpu.memory_space<hbm>>) dst(%arg6 : memref<8x4096xf32, #tpu.memory_space<vmem>>)
    %parallel_loop3A = arith.constant 0 : i32
    %parallel_loop3A_19 = arith.constant 128 : i32
    %parallel_loop3A_20 = arith.constant 1 : i32
    scf.for %parallel_loop3A_172 = %parallel_loop3A to %parallel_loop3A_19 step %parallel_loop3A_20  : i32 {
      %parallel_loop3A_173 = arith.constant 16 : i32
      %parallel_loop3A_174 = arith.muli %parallel_loop3A_172, %parallel_loop3A_173 : i32
      %parallel_loop3A_175 = arith.index_cast %parallel_loop3A_174 : i32 to index
      %parallel_loop3A_176 = tpu.vector_load %arg5[%parallel_loop3A_175] {strides = array<i32>} : memref<4096xi32, #tpu.memory_space<vmem>>, vector<16xi32>,
      %parallel_loop3A_177 = arith.constant 0 : i32
      %parallel_loop3A_178 = arith.subi %parallel_loop3A_172, %parallel_loop3A_177 : i32
      %parallel_loop3A_179 = arith.constant 0 : i32
      %parallel_loop3A_180 = vector.broadcast %parallel_loop3A_179 : i32 to vector<16xi32>
      %parallel_loop3A_181 = tpu.vector_load_idx %arg6[%parallel_loop3A_180, %parallel_loop3A_176] : memref<8x4096xf32, #tpu.memory_space<vmem>>[vector<16xi32>, vector<16xi32>], vector<16xf32>,
      %parallel_loop3A_182 = arith.constant 16 : i32
      %parallel_loop3A_183 = arith.muli %parallel_loop3A_178, %parallel_loop3A_182 : i32
      %parallel_loop3A_184 = arith.constant 0 : i32
      %parallel_loop3A_185 = arith.index_cast %parallel_loop3A_184 : i32 to index
      %parallel_loop3A_186 = arith.index_cast %parallel_loop3A_183 : i32 to index
      %parallel_loop3A_187 = tpu.vector_load %arg8[%parallel_loop3A_185, %parallel_loop3A_186] {strides = array<i32>} : memref<8x2048xf32, #tpu.memory_space<vmem>>, vector<16xf32>,
      tpu.vector_store %arg8[%parallel_loop3A_185, %parallel_loop3A_186], %parallel_loop3A_181 {strides = array<i32>} : memref<8x2048xf32, #tpu.memory_space<vmem>>, vector<16xf32>,
      %parallel_loop3A_188 = arith.constant 1 : i32
      %parallel_loop3A_189 = vector.broadcast %parallel_loop3A_188 : i32 to vector<16xi32>
      %parallel_loop3A_190 = tpu.vector_load_idx %arg6[%parallel_loop3A_189, %parallel_loop3A_176] : memref<8x4096xf32, #tpu.memory_space<vmem>>[vector<16xi32>, vector<16xi32>], vector<16xf32>,
      %parallel_loop3A_191 = arith.constant 16 : i32
      %parallel_loop3A_192 = arith.muli %parallel_loop3A_178, %parallel_loop3A_191 : i32
      %parallel_loop3A_193 = arith.constant 1 : i32
      %parallel_loop3A_194 = arith.index_cast %parallel_loop3A_193 : i32 to index
      %parallel_loop3A_195 = arith.index_cast %parallel_loop3A_192 : i32 to index
      %parallel_loop3A_196 = tpu.vector_load %arg8[%parallel_loop3A_194, %parallel_loop3A_195] {strides = array<i32>} : memref<8x2048xf32, #tpu.memory_space<vmem>>, vector<16xf32>,
      tpu.vector_store %arg8[%parallel_loop3A_194, %parallel_loop3A_195], %parallel_loop3A_190 {strides = array<i32>} : memref<8x2048xf32, #tpu.memory_space<vmem>>, vector<16xf32>,
      %parallel_loop3A_197 = arith.constant 2 : i32
      %parallel_loop3A_198 = vector.broadcast %parallel_loop3A_197 : i32 to vector<16xi32>
      %parallel_loop3A_199 = tpu.vector_load_idx %arg6[%parallel_loop3A_198, %parallel_loop3A_176] : memref<8x4096xf32, #tpu.memory_space<vmem>>[vector<16xi32>, vector<16xi32>], vector<16xf32>,
      %parallel_loop3A_200 = arith.constant 16 : i32
      %parallel_loop3A_201 = arith.muli %parallel_loop3A_178, %parallel_loop3A_200 : i32
      %parallel_loop3A_202 = arith.constant 2 : i32
      %parallel_loop3A_203 = arith.index_cast %parallel_loop3A_202 : i32 to index
      %parallel_loop3A_204 = arith.index_cast %parallel_loop3A_201 : i32 to index
      %parallel_loop3A_205 = tpu.vector_load %arg8[%parallel_loop3A_203, %parallel_loop3A_204] {strides = array<i32>} : memref<8x2048xf32, #tpu.memory_space<vmem>>, vector<16xf32>,
      tpu.vector_store %arg8[%parallel_loop3A_203, %parallel_loop3A_204], %parallel_loop3A_199 {strides = array<i32>} : memref<8x2048xf32, #tpu.memory_space<vmem>>, vector<16xf32>,
      %parallel_loop3A_206 = arith.constant 3 : i32
      %parallel_loop3A_207 = vector.broadcast %parallel_loop3A_206 : i32 to vector<16xi32>
      %parallel_loop3A_208 = tpu.vector_load_idx %arg6[%parallel_loop3A_207, %parallel_loop3A_176] : memref<8x4096xf32, #tpu.memory_space<vmem>>[vector<16xi32>, vector<16xi32>], vector<16xf32>,
      %parallel_loop3A_209 = arith.constant 16 : i32
      %parallel_loop3A_210 = arith.muli %parallel_loop3A_178, %parallel_loop3A_209 : i32
      %parallel_loop3A_211 = arith.constant 3 : i32
      %parallel_loop3A_212 = arith.index_cast %parallel_loop3A_211 : i32 to index
      %parallel_loop3A_213 = arith.index_cast %parallel_loop3A_210 : i32 to index
      %parallel_loop3A_214 = tpu.vector_load %arg8[%parallel_loop3A_212, %parallel_loop3A_213] {strides = array<i32>} : memref<8x2048xf32, #tpu.memory_space<vmem>>, vector<16xf32>,
      tpu.vector_store %arg8[%parallel_loop3A_212, %parallel_loop3A_213], %parallel_loop3A_208 {strides = array<i32>} : memref<8x2048xf32, #tpu.memory_space<vmem>>, vector<16xf32>,
      %parallel_loop3A_215 = arith.constant 4 : i32
      %parallel_loop3A_216 = vector.broadcast %parallel_loop3A_215 : i32 to vector<16xi32>
      %parallel_loop3A_217 = tpu.vector_load_idx %arg6[%parallel_loop3A_216, %parallel_loop3A_176] : memref<8x4096xf32, #tpu.memory_space<vmem>>[vector<16xi32>, vector<16xi32>], vector<16xf32>,
      %parallel_loop3A_218 = arith.constant 16 : i32
      %parallel_loop3A_219 = arith.muli %parallel_loop3A_178, %parallel_loop3A_218 : i32
      %parallel_loop3A_220 = arith.constant 4 : i32
      %parallel_loop3A_221 = arith.index_cast %parallel_loop3A_220 : i32 to index
      %parallel_loop3A_222 = arith.index_cast %parallel_loop3A_219 : i32 to index
      %parallel_loop3A_223 = tpu.vector_load %arg8[%parallel_loop3A_221, %parallel_loop3A_222] {strides = array<i32>} : memref<8x2048xf32, #tpu.memory_space<vmem>>, vector<16xf32>,
      tpu.vector_store %arg8[%parallel_loop3A_221, %parallel_loop3A_222], %parallel_loop3A_217 {strides = array<i32>} : memref<8x2048xf32, #tpu.memory_space<vmem>>, vector<16xf32>,
      %parallel_loop3A_224 = arith.constant 5 : i32
      %parallel_loop3A_225 = vector.broadcast %parallel_loop3A_224 : i32 to vector<16xi32>
      %parallel_loop3A_226 = tpu.vector_load_idx %arg6[%parallel_loop3A_225, %parallel_loop3A_176] : memref<8x4096xf32, #tpu.memory_space<vmem>>[vector<16xi32>, vector<16xi32>], vector<16xf32>,
      %parallel_loop3A_227 = arith.constant 16 : i32
      %parallel_loop3A_228 = arith.muli %parallel_loop3A_178, %parallel_loop3A_227 : i32
      %parallel_loop3A_229 = arith.constant 5 : i32
      %parallel_loop3A_230 = arith.index_cast %parallel_loop3A_229 : i32 to index
      %parallel_loop3A_231 = arith.index_cast %parallel_loop3A_228 : i32 to index
      %parallel_loop3A_232 = tpu.vector_load %arg8[%parallel_loop3A_230, %parallel_loop3A_231] {strides = array<i32>} : memref<8x2048xf32, #tpu.memory_space<vmem>>, vector<16xf32>,
      tpu.vector_store %arg8[%parallel_loop3A_230, %parallel_loop3A_231], %parallel_loop3A_226 {strides = array<i32>} : memref<8x2048xf32, #tpu.memory_space<vmem>>, vector<16xf32>,
      %parallel_loop3A_233 = arith.constant 6 : i32
      %parallel_loop3A_234 = vector.broadcast %parallel_loop3A_233 : i32 to vector<16xi32>
      %parallel_loop3A_235 = tpu.vector_load_idx %arg6[%parallel_loop3A_234, %parallel_loop3A_176] : memref<8x4096xf32, #tpu.memory_space<vmem>>[vector<16xi32>, vector<16xi32>], vector<16xf32>,
      %parallel_loop3A_236 = arith.constant 16 : i32
      %parallel_loop3A_237 = arith.muli %parallel_loop3A_178, %parallel_loop3A_236 : i32
      %parallel_loop3A_238 = arith.constant 6 : i32
      %parallel_loop3A_239 = arith.index_cast %parallel_loop3A_238 : i32 to index
      %parallel_loop3A_240 = arith.index_cast %parallel_loop3A_237 : i32 to index
      %parallel_loop3A_241 = tpu.vector_load %arg8[%parallel_loop3A_239, %parallel_loop3A_240] {strides = array<i32>} : memref<8x2048xf32, #tpu.memory_space<vmem>>, vector<16xf32>,
      tpu.vector_store %arg8[%parallel_loop3A_239, %parallel_loop3A_240], %parallel_loop3A_235 {strides = array<i32>} : memref<8x2048xf32, #tpu.memory_space<vmem>>, vector<16xf32>,
      %parallel_loop3A_242 = arith.constant 7 : i32
      %parallel_loop3A_243 = vector.broadcast %parallel_loop3A_242 : i32 to vector<16xi32>
      %parallel_loop3A_244 = tpu.vector_load_idx %arg6[%parallel_loop3A_243, %parallel_loop3A_176] : memref<8x4096xf32, #tpu.memory_space<vmem>>[vector<16xi32>, vector<16xi32>], vector<16xf32>,
      %parallel_loop3A_245 = arith.constant 16 : i32
      %parallel_loop3A_246 = arith.muli %parallel_loop3A_178, %parallel_loop3A_245 : i32
      %parallel_loop3A_247 = arith.constant 7 : i32
      %parallel_loop3A_248 = arith.index_cast %parallel_loop3A_247 : i32 to index
      %parallel_loop3A_249 = arith.index_cast %parallel_loop3A_246 : i32 to index
      %parallel_loop3A_250 = tpu.vector_load %arg8[%parallel_loop3A_248, %parallel_loop3A_249] {strides = array<i32>} : memref<8x2048xf32, #tpu.memory_space<vmem>>, vector<16xf32>,
      tpu.vector_store %arg8[%parallel_loop3A_248, %parallel_loop3A_249], %parallel_loop3A_244 {strides = array<i32>} : memref<8x2048xf32, #tpu.memory_space<vmem>>, vector<16xf32>,
    } {sc.loop_unroll_factor = 2 : i64, sc.parallel_access}
    %add3A_21 = arith.constant 0 : i32
    %add3A_22 = arith.addi %mul3A_2, %add3A_21 : i32
    %dma_start3A_23 = arith.constant 0 : i32
    %dma_start3A_24 = tpu.memref_slice %arg4[%add3A_22, %dma_start3A_23] : memref<8192x4096xf32, #tpu.memory_space<hbm>> -> memref<8x2048xf32, #tpu.memory_space<hbm>>
    %dma_start3A_25 = arith.constant 0 : i32
    %dma_start3A_26 = tpu.memref_slice %arg4[%add3A_22, %dma_start3A_25] : memref<8192x4096xf32, #tpu.memory_space<hbm>> -> memref<8x2048xf32, #tpu.memory_space<hbm>>
    tpu.enqueue_dma source(%arg8 : memref<8x2048xf32, #tpu.memory_space<vmem>>) target(%dma_start3A_26 : memref<8x2048xf32, #tpu.memory_space<hbm>>) target_semaphore(%arg12 : memref<!tpu.dma_semaphore, #tpu.memory_space<semaphore_mem>>)
    %parallel_loop3A_27 = arith.constant 128 : i32
    %parallel_loop3A_28 = arith.constant 256 : i32
    %parallel_loop3A_29 = arith.constant 1 : i32
    scf.for %parallel_loop3A_172 = %parallel_loop3A_27 to %parallel_loop3A_28 step %parallel_loop3A_29  : i32 {
      %parallel_loop3A_173 = arith.constant 16 : i32
      %parallel_loop3A_174 = arith.muli %parallel_loop3A_172, %parallel_loop3A_173 : i32
      %parallel_loop3A_175 = arith.index_cast %parallel_loop3A_174 : i32 to index
      %parallel_loop3A_176 = tpu.vector_load %arg5[%parallel_loop3A_175] {strides = array<i32>} : memref<4096xi32, #tpu.memory_space<vmem>>, vector<16xi32>,
      %parallel_loop3A_177 = arith.constant 128 : i32
      %parallel_loop3A_178 = arith.subi %parallel_loop3A_172, %parallel_loop3A_177 : i32
      %parallel_loop3A_179 = arith.constant 0 : i32
      %parallel_loop3A_180 = vector.broadcast %parallel_loop3A_179 : i32 to vector<16xi32>
      %parallel_loop3A_181 = tpu.vector_load_idx %arg6[%parallel_loop3A_180, %parallel_loop3A_176] : memref<8x4096xf32, #tpu.memory_space<vmem>>[vector<16xi32>, vector<16xi32>], vector<16xf32>,
      %parallel_loop3A_182 = arith.constant 16 : i32
      %parallel_loop3A_183 = arith.muli %parallel_loop3A_178, %parallel_loop3A_182 : i32
      %parallel_loop3A_184 = arith.constant 0 : i32
      %parallel_loop3A_185 = arith.index_cast %parallel_loop3A_184 : i32 to index
      %parallel_loop3A_186 = arith.index_cast %parallel_loop3A_183 : i32 to index
      %parallel_loop3A_187 = tpu.vector_load %arg9[%parallel_loop3A_185, %parallel_loop3A_186] {strides = array<i32>} : memref<8x2048xf32, #tpu.memory_space<vmem>>, vector<16xf32>,
      tpu.vector_store %arg9[%parallel_loop3A_185, %parallel_loop3A_186], %parallel_loop3A_181 {strides = array<i32>} : memref<8x2048xf32, #tpu.memory_space<vmem>>, vector<16xf32>,
      %parallel_loop3A_188 = arith.constant 1 : i32
      %parallel_loop3A_189 = vector.broadcast %parallel_loop3A_188 : i32 to vector<16xi32>
      %parallel_loop3A_190 = tpu.vector_load_idx %arg6[%parallel_loop3A_189, %parallel_loop3A_176] : memref<8x4096xf32, #tpu.memory_space<vmem>>[vector<16xi32>, vector<16xi32>], vector<16xf32>,
      %parallel_loop3A_191 = arith.constant 16 : i32
      %parallel_loop3A_192 = arith.muli %parallel_loop3A_178, %parallel_loop3A_191 : i32
      %parallel_loop3A_193 = arith.constant 1 : i32
      %parallel_loop3A_194 = arith.index_cast %parallel_loop3A_193 : i32 to index
      %parallel_loop3A_195 = arith.index_cast %parallel_loop3A_192 : i32 to index
      %parallel_loop3A_196 = tpu.vector_load %arg9[%parallel_loop3A_194, %parallel_loop3A_195] {strides = array<i32>} : memref<8x2048xf32, #tpu.memory_space<vmem>>, vector<16xf32>,
      tpu.vector_store %arg9[%parallel_loop3A_194, %parallel_loop3A_195], %parallel_loop3A_190 {strides = array<i32>} : memref<8x2048xf32, #tpu.memory_space<vmem>>, vector<16xf32>,
      %parallel_loop3A_197 = arith.constant 2 : i32
      %parallel_loop3A_198 = vector.broadcast %parallel_loop3A_197 : i32 to vector<16xi32>
      %parallel_loop3A_199 = tpu.vector_load_idx %arg6[%parallel_loop3A_198, %parallel_loop3A_176] : memref<8x4096xf32, #tpu.memory_space<vmem>>[vector<16xi32>, vector<16xi32>], vector<16xf32>,
      %parallel_loop3A_200 = arith.constant 16 : i32
      %parallel_loop3A_201 = arith.muli %parallel_loop3A_178, %parallel_loop3A_200 : i32
      %parallel_loop3A_202 = arith.constant 2 : i32
      %parallel_loop3A_203 = arith.index_cast %parallel_loop3A_202 : i32 to index
      %parallel_loop3A_204 = arith.index_cast %parallel_loop3A_201 : i32 to index
      %parallel_loop3A_205 = tpu.vector_load %arg9[%parallel_loop3A_203, %parallel_loop3A_204] {strides = array<i32>} : memref<8x2048xf32, #tpu.memory_space<vmem>>, vector<16xf32>,
      tpu.vector_store %arg9[%parallel_loop3A_203, %parallel_loop3A_204], %parallel_loop3A_199 {strides = array<i32>} : memref<8x2048xf32, #tpu.memory_space<vmem>>, vector<16xf32>,
      %parallel_loop3A_206 = arith.constant 3 : i32
      %parallel_loop3A_207 = vector.broadcast %parallel_loop3A_206 : i32 to vector<16xi32>
      %parallel_loop3A_208 = tpu.vector_load_idx %arg6[%parallel_loop3A_207, %parallel_loop3A_176] : memref<8x4096xf32, #tpu.memory_space<vmem>>[vector<16xi32>, vector<16xi32>], vector<16xf32>,
      %parallel_loop3A_209 = arith.constant 16 : i32
      %parallel_loop3A_210 = arith.muli %parallel_loop3A_178, %parallel_loop3A_209 : i32
      %parallel_loop3A_211 = arith.constant 3 : i32
      %parallel_loop3A_212 = arith.index_cast %parallel_loop3A_211 : i32 to index
      %parallel_loop3A_213 = arith.index_cast %parallel_loop3A_210 : i32 to index
      %parallel_loop3A_214 = tpu.vector_load %arg9[%parallel_loop3A_212, %parallel_loop3A_213] {strides = array<i32>} : memref<8x2048xf32, #tpu.memory_space<vmem>>, vector<16xf32>,
      tpu.vector_store %arg9[%parallel_loop3A_212, %parallel_loop3A_213], %parallel_loop3A_208 {strides = array<i32>} : memref<8x2048xf32, #tpu.memory_space<vmem>>, vector<16xf32>,
      %parallel_loop3A_215 = arith.constant 4 : i32
      %parallel_loop3A_216 = vector.broadcast %parallel_loop3A_215 : i32 to vector<16xi32>
      %parallel_loop3A_217 = tpu.vector_load_idx %arg6[%parallel_loop3A_216, %parallel_loop3A_176] : memref<8x4096xf32, #tpu.memory_space<vmem>>[vector<16xi32>, vector<16xi32>], vector<16xf32>,
      %parallel_loop3A_218 = arith.constant 16 : i32
      %parallel_loop3A_219 = arith.muli %parallel_loop3A_178, %parallel_loop3A_218 : i32
      %parallel_loop3A_220 = arith.constant 4 : i32
      %parallel_loop3A_221 = arith.index_cast %parallel_loop3A_220 : i32 to index
      %parallel_loop3A_222 = arith.index_cast %parallel_loop3A_219 : i32 to index
      %parallel_loop3A_223 = tpu.vector_load %arg9[%parallel_loop3A_221, %parallel_loop3A_222] {strides = array<i32>} : memref<8x2048xf32, #tpu.memory_space<vmem>>, vector<16xf32>,
      tpu.vector_store %arg9[%parallel_loop3A_221, %parallel_loop3A_222], %parallel_loop3A_217 {strides = array<i32>} : memref<8x2048xf32, #tpu.memory_space<vmem>>, vector<16xf32>,
      %parallel_loop3A_224 = arith.constant 5 : i32
      %parallel_loop3A_225 = vector.broadcast %parallel_loop3A_224 : i32 to vector<16xi32>
      %parallel_loop3A_226 = tpu.vector_load_idx %arg6[%parallel_loop3A_225, %parallel_loop3A_176] : memref<8x4096xf32, #tpu.memory_space<vmem>>[vector<16xi32>, vector<16xi32>], vector<16xf32>,
      %parallel_loop3A_227 = arith.constant 16 : i32
      %parallel_loop3A_228 = arith.muli %parallel_loop3A_178, %parallel_loop3A_227 : i32
      %parallel_loop3A_229 = arith.constant 5 : i32
      %parallel_loop3A_230 = arith.index_cast %parallel_loop3A_229 : i32 to index
      %parallel_loop3A_231 = arith.index_cast %parallel_loop3A_228 : i32 to index
      %parallel_loop3A_232 = tpu.vector_load %arg9[%parallel_loop3A_230, %parallel_loop3A_231] {strides = array<i32>} : memref<8x2048xf32, #tpu.memory_space<vmem>>, vector<16xf32>,
      tpu.vector_store %arg9[%parallel_loop3A_230, %parallel_loop3A_231], %parallel_loop3A_226 {strides = array<i32>} : memref<8x2048xf32, #tpu.memory_space<vmem>>, vector<16xf32>,
      %parallel_loop3A_233 = arith.constant 6 : i32
      %parallel_loop3A_234 = vector.broadcast %parallel_loop3A_233 : i32 to vector<16xi32>
      %parallel_loop3A_235 = tpu.vector_load_idx %arg6[%parallel_loop3A_234, %parallel_loop3A_176] : memref<8x4096xf32, #tpu.memory_space<vmem>>[vector<16xi32>, vector<16xi32>], vector<16xf32>,
      %parallel_loop3A_236 = arith.constant 16 : i32
      %parallel_loop3A_237 = arith.muli %parallel_loop3A_178, %parallel_loop3A_236 : i32
      %parallel_loop3A_238 = arith.constant 6 : i32
      %parallel_loop3A_239 = arith.index_cast %parallel_loop3A_238 : i32 to index
      %parallel_loop3A_240 = arith.index_cast %parallel_loop3A_237 : i32 to index
      %parallel_loop3A_241 = tpu.vector_load %arg9[%parallel_loop3A_239, %parallel_loop3A_240] {strides = array<i32>} : memref<8x2048xf32, #tpu.memory_space<vmem>>, vector<16xf32>,
      tpu.vector_store %arg9[%parallel_loop3A_239, %parallel_loop3A_240], %parallel_loop3A_235 {strides = array<i32>} : memref<8x2048xf32, #tpu.memory_space<vmem>>, vector<16xf32>,
      %parallel_loop3A_242 = arith.constant 7 : i32
      %parallel_loop3A_243 = vector.broadcast %parallel_loop3A_242 : i32 to vector<16xi32>
      %parallel_loop3A_244 = tpu.vector_load_idx %arg6[%parallel_loop3A_243, %parallel_loop3A_176] : memref<8x4096xf32, #tpu.memory_space<vmem>>[vector<16xi32>, vector<16xi32>], vector<16xf32>,
      %parallel_loop3A_245 = arith.constant 16 : i32
      %parallel_loop3A_246 = arith.muli %parallel_loop3A_178, %parallel_loop3A_245 : i32
      %parallel_loop3A_247 = arith.constant 7 : i32
      %parallel_loop3A_248 = arith.index_cast %parallel_loop3A_247 : i32 to index
      %parallel_loop3A_249 = arith.index_cast %parallel_loop3A_246 : i32 to index
      %parallel_loop3A_250 = tpu.vector_load %arg9[%parallel_loop3A_248, %parallel_loop3A_249] {strides = array<i32>} : memref<8x2048xf32, #tpu.memory_space<vmem>>, vector<16xf32>,
      tpu.vector_store %arg9[%parallel_loop3A_248, %parallel_loop3A_249], %parallel_loop3A_244 {strides = array<i32>} : memref<8x2048xf32, #tpu.memory_space<vmem>>, vector<16xf32>,
    } {sc.loop_unroll_factor = 2 : i64, sc.parallel_access}
    %add3A_30 = arith.constant 0 : i32
    %add3A_31 = arith.addi %mul3A_2, %add3A_30 : i32
    %dma_start3A_32 = arith.constant 2048 : i32
    %dma_start3A_33 = tpu.memref_slice %arg4[%add3A_31, %dma_start3A_32] : memref<8192x4096xf32, #tpu.memory_space<hbm>> -> memref<8x2048xf32, #tpu.memory_space<hbm>>
    %dma_start3A_34 = arith.constant 2048 : i32
    %dma_start3A_35 = tpu.memref_slice %arg4[%add3A_31, %dma_start3A_34] : memref<8192x4096xf32, #tpu.memory_space<hbm>> -> memref<8x2048xf32, #tpu.memory_space<hbm>>
    tpu.enqueue_dma source(%arg9 : memref<8x2048xf32, #tpu.memory_space<vmem>>) target(%dma_start3A_35 : memref<8x2048xf32, #tpu.memory_space<hbm>>) target_semaphore(%arg13 : memref<!tpu.dma_semaphore, #tpu.memory_space<semaphore_mem>>)
    %add3A_36 = arith.constant 16 : i32
    %add3A_37 = arith.addi %mul3A_2, %add3A_36 : i32
    %dma_start3A_38 = arith.constant 0 : i32
    %dma_start3A_39 = tpu.memref_slice %arg2[%add3A_37, %dma_start3A_38] : memref<8192x4096xf32, #tpu.memory_space<hbm>> -> memref<8x4096xf32, #tpu.memory_space<hbm>>
    %dma_start3A_40 = arith.constant 0 : i32
    %dma_start3A_41 = tpu.memref_slice %arg2[%add3A_37, %dma_start3A_40] : memref<8192x4096xf32, #tpu.memory_space<hbm>> -> memref<8x4096xf32, #tpu.memory_space<hbm>>
    tpu.enqueue_dma source(%dma_start3A_41 : memref<8x4096xf32, #tpu.memory_space<hbm>>) target(%arg6 : memref<8x4096xf32, #tpu.memory_space<vmem>>) target_semaphore(%arg10 : memref<!tpu.dma_semaphore, #tpu.memory_space<semaphore_mem>>)
    %dma_wait3A_42 = arith.constant 0 : i32
    %dma_wait3A_43 = arith.constant 0 : i32
    %dma_wait3A_44 = tpu.memref_slice %arg2[%dma_wait3A_42, %dma_wait3A_43] : memref<8192x4096xf32, #tpu.memory_space<hbm>> -> memref<8x4096xf32, #tpu.memory_space<hbm>>
    %dma_wait3A_45 = arith.constant 0 : i32
    %dma_wait3A_46 = arith.constant 0 : i32
    %dma_wait3A_47 = tpu.memref_slice %arg2[%dma_wait3A_45, %dma_wait3A_46] : memref<8192x4096xf32, #tpu.memory_space<hbm>> -> memref<8x4096xf32, #tpu.memory_space<hbm>>
    tpu.wait_dma2 semaphore(%arg11 : memref<!tpu.dma_semaphore, #tpu.memory_space<semaphore_mem>>) src(%dma_wait3A_47 : memref<8x4096xf32, #tpu.memory_space<hbm>>) dst(%arg7 : memref<8x4096xf32, #tpu.memory_space<vmem>>)
    %dma_wait3A_48 = arith.constant 0 : i32
    %dma_wait3A_49 = arith.constant 0 : i32
    %dma_wait3A_50 = tpu.memref_slice %arg4[%dma_wait3A_48, %dma_wait3A_49] : memref<8192x4096xf32, #tpu.memory_space<hbm>> -> memref<8x2048xf32, #tpu.memory_space<hbm>>
    %dma_wait3A_51 = arith.constant 0 : i32
    %dma_wait3A_52 = arith.constant 0 : i32
    %dma_wait3A_53 = tpu.memref_slice %arg4[%dma_wait3A_51, %dma_wait3A_52] : memref<8192x4096xf32, #tpu.memory_space<hbm>> -> memref<8x2048xf32, #tpu.memory_space<hbm>>
    tpu.wait_dma2 semaphore(%arg12 : memref<!tpu.dma_semaphore, #tpu.memory_space<semaphore_mem>>) src(%arg8 : memref<8x2048xf32, #tpu.memory_space<vmem>>) dst(%dma_wait3A_53 : memref<8x2048xf32, #tpu.memory_space<hbm>>)
    %parallel_loop3A_54 = arith.constant 0 : i32
    %parallel_loop3A_55 = arith.constant 128 : i32
    %parallel_loop3A_56 = arith.constant 1 : i32
    scf.for %parallel_loop3A_172 = %parallel_loop3A_54 to %parallel_loop3A_55 step %parallel_loop3A_56  : i32 {
      %parallel_loop3A_173 = arith.constant 16 : i32
      %parallel_loop3A_174 = arith.muli %parallel_loop3A_172, %parallel_loop3A_173 : i32
      %parallel_loop3A_175 = arith.index_cast %parallel_loop3A_174 : i32 to index
      %parallel_loop3A_176 = tpu.vector_load %arg5[%parallel_loop3A_175] {strides = array<i32>} : memref<4096xi32, #tpu.memory_space<vmem>>, vector<16xi32>,
      %parallel_loop3A_177 = arith.constant 0 : i32
      %parallel_loop3A_178 = arith.subi %parallel_loop3A_172, %parallel_loop3A_177 : i32
      %parallel_loop3A_179 = arith.constant 0 : i32
      %parallel_loop3A_180 = vector.broadcast %parallel_loop3A_179 : i32 to vector<16xi32>
      %parallel_loop3A_181 = tpu.vector_load_idx %arg7[%parallel_loop3A_180, %parallel_loop3A_176] : memref<8x4096xf32, #tpu.memory_space<vmem>>[vector<16xi32>, vector<16xi32>], vector<16xf32>,
      %parallel_loop3A_182 = arith.constant 16 : i32
      %parallel_loop3A_183 = arith.muli %parallel_loop3A_178, %parallel_loop3A_182 : i32
      %parallel_loop3A_184 = arith.constant 0 : i32
      %parallel_loop3A_185 = arith.index_cast %parallel_loop3A_184 : i32 to index
      %parallel_loop3A_186 = arith.index_cast %parallel_loop3A_183 : i32 to index
      %parallel_loop3A_187 = tpu.vector_load %arg8[%parallel_loop3A_185, %parallel_loop3A_186] {strides = array<i32>} : memref<8x2048xf32, #tpu.memory_space<vmem>>, vector<16xf32>,
      tpu.vector_store %arg8[%parallel_loop3A_185, %parallel_loop3A_186], %parallel_loop3A_181 {strides = array<i32>} : memref<8x2048xf32, #tpu.memory_space<vmem>>, vector<16xf32>,
      %parallel_loop3A_188 = arith.constant 1 : i32
      %parallel_loop3A_189 = vector.broadcast %parallel_loop3A_188 : i32 to vector<16xi32>
      %parallel_loop3A_190 = tpu.vector_load_idx %arg7[%parallel_loop3A_189, %parallel_loop3A_176] : memref<8x4096xf32, #tpu.memory_space<vmem>>[vector<16xi32>, vector<16xi32>], vector<16xf32>,
      %parallel_loop3A_191 = arith.constant 16 : i32
      %parallel_loop3A_192 = arith.muli %parallel_loop3A_178, %parallel_loop3A_191 : i32
      %parallel_loop3A_193 = arith.constant 1 : i32
      %parallel_loop3A_194 = arith.index_cast %parallel_loop3A_193 : i32 to index
      %parallel_loop3A_195 = arith.index_cast %parallel_loop3A_192 : i32 to index
      %parallel_loop3A_196 = tpu.vector_load %arg8[%parallel_loop3A_194, %parallel_loop3A_195] {strides = array<i32>} : memref<8x2048xf32, #tpu.memory_space<vmem>>, vector<16xf32>,
      tpu.vector_store %arg8[%parallel_loop3A_194, %parallel_loop3A_195], %parallel_loop3A_190 {strides = array<i32>} : memref<8x2048xf32, #tpu.memory_space<vmem>>, vector<16xf32>,
      %parallel_loop3A_197 = arith.constant 2 : i32
      %parallel_loop3A_198 = vector.broadcast %parallel_loop3A_197 : i32 to vector<16xi32>
      %parallel_loop3A_199 = tpu.vector_load_idx %arg7[%parallel_loop3A_198, %parallel_loop3A_176] : memref<8x4096xf32, #tpu.memory_space<vmem>>[vector<16xi32>, vector<16xi32>], vector<16xf32>,
      %parallel_loop3A_200 = arith.constant 16 : i32
      %parallel_loop3A_201 = arith.muli %parallel_loop3A_178, %parallel_loop3A_200 : i32
      %parallel_loop3A_202 = arith.constant 2 : i32
      %parallel_loop3A_203 = arith.index_cast %parallel_loop3A_202 : i32 to index
      %parallel_loop3A_204 = arith.index_cast %parallel_loop3A_201 : i32 to index
      %parallel_loop3A_205 = tpu.vector_load %arg8[%parallel_loop3A_203, %parallel_loop3A_204] {strides = array<i32>} : memref<8x2048xf32, #tpu.memory_space<vmem>>, vector<16xf32>,
      tpu.vector_store %arg8[%parallel_loop3A_203, %parallel_loop3A_204], %parallel_loop3A_199 {strides = array<i32>} : memref<8x2048xf32, #tpu.memory_space<vmem>>, vector<16xf32>,
      %parallel_loop3A_206 = arith.constant 3 : i32
      %parallel_loop3A_207 = vector.broadcast %parallel_loop3A_206 : i32 to vector<16xi32>
      %parallel_loop3A_208 = tpu.vector_load_idx %arg7[%parallel_loop3A_207, %parallel_loop3A_176] : memref<8x4096xf32, #tpu.memory_space<vmem>>[vector<16xi32>, vector<16xi32>], vector<16xf32>,
      %parallel_loop3A_209 = arith.constant 16 : i32
      %parallel_loop3A_210 = arith.muli %parallel_loop3A_178, %parallel_loop3A_209 : i32
      %parallel_loop3A_211 = arith.constant 3 : i32
      %parallel_loop3A_212 = arith.index_cast %parallel_loop3A_211 : i32 to index
      %parallel_loop3A_213 = arith.index_cast %parallel_loop3A_210 : i32 to index
      %parallel_loop3A_214 = tpu.vector_load %arg8[%parallel_loop3A_212, %parallel_loop3A_213] {strides = array<i32>} : memref<8x2048xf32, #tpu.memory_space<vmem>>, vector<16xf32>,
      tpu.vector_store %arg8[%parallel_loop3A_212, %parallel_loop3A_213], %parallel_loop3A_208 {strides = array<i32>} : memref<8x2048xf32, #tpu.memory_space<vmem>>, vector<16xf32>,
      %parallel_loop3A_215 = arith.constant 4 : i32
      %parallel_loop3A_216 = vector.broadcast %parallel_loop3A_215 : i32 to vector<16xi32>
      %parallel_loop3A_217 = tpu.vector_load_idx %arg7[%parallel_loop3A_216, %parallel_loop3A_176] : memref<8x4096xf32, #tpu.memory_space<vmem>>[vector<16xi32>, vector<16xi32>], vector<16xf32>,
      %parallel_loop3A_218 = arith.constant 16 : i32
      %parallel_loop3A_219 = arith.muli %parallel_loop3A_178, %parallel_loop3A_218 : i32
      %parallel_loop3A_220 = arith.constant 4 : i32
      %parallel_loop3A_221 = arith.index_cast %parallel_loop3A_220 : i32 to index
      %parallel_loop3A_222 = arith.index_cast %parallel_loop3A_219 : i32 to index
      %parallel_loop3A_223 = tpu.vector_load %arg8[%parallel_loop3A_221, %parallel_loop3A_222] {strides = array<i32>} : memref<8x2048xf32, #tpu.memory_space<vmem>>, vector<16xf32>,
      tpu.vector_store %arg8[%parallel_loop3A_221, %parallel_loop3A_222], %parallel_loop3A_217 {strides = array<i32>} : memref<8x2048xf32, #tpu.memory_space<vmem>>, vector<16xf32>,
      %parallel_loop3A_224 = arith.constant 5 : i32
      %parallel_loop3A_225 = vector.broadcast %parallel_loop3A_224 : i32 to vector<16xi32>
      %parallel_loop3A_226 = tpu.vector_load_idx %arg7[%parallel_loop3A_225, %parallel_loop3A_176] : memref<8x4096xf32, #tpu.memory_space<vmem>>[vector<16xi32>, vector<16xi32>], vector<16xf32>,
      %parallel_loop3A_227 = arith.constant 16 : i32
      %parallel_loop3A_228 = arith.muli %parallel_loop3A_178, %parallel_loop3A_227 : i32
      %parallel_loop3A_229 = arith.constant 5 : i32
      %parallel_loop3A_230 = arith.index_cast %parallel_loop3A_229 : i32 to index
      %parallel_loop3A_231 = arith.index_cast %parallel_loop3A_228 : i32 to index
      %parallel_loop3A_232 = tpu.vector_load %arg8[%parallel_loop3A_230, %parallel_loop3A_231] {strides = array<i32>} : memref<8x2048xf32, #tpu.memory_space<vmem>>, vector<16xf32>,
      tpu.vector_store %arg8[%parallel_loop3A_230, %parallel_loop3A_231], %parallel_loop3A_226 {strides = array<i32>} : memref<8x2048xf32, #tpu.memory_space<vmem>>, vector<16xf32>,
      %parallel_loop3A_233 = arith.constant 6 : i32
      %parallel_loop3A_234 = vector.broadcast %parallel_loop3A_233 : i32 to vector<16xi32>
      %parallel_loop3A_235 = tpu.vector_load_idx %arg7[%parallel_loop3A_234, %parallel_loop3A_176] : memref<8x4096xf32, #tpu.memory_space<vmem>>[vector<16xi32>, vector<16xi32>], vector<16xf32>,
      %parallel_loop3A_236 = arith.constant 16 : i32
      %parallel_loop3A_237 = arith.muli %parallel_loop3A_178, %parallel_loop3A_236 : i32
      %parallel_loop3A_238 = arith.constant 6 : i32
      %parallel_loop3A_239 = arith.index_cast %parallel_loop3A_238 : i32 to index
      %parallel_loop3A_240 = arith.index_cast %parallel_loop3A_237 : i32 to index
      %parallel_loop3A_241 = tpu.vector_load %arg8[%parallel_loop3A_239, %parallel_loop3A_240] {strides = array<i32>} : memref<8x2048xf32, #tpu.memory_space<vmem>>, vector<16xf32>,
      tpu.vector_store %arg8[%parallel_loop3A_239, %parallel_loop3A_240], %parallel_loop3A_235 {strides = array<i32>} : memref<8x2048xf32, #tpu.memory_space<vmem>>, vector<16xf32>,
      %parallel_loop3A_242 = arith.constant 7 : i32
      %parallel_loop3A_243 = vector.broadcast %parallel_loop3A_242 : i32 to vector<16xi32>
      %parallel_loop3A_244 = tpu.vector_load_idx %arg7[%parallel_loop3A_243, %parallel_loop3A_176] : memref<8x4096xf32, #tpu.memory_space<vmem>>[vector<16xi32>, vector<16xi32>], vector<16xf32>,
      %parallel_loop3A_245 = arith.constant 16 : i32
      %parallel_loop3A_246 = arith.muli %parallel_loop3A_178, %parallel_loop3A_245 : i32
      %parallel_loop3A_247 = arith.constant 7 : i32
      %parallel_loop3A_248 = arith.index_cast %parallel_loop3A_247 : i32 to index
      %parallel_loop3A_249 = arith.index_cast %parallel_loop3A_246 : i32 to index
      %parallel_loop3A_250 = tpu.vector_load %arg8[%parallel_loop3A_248, %parallel_loop3A_249] {strides = array<i32>} : memref<8x2048xf32, #tpu.memory_space<vmem>>, vector<16xf32>,
      tpu.vector_store %arg8[%parallel_loop3A_248, %parallel_loop3A_249], %parallel_loop3A_244 {strides = array<i32>} : memref<8x2048xf32, #tpu.memory_space<vmem>>, vector<16xf32>,
    } {sc.loop_unroll_factor = 2 : i64, sc.parallel_access}
    %add3A_57 = arith.constant 8 : i32
    %add3A_58 = arith.addi %mul3A_2, %add3A_57 : i32
    %dma_start3A_59 = arith.constant 0 : i32
    %dma_start3A_60 = tpu.memref_slice %arg4[%add3A_58, %dma_start3A_59] : memref<8192x4096xf32, #tpu.memory_space<hbm>> -> memref<8x2048xf32, #tpu.memory_space<hbm>>
    %dma_start3A_61 = arith.constant 0 : i32
    %dma_start3A_62 = tpu.memref_slice %arg4[%add3A_58, %dma_start3A_61] : memref<8192x4096xf32, #tpu.memory_space<hbm>> -> memref<8x2048xf32, #tpu.memory_space<hbm>>
    tpu.enqueue_dma source(%arg8 : memref<8x2048xf32, #tpu.memory_space<vmem>>) target(%dma_start3A_62 : memref<8x2048xf32, #tpu.memory_space<hbm>>) target_semaphore(%arg12 : memref<!tpu.dma_semaphore, #tpu.memory_space<semaphore_mem>>)
    %dma_wait3A_63 = arith.constant 0 : i32
    %dma_wait3A_64 = arith.constant 0 : i32
    %dma_wait3A_65 = tpu.memref_slice %arg4[%dma_wait3A_63, %dma_wait3A_64] : memref<8192x4096xf32, #tpu.memory_space<hbm>> -> memref<8x2048xf32, #tpu.memory_space<hbm>>
    %dma_wait3A_66 = arith.constant 0 : i32
    %dma_wait3A_67 = arith.constant 0 : i32
    %dma_wait3A_68 = tpu.memref_slice %arg4[%dma_wait3A_66, %dma_wait3A_67] : memref<8192x4096xf32, #tpu.memory_space<hbm>> -> memref<8x2048xf32, #tpu.memory_space<hbm>>
    tpu.wait_dma2 semaphore(%arg13 : memref<!tpu.dma_semaphore, #tpu.memory_space<semaphore_mem>>) src(%arg9 : memref<8x2048xf32, #tpu.memory_space<vmem>>) dst(%dma_wait3A_68 : memref<8x2048xf32, #tpu.memory_space<hbm>>)
    %parallel_loop3A_69 = arith.constant 128 : i32
    %parallel_loop3A_70 = arith.constant 256 : i32
    %parallel_loop3A_71 = arith.constant 1 : i32
    scf.for %parallel_loop3A_172 = %parallel_loop3A_69 to %parallel_loop3A_70 step %parallel_loop3A_71  : i32 {
      %parallel_loop3A_173 = arith.constant 16 : i32
      %parallel_loop3A_174 = arith.muli %parallel_loop3A_172, %parallel_loop3A_173 : i32
      %parallel_loop3A_175 = arith.index_cast %parallel_loop3A_174 : i32 to index
      %parallel_loop3A_176 = tpu.vector_load %arg5[%parallel_loop3A_175] {strides = array<i32>} : memref<4096xi32, #tpu.memory_space<vmem>>, vector<16xi32>,
      %parallel_loop3A_177 = arith.constant 128 : i32
      %parallel_loop3A_178 = arith.subi %parallel_loop3A_172, %parallel_loop3A_177 : i32
      %parallel_loop3A_179 = arith.constant 0 : i32
      %parallel_loop3A_180 = vector.broadcast %parallel_loop3A_179 : i32 to vector<16xi32>
      %parallel_loop3A_181 = tpu.vector_load_idx %arg7[%parallel_loop3A_180, %parallel_loop3A_176] : memref<8x4096xf32, #tpu.memory_space<vmem>>[vector<16xi32>, vector<16xi32>], vector<16xf32>,
      %parallel_loop3A_182 = arith.constant 16 : i32
      %parallel_loop3A_183 = arith.muli %parallel_loop3A_178, %parallel_loop3A_182 : i32
      %parallel_loop3A_184 = arith.constant 0 : i32
      %parallel_loop3A_185 = arith.index_cast %parallel_loop3A_184 : i32 to index
      %parallel_loop3A_186 = arith.index_cast %parallel_loop3A_183 : i32 to index
      %parallel_loop3A_187 = tpu.vector_load %arg9[%parallel_loop3A_185, %parallel_loop3A_186] {strides = array<i32>} : memref<8x2048xf32, #tpu.memory_space<vmem>>, vector<16xf32>,
      tpu.vector_store %arg9[%parallel_loop3A_185, %parallel_loop3A_186], %parallel_loop3A_181 {strides = array<i32>} : memref<8x2048xf32, #tpu.memory_space<vmem>>, vector<16xf32>,
      %parallel_loop3A_188 = arith.constant 1 : i32
      %parallel_loop3A_189 = vector.broadcast %parallel_loop3A_188 : i32 to vector<16xi32>
      %parallel_loop3A_190 = tpu.vector_load_idx %arg7[%parallel_loop3A_189, %parallel_loop3A_176] : memref<8x4096xf32, #tpu.memory_space<vmem>>[vector<16xi32>, vector<16xi32>], vector<16xf32>,
      %parallel_loop3A_191 = arith.constant 16 : i32
      %parallel_loop3A_192 = arith.muli %parallel_loop3A_178, %parallel_loop3A_191 : i32
      %parallel_loop3A_193 = arith.constant 1 : i32
      %parallel_loop3A_194 = arith.index_cast %parallel_loop3A_193 : i32 to index
      %parallel_loop3A_195 = arith.index_cast %parallel_loop3A_192 : i32 to index
      %parallel_loop3A_196 = tpu.vector_load %arg9[%parallel_loop3A_194, %parallel_loop3A_195] {strides = array<i32>} : memref<8x2048xf32, #tpu.memory_space<vmem>>, vector<16xf32>,
      tpu.vector_store %arg9[%parallel_loop3A_194, %parallel_loop3A_195], %parallel_loop3A_190 {strides = array<i32>} : memref<8x2048xf32, #tpu.memory_space<vmem>>, vector<16xf32>,
      %parallel_loop3A_197 = arith.constant 2 : i32
      %parallel_loop3A_198 = vector.broadcast %parallel_loop3A_197 : i32 to vector<16xi32>
      %parallel_loop3A_199 = tpu.vector_load_idx %arg7[%parallel_loop3A_198, %parallel_loop3A_176] : memref<8x4096xf32, #tpu.memory_space<vmem>>[vector<16xi32>, vector<16xi32>], vector<16xf32>,
      %parallel_loop3A_200 = arith.constant 16 : i32
      %parallel_loop3A_201 = arith.muli %parallel_loop3A_178, %parallel_loop3A_200 : i32
      %parallel_loop3A_202 = arith.constant 2 : i32
      %parallel_loop3A_203 = arith.index_cast %parallel_loop3A_202 : i32 to index
      %parallel_loop3A_204 = arith.index_cast %parallel_loop3A_201 : i32 to index
      %parallel_loop3A_205 = tpu.vector_load %arg9[%parallel_loop3A_203, %parallel_loop3A_204] {strides = array<i32>} : memref<8x2048xf32, #tpu.memory_space<vmem>>, vector<16xf32>,
      tpu.vector_store %arg9[%parallel_loop3A_203, %parallel_loop3A_204], %parallel_loop3A_199 {strides = array<i32>} : memref<8x2048xf32, #tpu.memory_space<vmem>>, vector<16xf32>,
      %parallel_loop3A_206 = arith.constant 3 : i32
      %parallel_loop3A_207 = vector.broadcast %parallel_loop3A_206 : i32 to vector<16xi32>
      %parallel_loop3A_208 = tpu.vector_load_idx %arg7[%parallel_loop3A_207, %parallel_loop3A_176] : memref<8x4096xf32, #tpu.memory_space<vmem>>[vector<16xi32>, vector<16xi32>], vector<16xf32>,
      %parallel_loop3A_209 = arith.constant 16 : i32
      %parallel_loop3A_210 = arith.muli %parallel_loop3A_178, %parallel_loop3A_209 : i32
      %parallel_loop3A_211 = arith.constant 3 : i32
      %parallel_loop3A_212 = arith.index_cast %parallel_loop3A_211 : i32 to index
      %parallel_loop3A_213 = arith.index_cast %parallel_loop3A_210 : i32 to index
      %parallel_loop3A_214 = tpu.vector_load %arg9[%parallel_loop3A_212, %parallel_loop3A_213] {strides = array<i32>} : memref<8x2048xf32, #tpu.memory_space<vmem>>, vector<16xf32>,
      tpu.vector_store %arg9[%parallel_loop3A_212, %parallel_loop3A_213], %parallel_loop3A_208 {strides = array<i32>} : memref<8x2048xf32, #tpu.memory_space<vmem>>, vector<16xf32>,
      %parallel_loop3A_215 = arith.constant 4 : i32
      %parallel_loop3A_216 = vector.broadcast %parallel_loop3A_215 : i32 to vector<16xi32>
      %parallel_loop3A_217 = tpu.vector_load_idx %arg7[%parallel_loop3A_216, %parallel_loop3A_176] : memref<8x4096xf32, #tpu.memory_space<vmem>>[vector<16xi32>, vector<16xi32>], vector<16xf32>,
      %parallel_loop3A_218 = arith.constant 16 : i32
      %parallel_loop3A_219 = arith.muli %parallel_loop3A_178, %parallel_loop3A_218 : i32
      %parallel_loop3A_220 = arith.constant 4 : i32
      %parallel_loop3A_221 = arith.index_cast %parallel_loop3A_220 : i32 to index
      %parallel_loop3A_222 = arith.index_cast %parallel_loop3A_219 : i32 to index
      %parallel_loop3A_223 = tpu.vector_load %arg9[%parallel_loop3A_221, %parallel_loop3A_222] {strides = array<i32>} : memref<8x2048xf32, #tpu.memory_space<vmem>>, vector<16xf32>,
      tpu.vector_store %arg9[%parallel_loop3A_221, %parallel_loop3A_222], %parallel_loop3A_217 {strides = array<i32>} : memref<8x2048xf32, #tpu.memory_space<vmem>>, vector<16xf32>,
      %parallel_loop3A_224 = arith.constant 5 : i32
      %parallel_loop3A_225 = vector.broadcast %parallel_loop3A_224 : i32 to vector<16xi32>
      %parallel_loop3A_226 = tpu.vector_load_idx %arg7[%parallel_loop3A_225, %parallel_loop3A_176] : memref<8x4096xf32, #tpu.memory_space<vmem>>[vector<16xi32>, vector<16xi32>], vector<16xf32>,
      %parallel_loop3A_227 = arith.constant 16 : i32
      %parallel_loop3A_228 = arith.muli %parallel_loop3A_178, %parallel_loop3A_227 : i32
      %parallel_loop3A_229 = arith.constant 5 : i32
      %parallel_loop3A_230 = arith.index_cast %parallel_loop3A_229 : i32 to index
      %parallel_loop3A_231 = arith.index_cast %parallel_loop3A_228 : i32 to index
      %parallel_loop3A_232 = tpu.vector_load %arg9[%parallel_loop3A_230, %parallel_loop3A_231] {strides = array<i32>} : memref<8x2048xf32, #tpu.memory_space<vmem>>, vector<16xf32>,
      tpu.vector_store %arg9[%parallel_loop3A_230, %parallel_loop3A_231], %parallel_loop3A_226 {strides = array<i32>} : memref<8x2048xf32, #tpu.memory_space<vmem>>, vector<16xf32>,
      %parallel_loop3A_233 = arith.constant 6 : i32
      %parallel_loop3A_234 = vector.broadcast %parallel_loop3A_233 : i32 to vector<16xi32>
      %parallel_loop3A_235 = tpu.vector_load_idx %arg7[%parallel_loop3A_234, %parallel_loop3A_176] : memref<8x4096xf32, #tpu.memory_space<vmem>>[vector<16xi32>, vector<16xi32>], vector<16xf32>,
      %parallel_loop3A_236 = arith.constant 16 : i32
      %parallel_loop3A_237 = arith.muli %parallel_loop3A_178, %parallel_loop3A_236 : i32
      %parallel_loop3A_238 = arith.constant 6 : i32
      %parallel_loop3A_239 = arith.index_cast %parallel_loop3A_238 : i32 to index
      %parallel_loop3A_240 = arith.index_cast %parallel_loop3A_237 : i32 to index
      %parallel_loop3A_241 = tpu.vector_load %arg9[%parallel_loop3A_239, %parallel_loop3A_240] {strides = array<i32>} : memref<8x2048xf32, #tpu.memory_space<vmem>>, vector<16xf32>,
      tpu.vector_store %arg9[%parallel_loop3A_239, %parallel_loop3A_240], %parallel_loop3A_235 {strides = array<i32>} : memref<8x2048xf32, #tpu.memory_space<vmem>>, vector<16xf32>,
      %parallel_loop3A_242 = arith.constant 7 : i32
      %parallel_loop3A_243 = vector.broadcast %parallel_loop3A_242 : i32 to vector<16xi32>
      %parallel_loop3A_244 = tpu.vector_load_idx %arg7[%parallel_loop3A_243, %parallel_loop3A_176] : memref<8x4096xf32, #tpu.memory_space<vmem>>[vector<16xi32>, vector<16xi32>], vector<16xf32>,
      %parallel_loop3A_245 = arith.constant 16 : i32
      %parallel_loop3A_246 = arith.muli %parallel_loop3A_178, %parallel_loop3A_245 : i32
      %parallel_loop3A_247 = arith.constant 7 : i32
      %parallel_loop3A_248 = arith.index_cast %parallel_loop3A_247 : i32 to index
      %parallel_loop3A_249 = arith.index_cast %parallel_loop3A_246 : i32 to index
      %parallel_loop3A_250 = tpu.vector_load %arg9[%parallel_loop3A_248, %parallel_loop3A_249] {strides = array<i32>} : memref<8x2048xf32, #tpu.memory_space<vmem>>, vector<16xf32>,
      tpu.vector_store %arg9[%parallel_loop3A_248, %parallel_loop3A_249], %parallel_loop3A_244 {strides = array<i32>} : memref<8x2048xf32, #tpu.memory_space<vmem>>, vector<16xf32>,
    } {sc.loop_unroll_factor = 2 : i64, sc.parallel_access}
    %add3A_72 = arith.constant 8 : i32
    %add3A_73 = arith.addi %mul3A_2, %add3A_72 : i32
    %dma_start3A_74 = arith.constant 2048 : i32
    %dma_start3A_75 = tpu.memref_slice %arg4[%add3A_73, %dma_start3A_74] : memref<8192x4096xf32, #tpu.memory_space<hbm>> -> memref<8x2048xf32, #tpu.memory_space<hbm>>
    %dma_start3A_76 = arith.constant 2048 : i32
    %dma_start3A_77 = tpu.memref_slice %arg4[%add3A_73, %dma_start3A_76] : memref<8192x4096xf32, #tpu.memory_space<hbm>> -> memref<8x2048xf32, #tpu.memory_space<hbm>>
    tpu.enqueue_dma source(%arg9 : memref<8x2048xf32, #tpu.memory_space<vmem>>) target(%dma_start3A_77 : memref<8x2048xf32, #tpu.memory_space<hbm>>) target_semaphore(%arg13 : memref<!tpu.dma_semaphore, #tpu.memory_space<semaphore_mem>>)
    %add3A_78 = arith.constant 24 : i32
    %add3A_79 = arith.addi %mul3A_2, %add3A_78 : i32
    %dma_start3A_80 = arith.constant 0 : i32
    %dma_start3A_81 = tpu.memref_slice %arg2[%add3A_79, %dma_start3A_80] : memref<8192x4096xf32, #tpu.memory_space<hbm>> -> memref<8x4096xf32, #tpu.memory_space<hbm>>
    %dma_start3A_82 = arith.constant 0 : i32
    %dma_start3A_83 = tpu.memref_slice %arg2[%add3A_79, %dma_start3A_82] : memref<8192x4096xf32, #tpu.memory_space<hbm>> -> memref<8x4096xf32, #tpu.memory_space<hbm>>
    tpu.enqueue_dma source(%dma_start3A_83 : memref<8x4096xf32, #tpu.memory_space<hbm>>) target(%arg7 : memref<8x4096xf32, #tpu.memory_space<vmem>>) target_semaphore(%arg11 : memref<!tpu.dma_semaphore, #tpu.memory_space<semaphore_mem>>)
    %scan3A = arith.constant 0 : i32
    %scan3A_84 = arith.constant 14 : i32
    %scan3A_85 = arith.addi %scan3A, %scan3A_84 : i32
    %scan3A_86 = arith.constant 1 : i32
    scf.for %scan3A_172 = %scan3A to %scan3A_85 step %scan3A_86  : i32 {
      %mul3A_173 = arith.constant 2 : i32
      %mul3A_174 = arith.muli %scan3A_172, %mul3A_173 : i32
      %add3A_175 = arith.constant 2 : i32
      %add3A_176 = arith.addi %add3A_175, %mul3A_174 : i32
      %add3A_177 = arith.constant 0 : i32
      %add3A_178 = arith.addi %add3A_176, %add3A_177 : i32
      %dma_wait3A_179 = arith.constant 0 : i32
      %dma_wait3A_180 = arith.constant 0 : i32
      %dma_wait3A_181 = tpu.memref_slice %arg2[%dma_wait3A_179, %dma_wait3A_180] : memref<8192x4096xf32, #tpu.memory_space<hbm>> -> memref<8x4096xf32, #tpu.memory_space<hbm>>
      %dma_wait3A_182 = arith.constant 0 : i32
      %dma_wait3A_183 = arith.constant 0 : i32
      %dma_wait3A_184 = tpu.memref_slice %arg2[%dma_wait3A_182, %dma_wait3A_183] : memref<8192x4096xf32, #tpu.memory_space<hbm>> -> memref<8x4096xf32, #tpu.memory_space<hbm>>
      tpu.wait_dma2 semaphore(%arg10 : memref<!tpu.dma_semaphore, #tpu.memory_space<semaphore_mem>>) src(%dma_wait3A_184 : memref<8x4096xf32, #tpu.memory_space<hbm>>) dst(%arg6 : memref<8x4096xf32, #tpu.memory_space<vmem>>)
      %dma_wait3A_185 = arith.constant 0 : i32
      %dma_wait3A_186 = arith.constant 0 : i32
      %dma_wait3A_187 = tpu.memref_slice %arg4[%dma_wait3A_185, %dma_wait3A_186] : memref<8192x4096xf32, #tpu.memory_space<hbm>> -> memref<8x2048xf32, #tpu.memory_space<hbm>>
      %dma_wait3A_188 = arith.constant 0 : i32
      %dma_wait3A_189 = arith.constant 0 : i32
      %dma_wait3A_190 = tpu.memref_slice %arg4[%dma_wait3A_188, %dma_wait3A_189] : memref<8192x4096xf32, #tpu.memory_space<hbm>> -> memref<8x2048xf32, #tpu.memory_space<hbm>>
      tpu.wait_dma2 semaphore(%arg12 : memref<!tpu.dma_semaphore, #tpu.memory_space<semaphore_mem>>) src(%arg8 : memref<8x2048xf32, #tpu.memory_space<vmem>>) dst(%dma_wait3A_190 : memref<8x2048xf32, #tpu.memory_space<hbm>>)
      %parallel_loop3A_191 = arith.constant 0 : i32
      %parallel_loop3A_192 = arith.constant 128 : i32
      %parallel_loop3A_193 = arith.constant 1 : i32
      scf.for %parallel_loop3A_279 = %parallel_loop3A_191 to %parallel_loop3A_192 step %parallel_loop3A_193  : i32 {
        %parallel_loop3A_280 = arith.constant 16 : i32
        %parallel_loop3A_281 = arith.muli %parallel_loop3A_279, %parallel_loop3A_280 : i32
        %parallel_loop3A_282 = arith.index_cast %parallel_loop3A_281 : i32 to index
        %parallel_loop3A_283 = tpu.vector_load %arg5[%parallel_loop3A_282] {strides = array<i32>} : memref<4096xi32, #tpu.memory_space<vmem>>, vector<16xi32>,
        %parallel_loop3A_284 = arith.constant 0 : i32
        %parallel_loop3A_285 = arith.subi %parallel_loop3A_279, %parallel_loop3A_284 : i32
        %parallel_loop3A_286 = arith.constant 0 : i32
        %parallel_loop3A_287 = vector.broadcast %parallel_loop3A_286 : i32 to vector<16xi32>
        %parallel_loop3A_288 = tpu.vector_load_idx %arg6[%parallel_loop3A_287, %parallel_loop3A_283] : memref<8x4096xf32, #tpu.memory_space<vmem>>[vector<16xi32>, vector<16xi32>], vector<16xf32>,
        %parallel_loop3A_289 = arith.constant 16 : i32
        %parallel_loop3A_290 = arith.muli %parallel_loop3A_285, %parallel_loop3A_289 : i32
        %parallel_loop3A_291 = arith.constant 0 : i32
        %parallel_loop3A_292 = arith.index_cast %parallel_loop3A_291 : i32 to index
        %parallel_loop3A_293 = arith.index_cast %parallel_loop3A_290 : i32 to index
        %parallel_loop3A_294 = tpu.vector_load %arg8[%parallel_loop3A_292, %parallel_loop3A_293] {strides = array<i32>} : memref<8x2048xf32, #tpu.memory_space<vmem>>, vector<16xf32>,
        tpu.vector_store %arg8[%parallel_loop3A_292, %parallel_loop3A_293], %parallel_loop3A_288 {strides = array<i32>} : memref<8x2048xf32, #tpu.memory_space<vmem>>, vector<16xf32>,
        %parallel_loop3A_295 = arith.constant 1 : i32
        %parallel_loop3A_296 = vector.broadcast %parallel_loop3A_295 : i32 to vector<16xi32>
        %parallel_loop3A_297 = tpu.vector_load_idx %arg6[%parallel_loop3A_296, %parallel_loop3A_283] : memref<8x4096xf32, #tpu.memory_space<vmem>>[vector<16xi32>, vector<16xi32>], vector<16xf32>,
        %parallel_loop3A_298 = arith.constant 16 : i32
        %parallel_loop3A_299 = arith.muli %parallel_loop3A_285, %parallel_loop3A_298 : i32
        %parallel_loop3A_300 = arith.constant 1 : i32
        %parallel_loop3A_301 = arith.index_cast %parallel_loop3A_300 : i32 to index
        %parallel_loop3A_302 = arith.index_cast %parallel_loop3A_299 : i32 to index
        %parallel_loop3A_303 = tpu.vector_load %arg8[%parallel_loop3A_301, %parallel_loop3A_302] {strides = array<i32>} : memref<8x2048xf32, #tpu.memory_space<vmem>>, vector<16xf32>,
        tpu.vector_store %arg8[%parallel_loop3A_301, %parallel_loop3A_302], %parallel_loop3A_297 {strides = array<i32>} : memref<8x2048xf32, #tpu.memory_space<vmem>>, vector<16xf32>,
        %parallel_loop3A_304 = arith.constant 2 : i32
        %parallel_loop3A_305 = vector.broadcast %parallel_loop3A_304 : i32 to vector<16xi32>
        %parallel_loop3A_306 = tpu.vector_load_idx %arg6[%parallel_loop3A_305, %parallel_loop3A_283] : memref<8x4096xf32, #tpu.memory_space<vmem>>[vector<16xi32>, vector<16xi32>], vector<16xf32>,
        %parallel_loop3A_307 = arith.constant 16 : i32
        %parallel_loop3A_308 = arith.muli %parallel_loop3A_285, %parallel_loop3A_307 : i32
        %parallel_loop3A_309 = arith.constant 2 : i32
        %parallel_loop3A_310 = arith.index_cast %parallel_loop3A_309 : i32 to index
        %parallel_loop3A_311 = arith.index_cast %parallel_loop3A_308 : i32 to index
        %parallel_loop3A_312 = tpu.vector_load %arg8[%parallel_loop3A_310, %parallel_loop3A_311] {strides = array<i32>} : memref<8x2048xf32, #tpu.memory_space<vmem>>, vector<16xf32>,
        tpu.vector_store %arg8[%parallel_loop3A_310, %parallel_loop3A_311], %parallel_loop3A_306 {strides = array<i32>} : memref<8x2048xf32, #tpu.memory_space<vmem>>, vector<16xf32>,
        %parallel_loop3A_313 = arith.constant 3 : i32
        %parallel_loop3A_314 = vector.broadcast %parallel_loop3A_313 : i32 to vector<16xi32>
        %parallel_loop3A_315 = tpu.vector_load_idx %arg6[%parallel_loop3A_314, %parallel_loop3A_283] : memref<8x4096xf32, #tpu.memory_space<vmem>>[vector<16xi32>, vector<16xi32>], vector<16xf32>,
        %parallel_loop3A_316 = arith.constant 16 : i32
        %parallel_loop3A_317 = arith.muli %parallel_loop3A_285, %parallel_loop3A_316 : i32
        %parallel_loop3A_318 = arith.constant 3 : i32
        %parallel_loop3A_319 = arith.index_cast %parallel_loop3A_318 : i32 to index
        %parallel_loop3A_320 = arith.index_cast %parallel_loop3A_317 : i32 to index
        %parallel_loop3A_321 = tpu.vector_load %arg8[%parallel_loop3A_319, %parallel_loop3A_320] {strides = array<i32>} : memref<8x2048xf32, #tpu.memory_space<vmem>>, vector<16xf32>,
        tpu.vector_store %arg8[%parallel_loop3A_319, %parallel_loop3A_320], %parallel_loop3A_315 {strides = array<i32>} : memref<8x2048xf32, #tpu.memory_space<vmem>>, vector<16xf32>,
        %parallel_loop3A_322 = arith.constant 4 : i32
        %parallel_loop3A_323 = vector.broadcast %parallel_loop3A_322 : i32 to vector<16xi32>
        %parallel_loop3A_324 = tpu.vector_load_idx %arg6[%parallel_loop3A_323, %parallel_loop3A_283] : memref<8x4096xf32, #tpu.memory_space<vmem>>[vector<16xi32>, vector<16xi32>], vector<16xf32>,
        %parallel_loop3A_325 = arith.constant 16 : i32
        %parallel_loop3A_326 = arith.muli %parallel_loop3A_285, %parallel_loop3A_325 : i32
        %parallel_loop3A_327 = arith.constant 4 : i32
        %parallel_loop3A_328 = arith.index_cast %parallel_loop3A_327 : i32 to index
        %parallel_loop3A_329 = arith.index_cast %parallel_loop3A_326 : i32 to index
        %parallel_loop3A_330 = tpu.vector_load %arg8[%parallel_loop3A_328, %parallel_loop3A_329] {strides = array<i32>} : memref<8x2048xf32, #tpu.memory_space<vmem>>, vector<16xf32>,
        tpu.vector_store %arg8[%parallel_loop3A_328, %parallel_loop3A_329], %parallel_loop3A_324 {strides = array<i32>} : memref<8x2048xf32, #tpu.memory_space<vmem>>, vector<16xf32>,
        %parallel_loop3A_331 = arith.constant 5 : i32
        %parallel_loop3A_332 = vector.broadcast %parallel_loop3A_331 : i32 to vector<16xi32>
        %parallel_loop3A_333 = tpu.vector_load_idx %arg6[%parallel_loop3A_332, %parallel_loop3A_283] : memref<8x4096xf32, #tpu.memory_space<vmem>>[vector<16xi32>, vector<16xi32>], vector<16xf32>,
        %parallel_loop3A_334 = arith.constant 16 : i32
        %parallel_loop3A_335 = arith.muli %parallel_loop3A_285, %parallel_loop3A_334 : i32
        %parallel_loop3A_336 = arith.constant 5 : i32
        %parallel_loop3A_337 = arith.index_cast %parallel_loop3A_336 : i32 to index
        %parallel_loop3A_338 = arith.index_cast %parallel_loop3A_335 : i32 to index
        %parallel_loop3A_339 = tpu.vector_load %arg8[%parallel_loop3A_337, %parallel_loop3A_338] {strides = array<i32>} : memref<8x2048xf32, #tpu.memory_space<vmem>>, vector<16xf32>,
        tpu.vector_store %arg8[%parallel_loop3A_337, %parallel_loop3A_338], %parallel_loop3A_333 {strides = array<i32>} : memref<8x2048xf32, #tpu.memory_space<vmem>>, vector<16xf32>,
        %parallel_loop3A_340 = arith.constant 6 : i32
        %parallel_loop3A_341 = vector.broadcast %parallel_loop3A_340 : i32 to vector<16xi32>
        %parallel_loop3A_342 = tpu.vector_load_idx %arg6[%parallel_loop3A_341, %parallel_loop3A_283] : memref<8x4096xf32, #tpu.memory_space<vmem>>[vector<16xi32>, vector<16xi32>], vector<16xf32>,
        %parallel_loop3A_343 = arith.constant 16 : i32
        %parallel_loop3A_344 = arith.muli %parallel_loop3A_285, %parallel_loop3A_343 : i32
        %parallel_loop3A_345 = arith.constant 6 : i32
        %parallel_loop3A_346 = arith.index_cast %parallel_loop3A_345 : i32 to index
        %parallel_loop3A_347 = arith.index_cast %parallel_loop3A_344 : i32 to index
        %parallel_loop3A_348 = tpu.vector_load %arg8[%parallel_loop3A_346, %parallel_loop3A_347] {strides = array<i32>} : memref<8x2048xf32, #tpu.memory_space<vmem>>, vector<16xf32>,
        tpu.vector_store %arg8[%parallel_loop3A_346, %parallel_loop3A_347], %parallel_loop3A_342 {strides = array<i32>} : memref<8x2048xf32, #tpu.memory_space<vmem>>, vector<16xf32>,
        %parallel_loop3A_349 = arith.constant 7 : i32
        %parallel_loop3A_350 = vector.broadcast %parallel_loop3A_349 : i32 to vector<16xi32>
        %parallel_loop3A_351 = tpu.vector_load_idx %arg6[%parallel_loop3A_350, %parallel_loop3A_283] : memref<8x4096xf32, #tpu.memory_space<vmem>>[vector<16xi32>, vector<16xi32>], vector<16xf32>,
        %parallel_loop3A_352 = arith.constant 16 : i32
        %parallel_loop3A_353 = arith.muli %parallel_loop3A_285, %parallel_loop3A_352 : i32
        %parallel_loop3A_354 = arith.constant 7 : i32
        %parallel_loop3A_355 = arith.index_cast %parallel_loop3A_354 : i32 to index
        %parallel_loop3A_356 = arith.index_cast %parallel_loop3A_353 : i32 to index
        %parallel_loop3A_357 = tpu.vector_load %arg8[%parallel_loop3A_355, %parallel_loop3A_356] {strides = array<i32>} : memref<8x2048xf32, #tpu.memory_space<vmem>>, vector<16xf32>,
        tpu.vector_store %arg8[%parallel_loop3A_355, %parallel_loop3A_356], %parallel_loop3A_351 {strides = array<i32>} : memref<8x2048xf32, #tpu.memory_space<vmem>>, vector<16xf32>,
      } {sc.loop_unroll_factor = 2 : i64, sc.parallel_access}
      %mul3A_194 = arith.constant 8 : i32
      %mul3A_195 = arith.muli %add3A_178, %mul3A_194 : i32
      %add3A_196 = arith.addi %mul3A_2, %mul3A_195 : i32
      %dma_start3A_197 = arith.constant 0 : i32
      %dma_start3A_198 = tpu.memref_slice %arg4[%add3A_196, %dma_start3A_197] : memref<8192x4096xf32, #tpu.memory_space<hbm>> -> memref<8x2048xf32, #tpu.memory_space<hbm>>
      %dma_start3A_199 = arith.constant 0 : i32
      %dma_start3A_200 = tpu.memref_slice %arg4[%add3A_196, %dma_start3A_199] : memref<8192x4096xf32, #tpu.memory_space<hbm>> -> memref<8x2048xf32, #tpu.memory_space<hbm>>
      tpu.enqueue_dma source(%arg8 : memref<8x2048xf32, #tpu.memory_space<vmem>>) target(%dma_start3A_200 : memref<8x2048xf32, #tpu.memory_space<hbm>>) target_semaphore(%arg12 : memref<!tpu.dma_semaphore, #tpu.memory_space<semaphore_mem>>)
      %dma_wait3A_201 = arith.constant 0 : i32
      %dma_wait3A_202 = arith.constant 0 : i32
      %dma_wait3A_203 = tpu.memref_slice %arg4[%dma_wait3A_201, %dma_wait3A_202] : memref<8192x4096xf32, #tpu.memory_space<hbm>> -> memref<8x2048xf32, #tpu.memory_space<hbm>>
      %dma_wait3A_204 = arith.constant 0 : i32
      %dma_wait3A_205 = arith.constant 0 : i32
      %dma_wait3A_206 = tpu.memref_slice %arg4[%dma_wait3A_204, %dma_wait3A_205] : memref<8192x4096xf32, #tpu.memory_space<hbm>> -> memref<8x2048xf32, #tpu.memory_space<hbm>>
      tpu.wait_dma2 semaphore(%arg13 : memref<!tpu.dma_semaphore, #tpu.memory_space<semaphore_mem>>) src(%arg9 : memref<8x2048xf32, #tpu.memory_space<vmem>>) dst(%dma_wait3A_206 : memref<8x2048xf32, #tpu.memory_space<hbm>>)
      %parallel_loop3A_207 = arith.constant 128 : i32
      %parallel_loop3A_208 = arith.constant 256 : i32
      %parallel_loop3A_209 = arith.constant 1 : i32
      scf.for %parallel_loop3A_279 = %parallel_loop3A_207 to %parallel_loop3A_208 step %parallel_loop3A_209  : i32 {
        %parallel_loop3A_280 = arith.constant 16 : i32
        %parallel_loop3A_281 = arith.muli %parallel_loop3A_279, %parallel_loop3A_280 : i32
        %parallel_loop3A_282 = arith.index_cast %parallel_loop3A_281 : i32 to index
        %parallel_loop3A_283 = tpu.vector_load %arg5[%parallel_loop3A_282] {strides = array<i32>} : memref<4096xi32, #tpu.memory_space<vmem>>, vector<16xi32>,
        %parallel_loop3A_284 = arith.constant 128 : i32
        %parallel_loop3A_285 = arith.subi %parallel_loop3A_279, %parallel_loop3A_284 : i32
        %parallel_loop3A_286 = arith.constant 0 : i32
        %parallel_loop3A_287 = vector.broadcast %parallel_loop3A_286 : i32 to vector<16xi32>
        %parallel_loop3A_288 = tpu.vector_load_idx %arg6[%parallel_loop3A_287, %parallel_loop3A_283] : memref<8x4096xf32, #tpu.memory_space<vmem>>[vector<16xi32>, vector<16xi32>], vector<16xf32>,
        %parallel_loop3A_289 = arith.constant 16 : i32
        %parallel_loop3A_290 = arith.muli %parallel_loop3A_285, %parallel_loop3A_289 : i32
        %parallel_loop3A_291 = arith.constant 0 : i32
        %parallel_loop3A_292 = arith.index_cast %parallel_loop3A_291 : i32 to index
        %parallel_loop3A_293 = arith.index_cast %parallel_loop3A_290 : i32 to index
        %parallel_loop3A_294 = tpu.vector_load %arg9[%parallel_loop3A_292, %parallel_loop3A_293] {strides = array<i32>} : memref<8x2048xf32, #tpu.memory_space<vmem>>, vector<16xf32>,
        tpu.vector_store %arg9[%parallel_loop3A_292, %parallel_loop3A_293], %parallel_loop3A_288 {strides = array<i32>} : memref<8x2048xf32, #tpu.memory_space<vmem>>, vector<16xf32>,
        %parallel_loop3A_295 = arith.constant 1 : i32
        %parallel_loop3A_296 = vector.broadcast %parallel_loop3A_295 : i32 to vector<16xi32>
        %parallel_loop3A_297 = tpu.vector_load_idx %arg6[%parallel_loop3A_296, %parallel_loop3A_283] : memref<8x4096xf32, #tpu.memory_space<vmem>>[vector<16xi32>, vector<16xi32>], vector<16xf32>,
        %parallel_loop3A_298 = arith.constant 16 : i32
        %parallel_loop3A_299 = arith.muli %parallel_loop3A_285, %parallel_loop3A_298 : i32
        %parallel_loop3A_300 = arith.constant 1 : i32
        %parallel_loop3A_301 = arith.index_cast %parallel_loop3A_300 : i32 to index
        %parallel_loop3A_302 = arith.index_cast %parallel_loop3A_299 : i32 to index
        %parallel_loop3A_303 = tpu.vector_load %arg9[%parallel_loop3A_301, %parallel_loop3A_302] {strides = array<i32>} : memref<8x2048xf32, #tpu.memory_space<vmem>>, vector<16xf32>,
        tpu.vector_store %arg9[%parallel_loop3A_301, %parallel_loop3A_302], %parallel_loop3A_297 {strides = array<i32>} : memref<8x2048xf32, #tpu.memory_space<vmem>>, vector<16xf32>,
        %parallel_loop3A_304 = arith.constant 2 : i32
        %parallel_loop3A_305 = vector.broadcast %parallel_loop3A_304 : i32 to vector<16xi32>
        %parallel_loop3A_306 = tpu.vector_load_idx %arg6[%parallel_loop3A_305, %parallel_loop3A_283] : memref<8x4096xf32, #tpu.memory_space<vmem>>[vector<16xi32>, vector<16xi32>], vector<16xf32>,
        %parallel_loop3A_307 = arith.constant 16 : i32
        %parallel_loop3A_308 = arith.muli %parallel_loop3A_285, %parallel_loop3A_307 : i32
        %parallel_loop3A_309 = arith.constant 2 : i32
        %parallel_loop3A_310 = arith.index_cast %parallel_loop3A_309 : i32 to index
        %parallel_loop3A_311 = arith.index_cast %parallel_loop3A_308 : i32 to index
        %parallel_loop3A_312 = tpu.vector_load %arg9[%parallel_loop3A_310, %parallel_loop3A_311] {strides = array<i32>} : memref<8x2048xf32, #tpu.memory_space<vmem>>, vector<16xf32>,
        tpu.vector_store %arg9[%parallel_loop3A_310, %parallel_loop3A_311], %parallel_loop3A_306 {strides = array<i32>} : memref<8x2048xf32, #tpu.memory_space<vmem>>, vector<16xf32>,
        %parallel_loop3A_313 = arith.constant 3 : i32
        %parallel_loop3A_314 = vector.broadcast %parallel_loop3A_313 : i32 to vector<16xi32>
        %parallel_loop3A_315 = tpu.vector_load_idx %arg6[%parallel_loop3A_314, %parallel_loop3A_283] : memref<8x4096xf32, #tpu.memory_space<vmem>>[vector<16xi32>, vector<16xi32>], vector<16xf32>,
        %parallel_loop3A_316 = arith.constant 16 : i32
        %parallel_loop3A_317 = arith.muli %parallel_loop3A_285, %parallel_loop3A_316 : i32
        %parallel_loop3A_318 = arith.constant 3 : i32
        %parallel_loop3A_319 = arith.index_cast %parallel_loop3A_318 : i32 to index
        %parallel_loop3A_320 = arith.index_cast %parallel_loop3A_317 : i32 to index
        %parallel_loop3A_321 = tpu.vector_load %arg9[%parallel_loop3A_319, %parallel_loop3A_320] {strides = array<i32>} : memref<8x2048xf32, #tpu.memory_space<vmem>>, vector<16xf32>,
        tpu.vector_store %arg9[%parallel_loop3A_319, %parallel_loop3A_320], %parallel_loop3A_315 {strides = array<i32>} : memref<8x2048xf32, #tpu.memory_space<vmem>>, vector<16xf32>,
        %parallel_loop3A_322 = arith.constant 4 : i32
        %parallel_loop3A_323 = vector.broadcast %parallel_loop3A_322 : i32 to vector<16xi32>
        %parallel_loop3A_324 = tpu.vector_load_idx %arg6[%parallel_loop3A_323, %parallel_loop3A_283] : memref<8x4096xf32, #tpu.memory_space<vmem>>[vector<16xi32>, vector<16xi32>], vector<16xf32>,
        %parallel_loop3A_325 = arith.constant 16 : i32
        %parallel_loop3A_326 = arith.muli %parallel_loop3A_285, %parallel_loop3A_325 : i32
        %parallel_loop3A_327 = arith.constant 4 : i32
        %parallel_loop3A_328 = arith.index_cast %parallel_loop3A_327 : i32 to index
        %parallel_loop3A_329 = arith.index_cast %parallel_loop3A_326 : i32 to index
        %parallel_loop3A_330 = tpu.vector_load %arg9[%parallel_loop3A_328, %parallel_loop3A_329] {strides = array<i32>} : memref<8x2048xf32, #tpu.memory_space<vmem>>, vector<16xf32>,
        tpu.vector_store %arg9[%parallel_loop3A_328, %parallel_loop3A_329], %parallel_loop3A_324 {strides = array<i32>} : memref<8x2048xf32, #tpu.memory_space<vmem>>, vector<16xf32>,
        %parallel_loop3A_331 = arith.constant 5 : i32
        %parallel_loop3A_332 = vector.broadcast %parallel_loop3A_331 : i32 to vector<16xi32>
        %parallel_loop3A_333 = tpu.vector_load_idx %arg6[%parallel_loop3A_332, %parallel_loop3A_283] : memref<8x4096xf32, #tpu.memory_space<vmem>>[vector<16xi32>, vector<16xi32>], vector<16xf32>,
        %parallel_loop3A_334 = arith.constant 16 : i32
        %parallel_loop3A_335 = arith.muli %parallel_loop3A_285, %parallel_loop3A_334 : i32
        %parallel_loop3A_336 = arith.constant 5 : i32
        %parallel_loop3A_337 = arith.index_cast %parallel_loop3A_336 : i32 to index
        %parallel_loop3A_338 = arith.index_cast %parallel_loop3A_335 : i32 to index
        %parallel_loop3A_339 = tpu.vector_load %arg9[%parallel_loop3A_337, %parallel_loop3A_338] {strides = array<i32>} : memref<8x2048xf32, #tpu.memory_space<vmem>>, vector<16xf32>,
        tpu.vector_store %arg9[%parallel_loop3A_337, %parallel_loop3A_338], %parallel_loop3A_333 {strides = array<i32>} : memref<8x2048xf32, #tpu.memory_space<vmem>>, vector<16xf32>,
        %parallel_loop3A_340 = arith.constant 6 : i32
        %parallel_loop3A_341 = vector.broadcast %parallel_loop3A_340 : i32 to vector<16xi32>
        %parallel_loop3A_342 = tpu.vector_load_idx %arg6[%parallel_loop3A_341, %parallel_loop3A_283] : memref<8x4096xf32, #tpu.memory_space<vmem>>[vector<16xi32>, vector<16xi32>], vector<16xf32>,
        %parallel_loop3A_343 = arith.constant 16 : i32
        %parallel_loop3A_344 = arith.muli %parallel_loop3A_285, %parallel_loop3A_343 : i32
        %parallel_loop3A_345 = arith.constant 6 : i32
        %parallel_loop3A_346 = arith.index_cast %parallel_loop3A_345 : i32 to index
        %parallel_loop3A_347 = arith.index_cast %parallel_loop3A_344 : i32 to index
        %parallel_loop3A_348 = tpu.vector_load %arg9[%parallel_loop3A_346, %parallel_loop3A_347] {strides = array<i32>} : memref<8x2048xf32, #tpu.memory_space<vmem>>, vector<16xf32>,
        tpu.vector_store %arg9[%parallel_loop3A_346, %parallel_loop3A_347], %parallel_loop3A_342 {strides = array<i32>} : memref<8x2048xf32, #tpu.memory_space<vmem>>, vector<16xf32>,
        %parallel_loop3A_349 = arith.constant 7 : i32
        %parallel_loop3A_350 = vector.broadcast %parallel_loop3A_349 : i32 to vector<16xi32>
        %parallel_loop3A_351 = tpu.vector_load_idx %arg6[%parallel_loop3A_350, %parallel_loop3A_283] : memref<8x4096xf32, #tpu.memory_space<vmem>>[vector<16xi32>, vector<16xi32>], vector<16xf32>,
        %parallel_loop3A_352 = arith.constant 16 : i32
        %parallel_loop3A_353 = arith.muli %parallel_loop3A_285, %parallel_loop3A_352 : i32
        %parallel_loop3A_354 = arith.constant 7 : i32
        %parallel_loop3A_355 = arith.index_cast %parallel_loop3A_354 : i32 to index
        %parallel_loop3A_356 = arith.index_cast %parallel_loop3A_353 : i32 to index
        %parallel_loop3A_357 = tpu.vector_load %arg9[%parallel_loop3A_355, %parallel_loop3A_356] {strides = array<i32>} : memref<8x2048xf32, #tpu.memory_space<vmem>>, vector<16xf32>,
        tpu.vector_store %arg9[%parallel_loop3A_355, %parallel_loop3A_356], %parallel_loop3A_351 {strides = array<i32>} : memref<8x2048xf32, #tpu.memory_space<vmem>>, vector<16xf32>,
      } {sc.loop_unroll_factor = 2 : i64, sc.parallel_access}
      %mul3A_210 = arith.constant 8 : i32
      %mul3A_211 = arith.muli %add3A_178, %mul3A_210 : i32
      %add3A_212 = arith.addi %mul3A_2, %mul3A_211 : i32
      %dma_start3A_213 = arith.constant 2048 : i32
      %dma_start3A_214 = tpu.memref_slice %arg4[%add3A_212, %dma_start3A_213] : memref<8192x4096xf32, #tpu.memory_space<hbm>> -> memref<8x2048xf32, #tpu.memory_space<hbm>>
      %dma_start3A_215 = arith.constant 2048 : i32
      %dma_start3A_216 = tpu.memref_slice %arg4[%add3A_212, %dma_start3A_215] : memref<8192x4096xf32, #tpu.memory_space<hbm>> -> memref<8x2048xf32, #tpu.memory_space<hbm>>
      tpu.enqueue_dma source(%arg9 : memref<8x2048xf32, #tpu.memory_space<vmem>>) target(%dma_start3A_216 : memref<8x2048xf32, #tpu.memory_space<hbm>>) target_semaphore(%arg13 : memref<!tpu.dma_semaphore, #tpu.memory_space<semaphore_mem>>)
      %add3A_217 = arith.constant 0 : i32
      %add3A_218 = arith.addi %add3A_176, %add3A_217 : i32
      %add3A_219 = arith.constant 2 : i32
      %add3A_220 = arith.addi %add3A_218, %add3A_219 : i32
      %mul3A_221 = arith.constant 8 : i32
      %mul3A_222 = arith.muli %add3A_220, %mul3A_221 : i32
      %add3A_223 = arith.addi %mul3A_2, %mul3A_222 : i32
      %dma_start3A_224 = arith.constant 0 : i32
      %dma_start3A_225 = tpu.memref_slice %arg2[%add3A_223, %dma_start3A_224] : memref<8192x4096xf32, #tpu.memory_space<hbm>> -> memref<8x4096xf32, #tpu.memory_space<hbm>>
      %dma_start3A_226 = arith.constant 0 : i32
      %dma_start3A_227 = tpu.memref_slice %arg2[%add3A_223, %dma_start3A_226] : memref<8192x4096xf32, #tpu.memory_space<hbm>> -> memref<8x4096xf32, #tpu.memory_space<hbm>>
      tpu.enqueue_dma source(%dma_start3A_227 : memref<8x4096xf32, #tpu.memory_space<hbm>>) target(%arg6 : memref<8x4096xf32, #tpu.memory_space<vmem>>) target_semaphore(%arg10 : memref<!tpu.dma_semaphore, #tpu.memory_space<semaphore_mem>>)
      %add3A_228 = arith.constant 1 : i32
      %add3A_229 = arith.addi %add3A_176, %add3A_228 : i32
      %dma_wait3A_230 = arith.constant 0 : i32
      %dma_wait3A_231 = arith.constant 0 : i32
      %dma_wait3A_232 = tpu.memref_slice %arg2[%dma_wait3A_230, %dma_wait3A_231] : memref<8192x4096xf32, #tpu.memory_space<hbm>> -> memref<8x4096xf32, #tpu.memory_space<hbm>>
      %dma_wait3A_233 = arith.constant 0 : i32
      %dma_wait3A_234 = arith.constant 0 : i32
      %dma_wait3A_235 = tpu.memref_slice %arg2[%dma_wait3A_233, %dma_wait3A_234] : memref<8192x4096xf32, #tpu.memory_space<hbm>> -> memref<8x4096xf32, #tpu.memory_space<hbm>>
      tpu.wait_dma2 semaphore(%arg11 : memref<!tpu.dma_semaphore, #tpu.memory_space<semaphore_mem>>) src(%dma_wait3A_235 : memref<8x4096xf32, #tpu.memory_space<hbm>>) dst(%arg7 : memref<8x4096xf32, #tpu.memory_space<vmem>>)
      %dma_wait3A_236 = arith.constant 0 : i32
      %dma_wait3A_237 = arith.constant 0 : i32
      %dma_wait3A_238 = tpu.memref_slice %arg4[%dma_wait3A_236, %dma_wait3A_237] : memref<8192x4096xf32, #tpu.memory_space<hbm>> -> memref<8x2048xf32, #tpu.memory_space<hbm>>
      %dma_wait3A_239 = arith.constant 0 : i32
      %dma_wait3A_240 = arith.constant 0 : i32
      %dma_wait3A_241 = tpu.memref_slice %arg4[%dma_wait3A_239, %dma_wait3A_240] : memref<8192x4096xf32, #tpu.memory_space<hbm>> -> memref<8x2048xf32, #tpu.memory_space<hbm>>
      tpu.wait_dma2 semaphore(%arg12 : memref<!tpu.dma_semaphore, #tpu.memory_space<semaphore_mem>>) src(%arg8 : memref<8x2048xf32, #tpu.memory_space<vmem>>) dst(%dma_wait3A_241 : memref<8x2048xf32, #tpu.memory_space<hbm>>)
      %parallel_loop3A_242 = arith.constant 0 : i32
      %parallel_loop3A_243 = arith.constant 128 : i32
      %parallel_loop3A_244 = arith.constant 1 : i32
      scf.for %parallel_loop3A_279 = %parallel_loop3A_242 to %parallel_loop3A_243 step %parallel_loop3A_244  : i32 {
        %parallel_loop3A_280 = arith.constant 16 : i32
        %parallel_loop3A_281 = arith.muli %parallel_loop3A_279, %parallel_loop3A_280 : i32
        %parallel_loop3A_282 = arith.index_cast %parallel_loop3A_281 : i32 to index
        %parallel_loop3A_283 = tpu.vector_load %arg5[%parallel_loop3A_282] {strides = array<i32>} : memref<4096xi32, #tpu.memory_space<vmem>>, vector<16xi32>,
        %parallel_loop3A_284 = arith.constant 0 : i32
        %parallel_loop3A_285 = arith.subi %parallel_loop3A_279, %parallel_loop3A_284 : i32
        %parallel_loop3A_286 = arith.constant 0 : i32
        %parallel_loop3A_287 = vector.broadcast %parallel_loop3A_286 : i32 to vector<16xi32>
        %parallel_loop3A_288 = tpu.vector_load_idx %arg7[%parallel_loop3A_287, %parallel_loop3A_283] : memref<8x4096xf32, #tpu.memory_space<vmem>>[vector<16xi32>, vector<16xi32>], vector<16xf32>,
        %parallel_loop3A_289 = arith.constant 16 : i32
        %parallel_loop3A_290 = arith.muli %parallel_loop3A_285, %parallel_loop3A_289 : i32
        %parallel_loop3A_291 = arith.constant 0 : i32
        %parallel_loop3A_292 = arith.index_cast %parallel_loop3A_291 : i32 to index
        %parallel_loop3A_293 = arith.index_cast %parallel_loop3A_290 : i32 to index
        %parallel_loop3A_294 = tpu.vector_load %arg8[%parallel_loop3A_292, %parallel_loop3A_293] {strides = array<i32>} : memref<8x2048xf32, #tpu.memory_space<vmem>>, vector<16xf32>,
        tpu.vector_store %arg8[%parallel_loop3A_292, %parallel_loop3A_293], %parallel_loop3A_288 {strides = array<i32>} : memref<8x2048xf32, #tpu.memory_space<vmem>>, vector<16xf32>,
        %parallel_loop3A_295 = arith.constant 1 : i32
        %parallel_loop3A_296 = vector.broadcast %parallel_loop3A_295 : i32 to vector<16xi32>
        %parallel_loop3A_297 = tpu.vector_load_idx %arg7[%parallel_loop3A_296, %parallel_loop3A_283] : memref<8x4096xf32, #tpu.memory_space<vmem>>[vector<16xi32>, vector<16xi32>], vector<16xf32>,
        %parallel_loop3A_298 = arith.constant 16 : i32
        %parallel_loop3A_299 = arith.muli %parallel_loop3A_285, %parallel_loop3A_298 : i32
        %parallel_loop3A_300 = arith.constant 1 : i32
        %parallel_loop3A_301 = arith.index_cast %parallel_loop3A_300 : i32 to index
        %parallel_loop3A_302 = arith.index_cast %parallel_loop3A_299 : i32 to index
        %parallel_loop3A_303 = tpu.vector_load %arg8[%parallel_loop3A_301, %parallel_loop3A_302] {strides = array<i32>} : memref<8x2048xf32, #tpu.memory_space<vmem>>, vector<16xf32>,
        tpu.vector_store %arg8[%parallel_loop3A_301, %parallel_loop3A_302], %parallel_loop3A_297 {strides = array<i32>} : memref<8x2048xf32, #tpu.memory_space<vmem>>, vector<16xf32>,
        %parallel_loop3A_304 = arith.constant 2 : i32
        %parallel_loop3A_305 = vector.broadcast %parallel_loop3A_304 : i32 to vector<16xi32>
        %parallel_loop3A_306 = tpu.vector_load_idx %arg7[%parallel_loop3A_305, %parallel_loop3A_283] : memref<8x4096xf32, #tpu.memory_space<vmem>>[vector<16xi32>, vector<16xi32>], vector<16xf32>,
        %parallel_loop3A_307 = arith.constant 16 : i32
        %parallel_loop3A_308 = arith.muli %parallel_loop3A_285, %parallel_loop3A_307 : i32
        %parallel_loop3A_309 = arith.constant 2 : i32
        %parallel_loop3A_310 = arith.index_cast %parallel_loop3A_309 : i32 to index
        %parallel_loop3A_311 = arith.index_cast %parallel_loop3A_308 : i32 to index
        %parallel_loop3A_312 = tpu.vector_load %arg8[%parallel_loop3A_310, %parallel_loop3A_311] {strides = array<i32>} : memref<8x2048xf32, #tpu.memory_space<vmem>>, vector<16xf32>,
        tpu.vector_store %arg8[%parallel_loop3A_310, %parallel_loop3A_311], %parallel_loop3A_306 {strides = array<i32>} : memref<8x2048xf32, #tpu.memory_space<vmem>>, vector<16xf32>,
        %parallel_loop3A_313 = arith.constant 3 : i32
        %parallel_loop3A_314 = vector.broadcast %parallel_loop3A_313 : i32 to vector<16xi32>
        %parallel_loop3A_315 = tpu.vector_load_idx %arg7[%parallel_loop3A_314, %parallel_loop3A_283] : memref<8x4096xf32, #tpu.memory_space<vmem>>[vector<16xi32>, vector<16xi32>], vector<16xf32>,
        %parallel_loop3A_316 = arith.constant 16 : i32
        %parallel_loop3A_317 = arith.muli %parallel_loop3A_285, %parallel_loop3A_316 : i32
        %parallel_loop3A_318 = arith.constant 3 : i32
        %parallel_loop3A_319 = arith.index_cast %parallel_loop3A_318 : i32 to index
        %parallel_loop3A_320 = arith.index_cast %parallel_loop3A_317 : i32 to index
        %parallel_loop3A_321 = tpu.vector_load %arg8[%parallel_loop3A_319, %parallel_loop3A_320] {strides = array<i32>} : memref<8x2048xf32, #tpu.memory_space<vmem>>, vector<16xf32>,
        tpu.vector_store %arg8[%parallel_loop3A_319, %parallel_loop3A_320], %parallel_loop3A_315 {strides = array<i32>} : memref<8x2048xf32, #tpu.memory_space<vmem>>, vector<16xf32>,
        %parallel_loop3A_322 = arith.constant 4 : i32
        %parallel_loop3A_323 = vector.broadcast %parallel_loop3A_322 : i32 to vector<16xi32>
        %parallel_loop3A_324 = tpu.vector_load_idx %arg7[%parallel_loop3A_323, %parallel_loop3A_283] : memref<8x4096xf32, #tpu.memory_space<vmem>>[vector<16xi32>, vector<16xi32>], vector<16xf32>,
        %parallel_loop3A_325 = arith.constant 16 : i32
        %parallel_loop3A_326 = arith.muli %parallel_loop3A_285, %parallel_loop3A_325 : i32
        %parallel_loop3A_327 = arith.constant 4 : i32
        %parallel_loop3A_328 = arith.index_cast %parallel_loop3A_327 : i32 to index
        %parallel_loop3A_329 = arith.index_cast %parallel_loop3A_326 : i32 to index
        %parallel_loop3A_330 = tpu.vector_load %arg8[%parallel_loop3A_328, %parallel_loop3A_329] {strides = array<i32>} : memref<8x2048xf32, #tpu.memory_space<vmem>>, vector<16xf32>,
        tpu.vector_store %arg8[%parallel_loop3A_328, %parallel_loop3A_329], %parallel_loop3A_324 {strides = array<i32>} : memref<8x2048xf32, #tpu.memory_space<vmem>>, vector<16xf32>,
        %parallel_loop3A_331 = arith.constant 5 : i32
        %parallel_loop3A_332 = vector.broadcast %parallel_loop3A_331 : i32 to vector<16xi32>
        %parallel_loop3A_333 = tpu.vector_load_idx %arg7[%parallel_loop3A_332, %parallel_loop3A_283] : memref<8x4096xf32, #tpu.memory_space<vmem>>[vector<16xi32>, vector<16xi32>], vector<16xf32>,
        %parallel_loop3A_334 = arith.constant 16 : i32
        %parallel_loop3A_335 = arith.muli %parallel_loop3A_285, %parallel_loop3A_334 : i32
        %parallel_loop3A_336 = arith.constant 5 : i32
        %parallel_loop3A_337 = arith.index_cast %parallel_loop3A_336 : i32 to index
        %parallel_loop3A_338 = arith.index_cast %parallel_loop3A_335 : i32 to index
        %parallel_loop3A_339 = tpu.vector_load %arg8[%parallel_loop3A_337, %parallel_loop3A_338] {strides = array<i32>} : memref<8x2048xf32, #tpu.memory_space<vmem>>, vector<16xf32>,
        tpu.vector_store %arg8[%parallel_loop3A_337, %parallel_loop3A_338], %parallel_loop3A_333 {strides = array<i32>} : memref<8x2048xf32, #tpu.memory_space<vmem>>, vector<16xf32>,
        %parallel_loop3A_340 = arith.constant 6 : i32
        %parallel_loop3A_341 = vector.broadcast %parallel_loop3A_340 : i32 to vector<16xi32>
        %parallel_loop3A_342 = tpu.vector_load_idx %arg7[%parallel_loop3A_341, %parallel_loop3A_283] : memref<8x4096xf32, #tpu.memory_space<vmem>>[vector<16xi32>, vector<16xi32>], vector<16xf32>,
        %parallel_loop3A_343 = arith.constant 16 : i32
        %parallel_loop3A_344 = arith.muli %parallel_loop3A_285, %parallel_loop3A_343 : i32
        %parallel_loop3A_345 = arith.constant 6 : i32
        %parallel_loop3A_346 = arith.index_cast %parallel_loop3A_345 : i32 to index
        %parallel_loop3A_347 = arith.index_cast %parallel_loop3A_344 : i32 to index
        %parallel_loop3A_348 = tpu.vector_load %arg8[%parallel_loop3A_346, %parallel_loop3A_347] {strides = array<i32>} : memref<8x2048xf32, #tpu.memory_space<vmem>>, vector<16xf32>,
        tpu.vector_store %arg8[%parallel_loop3A_346, %parallel_loop3A_347], %parallel_loop3A_342 {strides = array<i32>} : memref<8x2048xf32, #tpu.memory_space<vmem>>, vector<16xf32>,
        %parallel_loop3A_349 = arith.constant 7 : i32
        %parallel_loop3A_350 = vector.broadcast %parallel_loop3A_349 : i32 to vector<16xi32>
        %parallel_loop3A_351 = tpu.vector_load_idx %arg7[%parallel_loop3A_350, %parallel_loop3A_283] : memref<8x4096xf32, #tpu.memory_space<vmem>>[vector<16xi32>, vector<16xi32>], vector<16xf32>,
        %parallel_loop3A_352 = arith.constant 16 : i32
        %parallel_loop3A_353 = arith.muli %parallel_loop3A_285, %parallel_loop3A_352 : i32
        %parallel_loop3A_354 = arith.constant 7 : i32
        %parallel_loop3A_355 = arith.index_cast %parallel_loop3A_354 : i32 to index
        %parallel_loop3A_356 = arith.index_cast %parallel_loop3A_353 : i32 to index
        %parallel_loop3A_357 = tpu.vector_load %arg8[%parallel_loop3A_355, %parallel_loop3A_356] {strides = array<i32>} : memref<8x2048xf32, #tpu.memory_space<vmem>>, vector<16xf32>,
        tpu.vector_store %arg8[%parallel_loop3A_355, %parallel_loop3A_356], %parallel_loop3A_351 {strides = array<i32>} : memref<8x2048xf32, #tpu.memory_space<vmem>>, vector<16xf32>,
      } {sc.loop_unroll_factor = 2 : i64, sc.parallel_access}
      %mul3A_245 = arith.constant 8 : i32
      %mul3A_246 = arith.muli %add3A_229, %mul3A_245 : i32
      %add3A_247 = arith.addi %mul3A_2, %mul3A_246 : i32
      %dma_start3A_248 = arith.constant 0 : i32
      %dma_start3A_249 = tpu.memref_slice %arg4[%add3A_247, %dma_start3A_248] : memref<8192x4096xf32, #tpu.memory_space<hbm>> -> memref<8x2048xf32, #tpu.memory_space<hbm>>
      %dma_start3A_250 = arith.constant 0 : i32
      %dma_start3A_251 = tpu.memref_slice %arg4[%add3A_247, %dma_start3A_250] : memref<8192x4096xf32, #tpu.memory_space<hbm>> -> memref<8x2048xf32, #tpu.memory_space<hbm>>
      tpu.enqueue_dma source(%arg8 : memref<8x2048xf32, #tpu.memory_space<vmem>>) target(%dma_start3A_251 : memref<8x2048xf32, #tpu.memory_space<hbm>>) target_semaphore(%arg12 : memref<!tpu.dma_semaphore, #tpu.memory_space<semaphore_mem>>)
      %dma_wait3A_252 = arith.constant 0 : i32
      %dma_wait3A_253 = arith.constant 0 : i32
      %dma_wait3A_254 = tpu.memref_slice %arg4[%dma_wait3A_252, %dma_wait3A_253] : memref<8192x4096xf32, #tpu.memory_space<hbm>> -> memref<8x2048xf32, #tpu.memory_space<hbm>>
      %dma_wait3A_255 = arith.constant 0 : i32
      %dma_wait3A_256 = arith.constant 0 : i32
      %dma_wait3A_257 = tpu.memref_slice %arg4[%dma_wait3A_255, %dma_wait3A_256] : memref<8192x4096xf32, #tpu.memory_space<hbm>> -> memref<8x2048xf32, #tpu.memory_space<hbm>>
      tpu.wait_dma2 semaphore(%arg13 : memref<!tpu.dma_semaphore, #tpu.memory_space<semaphore_mem>>) src(%arg9 : memref<8x2048xf32, #tpu.memory_space<vmem>>) dst(%dma_wait3A_257 : memref<8x2048xf32, #tpu.memory_space<hbm>>)
      %parallel_loop3A_258 = arith.constant 128 : i32
      %parallel_loop3A_259 = arith.constant 256 : i32
      %parallel_loop3A_260 = arith.constant 1 : i32
      scf.for %parallel_loop3A_279 = %parallel_loop3A_258 to %parallel_loop3A_259 step %parallel_loop3A_260  : i32 {
        %parallel_loop3A_280 = arith.constant 16 : i32
        %parallel_loop3A_281 = arith.muli %parallel_loop3A_279, %parallel_loop3A_280 : i32
        %parallel_loop3A_282 = arith.index_cast %parallel_loop3A_281 : i32 to index
        %parallel_loop3A_283 = tpu.vector_load %arg5[%parallel_loop3A_282] {strides = array<i32>} : memref<4096xi32, #tpu.memory_space<vmem>>, vector<16xi32>,
        %parallel_loop3A_284 = arith.constant 128 : i32
        %parallel_loop3A_285 = arith.subi %parallel_loop3A_279, %parallel_loop3A_284 : i32
        %parallel_loop3A_286 = arith.constant 0 : i32
        %parallel_loop3A_287 = vector.broadcast %parallel_loop3A_286 : i32 to vector<16xi32>
        %parallel_loop3A_288 = tpu.vector_load_idx %arg7[%parallel_loop3A_287, %parallel_loop3A_283] : memref<8x4096xf32, #tpu.memory_space<vmem>>[vector<16xi32>, vector<16xi32>], vector<16xf32>,
        %parallel_loop3A_289 = arith.constant 16 : i32
        %parallel_loop3A_290 = arith.muli %parallel_loop3A_285, %parallel_loop3A_289 : i32
        %parallel_loop3A_291 = arith.constant 0 : i32
        %parallel_loop3A_292 = arith.index_cast %parallel_loop3A_291 : i32 to index
        %parallel_loop3A_293 = arith.index_cast %parallel_loop3A_290 : i32 to index
        %parallel_loop3A_294 = tpu.vector_load %arg9[%parallel_loop3A_292, %parallel_loop3A_293] {strides = array<i32>} : memref<8x2048xf32, #tpu.memory_space<vmem>>, vector<16xf32>,
        tpu.vector_store %arg9[%parallel_loop3A_292, %parallel_loop3A_293], %parallel_loop3A_288 {strides = array<i32>} : memref<8x2048xf32, #tpu.memory_space<vmem>>, vector<16xf32>,
        %parallel_loop3A_295 = arith.constant 1 : i32
        %parallel_loop3A_296 = vector.broadcast %parallel_loop3A_295 : i32 to vector<16xi32>
        %parallel_loop3A_297 = tpu.vector_load_idx %arg7[%parallel_loop3A_296, %parallel_loop3A_283] : memref<8x4096xf32, #tpu.memory_space<vmem>>[vector<16xi32>, vector<16xi32>], vector<16xf32>,
        %parallel_loop3A_298 = arith.constant 16 : i32
        %parallel_loop3A_299 = arith.muli %parallel_loop3A_285, %parallel_loop3A_298 : i32
        %parallel_loop3A_300 = arith.constant 1 : i32
        %parallel_loop3A_301 = arith.index_cast %parallel_loop3A_300 : i32 to index
        %parallel_loop3A_302 = arith.index_cast %parallel_loop3A_299 : i32 to index
        %parallel_loop3A_303 = tpu.vector_load %arg9[%parallel_loop3A_301, %parallel_loop3A_302] {strides = array<i32>} : memref<8x2048xf32, #tpu.memory_space<vmem>>, vector<16xf32>,
        tpu.vector_store %arg9[%parallel_loop3A_301, %parallel_loop3A_302], %parallel_loop3A_297 {strides = array<i32>} : memref<8x2048xf32, #tpu.memory_space<vmem>>, vector<16xf32>,
        %parallel_loop3A_304 = arith.constant 2 : i32
        %parallel_loop3A_305 = vector.broadcast %parallel_loop3A_304 : i32 to vector<16xi32>
        %parallel_loop3A_306 = tpu.vector_load_idx %arg7[%parallel_loop3A_305, %parallel_loop3A_283] : memref<8x4096xf32, #tpu.memory_space<vmem>>[vector<16xi32>, vector<16xi32>], vector<16xf32>,
        %parallel_loop3A_307 = arith.constant 16 : i32
        %parallel_loop3A_308 = arith.muli %parallel_loop3A_285, %parallel_loop3A_307 : i32
        %parallel_loop3A_309 = arith.constant 2 : i32
        %parallel_loop3A_310 = arith.index_cast %parallel_loop3A_309 : i32 to index
        %parallel_loop3A_311 = arith.index_cast %parallel_loop3A_308 : i32 to index
        %parallel_loop3A_312 = tpu.vector_load %arg9[%parallel_loop3A_310, %parallel_loop3A_311] {strides = array<i32>} : memref<8x2048xf32, #tpu.memory_space<vmem>>, vector<16xf32>,
        tpu.vector_store %arg9[%parallel_loop3A_310, %parallel_loop3A_311], %parallel_loop3A_306 {strides = array<i32>} : memref<8x2048xf32, #tpu.memory_space<vmem>>, vector<16xf32>,
        %parallel_loop3A_313 = arith.constant 3 : i32
        %parallel_loop3A_314 = vector.broadcast %parallel_loop3A_313 : i32 to vector<16xi32>
        %parallel_loop3A_315 = tpu.vector_load_idx %arg7[%parallel_loop3A_314, %parallel_loop3A_283] : memref<8x4096xf32, #tpu.memory_space<vmem>>[vector<16xi32>, vector<16xi32>], vector<16xf32>,
        %parallel_loop3A_316 = arith.constant 16 : i32
        %parallel_loop3A_317 = arith.muli %parallel_loop3A_285, %parallel_loop3A_316 : i32
        %parallel_loop3A_318 = arith.constant 3 : i32
        %parallel_loop3A_319 = arith.index_cast %parallel_loop3A_318 : i32 to index
        %parallel_loop3A_320 = arith.index_cast %parallel_loop3A_317 : i32 to index
        %parallel_loop3A_321 = tpu.vector_load %arg9[%parallel_loop3A_319, %parallel_loop3A_320] {strides = array<i32>} : memref<8x2048xf32, #tpu.memory_space<vmem>>, vector<16xf32>,
        tpu.vector_store %arg9[%parallel_loop3A_319, %parallel_loop3A_320], %parallel_loop3A_315 {strides = array<i32>} : memref<8x2048xf32, #tpu.memory_space<vmem>>, vector<16xf32>,
        %parallel_loop3A_322 = arith.constant 4 : i32
        %parallel_loop3A_323 = vector.broadcast %parallel_loop3A_322 : i32 to vector<16xi32>
        %parallel_loop3A_324 = tpu.vector_load_idx %arg7[%parallel_loop3A_323, %parallel_loop3A_283] : memref<8x4096xf32, #tpu.memory_space<vmem>>[vector<16xi32>, vector<16xi32>], vector<16xf32>,
        %parallel_loop3A_325 = arith.constant 16 : i32
        %parallel_loop3A_326 = arith.muli %parallel_loop3A_285, %parallel_loop3A_325 : i32
        %parallel_loop3A_327 = arith.constant 4 : i32
        %parallel_loop3A_328 = arith.index_cast %parallel_loop3A_327 : i32 to index
        %parallel_loop3A_329 = arith.index_cast %parallel_loop3A_326 : i32 to index
        %parallel_loop3A_330 = tpu.vector_load %arg9[%parallel_loop3A_328, %parallel_loop3A_329] {strides = array<i32>} : memref<8x2048xf32, #tpu.memory_space<vmem>>, vector<16xf32>,
        tpu.vector_store %arg9[%parallel_loop3A_328, %parallel_loop3A_329], %parallel_loop3A_324 {strides = array<i32>} : memref<8x2048xf32, #tpu.memory_space<vmem>>, vector<16xf32>,
        %parallel_loop3A_331 = arith.constant 5 : i32
        %parallel_loop3A_332 = vector.broadcast %parallel_loop3A_331 : i32 to vector<16xi32>
        %parallel_loop3A_333 = tpu.vector_load_idx %arg7[%parallel_loop3A_332, %parallel_loop3A_283] : memref<8x4096xf32, #tpu.memory_space<vmem>>[vector<16xi32>, vector<16xi32>], vector<16xf32>,
        %parallel_loop3A_334 = arith.constant 16 : i32
        %parallel_loop3A_335 = arith.muli %parallel_loop3A_285, %parallel_loop3A_334 : i32
        %parallel_loop3A_336 = arith.constant 5 : i32
        %parallel_loop3A_337 = arith.index_cast %parallel_loop3A_336 : i32 to index
        %parallel_loop3A_338 = arith.index_cast %parallel_loop3A_335 : i32 to index
        %parallel_loop3A_339 = tpu.vector_load %arg9[%parallel_loop3A_337, %parallel_loop3A_338] {strides = array<i32>} : memref<8x2048xf32, #tpu.memory_space<vmem>>, vector<16xf32>,
        tpu.vector_store %arg9[%parallel_loop3A_337, %parallel_loop3A_338], %parallel_loop3A_333 {strides = array<i32>} : memref<8x2048xf32, #tpu.memory_space<vmem>>, vector<16xf32>,
        %parallel_loop3A_340 = arith.constant 6 : i32
        %parallel_loop3A_341 = vector.broadcast %parallel_loop3A_340 : i32 to vector<16xi32>
        %parallel_loop3A_342 = tpu.vector_load_idx %arg7[%parallel_loop3A_341, %parallel_loop3A_283] : memref<8x4096xf32, #tpu.memory_space<vmem>>[vector<16xi32>, vector<16xi32>], vector<16xf32>,
        %parallel_loop3A_343 = arith.constant 16 : i32
        %parallel_loop3A_344 = arith.muli %parallel_loop3A_285, %parallel_loop3A_343 : i32
        %parallel_loop3A_345 = arith.constant 6 : i32
        %parallel_loop3A_346 = arith.index_cast %parallel_loop3A_345 : i32 to index
        %parallel_loop3A_347 = arith.index_cast %parallel_loop3A_344 : i32 to index
        %parallel_loop3A_348 = tpu.vector_load %arg9[%parallel_loop3A_346, %parallel_loop3A_347] {strides = array<i32>} : memref<8x2048xf32, #tpu.memory_space<vmem>>, vector<16xf32>,
        tpu.vector_store %arg9[%parallel_loop3A_346, %parallel_loop3A_347], %parallel_loop3A_342 {strides = array<i32>} : memref<8x2048xf32, #tpu.memory_space<vmem>>, vector<16xf32>,
        %parallel_loop3A_349 = arith.constant 7 : i32
        %parallel_loop3A_350 = vector.broadcast %parallel_loop3A_349 : i32 to vector<16xi32>
        %parallel_loop3A_351 = tpu.vector_load_idx %arg7[%parallel_loop3A_350, %parallel_loop3A_283] : memref<8x4096xf32, #tpu.memory_space<vmem>>[vector<16xi32>, vector<16xi32>], vector<16xf32>,
        %parallel_loop3A_352 = arith.constant 16 : i32
        %parallel_loop3A_353 = arith.muli %parallel_loop3A_285, %parallel_loop3A_352 : i32
        %parallel_loop3A_354 = arith.constant 7 : i32
        %parallel_loop3A_355 = arith.index_cast %parallel_loop3A_354 : i32 to index
        %parallel_loop3A_356 = arith.index_cast %parallel_loop3A_353 : i32 to index
        %parallel_loop3A_357 = tpu.vector_load %arg9[%parallel_loop3A_355, %parallel_loop3A_356] {strides = array<i32>} : memref<8x2048xf32, #tpu.memory_space<vmem>>, vector<16xf32>,
        tpu.vector_store %arg9[%parallel_loop3A_355, %parallel_loop3A_356], %parallel_loop3A_351 {strides = array<i32>} : memref<8x2048xf32, #tpu.memory_space<vmem>>, vector<16xf32>,
      } {sc.loop_unroll_factor = 2 : i64, sc.parallel_access}
      %mul3A_261 = arith.constant 8 : i32
      %mul3A_262 = arith.muli %add3A_229, %mul3A_261 : i32
      %add3A_263 = arith.addi %mul3A_2, %mul3A_262 : i32
      %dma_start3A_264 = arith.constant 2048 : i32
      %dma_start3A_265 = tpu.memref_slice %arg4[%add3A_263, %dma_start3A_264] : memref<8192x4096xf32, #tpu.memory_space<hbm>> -> memref<8x2048xf32, #tpu.memory_space<hbm>>
      %dma_start3A_266 = arith.constant 2048 : i32
      %dma_start3A_267 = tpu.memref_slice %arg4[%add3A_263, %dma_start3A_266] : memref<8192x4096xf32, #tpu.memory_space<hbm>> -> memref<8x2048xf32, #tpu.memory_space<hbm>>
      tpu.enqueue_dma source(%arg9 : memref<8x2048xf32, #tpu.memory_space<vmem>>) target(%dma_start3A_267 : memref<8x2048xf32, #tpu.memory_space<hbm>>) target_semaphore(%arg13 : memref<!tpu.dma_semaphore, #tpu.memory_space<semaphore_mem>>)
      %add3A_268 = arith.constant 1 : i32
      %add3A_269 = arith.addi %add3A_176, %add3A_268 : i32
      %add3A_270 = arith.constant 2 : i32
      %add3A_271 = arith.addi %add3A_269, %add3A_270 : i32
      %mul3A_272 = arith.constant 8 : i32
      %mul3A_273 = arith.muli %add3A_271, %mul3A_272 : i32
      %add3A_274 = arith.addi %mul3A_2, %mul3A_273 : i32
      %dma_start3A_275 = arith.constant 0 : i32
      %dma_start3A_276 = tpu.memref_slice %arg2[%add3A_274, %dma_start3A_275] : memref<8192x4096xf32, #tpu.memory_space<hbm>> -> memref<8x4096xf32, #tpu.memory_space<hbm>>
      %dma_start3A_277 = arith.constant 0 : i32
      %dma_start3A_278 = tpu.memref_slice %arg2[%add3A_274, %dma_start3A_277] : memref<8192x4096xf32, #tpu.memory_space<hbm>> -> memref<8x4096xf32, #tpu.memory_space<hbm>>
      tpu.enqueue_dma source(%dma_start3A_278 : memref<8x4096xf32, #tpu.memory_space<hbm>>) target(%arg7 : memref<8x4096xf32, #tpu.memory_space<vmem>>) target_semaphore(%arg11 : memref<!tpu.dma_semaphore, #tpu.memory_space<semaphore_mem>>)
    }
    %scan3A_87 = arith.constant 14 : i32
    %dma_wait3A_88 = arith.constant 0 : i32
    %dma_wait3A_89 = arith.constant 0 : i32
    %dma_wait3A_90 = tpu.memref_slice %arg2[%dma_wait3A_88, %dma_wait3A_89] : memref<8192x4096xf32, #tpu.memory_space<hbm>> -> memref<8x4096xf32, #tpu.memory_space<hbm>>
    %dma_wait3A_91 = arith.constant 0 : i32
    %dma_wait3A_92 = arith.constant 0 : i32
    %dma_wait3A_93 = tpu.memref_slice %arg2[%dma_wait3A_91, %dma_wait3A_92] : memref<8192x4096xf32, #tpu.memory_space<hbm>> -> memref<8x4096xf32, #tpu.memory_space<hbm>>
    tpu.wait_dma2 semaphore(%arg10 : memref<!tpu.dma_semaphore, #tpu.memory_space<semaphore_mem>>) src(%dma_wait3A_93 : memref<8x4096xf32, #tpu.memory_space<hbm>>) dst(%arg6 : memref<8x4096xf32, #tpu.memory_space<vmem>>)
    %dma_wait3A_94 = arith.constant 0 : i32
    %dma_wait3A_95 = arith.constant 0 : i32
    %dma_wait3A_96 = tpu.memref_slice %arg4[%dma_wait3A_94, %dma_wait3A_95] : memref<8192x4096xf32, #tpu.memory_space<hbm>> -> memref<8x2048xf32, #tpu.memory_space<hbm>>
    %dma_wait3A_97 = arith.constant 0 : i32
    %dma_wait3A_98 = arith.constant 0 : i32
    %dma_wait3A_99 = tpu.memref_slice %arg4[%dma_wait3A_97, %dma_wait3A_98] : memref<8192x4096xf32, #tpu.memory_space<hbm>> -> memref<8x2048xf32, #tpu.memory_space<hbm>>
    tpu.wait_dma2 semaphore(%arg12 : memref<!tpu.dma_semaphore, #tpu.memory_space<semaphore_mem>>) src(%arg8 : memref<8x2048xf32, #tpu.memory_space<vmem>>) dst(%dma_wait3A_99 : memref<8x2048xf32, #tpu.memory_space<hbm>>)
    %parallel_loop3A_100 = arith.constant 0 : i32
    %parallel_loop3A_101 = arith.constant 128 : i32
    %parallel_loop3A_102 = arith.constant 1 : i32
    scf.for %parallel_loop3A_172 = %parallel_loop3A_100 to %parallel_loop3A_101 step %parallel_loop3A_102  : i32 {
      %parallel_loop3A_173 = arith.constant 16 : i32
      %parallel_loop3A_174 = arith.muli %parallel_loop3A_172, %parallel_loop3A_173 : i32
      %parallel_loop3A_175 = arith.index_cast %parallel_loop3A_174 : i32 to index
      %parallel_loop3A_176 = tpu.vector_load %arg5[%parallel_loop3A_175] {strides = array<i32>} : memref<4096xi32, #tpu.memory_space<vmem>>, vector<16xi32>,
      %parallel_loop3A_177 = arith.constant 0 : i32
      %parallel_loop3A_178 = arith.subi %parallel_loop3A_172, %parallel_loop3A_177 : i32
      %parallel_loop3A_179 = arith.constant 0 : i32
      %parallel_loop3A_180 = vector.broadcast %parallel_loop3A_179 : i32 to vector<16xi32>
      %parallel_loop3A_181 = tpu.vector_load_idx %arg6[%parallel_loop3A_180, %parallel_loop3A_176] : memref<8x4096xf32, #tpu.memory_space<vmem>>[vector<16xi32>, vector<16xi32>], vector<16xf32>,
      %parallel_loop3A_182 = arith.constant 16 : i32
      %parallel_loop3A_183 = arith.muli %parallel_loop3A_178, %parallel_loop3A_182 : i32
      %parallel_loop3A_184 = arith.constant 0 : i32
      %parallel_loop3A_185 = arith.index_cast %parallel_loop3A_184 : i32 to index
      %parallel_loop3A_186 = arith.index_cast %parallel_loop3A_183 : i32 to index
      %parallel_loop3A_187 = tpu.vector_load %arg8[%parallel_loop3A_185, %parallel_loop3A_186] {strides = array<i32>} : memref<8x2048xf32, #tpu.memory_space<vmem>>, vector<16xf32>,
      tpu.vector_store %arg8[%parallel_loop3A_185, %parallel_loop3A_186], %parallel_loop3A_181 {strides = array<i32>} : memref<8x2048xf32, #tpu.memory_space<vmem>>, vector<16xf32>,
      %parallel_loop3A_188 = arith.constant 1 : i32
      %parallel_loop3A_189 = vector.broadcast %parallel_loop3A_188 : i32 to vector<16xi32>
      %parallel_loop3A_190 = tpu.vector_load_idx %arg6[%parallel_loop3A_189, %parallel_loop3A_176] : memref<8x4096xf32, #tpu.memory_space<vmem>>[vector<16xi32>, vector<16xi32>], vector<16xf32>,
      %parallel_loop3A_191 = arith.constant 16 : i32
      %parallel_loop3A_192 = arith.muli %parallel_loop3A_178, %parallel_loop3A_191 : i32
      %parallel_loop3A_193 = arith.constant 1 : i32
      %parallel_loop3A_194 = arith.index_cast %parallel_loop3A_193 : i32 to index
      %parallel_loop3A_195 = arith.index_cast %parallel_loop3A_192 : i32 to index
      %parallel_loop3A_196 = tpu.vector_load %arg8[%parallel_loop3A_194, %parallel_loop3A_195] {strides = array<i32>} : memref<8x2048xf32, #tpu.memory_space<vmem>>, vector<16xf32>,
      tpu.vector_store %arg8[%parallel_loop3A_194, %parallel_loop3A_195], %parallel_loop3A_190 {strides = array<i32>} : memref<8x2048xf32, #tpu.memory_space<vmem>>, vector<16xf32>,
      %parallel_loop3A_197 = arith.constant 2 : i32
      %parallel_loop3A_198 = vector.broadcast %parallel_loop3A_197 : i32 to vector<16xi32>
      %parallel_loop3A_199 = tpu.vector_load_idx %arg6[%parallel_loop3A_198, %parallel_loop3A_176] : memref<8x4096xf32, #tpu.memory_space<vmem>>[vector<16xi32>, vector<16xi32>], vector<16xf32>,
      %parallel_loop3A_200 = arith.constant 16 : i32
      %parallel_loop3A_201 = arith.muli %parallel_loop3A_178, %parallel_loop3A_200 : i32
      %parallel_loop3A_202 = arith.constant 2 : i32
      %parallel_loop3A_203 = arith.index_cast %parallel_loop3A_202 : i32 to index
      %parallel_loop3A_204 = arith.index_cast %parallel_loop3A_201 : i32 to index
      %parallel_loop3A_205 = tpu.vector_load %arg8[%parallel_loop3A_203, %parallel_loop3A_204] {strides = array<i32>} : memref<8x2048xf32, #tpu.memory_space<vmem>>, vector<16xf32>,
      tpu.vector_store %arg8[%parallel_loop3A_203, %parallel_loop3A_204], %parallel_loop3A_199 {strides = array<i32>} : memref<8x2048xf32, #tpu.memory_space<vmem>>, vector<16xf32>,
      %parallel_loop3A_206 = arith.constant 3 : i32
      %parallel_loop3A_207 = vector.broadcast %parallel_loop3A_206 : i32 to vector<16xi32>
      %parallel_loop3A_208 = tpu.vector_load_idx %arg6[%parallel_loop3A_207, %parallel_loop3A_176] : memref<8x4096xf32, #tpu.memory_space<vmem>>[vector<16xi32>, vector<16xi32>], vector<16xf32>,
      %parallel_loop3A_209 = arith.constant 16 : i32
      %parallel_loop3A_210 = arith.muli %parallel_loop3A_178, %parallel_loop3A_209 : i32
      %parallel_loop3A_211 = arith.constant 3 : i32
      %parallel_loop3A_212 = arith.index_cast %parallel_loop3A_211 : i32 to index
      %parallel_loop3A_213 = arith.index_cast %parallel_loop3A_210 : i32 to index
      %parallel_loop3A_214 = tpu.vector_load %arg8[%parallel_loop3A_212, %parallel_loop3A_213] {strides = array<i32>} : memref<8x2048xf32, #tpu.memory_space<vmem>>, vector<16xf32>,
      tpu.vector_store %arg8[%parallel_loop3A_212, %parallel_loop3A_213], %parallel_loop3A_208 {strides = array<i32>} : memref<8x2048xf32, #tpu.memory_space<vmem>>, vector<16xf32>,
      %parallel_loop3A_215 = arith.constant 4 : i32
      %parallel_loop3A_216 = vector.broadcast %parallel_loop3A_215 : i32 to vector<16xi32>
      %parallel_loop3A_217 = tpu.vector_load_idx %arg6[%parallel_loop3A_216, %parallel_loop3A_176] : memref<8x4096xf32, #tpu.memory_space<vmem>>[vector<16xi32>, vector<16xi32>], vector<16xf32>,
      %parallel_loop3A_218 = arith.constant 16 : i32
      %parallel_loop3A_219 = arith.muli %parallel_loop3A_178, %parallel_loop3A_218 : i32
      %parallel_loop3A_220 = arith.constant 4 : i32
      %parallel_loop3A_221 = arith.index_cast %parallel_loop3A_220 : i32 to index
      %parallel_loop3A_222 = arith.index_cast %parallel_loop3A_219 : i32 to index
      %parallel_loop3A_223 = tpu.vector_load %arg8[%parallel_loop3A_221, %parallel_loop3A_222] {strides = array<i32>} : memref<8x2048xf32, #tpu.memory_space<vmem>>, vector<16xf32>,
      tpu.vector_store %arg8[%parallel_loop3A_221, %parallel_loop3A_222], %parallel_loop3A_217 {strides = array<i32>} : memref<8x2048xf32, #tpu.memory_space<vmem>>, vector<16xf32>,
      %parallel_loop3A_224 = arith.constant 5 : i32
      %parallel_loop3A_225 = vector.broadcast %parallel_loop3A_224 : i32 to vector<16xi32>
      %parallel_loop3A_226 = tpu.vector_load_idx %arg6[%parallel_loop3A_225, %parallel_loop3A_176] : memref<8x4096xf32, #tpu.memory_space<vmem>>[vector<16xi32>, vector<16xi32>], vector<16xf32>,
      %parallel_loop3A_227 = arith.constant 16 : i32
      %parallel_loop3A_228 = arith.muli %parallel_loop3A_178, %parallel_loop3A_227 : i32
      %parallel_loop3A_229 = arith.constant 5 : i32
      %parallel_loop3A_230 = arith.index_cast %parallel_loop3A_229 : i32 to index
      %parallel_loop3A_231 = arith.index_cast %parallel_loop3A_228 : i32 to index
      %parallel_loop3A_232 = tpu.vector_load %arg8[%parallel_loop3A_230, %parallel_loop3A_231] {strides = array<i32>} : memref<8x2048xf32, #tpu.memory_space<vmem>>, vector<16xf32>,
      tpu.vector_store %arg8[%parallel_loop3A_230, %parallel_loop3A_231], %parallel_loop3A_226 {strides = array<i32>} : memref<8x2048xf32, #tpu.memory_space<vmem>>, vector<16xf32>,
      %parallel_loop3A_233 = arith.constant 6 : i32
      %parallel_loop3A_234 = vector.broadcast %parallel_loop3A_233 : i32 to vector<16xi32>
      %parallel_loop3A_235 = tpu.vector_load_idx %arg6[%parallel_loop3A_234, %parallel_loop3A_176] : memref<8x4096xf32, #tpu.memory_space<vmem>>[vector<16xi32>, vector<16xi32>], vector<16xf32>,
      %parallel_loop3A_236 = arith.constant 16 : i32
      %parallel_loop3A_237 = arith.muli %parallel_loop3A_178, %parallel_loop3A_236 : i32
      %parallel_loop3A_238 = arith.constant 6 : i32
      %parallel_loop3A_239 = arith.index_cast %parallel_loop3A_238 : i32 to index
      %parallel_loop3A_240 = arith.index_cast %parallel_loop3A_237 : i32 to index
      %parallel_loop3A_241 = tpu.vector_load %arg8[%parallel_loop3A_239, %parallel_loop3A_240] {strides = array<i32>} : memref<8x2048xf32, #tpu.memory_space<vmem>>, vector<16xf32>,
      tpu.vector_store %arg8[%parallel_loop3A_239, %parallel_loop3A_240], %parallel_loop3A_235 {strides = array<i32>} : memref<8x2048xf32, #tpu.memory_space<vmem>>, vector<16xf32>,
      %parallel_loop3A_242 = arith.constant 7 : i32
      %parallel_loop3A_243 = vector.broadcast %parallel_loop3A_242 : i32 to vector<16xi32>
      %parallel_loop3A_244 = tpu.vector_load_idx %arg6[%parallel_loop3A_243, %parallel_loop3A_176] : memref<8x4096xf32, #tpu.memory_space<vmem>>[vector<16xi32>, vector<16xi32>], vector<16xf32>,
      %parallel_loop3A_245 = arith.constant 16 : i32
      %parallel_loop3A_246 = arith.muli %parallel_loop3A_178, %parallel_loop3A_245 : i32
      %parallel_loop3A_247 = arith.constant 7 : i32
      %parallel_loop3A_248 = arith.index_cast %parallel_loop3A_247 : i32 to index
      %parallel_loop3A_249 = arith.index_cast %parallel_loop3A_246 : i32 to index
      %parallel_loop3A_250 = tpu.vector_load %arg8[%parallel_loop3A_248, %parallel_loop3A_249] {strides = array<i32>} : memref<8x2048xf32, #tpu.memory_space<vmem>>, vector<16xf32>,
      tpu.vector_store %arg8[%parallel_loop3A_248, %parallel_loop3A_249], %parallel_loop3A_244 {strides = array<i32>} : memref<8x2048xf32, #tpu.memory_space<vmem>>, vector<16xf32>,
    } {sc.loop_unroll_factor = 2 : i64, sc.parallel_access}
    %add3A_103 = arith.constant 240 : i32
    %add3A_104 = arith.addi %mul3A_2, %add3A_103 : i32
    %dma_start3A_105 = arith.constant 0 : i32
    %dma_start3A_106 = tpu.memref_slice %arg4[%add3A_104, %dma_start3A_105] : memref<8192x4096xf32, #tpu.memory_space<hbm>> -> memref<8x2048xf32, #tpu.memory_space<hbm>>
    %dma_start3A_107 = arith.constant 0 : i32
    %dma_start3A_108 = tpu.memref_slice %arg4[%add3A_104, %dma_start3A_107] : memref<8192x4096xf32, #tpu.memory_space<hbm>> -> memref<8x2048xf32, #tpu.memory_space<hbm>>
    tpu.enqueue_dma source(%arg8 : memref<8x2048xf32, #tpu.memory_space<vmem>>) target(%dma_start3A_108 : memref<8x2048xf32, #tpu.memory_space<hbm>>) target_semaphore(%arg12 : memref<!tpu.dma_semaphore, #tpu.memory_space<semaphore_mem>>)
    %dma_wait3A_109 = arith.constant 0 : i32
    %dma_wait3A_110 = arith.constant 0 : i32
    %dma_wait3A_111 = tpu.memref_slice %arg4[%dma_wait3A_109, %dma_wait3A_110] : memref<8192x4096xf32, #tpu.memory_space<hbm>> -> memref<8x2048xf32, #tpu.memory_space<hbm>>
    %dma_wait3A_112 = arith.constant 0 : i32
    %dma_wait3A_113 = arith.constant 0 : i32
    %dma_wait3A_114 = tpu.memref_slice %arg4[%dma_wait3A_112, %dma_wait3A_113] : memref<8192x4096xf32, #tpu.memory_space<hbm>> -> memref<8x2048xf32, #tpu.memory_space<hbm>>
    tpu.wait_dma2 semaphore(%arg13 : memref<!tpu.dma_semaphore, #tpu.memory_space<semaphore_mem>>) src(%arg9 : memref<8x2048xf32, #tpu.memory_space<vmem>>) dst(%dma_wait3A_114 : memref<8x2048xf32, #tpu.memory_space<hbm>>)
    %parallel_loop3A_115 = arith.constant 128 : i32
    %parallel_loop3A_116 = arith.constant 256 : i32
    %parallel_loop3A_117 = arith.constant 1 : i32
    scf.for %parallel_loop3A_172 = %parallel_loop3A_115 to %parallel_loop3A_116 step %parallel_loop3A_117  : i32 {
      %parallel_loop3A_173 = arith.constant 16 : i32
      %parallel_loop3A_174 = arith.muli %parallel_loop3A_172, %parallel_loop3A_173 : i32
      %parallel_loop3A_175 = arith.index_cast %parallel_loop3A_174 : i32 to index
      %parallel_loop3A_176 = tpu.vector_load %arg5[%parallel_loop3A_175] {strides = array<i32>} : memref<4096xi32, #tpu.memory_space<vmem>>, vector<16xi32>,
      %parallel_loop3A_177 = arith.constant 128 : i32
      %parallel_loop3A_178 = arith.subi %parallel_loop3A_172, %parallel_loop3A_177 : i32
      %parallel_loop3A_179 = arith.constant 0 : i32
      %parallel_loop3A_180 = vector.broadcast %parallel_loop3A_179 : i32 to vector<16xi32>
      %parallel_loop3A_181 = tpu.vector_load_idx %arg6[%parallel_loop3A_180, %parallel_loop3A_176] : memref<8x4096xf32, #tpu.memory_space<vmem>>[vector<16xi32>, vector<16xi32>], vector<16xf32>,
      %parallel_loop3A_182 = arith.constant 16 : i32
      %parallel_loop3A_183 = arith.muli %parallel_loop3A_178, %parallel_loop3A_182 : i32
      %parallel_loop3A_184 = arith.constant 0 : i32
      %parallel_loop3A_185 = arith.index_cast %parallel_loop3A_184 : i32 to index
      %parallel_loop3A_186 = arith.index_cast %parallel_loop3A_183 : i32 to index
      %parallel_loop3A_187 = tpu.vector_load %arg9[%parallel_loop3A_185, %parallel_loop3A_186] {strides = array<i32>} : memref<8x2048xf32, #tpu.memory_space<vmem>>, vector<16xf32>,
      tpu.vector_store %arg9[%parallel_loop3A_185, %parallel_loop3A_186], %parallel_loop3A_181 {strides = array<i32>} : memref<8x2048xf32, #tpu.memory_space<vmem>>, vector<16xf32>,
      %parallel_loop3A_188 = arith.constant 1 : i32
      %parallel_loop3A_189 = vector.broadcast %parallel_loop3A_188 : i32 to vector<16xi32>
      %parallel_loop3A_190 = tpu.vector_load_idx %arg6[%parallel_loop3A_189, %parallel_loop3A_176] : memref<8x4096xf32, #tpu.memory_space<vmem>>[vector<16xi32>, vector<16xi32>], vector<16xf32>,
      %parallel_loop3A_191 = arith.constant 16 : i32
      %parallel_loop3A_192 = arith.muli %parallel_loop3A_178, %parallel_loop3A_191 : i32
      %parallel_loop3A_193 = arith.constant 1 : i32
      %parallel_loop3A_194 = arith.index_cast %parallel_loop3A_193 : i32 to index
      %parallel_loop3A_195 = arith.index_cast %parallel_loop3A_192 : i32 to index
      %parallel_loop3A_196 = tpu.vector_load %arg9[%parallel_loop3A_194, %parallel_loop3A_195] {strides = array<i32>} : memref<8x2048xf32, #tpu.memory_space<vmem>>, vector<16xf32>,
      tpu.vector_store %arg9[%parallel_loop3A_194, %parallel_loop3A_195], %parallel_loop3A_190 {strides = array<i32>} : memref<8x2048xf32, #tpu.memory_space<vmem>>, vector<16xf32>,
      %parallel_loop3A_197 = arith.constant 2 : i32
      %parallel_loop3A_198 = vector.broadcast %parallel_loop3A_197 : i32 to vector<16xi32>
      %parallel_loop3A_199 = tpu.vector_load_idx %arg6[%parallel_loop3A_198, %parallel_loop3A_176] : memref<8x4096xf32, #tpu.memory_space<vmem>>[vector<16xi32>, vector<16xi32>], vector<16xf32>,
      %parallel_loop3A_200 = arith.constant 16 : i32
      %parallel_loop3A_201 = arith.muli %parallel_loop3A_178, %parallel_loop3A_200 : i32
      %parallel_loop3A_202 = arith.constant 2 : i32
      %parallel_loop3A_203 = arith.index_cast %parallel_loop3A_202 : i32 to index
      %parallel_loop3A_204 = arith.index_cast %parallel_loop3A_201 : i32 to index
      %parallel_loop3A_205 = tpu.vector_load %arg9[%parallel_loop3A_203, %parallel_loop3A_204] {strides = array<i32>} : memref<8x2048xf32, #tpu.memory_space<vmem>>, vector<16xf32>,
      tpu.vector_store %arg9[%parallel_loop3A_203, %parallel_loop3A_204], %parallel_loop3A_199 {strides = array<i32>} : memref<8x2048xf32, #tpu.memory_space<vmem>>, vector<16xf32>,
      %parallel_loop3A_206 = arith.constant 3 : i32
      %parallel_loop3A_207 = vector.broadcast %parallel_loop3A_206 : i32 to vector<16xi32>
      %parallel_loop3A_208 = tpu.vector_load_idx %arg6[%parallel_loop3A_207, %parallel_loop3A_176] : memref<8x4096xf32, #tpu.memory_space<vmem>>[vector<16xi32>, vector<16xi32>], vector<16xf32>,
      %parallel_loop3A_209 = arith.constant 16 : i32
      %parallel_loop3A_210 = arith.muli %parallel_loop3A_178, %parallel_loop3A_209 : i32
      %parallel_loop3A_211 = arith.constant 3 : i32
      %parallel_loop3A_212 = arith.index_cast %parallel_loop3A_211 : i32 to index
      %parallel_loop3A_213 = arith.index_cast %parallel_loop3A_210 : i32 to index
      %parallel_loop3A_214 = tpu.vector_load %arg9[%parallel_loop3A_212, %parallel_loop3A_213] {strides = array<i32>} : memref<8x2048xf32, #tpu.memory_space<vmem>>, vector<16xf32>,
      tpu.vector_store %arg9[%parallel_loop3A_212, %parallel_loop3A_213], %parallel_loop3A_208 {strides = array<i32>} : memref<8x2048xf32, #tpu.memory_space<vmem>>, vector<16xf32>,
      %parallel_loop3A_215 = arith.constant 4 : i32
      %parallel_loop3A_216 = vector.broadcast %parallel_loop3A_215 : i32 to vector<16xi32>
      %parallel_loop3A_217 = tpu.vector_load_idx %arg6[%parallel_loop3A_216, %parallel_loop3A_176] : memref<8x4096xf32, #tpu.memory_space<vmem>>[vector<16xi32>, vector<16xi32>], vector<16xf32>,
      %parallel_loop3A_218 = arith.constant 16 : i32
      %parallel_loop3A_219 = arith.muli %parallel_loop3A_178, %parallel_loop3A_218 : i32
      %parallel_loop3A_220 = arith.constant 4 : i32
      %parallel_loop3A_221 = arith.index_cast %parallel_loop3A_220 : i32 to index
      %parallel_loop3A_222 = arith.index_cast %parallel_loop3A_219 : i32 to index
      %parallel_loop3A_223 = tpu.vector_load %arg9[%parallel_loop3A_221, %parallel_loop3A_222] {strides = array<i32>} : memref<8x2048xf32, #tpu.memory_space<vmem>>, vector<16xf32>,
      tpu.vector_store %arg9[%parallel_loop3A_221, %parallel_loop3A_222], %parallel_loop3A_217 {strides = array<i32>} : memref<8x2048xf32, #tpu.memory_space<vmem>>, vector<16xf32>,
      %parallel_loop3A_224 = arith.constant 5 : i32
      %parallel_loop3A_225 = vector.broadcast %parallel_loop3A_224 : i32 to vector<16xi32>
      %parallel_loop3A_226 = tpu.vector_load_idx %arg6[%parallel_loop3A_225, %parallel_loop3A_176] : memref<8x4096xf32, #tpu.memory_space<vmem>>[vector<16xi32>, vector<16xi32>], vector<16xf32>,
      %parallel_loop3A_227 = arith.constant 16 : i32
      %parallel_loop3A_228 = arith.muli %parallel_loop3A_178, %parallel_loop3A_227 : i32
      %parallel_loop3A_229 = arith.constant 5 : i32
      %parallel_loop3A_230 = arith.index_cast %parallel_loop3A_229 : i32 to index
      %parallel_loop3A_231 = arith.index_cast %parallel_loop3A_228 : i32 to index
      %parallel_loop3A_232 = tpu.vector_load %arg9[%parallel_loop3A_230, %parallel_loop3A_231] {strides = array<i32>} : memref<8x2048xf32, #tpu.memory_space<vmem>>, vector<16xf32>,
      tpu.vector_store %arg9[%parallel_loop3A_230, %parallel_loop3A_231], %parallel_loop3A_226 {strides = array<i32>} : memref<8x2048xf32, #tpu.memory_space<vmem>>, vector<16xf32>,
      %parallel_loop3A_233 = arith.constant 6 : i32
      %parallel_loop3A_234 = vector.broadcast %parallel_loop3A_233 : i32 to vector<16xi32>
      %parallel_loop3A_235 = tpu.vector_load_idx %arg6[%parallel_loop3A_234, %parallel_loop3A_176] : memref<8x4096xf32, #tpu.memory_space<vmem>>[vector<16xi32>, vector<16xi32>], vector<16xf32>,
      %parallel_loop3A_236 = arith.constant 16 : i32
      %parallel_loop3A_237 = arith.muli %parallel_loop3A_178, %parallel_loop3A_236 : i32
      %parallel_loop3A_238 = arith.constant 6 : i32
      %parallel_loop3A_239 = arith.index_cast %parallel_loop3A_238 : i32 to index
      %parallel_loop3A_240 = arith.index_cast %parallel_loop3A_237 : i32 to index
      %parallel_loop3A_241 = tpu.vector_load %arg9[%parallel_loop3A_239, %parallel_loop3A_240] {strides = array<i32>} : memref<8x2048xf32, #tpu.memory_space<vmem>>, vector<16xf32>,
      tpu.vector_store %arg9[%parallel_loop3A_239, %parallel_loop3A_240], %parallel_loop3A_235 {strides = array<i32>} : memref<8x2048xf32, #tpu.memory_space<vmem>>, vector<16xf32>,
      %parallel_loop3A_242 = arith.constant 7 : i32
      %parallel_loop3A_243 = vector.broadcast %parallel_loop3A_242 : i32 to vector<16xi32>
      %parallel_loop3A_244 = tpu.vector_load_idx %arg6[%parallel_loop3A_243, %parallel_loop3A_176] : memref<8x4096xf32, #tpu.memory_space<vmem>>[vector<16xi32>, vector<16xi32>], vector<16xf32>,
      %parallel_loop3A_245 = arith.constant 16 : i32
      %parallel_loop3A_246 = arith.muli %parallel_loop3A_178, %parallel_loop3A_245 : i32
      %parallel_loop3A_247 = arith.constant 7 : i32
      %parallel_loop3A_248 = arith.index_cast %parallel_loop3A_247 : i32 to index
      %parallel_loop3A_249 = arith.index_cast %parallel_loop3A_246 : i32 to index
      %parallel_loop3A_250 = tpu.vector_load %arg9[%parallel_loop3A_248, %parallel_loop3A_249] {strides = array<i32>} : memref<8x2048xf32, #tpu.memory_space<vmem>>, vector<16xf32>,
      tpu.vector_store %arg9[%parallel_loop3A_248, %parallel_loop3A_249], %parallel_loop3A_244 {strides = array<i32>} : memref<8x2048xf32, #tpu.memory_space<vmem>>, vector<16xf32>,
    } {sc.loop_unroll_factor = 2 : i64, sc.parallel_access}
    %add3A_118 = arith.constant 240 : i32
    %add3A_119 = arith.addi %mul3A_2, %add3A_118 : i32
    %dma_start3A_120 = arith.constant 2048 : i32
    %dma_start3A_121 = tpu.memref_slice %arg4[%add3A_119, %dma_start3A_120] : memref<8192x4096xf32, #tpu.memory_space<hbm>> -> memref<8x2048xf32, #tpu.memory_space<hbm>>
    %dma_start3A_122 = arith.constant 2048 : i32
    %dma_start3A_123 = tpu.memref_slice %arg4[%add3A_119, %dma_start3A_122] : memref<8192x4096xf32, #tpu.memory_space<hbm>> -> memref<8x2048xf32, #tpu.memory_space<hbm>>
    tpu.enqueue_dma source(%arg9 : memref<8x2048xf32, #tpu.memory_space<vmem>>) target(%dma_start3A_123 : memref<8x2048xf32, #tpu.memory_space<hbm>>) target_semaphore(%arg13 : memref<!tpu.dma_semaphore, #tpu.memory_space<semaphore_mem>>)
    %dma_wait3A_124 = arith.constant 0 : i32
    %dma_wait3A_125 = arith.constant 0 : i32
    %dma_wait3A_126 = tpu.memref_slice %arg2[%dma_wait3A_124, %dma_wait3A_125] : memref<8192x4096xf32, #tpu.memory_space<hbm>> -> memref<8x4096xf32, #tpu.memory_space<hbm>>
    %dma_wait3A_127 = arith.constant 0 : i32
    %dma_wait3A_128 = arith.constant 0 : i32
    %dma_wait3A_129 = tpu.memref_slice %arg2[%dma_wait3A_127, %dma_wait3A_128] : memref<8192x4096xf32, #tpu.memory_space<hbm>> -> memref<8x4096xf32, #tpu.memory_space<hbm>>
    tpu.wait_dma2 semaphore(%arg11 : memref<!tpu.dma_semaphore, #tpu.memory_space<semaphore_mem>>) src(%dma_wait3A_129 : memref<8x4096xf32, #tpu.memory_space<hbm>>) dst(%arg7 : memref<8x4096xf32, #tpu.memory_space<vmem>>)
    %dma_wait3A_130 = arith.constant 0 : i32
    %dma_wait3A_131 = arith.constant 0 : i32
    %dma_wait3A_132 = tpu.memref_slice %arg4[%dma_wait3A_130, %dma_wait3A_131] : memref<8192x4096xf32, #tpu.memory_space<hbm>> -> memref<8x2048xf32, #tpu.memory_space<hbm>>
    %dma_wait3A_133 = arith.constant 0 : i32
    %dma_wait3A_134 = arith.constant 0 : i32
    %dma_wait3A_135 = tpu.memref_slice %arg4[%dma_wait3A_133, %dma_wait3A_134] : memref<8192x4096xf32, #tpu.memory_space<hbm>> -> memref<8x2048xf32, #tpu.memory_space<hbm>>
    tpu.wait_dma2 semaphore(%arg12 : memref<!tpu.dma_semaphore, #tpu.memory_space<semaphore_mem>>) src(%arg8 : memref<8x2048xf32, #tpu.memory_space<vmem>>) dst(%dma_wait3A_135 : memref<8x2048xf32, #tpu.memory_space<hbm>>)
    %parallel_loop3A_136 = arith.constant 0 : i32
    %parallel_loop3A_137 = arith.constant 128 : i32
    %parallel_loop3A_138 = arith.constant 1 : i32
    scf.for %parallel_loop3A_172 = %parallel_loop3A_136 to %parallel_loop3A_137 step %parallel_loop3A_138  : i32 {
      %parallel_loop3A_173 = arith.constant 16 : i32
      %parallel_loop3A_174 = arith.muli %parallel_loop3A_172, %parallel_loop3A_173 : i32
      %parallel_loop3A_175 = arith.index_cast %parallel_loop3A_174 : i32 to index
      %parallel_loop3A_176 = tpu.vector_load %arg5[%parallel_loop3A_175] {strides = array<i32>} : memref<4096xi32, #tpu.memory_space<vmem>>, vector<16xi32>,
      %parallel_loop3A_177 = arith.constant 0 : i32
      %parallel_loop3A_178 = arith.subi %parallel_loop3A_172, %parallel_loop3A_177 : i32
      %parallel_loop3A_179 = arith.constant 0 : i32
      %parallel_loop3A_180 = vector.broadcast %parallel_loop3A_179 : i32 to vector<16xi32>
      %parallel_loop3A_181 = tpu.vector_load_idx %arg7[%parallel_loop3A_180, %parallel_loop3A_176] : memref<8x4096xf32, #tpu.memory_space<vmem>>[vector<16xi32>, vector<16xi32>], vector<16xf32>,
      %parallel_loop3A_182 = arith.constant 16 : i32
      %parallel_loop3A_183 = arith.muli %parallel_loop3A_178, %parallel_loop3A_182 : i32
      %parallel_loop3A_184 = arith.constant 0 : i32
      %parallel_loop3A_185 = arith.index_cast %parallel_loop3A_184 : i32 to index
      %parallel_loop3A_186 = arith.index_cast %parallel_loop3A_183 : i32 to index
      %parallel_loop3A_187 = tpu.vector_load %arg8[%parallel_loop3A_185, %parallel_loop3A_186] {strides = array<i32>} : memref<8x2048xf32, #tpu.memory_space<vmem>>, vector<16xf32>,
      tpu.vector_store %arg8[%parallel_loop3A_185, %parallel_loop3A_186], %parallel_loop3A_181 {strides = array<i32>} : memref<8x2048xf32, #tpu.memory_space<vmem>>, vector<16xf32>,
      %parallel_loop3A_188 = arith.constant 1 : i32
      %parallel_loop3A_189 = vector.broadcast %parallel_loop3A_188 : i32 to vector<16xi32>
      %parallel_loop3A_190 = tpu.vector_load_idx %arg7[%parallel_loop3A_189, %parallel_loop3A_176] : memref<8x4096xf32, #tpu.memory_space<vmem>>[vector<16xi32>, vector<16xi32>], vector<16xf32>,
      %parallel_loop3A_191 = arith.constant 16 : i32
      %parallel_loop3A_192 = arith.muli %parallel_loop3A_178, %parallel_loop3A_191 : i32
      %parallel_loop3A_193 = arith.constant 1 : i32
      %parallel_loop3A_194 = arith.index_cast %parallel_loop3A_193 : i32 to index
      %parallel_loop3A_195 = arith.index_cast %parallel_loop3A_192 : i32 to index
      %parallel_loop3A_196 = tpu.vector_load %arg8[%parallel_loop3A_194, %parallel_loop3A_195] {strides = array<i32>} : memref<8x2048xf32, #tpu.memory_space<vmem>>, vector<16xf32>,
      tpu.vector_store %arg8[%parallel_loop3A_194, %parallel_loop3A_195], %parallel_loop3A_190 {strides = array<i32>} : memref<8x2048xf32, #tpu.memory_space<vmem>>, vector<16xf32>,
      %parallel_loop3A_197 = arith.constant 2 : i32
      %parallel_loop3A_198 = vector.broadcast %parallel_loop3A_197 : i32 to vector<16xi32>
      %parallel_loop3A_199 = tpu.vector_load_idx %arg7[%parallel_loop3A_198, %parallel_loop3A_176] : memref<8x4096xf32, #tpu.memory_space<vmem>>[vector<16xi32>, vector<16xi32>], vector<16xf32>,
      %parallel_loop3A_200 = arith.constant 16 : i32
      %parallel_loop3A_201 = arith.muli %parallel_loop3A_178, %parallel_loop3A_200 : i32
      %parallel_loop3A_202 = arith.constant 2 : i32
      %parallel_loop3A_203 = arith.index_cast %parallel_loop3A_202 : i32 to index
      %parallel_loop3A_204 = arith.index_cast %parallel_loop3A_201 : i32 to index
      %parallel_loop3A_205 = tpu.vector_load %arg8[%parallel_loop3A_203, %parallel_loop3A_204] {strides = array<i32>} : memref<8x2048xf32, #tpu.memory_space<vmem>>, vector<16xf32>,
      tpu.vector_store %arg8[%parallel_loop3A_203, %parallel_loop3A_204], %parallel_loop3A_199 {strides = array<i32>} : memref<8x2048xf32, #tpu.memory_space<vmem>>, vector<16xf32>,
      %parallel_loop3A_206 = arith.constant 3 : i32
      %parallel_loop3A_207 = vector.broadcast %parallel_loop3A_206 : i32 to vector<16xi32>
      %parallel_loop3A_208 = tpu.vector_load_idx %arg7[%parallel_loop3A_207, %parallel_loop3A_176] : memref<8x4096xf32, #tpu.memory_space<vmem>>[vector<16xi32>, vector<16xi32>], vector<16xf32>,
      %parallel_loop3A_209 = arith.constant 16 : i32
      %parallel_loop3A_210 = arith.muli %parallel_loop3A_178, %parallel_loop3A_209 : i32
      %parallel_loop3A_211 = arith.constant 3 : i32
      %parallel_loop3A_212 = arith.index_cast %parallel_loop3A_211 : i32 to index
      %parallel_loop3A_213 = arith.index_cast %parallel_loop3A_210 : i32 to index
      %parallel_loop3A_214 = tpu.vector_load %arg8[%parallel_loop3A_212, %parallel_loop3A_213] {strides = array<i32>} : memref<8x2048xf32, #tpu.memory_space<vmem>>, vector<16xf32>,
      tpu.vector_store %arg8[%parallel_loop3A_212, %parallel_loop3A_213], %parallel_loop3A_208 {strides = array<i32>} : memref<8x2048xf32, #tpu.memory_space<vmem>>, vector<16xf32>,
      %parallel_loop3A_215 = arith.constant 4 : i32
      %parallel_loop3A_216 = vector.broadcast %parallel_loop3A_215 : i32 to vector<16xi32>
      %parallel_loop3A_217 = tpu.vector_load_idx %arg7[%parallel_loop3A_216, %parallel_loop3A_176] : memref<8x4096xf32, #tpu.memory_space<vmem>>[vector<16xi32>, vector<16xi32>], vector<16xf32>,
      %parallel_loop3A_218 = arith.constant 16 : i32
      %parallel_loop3A_219 = arith.muli %parallel_loop3A_178, %parallel_loop3A_218 : i32
      %parallel_loop3A_220 = arith.constant 4 : i32
      %parallel_loop3A_221 = arith.index_cast %parallel_loop3A_220 : i32 to index
      %parallel_loop3A_222 = arith.index_cast %parallel_loop3A_219 : i32 to index
      %parallel_loop3A_223 = tpu.vector_load %arg8[%parallel_loop3A_221, %parallel_loop3A_222] {strides = array<i32>} : memref<8x2048xf32, #tpu.memory_space<vmem>>, vector<16xf32>,
      tpu.vector_store %arg8[%parallel_loop3A_221, %parallel_loop3A_222], %parallel_loop3A_217 {strides = array<i32>} : memref<8x2048xf32, #tpu.memory_space<vmem>>, vector<16xf32>,
      %parallel_loop3A_224 = arith.constant 5 : i32
      %parallel_loop3A_225 = vector.broadcast %parallel_loop3A_224 : i32 to vector<16xi32>
      %parallel_loop3A_226 = tpu.vector_load_idx %arg7[%parallel_loop3A_225, %parallel_loop3A_176] : memref<8x4096xf32, #tpu.memory_space<vmem>>[vector<16xi32>, vector<16xi32>], vector<16xf32>,
      %parallel_loop3A_227 = arith.constant 16 : i32
      %parallel_loop3A_228 = arith.muli %parallel_loop3A_178, %parallel_loop3A_227 : i32
      %parallel_loop3A_229 = arith.constant 5 : i32
      %parallel_loop3A_230 = arith.index_cast %parallel_loop3A_229 : i32 to index
      %parallel_loop3A_231 = arith.index_cast %parallel_loop3A_228 : i32 to index
      %parallel_loop3A_232 = tpu.vector_load %arg8[%parallel_loop3A_230, %parallel_loop3A_231] {strides = array<i32>} : memref<8x2048xf32, #tpu.memory_space<vmem>>, vector<16xf32>,
      tpu.vector_store %arg8[%parallel_loop3A_230, %parallel_loop3A_231], %parallel_loop3A_226 {strides = array<i32>} : memref<8x2048xf32, #tpu.memory_space<vmem>>, vector<16xf32>,
      %parallel_loop3A_233 = arith.constant 6 : i32
      %parallel_loop3A_234 = vector.broadcast %parallel_loop3A_233 : i32 to vector<16xi32>
      %parallel_loop3A_235 = tpu.vector_load_idx %arg7[%parallel_loop3A_234, %parallel_loop3A_176] : memref<8x4096xf32, #tpu.memory_space<vmem>>[vector<16xi32>, vector<16xi32>], vector<16xf32>,
      %parallel_loop3A_236 = arith.constant 16 : i32
      %parallel_loop3A_237 = arith.muli %parallel_loop3A_178, %parallel_loop3A_236 : i32
      %parallel_loop3A_238 = arith.constant 6 : i32
      %parallel_loop3A_239 = arith.index_cast %parallel_loop3A_238 : i32 to index
      %parallel_loop3A_240 = arith.index_cast %parallel_loop3A_237 : i32 to index
      %parallel_loop3A_241 = tpu.vector_load %arg8[%parallel_loop3A_239, %parallel_loop3A_240] {strides = array<i32>} : memref<8x2048xf32, #tpu.memory_space<vmem>>, vector<16xf32>,
      tpu.vector_store %arg8[%parallel_loop3A_239, %parallel_loop3A_240], %parallel_loop3A_235 {strides = array<i32>} : memref<8x2048xf32, #tpu.memory_space<vmem>>, vector<16xf32>,
      %parallel_loop3A_242 = arith.constant 7 : i32
      %parallel_loop3A_243 = vector.broadcast %parallel_loop3A_242 : i32 to vector<16xi32>
      %parallel_loop3A_244 = tpu.vector_load_idx %arg7[%parallel_loop3A_243, %parallel_loop3A_176] : memref<8x4096xf32, #tpu.memory_space<vmem>>[vector<16xi32>, vector<16xi32>], vector<16xf32>,
      %parallel_loop3A_245 = arith.constant 16 : i32
      %parallel_loop3A_246 = arith.muli %parallel_loop3A_178, %parallel_loop3A_245 : i32
      %parallel_loop3A_247 = arith.constant 7 : i32
      %parallel_loop3A_248 = arith.index_cast %parallel_loop3A_247 : i32 to index
      %parallel_loop3A_249 = arith.index_cast %parallel_loop3A_246 : i32 to index
      %parallel_loop3A_250 = tpu.vector_load %arg8[%parallel_loop3A_248, %parallel_loop3A_249] {strides = array<i32>} : memref<8x2048xf32, #tpu.memory_space<vmem>>, vector<16xf32>,
      tpu.vector_store %arg8[%parallel_loop3A_248, %parallel_loop3A_249], %parallel_loop3A_244 {strides = array<i32>} : memref<8x2048xf32, #tpu.memory_space<vmem>>, vector<16xf32>,
    } {sc.loop_unroll_factor = 2 : i64, sc.parallel_access}
    %add3A_139 = arith.constant 248 : i32
    %add3A_140 = arith.addi %mul3A_2, %add3A_139 : i32
    %dma_start3A_141 = arith.constant 0 : i32
    %dma_start3A_142 = tpu.memref_slice %arg4[%add3A_140, %dma_start3A_141] : memref<8192x4096xf32, #tpu.memory_space<hbm>> -> memref<8x2048xf32, #tpu.memory_space<hbm>>
    %dma_start3A_143 = arith.constant 0 : i32
    %dma_start3A_144 = tpu.memref_slice %arg4[%add3A_140, %dma_start3A_143] : memref<8192x4096xf32, #tpu.memory_space<hbm>> -> memref<8x2048xf32, #tpu.memory_space<hbm>>
    tpu.enqueue_dma source(%arg8 : memref<8x2048xf32, #tpu.memory_space<vmem>>) target(%dma_start3A_144 : memref<8x2048xf32, #tpu.memory_space<hbm>>) target_semaphore(%arg12 : memref<!tpu.dma_semaphore, #tpu.memory_space<semaphore_mem>>)
    %dma_wait3A_145 = arith.constant 0 : i32
    %dma_wait3A_146 = arith.constant 0 : i32
    %dma_wait3A_147 = tpu.memref_slice %arg4[%dma_wait3A_145, %dma_wait3A_146] : memref<8192x4096xf32, #tpu.memory_space<hbm>> -> memref<8x2048xf32, #tpu.memory_space<hbm>>
    %dma_wait3A_148 = arith.constant 0 : i32
    %dma_wait3A_149 = arith.constant 0 : i32
    %dma_wait3A_150 = tpu.memref_slice %arg4[%dma_wait3A_148, %dma_wait3A_149] : memref<8192x4096xf32, #tpu.memory_space<hbm>> -> memref<8x2048xf32, #tpu.memory_space<hbm>>
    tpu.wait_dma2 semaphore(%arg13 : memref<!tpu.dma_semaphore, #tpu.memory_space<semaphore_mem>>) src(%arg9 : memref<8x2048xf32, #tpu.memory_space<vmem>>) dst(%dma_wait3A_150 : memref<8x2048xf32, #tpu.memory_space<hbm>>)
    %parallel_loop3A_151 = arith.constant 128 : i32
    %parallel_loop3A_152 = arith.constant 256 : i32
    %parallel_loop3A_153 = arith.constant 1 : i32
    scf.for %parallel_loop3A_172 = %parallel_loop3A_151 to %parallel_loop3A_152 step %parallel_loop3A_153  : i32 {
      %parallel_loop3A_173 = arith.constant 16 : i32
      %parallel_loop3A_174 = arith.muli %parallel_loop3A_172, %parallel_loop3A_173 : i32
      %parallel_loop3A_175 = arith.index_cast %parallel_loop3A_174 : i32 to index
      %parallel_loop3A_176 = tpu.vector_load %arg5[%parallel_loop3A_175] {strides = array<i32>} : memref<4096xi32, #tpu.memory_space<vmem>>, vector<16xi32>,
      %parallel_loop3A_177 = arith.constant 128 : i32
      %parallel_loop3A_178 = arith.subi %parallel_loop3A_172, %parallel_loop3A_177 : i32
      %parallel_loop3A_179 = arith.constant 0 : i32
      %parallel_loop3A_180 = vector.broadcast %parallel_loop3A_179 : i32 to vector<16xi32>
      %parallel_loop3A_181 = tpu.vector_load_idx %arg7[%parallel_loop3A_180, %parallel_loop3A_176] : memref<8x4096xf32, #tpu.memory_space<vmem>>[vector<16xi32>, vector<16xi32>], vector<16xf32>,
      %parallel_loop3A_182 = arith.constant 16 : i32
      %parallel_loop3A_183 = arith.muli %parallel_loop3A_178, %parallel_loop3A_182 : i32
      %parallel_loop3A_184 = arith.constant 0 : i32
      %parallel_loop3A_185 = arith.index_cast %parallel_loop3A_184 : i32 to index
      %parallel_loop3A_186 = arith.index_cast %parallel_loop3A_183 : i32 to index
      %parallel_loop3A_187 = tpu.vector_load %arg9[%parallel_loop3A_185, %parallel_loop3A_186] {strides = array<i32>} : memref<8x2048xf32, #tpu.memory_space<vmem>>, vector<16xf32>,
      tpu.vector_store %arg9[%parallel_loop3A_185, %parallel_loop3A_186], %parallel_loop3A_181 {strides = array<i32>} : memref<8x2048xf32, #tpu.memory_space<vmem>>, vector<16xf32>,
      %parallel_loop3A_188 = arith.constant 1 : i32
      %parallel_loop3A_189 = vector.broadcast %parallel_loop3A_188 : i32 to vector<16xi32>
      %parallel_loop3A_190 = tpu.vector_load_idx %arg7[%parallel_loop3A_189, %parallel_loop3A_176] : memref<8x4096xf32, #tpu.memory_space<vmem>>[vector<16xi32>, vector<16xi32>], vector<16xf32>,
      %parallel_loop3A_191 = arith.constant 16 : i32
      %parallel_loop3A_192 = arith.muli %parallel_loop3A_178, %parallel_loop3A_191 : i32
      %parallel_loop3A_193 = arith.constant 1 : i32
      %parallel_loop3A_194 = arith.index_cast %parallel_loop3A_193 : i32 to index
      %parallel_loop3A_195 = arith.index_cast %parallel_loop3A_192 : i32 to index
      %parallel_loop3A_196 = tpu.vector_load %arg9[%parallel_loop3A_194, %parallel_loop3A_195] {strides = array<i32>} : memref<8x2048xf32, #tpu.memory_space<vmem>>, vector<16xf32>,
      tpu.vector_store %arg9[%parallel_loop3A_194, %parallel_loop3A_195], %parallel_loop3A_190 {strides = array<i32>} : memref<8x2048xf32, #tpu.memory_space<vmem>>, vector<16xf32>,
      %parallel_loop3A_197 = arith.constant 2 : i32
      %parallel_loop3A_198 = vector.broadcast %parallel_loop3A_197 : i32 to vector<16xi32>
      %parallel_loop3A_199 = tpu.vector_load_idx %arg7[%parallel_loop3A_198, %parallel_loop3A_176] : memref<8x4096xf32, #tpu.memory_space<vmem>>[vector<16xi32>, vector<16xi32>], vector<16xf32>,
      %parallel_loop3A_200 = arith.constant 16 : i32
      %parallel_loop3A_201 = arith.muli %parallel_loop3A_178, %parallel_loop3A_200 : i32
      %parallel_loop3A_202 = arith.constant 2 : i32
      %parallel_loop3A_203 = arith.index_cast %parallel_loop3A_202 : i32 to index
      %parallel_loop3A_204 = arith.index_cast %parallel_loop3A_201 : i32 to index
      %parallel_loop3A_205 = tpu.vector_load %arg9[%parallel_loop3A_203, %parallel_loop3A_204] {strides = array<i32>} : memref<8x2048xf32, #tpu.memory_space<vmem>>, vector<16xf32>,
      tpu.vector_store %arg9[%parallel_loop3A_203, %parallel_loop3A_204], %parallel_loop3A_199 {strides = array<i32>} : memref<8x2048xf32, #tpu.memory_space<vmem>>, vector<16xf32>,
      %parallel_loop3A_206 = arith.constant 3 : i32
      %parallel_loop3A_207 = vector.broadcast %parallel_loop3A_206 : i32 to vector<16xi32>
      %parallel_loop3A_208 = tpu.vector_load_idx %arg7[%parallel_loop3A_207, %parallel_loop3A_176] : memref<8x4096xf32, #tpu.memory_space<vmem>>[vector<16xi32>, vector<16xi32>], vector<16xf32>,
      %parallel_loop3A_209 = arith.constant 16 : i32
      %parallel_loop3A_210 = arith.muli %parallel_loop3A_178, %parallel_loop3A_209 : i32
      %parallel_loop3A_211 = arith.constant 3 : i32
      %parallel_loop3A_212 = arith.index_cast %parallel_loop3A_211 : i32 to index
      %parallel_loop3A_213 = arith.index_cast %parallel_loop3A_210 : i32 to index
      %parallel_loop3A_214 = tpu.vector_load %arg9[%parallel_loop3A_212, %parallel_loop3A_213] {strides = array<i32>} : memref<8x2048xf32, #tpu.memory_space<vmem>>, vector<16xf32>,
      tpu.vector_store %arg9[%parallel_loop3A_212, %parallel_loop3A_213], %parallel_loop3A_208 {strides = array<i32>} : memref<8x2048xf32, #tpu.memory_space<vmem>>, vector<16xf32>,
      %parallel_loop3A_215 = arith.constant 4 : i32
      %parallel_loop3A_216 = vector.broadcast %parallel_loop3A_215 : i32 to vector<16xi32>
      %parallel_loop3A_217 = tpu.vector_load_idx %arg7[%parallel_loop3A_216, %parallel_loop3A_176] : memref<8x4096xf32, #tpu.memory_space<vmem>>[vector<16xi32>, vector<16xi32>], vector<16xf32>,
      %parallel_loop3A_218 = arith.constant 16 : i32
      %parallel_loop3A_219 = arith.muli %parallel_loop3A_178, %parallel_loop3A_218 : i32
      %parallel_loop3A_220 = arith.constant 4 : i32
      %parallel_loop3A_221 = arith.index_cast %parallel_loop3A_220 : i32 to index
      %parallel_loop3A_222 = arith.index_cast %parallel_loop3A_219 : i32 to index
      %parallel_loop3A_223 = tpu.vector_load %arg9[%parallel_loop3A_221, %parallel_loop3A_222] {strides = array<i32>} : memref<8x2048xf32, #tpu.memory_space<vmem>>, vector<16xf32>,
      tpu.vector_store %arg9[%parallel_loop3A_221, %parallel_loop3A_222], %parallel_loop3A_217 {strides = array<i32>} : memref<8x2048xf32, #tpu.memory_space<vmem>>, vector<16xf32>,
      %parallel_loop3A_224 = arith.constant 5 : i32
      %parallel_loop3A_225 = vector.broadcast %parallel_loop3A_224 : i32 to vector<16xi32>
      %parallel_loop3A_226 = tpu.vector_load_idx %arg7[%parallel_loop3A_225, %parallel_loop3A_176] : memref<8x4096xf32, #tpu.memory_space<vmem>>[vector<16xi32>, vector<16xi32>], vector<16xf32>,
      %parallel_loop3A_227 = arith.constant 16 : i32
      %parallel_loop3A_228 = arith.muli %parallel_loop3A_178, %parallel_loop3A_227 : i32
      %parallel_loop3A_229 = arith.constant 5 : i32
      %parallel_loop3A_230 = arith.index_cast %parallel_loop3A_229 : i32 to index
      %parallel_loop3A_231 = arith.index_cast %parallel_loop3A_228 : i32 to index
      %parallel_loop3A_232 = tpu.vector_load %arg9[%parallel_loop3A_230, %parallel_loop3A_231] {strides = array<i32>} : memref<8x2048xf32, #tpu.memory_space<vmem>>, vector<16xf32>,
      tpu.vector_store %arg9[%parallel_loop3A_230, %parallel_loop3A_231], %parallel_loop3A_226 {strides = array<i32>} : memref<8x2048xf32, #tpu.memory_space<vmem>>, vector<16xf32>,
      %parallel_loop3A_233 = arith.constant 6 : i32
      %parallel_loop3A_234 = vector.broadcast %parallel_loop3A_233 : i32 to vector<16xi32>
      %parallel_loop3A_235 = tpu.vector_load_idx %arg7[%parallel_loop3A_234, %parallel_loop3A_176] : memref<8x4096xf32, #tpu.memory_space<vmem>>[vector<16xi32>, vector<16xi32>], vector<16xf32>,
      %parallel_loop3A_236 = arith.constant 16 : i32
      %parallel_loop3A_237 = arith.muli %parallel_loop3A_178, %parallel_loop3A_236 : i32
      %parallel_loop3A_238 = arith.constant 6 : i32
      %parallel_loop3A_239 = arith.index_cast %parallel_loop3A_238 : i32 to index
      %parallel_loop3A_240 = arith.index_cast %parallel_loop3A_237 : i32 to index
      %parallel_loop3A_241 = tpu.vector_load %arg9[%parallel_loop3A_239, %parallel_loop3A_240] {strides = array<i32>} : memref<8x2048xf32, #tpu.memory_space<vmem>>, vector<16xf32>,
      tpu.vector_store %arg9[%parallel_loop3A_239, %parallel_loop3A_240], %parallel_loop3A_235 {strides = array<i32>} : memref<8x2048xf32, #tpu.memory_space<vmem>>, vector<16xf32>,
      %parallel_loop3A_242 = arith.constant 7 : i32
      %parallel_loop3A_243 = vector.broadcast %parallel_loop3A_242 : i32 to vector<16xi32>
      %parallel_loop3A_244 = tpu.vector_load_idx %arg7[%parallel_loop3A_243, %parallel_loop3A_176] : memref<8x4096xf32, #tpu.memory_space<vmem>>[vector<16xi32>, vector<16xi32>], vector<16xf32>,
      %parallel_loop3A_245 = arith.constant 16 : i32
      %parallel_loop3A_246 = arith.muli %parallel_loop3A_178, %parallel_loop3A_245 : i32
      %parallel_loop3A_247 = arith.constant 7 : i32
      %parallel_loop3A_248 = arith.index_cast %parallel_loop3A_247 : i32 to index
      %parallel_loop3A_249 = arith.index_cast %parallel_loop3A_246 : i32 to index
      %parallel_loop3A_250 = tpu.vector_load %arg9[%parallel_loop3A_248, %parallel_loop3A_249] {strides = array<i32>} : memref<8x2048xf32, #tpu.memory_space<vmem>>, vector<16xf32>,
      tpu.vector_store %arg9[%parallel_loop3A_248, %parallel_loop3A_249], %parallel_loop3A_244 {strides = array<i32>} : memref<8x2048xf32, #tpu.memory_space<vmem>>, vector<16xf32>,
    } {sc.loop_unroll_factor = 2 : i64, sc.parallel_access}
    %add3A_154 = arith.constant 248 : i32
    %add3A_155 = arith.addi %mul3A_2, %add3A_154 : i32
    %dma_start3A_156 = arith.constant 2048 : i32
    %dma_start3A_157 = tpu.memref_slice %arg4[%add3A_155, %dma_start3A_156] : memref<8192x4096xf32, #tpu.memory_space<hbm>> -> memref<8x2048xf32, #tpu.memory_space<hbm>>
    %dma_start3A_158 = arith.constant 2048 : i32
    %dma_start3A_159 = tpu.memref_slice %arg4[%add3A_155, %dma_start3A_158] : memref<8192x4096xf32, #tpu.memory_space<hbm>> -> memref<8x2048xf32, #tpu.memory_space<hbm>>
    tpu.enqueue_dma source(%arg9 : memref<8x2048xf32, #tpu.memory_space<vmem>>) target(%dma_start3A_159 : memref<8x2048xf32, #tpu.memory_space<hbm>>) target_semaphore(%arg13 : memref<!tpu.dma_semaphore, #tpu.memory_space<semaphore_mem>>)
    %dma_wait3A_160 = arith.constant 0 : i32
    %dma_wait3A_161 = arith.constant 0 : i32
    %dma_wait3A_162 = tpu.memref_slice %arg4[%dma_wait3A_160, %dma_wait3A_161] : memref<8192x4096xf32, #tpu.memory_space<hbm>> -> memref<8x2048xf32, #tpu.memory_space<hbm>>
    %dma_wait3A_163 = arith.constant 0 : i32
    %dma_wait3A_164 = arith.constant 0 : i32
    %dma_wait3A_165 = tpu.memref_slice %arg4[%dma_wait3A_163, %dma_wait3A_164] : memref<8192x4096xf32, #tpu.memory_space<hbm>> -> memref<8x2048xf32, #tpu.memory_space<hbm>>
    tpu.wait_dma2 semaphore(%arg12 : memref<!tpu.dma_semaphore, #tpu.memory_space<semaphore_mem>>) src(%arg8 : memref<8x2048xf32, #tpu.memory_space<vmem>>) dst(%dma_wait3A_165 : memref<8x2048xf32, #tpu.memory_space<hbm>>)
    %dma_wait3A_166 = arith.constant 0 : i32
    %dma_wait3A_167 = arith.constant 0 : i32
    %dma_wait3A_168 = tpu.memref_slice %arg4[%dma_wait3A_166, %dma_wait3A_167] : memref<8192x4096xf32, #tpu.memory_space<hbm>> -> memref<8x2048xf32, #tpu.memory_space<hbm>>
    %dma_wait3A_169 = arith.constant 0 : i32
    %dma_wait3A_170 = arith.constant 0 : i32
    %dma_wait3A_171 = tpu.memref_slice %arg4[%dma_wait3A_169, %dma_wait3A_170] : memref<8192x4096xf32, #tpu.memory_space<hbm>> -> memref<8x2048xf32, #tpu.memory_space<hbm>>
    tpu.wait_dma2 semaphore(%arg13 : memref<!tpu.dma_semaphore, #tpu.memory_space<semaphore_mem>>) src(%arg9 : memref<8x2048xf32, #tpu.memory_space<vmem>>) dst(%dma_wait3A_171 : memref<8x2048xf32, #tpu.memory_space<hbm>>)
    return
  }
}

</mosaic_0001>

<sc_bundles>
// kernel: _permute_rows.3.cloned.1.call-start
scs
__scs_entry_jumppad:
0x0: {  	(pc) =	sbr.rel $0x88, $3  }
0x1: {  	(tag) =	ssettag $0x0;
	lr =	simm.s32 $0x1  }
0x2: {  	[smem:$0x3F9F] =	sst lr;
	_ =	strace $0xD0000000  }
0x3: {  	_ = 	snop  }
0x4: {  	_ = 	snop  }
0x5: {  	_ = 	snop  }
0x6: {  	_ = 	snop  }
0x7: {  	_ = 	snop  }
__scs_overlays_trampoline_lowered:
0x8: {  	[smem:$0x3FAE] =	sst s0  }
0x9: {  	[smem:$0x3FAF] =	sst s1  }
0xa: {  	[smem:$0x3FB0] =	sst s2  }
0xb: {  	[smem:$0x3FB1] =	sst s3  }
0xc: {  	[smem:$0x3FB2] =	sst s4  }
0xd: {  	[smem:$0x3FB3] =	sst s5  }
0xe: {  	[smem:$0x3FB4] =	sst s6  }
0xf: {  	[smem:$0x3FB5] =	sst s7  }
0x10: {  	[smem:$0x3FB6] =	sst s8  }
0x11: {  	[smem:$0x3FB7] =	sst s9;
	s0 =	simm.s32 @!p0 $0x0  }
0x12: {  	s1 =	sld [smem:$0x3F9D];
	s0 =	simm.s32 @p0 $0x1  }
0x13: {  	[smem:$0x3FB8] =	sst s0;
	s0 =	simm.s32 @!p1 $0x0  }
0x14: {  	s2 =	sld [smem:$0x3F9C];
	s0 =	simm.s32 @p1 $0x1  }
0x15: {  	[smem:$0x3FB9] =	sst s0;
	s0 =	simm.s32 @!p2 $0x0  }
0x16: {  	s3 =	sld [smem:$0x3FDB];
	s0 =	simm.s32 @p2 $0x1  }
0x17: {  	s4 =	simm.s32 $0x1BF5;
	[smem:$0x3FBB] =	sst s0  }
0x18: {  	s0 =	sld [smem:$0x3F9E];
	_ =	swait.ge [sflag:s4], $0x0  }
0x19: {  	s7 =	sld [smem:$0x3F9F]  }
0x1a: {  	s8 =	sadd.s32 $0xFFFFE003, lr  }
0x1b: {  	s9 =	sadd.s32 $0xFFFFFEF7, lr;
	s5 =	simm.s32 $0xFFFFFFFF;
	p2 =	slt.u32 s8, $0xFFFFF086  }
0x1c: {  	p1 =	slt.u32 s9, $0xF7A;
	s5 =	simm.s32 @!p2 $0x0  }
0x1d: {  	s5 =	simm.s32 @p1 $0x1;
	p0 =	seq.s32 s7, s2  }
0x1e: {  	s7 =	smul.u32 @!p0 $0xF7A, s2;
	p2 =	seq.s32 @!p0 s5, $0x0  }
0x1f: {  	s9 =	smul.u32 $0xF7A, s1;
	s8 =	simm.s32 @!p0 $0x1BF5;
	p2 =	por !p2, p0  }
0x20: {  	[sflag:s8] =	ssyncset.s32 @!p0 $0xFFFFF086;
	s6 =	sadd.s32 @!p0 s3, s7;
	s7 =	simm.s32 @!p0 $0x108  }
0x21: {  	s3 =	sadd.s32 s3, s9;
	s6 =	sadd.s32 @!p0 $0x88, s6;
	s7 =	simm.s32 @p2 $0x1082  }
0x22: {  	[simem:s7], [sflag:s8] =	dma.local @!p0 [hbm:s6], $0xF7A  }
0x23: {  	s9 =	sor.u32 $0xD0000000, s2;
	s6 =	simm.s32 $0x108;
	_ =	swait.ge @!p0 [sflag:s8], $0x0  }
0x24: {  	s3 =	sadd.s32 $0x88, s3;
	s6 =	simm.s32 @!p1 $0x1082;
	[sflag:s4] =	ssyncset.s32 $0xFFFFF086  }
0x25: {  	[simem:s6], [sflag:s4] =	dma.local [hbm:s3], $0xF7A  }
0x26: {  	[smem:$0x3F9F] =	sst s1;
	(tag) =	ssettag s2;
	_ =	strace s9  }
0x27: {  	s1 =	sld [smem:$0x3FAF]  }
0x28: {  	s2 =	sld [smem:$0x3FB0]  }
0x29: {  	s4 =	sld [smem:$0x3FB2]  }
0x2a: {  	p0 =	seq.s32 s5, $0x0;
	s5 =	sld [smem:$0x3FB3]  }
0x2b: {  	s6 =	sld [smem:$0x3FB4]  }
0x2c: {  	s7 =	sld [smem:$0x3FB5]  }
0x2d: {  	s3 =	simm.s32 $0x108;
	s8 =	sld [smem:$0x3FB6]  }
0x2e: {  	s3 =	simm.s32 @!p0 $0x1082;
	s9 =	sld [smem:$0x3FB7]  }
0x2f: {  	lr =	sadd.s32 s0, s3;
	s0 =	sld [smem:$0x3FAE]  }
0x30: {  	s3 =	sld [smem:$0x3FB1]  }
0x31: {  	[smem:$0x3FBA] =	sst s10  }
0x32: {  	s10 =	sld [smem:$0x3FB8];
	_ =	sdelay $0x3  }
0x33: {  	p0 =	seq.s32 s10, $0x1;
	s10 =	sld [smem:$0x3FBA];
	_ =	sdelay $0x3  }
0x34: {  	[smem:$0x3FBA] =	sst s10  }
0x35: {  	s10 =	sld [smem:$0x3FB9];
	_ =	sdelay $0x3  }
0x36: {  	p1 =	seq.s32 s10, $0x1;
	s10 =	sld [smem:$0x3FBA];
	_ =	sdelay $0x3  }
0x37: {  	[smem:$0x3FBA] =	sst s10  }
0x38: {  	s10 =	sld [smem:$0x3FBB]  }
0x39: {  	_ = 	snop;
	(pc) =	sbr.ind lr, $3  }
0x3a: {  	_ = 	snop  }
0x3b: {  	_ = 	snop  }
0x3c: {  	p2 =	seq.s32 s10, $0x1;
	s10 =	sld [smem:$0x3FBA]  }
0x3d: {  	_ =	shalt  }
0x3e: {  	_ =	shalt  }
0x3f: {  	_ =	shalt  }
0x40: {  	_ =	shalt  }
0x41: {  	_ =	shalt  }
0x42: {  	_ =	shalt  }
0x43: {  	_ =	shalt  }
0x44: {  	_ =	shalt  }
0x45: {  	_ =	shalt  }
0x46: {  	_ =	shalt  }
0x47: {  	_ =	shalt  }
0x48: {  	_ =	shalt  }
0x49: {  	_ =	shalt  }
0x4a: {  	_ =	shalt  }
0x4b: {  	_ =	shalt  }
0x4c: {  	_ =	shalt  }
0x4d: {  	_ =	shalt  }
0x4e: {  	_ =	shalt  }
0x4f: {  	_ =	shalt  }
0x50: {  	_ =	shalt  }
0x51: {  	_ =	shalt  }
0x52: {  	_ =	shalt  }
0x53: {  	_ =	shalt  }
0x54: {  	_ =	shalt  }
0x55: {  	_ =	shalt  }
0x56: {  	_ =	shalt  }
0x57: {  	_ =	shalt  }
0x58: {  	_ =	shalt  }
0x59: {  	_ =	shalt  }
0x5a: {  	_ =	shalt  }
0x5b: {  	_ =	shalt  }
0x5c: {  	_ =	shalt  }
0x5d: {  	_ =	shalt  }
0x5e: {  	_ =	shalt  }
0x5f: {  	_ =	shalt  }
0x60: {  	_ =	shalt  }
0x61: {  	_ =	shalt  }
0x62: {  	_ =	shalt  }
0x63: {  	_ =	shalt  }
0x64: {  	_ =	shalt  }
0x65: {  	_ =	shalt  }
0x66: {  	_ =	shalt  }
0x67: {  	_ =	shalt  }
0x68: {  	_ =	shalt  }
0x69: {  	_ =	shalt  }
0x6a: {  	_ =	shalt  }
0x6b: {  	_ =	shalt  }
0x6c: {  	_ =	shalt  }
0x6d: {  	_ =	shalt  }
0x6e: {  	_ =	shalt  }
0x6f: {  	_ =	shalt  }
0x70: {  	_ =	shalt  }
0x71: {  	_ =	shalt  }
0x72: {  	_ =	shalt  }
0x73: {  	_ =	shalt  }
0x74: {  	_ =	shalt  }
0x75: {  	_ =	shalt  }
0x76: {  	_ =	shalt  }
0x77: {  	_ =	shalt  }
0x78: {  	_ =	shalt  }
0x79: {  	_ =	shalt  }
0x7a: {  	_ =	shalt  }
0x7b: {  	_ =	shalt  }
0x7c: {  	_ =	shalt  }
0x7d: {  	_ =	shalt  }
0x7e: {  	_ =	shalt  }
0x7f: {  	_ =	shalt  }
0x80: {  	_ =	shalt  }
0x81: {  	_ =	shalt  }
0x82: {  	_ =	shalt  }
0x83: {  	_ =	shalt  }
0x84: {  	_ =	shalt  }
0x85: {  	_ =	shalt  }
0x86: {  	_ =	shalt  }
0x87: {  	_ =	shalt  }
.Lfunc_end0:
.L_simem_size_0:
called_computation_lowered:
.L_overlay_start_0:
0x88: {  	s2 =	sld [smem:$0x3FD9]  }
0x89: {  	s3 =	sld [smem:$0x3FFE];
	_ =	sdelay $0x1  }
0x8a: {  	s1 =	srdreg.scid  }
0x8b: {  	s0 =	sand.u32 $0x1, s1  }
0x8c: {  	s18 =	sshll.u32 s0, $0xA;
	s2 =	sadd.s32 s3, s2  }
0x8d: {  	s2 =	sadd.s32 s2, s18  }
0x8e: {  	[smem:$0x3FC6] =	sst s2  }
0x8f: {  	_ = 	snop  }
0x90: {  	s2 =	sld [smem:$0x3FC9]  }
0x91: {  	s19 =	sld [smem:$0x3FC8]  }
0x92: {  	s4 =	sld [smem:$0x3FD0];
	(tm) =	ssettm $0x1  }
0x93: {  	s5 =	sld [smem:$0x3FFB];
	_ =	sdelay $0x3  }
0x94: {  	_ =	strace s5  }
0x95: {  	s5 =	sld [smem:$0x3FFC];
	_ =	sdelay $0x3  }
0x96: {  	_ =	strace s5  }
0x97: {  	s5 =	sld [smem:$0x3FFD];
	_ =	sdelay $0x3  }
0x98: {  	_ =	strace s5  }
0x99: {  	_ =	strace $0x8FFFFFFF  }
0x9a: {  	s20 =	sld [smem:$0x3FDB];
	_ =	sdelay $0x1  }
0x9b: {  	s6 =	simm.s32 $_scs_section_size  }
0x9c: {  	s7 =	simm.s32 $_size__tile_overlayer_lowered;
	s8 =	simm.s32 $_tile_overlayer_lowered  }
0x9d: {  	s23 =	simm.s32 $0x1BFF;
	s22 =	sshll.u32 s8, $0x1;
	s5 =	sadd.s32 s6, s20  }
0x9e: {  	s9 =	simm.s32 $0x0;
	s21 =	sshll.u32 s7, $0x1;
	s7 =	sadd.s32 s22, s5  }
0x9f: {  	[timem:s9], [sflag:s23] =	dma.local [hbm:s7], s21  }
0xa0: {  	_ =	swait.ge [sflag:s23], s21  }
0xa1: {  	s6 =	ssub.s32 $0x0, s21;
	[sflag:s23] =	ssyncset.done $0x0  }
0xa2: {  	[sflag:s23] =	ssyncadd.s32 s6;
	_ =	sdelay $0x1  }
0xa3: {  	s24 =	simm.s32 $0x1B8B  }
0xa4: {  	_ =	swait.ge [sflag:s24], $0x1  }
0xa5: {  	[sflag:s24] =	ssyncset.done $0x0  }
0xa6: {  	s25 =	simm.s32 $0x1B8E;
	[sflag:s24] =	ssyncadd.s32 $0xFFFFFFFF  }
0xa7: {  	s26 =	simm.s32 $execute0_lowered;
	[smem:$0x3FD2] =	sst s25  }
0xa8: {  	s6 =	sshll.u32 s26, $0x1;
	_ =	strace $0x80000046;
	[dreg:$0x1] =	wrdreg $0xFFFFFFFF  }
0xa9: {  	s28 =	simm.s32 $_size_execute0_lowered;
	s5 =	sadd.s32 s5, s6;
	[dreg:$0x0] =	wrdreg $0x0  }
0xaa: {  	s6 =	sshll.u32 s28, $0x1;
	[dreg:$0x2] =	wrdreg s5  }
0xab: {  	[dreg:$0x3] =	wrdreg s6  }
0xac: {  	[dreg:$0x4] =	wrdreg $0xC0  }
0xad: {  	_ =	task [dreg:s9], $0x5FFFF  }
0xae: {  	[dreg:$0x1] =	wrdreg $0xFFFFFFFF  }
0xaf: {  	[dreg:$0x0] =	wrdreg $0x60  }
0xb0: {  	[dreg:$0x2] =	wrdreg s2  }
0xb1: {  	[dreg:$0x3] =	wrdreg s19  }
0xb2: {  	[dreg:$0x4] =	wrdreg s4  }
0xb3: {  	[dreg:$0x5] =	wrdreg $0x9  }
0xb4: {  	_ =	task.clear_ibuf [dreg:s9], $0x6FFFF;
	_ =	strace $0x90000046  }
0xb5: {  	s29 =	simm.s32 $0x9;
	_ =	strace $0x80000048  }
0xb6: {  	_ =	swait.ge [sflag:s29], $0x1  }
0xb7: {  	[sflag:s29] =	ssyncadd.s32 $0xFFFFFFFF  }
0xb8: {  	_ =	strace $0x90000048  }
0xb9: {  	_ =	sfence  }
0xba: {  	s30 =	sld [smem:$0x0];
	_ =	sdelay $0x2  }
0xbb: {  	s31 =	sshll.u32 s1, $0xD;
	s1 =	sshrl.u32 s1, $0x2  }
0xbc: {  	s3 =	sand.u32 $0x4000, s31;
	s1 =	sadd.s32 s1, s30  }
0xbd: {  	s0 =	sor.u32 s3, s0;
	s1 =	sshll.u32 s1, $0x11  }
0xbe: {  	s0 =	sor.u32 s1, s0  }
0xbf: {  	s0 =	sadd.s32 $0x8F2B, s0  }
0xc0: {  	[sflag:s0] =	ssyncadd.remote.s32 $0x1  }
0xc1: {  	_ =	sfence.sel $0xFFFF  }
0xc2: {  	[dreg:$0x0] =	wrdreg $0xFFFFFFFF;
	(pc) =	sbr.abs _section_cstart, $3  }
0xc3: {  	[dreg:$0x1] =	wrdreg $0xFFFFFFFF  }
0xc4: {  	_ =	task.clear_ibuf [dreg:s9], $0x2FFFF;
	_ =	strace $0x9FFFFFFF  }
0xc5: {  	(tm) =	ssettm $0x7FFFFFFF  }
tec
execute0_lowered:
.L_overlay_start_1:
0x0: {  	(tag) =	ssettag $0x1  }
0x1: {  	s4 =	rddreg [dreg:$0x0]  }
0x2: {  	s5 =	rddreg [dreg:$0x2];
	s0 =	srdreg.scid  }
0x3: {  	s1 =	stileid.u32;
	s29 =	simm.s32 $0x0;
	s0 =	sand.u32 $0x1, s0  }
0x4: {  	s1 =	sshll.u32 s1, $0x9;
	[smem:$0x7FF] =	sst s29;
	s2 =	sshll.u32 s0, $0x8  }
0x5: {  	s7 =	sadd.s32 $0x800, s5;
	s0 =	ssub.s32 $0x2, s0;
	s1 =	sor.u32 s2, s1  }
0x6: {  	_ =	strace $0x80000047;
	[dreg:$0x7] =	wrdreg s7;
	s23 =	sor.u32 $0x10, s1  }
0x7: {  	s3 =	sshll.u32 s1, $0x9;
	s24 =	sor.u32 $0x20, s1;
	[dreg:$0xd] =	wrdreg s23  }
0x8: {  	s25 =	sor.u32 $0x18, s1;
	s1 =	sor.u32 $0x28, s1;
	[dreg:$0xe] =	wrdreg s24  }
0x9: {  	s6 =	sadd.s32 s4, s3;
	s18 =	sor.u32 $0x1000, s3;
	[dreg:$0xf] =	wrdreg s25  }
0xa: {  	s19 =	sadd.s32 s5, s3;
	s3 =	sadd.s32 s3, s7;
	[dreg:$0x10] =	wrdreg s1  }
0xb: {  	s17 =	sshrl.u32 s0, $0x1;
	[dreg:$0x8] =	wrdreg s3  }
0xc: {  	s0 =	ssub.s32 s0, s17;
	[dreg:$0x4] =	wrdreg s6  }
0xd: {  	s0 =	smax.u32 s0, $0x1;
	[dreg:$0x6] =	wrdreg s19  }
0xe: {  	s4 =	sadd.s32 s4, s18;
	[dreg:$0x15] =	wrdreg s0  }
0xf: {  	s20 =	sadd.s32 $0x2000, s6;
	[dreg:$0x5] =	wrdreg s4  }
0x10: {  	s2 =	sadd.s32 s5, s18;
	[dreg:$0x9] =	wrdreg s20  }
0x11: {  	s21 =	sadd.s32 $0x1800, s19;
	[dreg:$0xa] =	wrdreg s2  }
0x12: {  	s22 =	sadd.s32 $0x3000, s6;
	[dreg:$0xb] =	wrdreg s21  }
0x13: {  	s26 =	sadd.s32 $0x1E000, s19;
	[dreg:$0xc] =	wrdreg s22  }
0x14: {  	s28 =	sadd.s32 $0x1E800, s19;
	[dreg:$0x11] =	wrdreg s26  }
0x15: {  	s24 =	simm.s32 $0x1000;
	s30 =	sadd.s32 $0x1F000, s19;
	[dreg:$0x12] =	wrdreg s28  }
0x16: {  	s25 =	simm.s32 $0x9000;
	s31 =	sadd.s32 $0x1F800, s19;
	[dreg:$0x13] =	wrdreg s30  }
0x17: {  	s1 =	simm.s32 $0x0;
	[dreg:$0x14] =	wrdreg s31;
	s2 =	simm.s32 $0x4  }
.LBB2_1:
0x18: {  	[dreg:$0x16] =	wrdreg s1  }
0x19: {  	s0 =	rddreg [dreg:$0x4]  }
0x1a: {  	[tilespmem:s24], [sflag:$0x1] =	stream.linear.gather [hbm4b:s0+s29], $0x8000, $0x38;
	[tilespmem:$0x19000] =	vst v63  }
0x1b: {  	s8 =	rddreg [dreg:$0x5]  }
0x1c: {  	[tilespmem:s25], [sflag:$0x2] =	stream.linear.gather [hbm4b:s8+s29], $0x8000, $0x38;
	[tilespmem:$0x19000] =	vst v63  }
0x1d: {  	s9 =	rddreg [dreg:$0x1];
	s10 =	simm.s32 $0x5  }
0x1e: {  	[tilespmem:s29], [sflag:$0x5] =	stream.linear.gather [hbm4b:s9+s29], $0x1000, $0x38;
	[tilespmem:$0x19000] =	vst v63  }
0x1f: {  	_ =	swait.ge [sflag:s10], $0x1000  }
0x20: {  	[sflag:s10] =	ssyncset.done $0x0  }
0x21: {  	s11 =	simm.s32 $0x1;
	[sflag:s10] =	ssyncadd.s32 $0xFFFFF000  }
0x22: {  	s3 =	sand.u32 $0x60, s29;
	_ =	swait.ge [sflag:s11], $0x8000  }
0x23: {  	s4 =	sand.u32 $0x780, s29;
	s12 =	sor.u32 $0x10, s3;
	[sflag:s11] =	ssyncset.done $0x0  }
0x24: {  	s4 =	sor.u32 s12, s4;
	[sflag:s11] =	ssyncadd.s32 $0xFFFF8000  }
0x25: {  	v0 =	vld [tilespmem:s4+$0x0];
	_ =	sdelay $0x3  }
0x26: {  	v2 =	vld [tilespmem:s29+$0x0]  }
0x27: {  	v1 =	vshll.u32 v0, $0x3  }
0x28: {  	v0 =	vand.u32 $0x7F, v0;
	v1 =	vand.u32 $0xFFFFFC00, v1  }
0x29: {  	s5 =	simm.s32 $0x20;
	v5 =	vor.u32 v0, v1  }
0x2a: {  	s13 =	sand.u32 $0x60, s5  }
0x2b: {  	s6 =	sand.u32 $0x780, s5;
	s7 =	sor.u32 $0x10, s13;
	v0 =	vshll.u32 v2, $0x3  }
0x2c: {  	s6 =	sor.u32 s7, s6;
	v1 =	vand.u32 $0x7F, v2;
	v0 =	vand.u32 $0xFFFFFC00, v0  }
0x2d: {  	v6 =	vor.u32 v1, v0;
	v0 =	vld [tilespmem:s6+$0x0]  }
0x2e: {  	v2 =	vld.idx.msk [tilespmem:v5+s24+$0x0], $0xffff  }
0x2f: {  	v1 =	vor.u32 $0x80, v5  }
0x30: {  	s14 =	sand.u32 $0x3C00, s29  }
0x31: {  	s6 =	sadd.s32 $0x11000, s14  }
0x32: {  	s1 =	sor.u32 s12, s6;
	v3 =	vld.idx.msk [tilespmem:v6+s24+$0x0], $0xffff  }
0x33: {  	v4 =	vor.u32 $0x80, v6;
	[tilespmem:s1+$0x0] =	vst v2;
	v2 =	vshll.u32 v0, $0x3  }
0x34: {  	v0 =	vand.u32 $0x7F, v0;
	v7 =	vld.idx.msk [tilespmem:v1+s24+$0x0], $0xffff;
	v1 =	vand.u32 $0xFFFFFC00, v2  }
0x35: {  	v1 =	vor.u32 v0, v1;
	v0 =	vld [tilespmem:s5+$0x0]  }
0x36: {  	s6 =	sor.u32 s3, s6  }
0x37: {  	s15 =	simm.s32 $0x40;
	v2 =	vor.u32 $0x100, v5;
	[tilespmem:s6+$0x0] =	vst v3  }
0x38: {  	s16 =	sand.u32 $0x60, s15;
	v3 =	vld.idx.msk [tilespmem:v4+s24+$0x0], $0xffff  }
0x39: {  	s8 =	sor.u32 $0x10, s16;
	s10 =	sand.u32 $0x780, s15;
	v8 =	vor.u32 $0x100, v6  }
0x3a: {  	s10 =	sor.u32 s8, s10;
	[tilespmem:s1+$0x80] =	vst v7;
	v7 =	vld.idx.msk [tilespmem:v1+s24+$0x0], $0xffff;
	v4 =	vshll.u32 v0, $0x3  }
0x3b: {  	s11 =	simm.s32 $0x100;
	v10 =	vld [tilespmem:s10+$0x0];
	v9 =	vor.u32 $0x80, v1;
	v0 =	vand.u32 $0x7F, v0;
	v4 =	vand.u32 $0xFFFFFC00, v4  }
0x3c: {  	s17 =	sand.u32 $0x3C00, s11;
	v2 =	vld.idx.msk [tilespmem:v2+s24+$0x0], $0xffff;
	v4 =	vor.u32 v0, v4  }
0x3d: {  	s10 =	sadd.s32 $0x11000, s17;
	[tilespmem:s6+$0x80] =	vst v3;
	v0 =	vor.u32 $0x180, v5  }
0x3e: {  	s14 =	sor.u32 s7, s10;
	v3 =	vld.idx.msk [tilespmem:v8+s24+$0x0], $0xffff  }
0x3f: {  	[tilespmem:s14+$0x0] =	vst v7;
	v7 =	vor.u32 $0x180, v6  }
0x40: {  	v8 =	vld.idx.msk [tilespmem:v9+s24+$0x0], $0xffff  }
0x41: {  	v11 =	vor.u32 $0x100, v1;
	[tilespmem:s1+$0x100] =	vst v2;
	v2 =	vshll.u32 v10, $0x3;
	v9 =	vld.idx.msk [tilespmem:v4+s24+$0x0], $0xffff  }
0x42: {  	v13 =	vor.u32 $0x80, v4;
	v2 =	vand.u32 $0xFFFFFC00, v2;
	v12 =	vld.idx.msk [tilespmem:v0+s24+$0x0], $0xffff;
	v0 =	vand.u32 $0x7F, v10  }
0x43: {  	[tilespmem:s6+$0x100] =	vst v3;
	v0 =	vor.u32 v0, v2;
	v2 =	vld [tilespmem:s15+$0x0]  }
0x44: {  	v3 =	vor.u32 $0x200, v5;
	v7 =	vld.idx.msk [tilespmem:v7+s24+$0x0], $0xffff  }
0x45: {  	s19 =	sor.u32 s13, s10;
	[tilespmem:s14+$0x80] =	vst v8;
	v8 =	vor.u32 $0x200, v6  }
0x46: {  	[tilespmem:s19+$0x0] =	vst v9;
	v9 =	vld.idx.msk [tilespmem:v11+s24+$0x0], $0xffff  }
0x47: {  	s18 =	simm.s32 $0x60;
	v11 =	vor.u32 $0x180, v1;
	v10 =	vld.idx.msk [tilespmem:v13+s24+$0x0], $0xffff  }
0x48: {  	s21 =	sand.u32 $0x60, s18;
	v14 =	vor.u32 $0x100, v4;
	[tilespmem:s1+$0x180] =	vst v12;
	v12 =	vld.idx.msk [tilespmem:v0+s24+$0x0], $0xffff;
	v13 =	vshll.u32 v2, $0x3  }
0x49: {  	s22 =	sand.u32 $0x780, s18;
	s20 =	sor.u32 $0x10, s21;
	s7 =	simm.s32 $0x200;
	v15 =	vor.u32 $0x80, v0;
	v3 =	vld.idx.msk [tilespmem:v3+s24+$0x0], $0xffff;
	v2 =	vand.u32 $0x7F, v2;
	v13 =	vand.u32 $0xFFFFFC00, v13;
	[tilespmem:s6+$0x180] =	vst v7  }
0x4a: {  	s10 =	sor.u32 s20, s22;
	s12 =	sand.u32 $0x3C00, s7;
	v2 =	vor.u32 v2, v13;
	v7 =	vld.idx.msk [tilespmem:v8+s24+$0x0], $0xffff  }
0x4b: {  	s12 =	sadd.s32 $0x11000, s12;
	v8 =	vld [tilespmem:s10+$0x0];
	[tilespmem:s14+$0x100] =	vst v9;
	v9 =	vor.u32 $0x280, v6  }
0x4c: {  	s10 =	sor.u32 s8, s12;
	[tilespmem:s19+$0x80] =	vst v10;
	v10 =	vld.idx.msk [tilespmem:v11+s24+$0x0], $0xffff;
	v11 =	vor.u32 $0x280, v5  }
0x4d: {  	[tilespmem:s10+$0x0] =	vst v12;
	v12 =	vld.idx.msk [tilespmem:v14+s24+$0x0], $0xffff  }
0x4e: {  	v13 =	vor.u32 $0x200, v1;
	v14 =	vld.idx.msk [tilespmem:v15+s24+$0x0], $0xffff  }
0x4f: {  	v16 =	vor.u32 $0x180, v4;
	v15 =	vld.idx.msk [tilespmem:v2+s24+$0x0], $0xffff;
	[tilespmem:s6+$0x200] =	vst v7  }
0x50: {  	[tilespmem:s1+$0x200] =	vst v3;
	v3 =	vshll.u32 v8, $0x3;
	v7 =	vor.u32 $0x100, v0;
	v9 =	vld.idx.msk [tilespmem:v9+s24+$0x0], $0xffff  }
0x51: {  	v17 =	vor.u32 $0x80, v2;
	v8 =	vand.u32 $0x7F, v8;
	v3 =	vand.u32 $0xFFFFFC00, v3;
	[tilespmem:s14+$0x180] =	vst v10;
	v10 =	vld.idx.msk [tilespmem:v11+s24+$0x0], $0xffff  }
0x52: {  	v3 =	vor.u32 v8, v3;
	v11 =	vld [tilespmem:s18+$0x0]  }
0x53: {  	v8 =	vld.idx.msk [tilespmem:v13+s24+$0x0], $0xffff;
	[tilespmem:s19+$0x100] =	vst v12;
	v12 =	vor.u32 $0x300, v5  }
0x54: {  	s13 =	sor.u32 s16, s12;
	[tilespmem:s10+$0x80] =	vst v14;
	v13 =	vor.u32 $0x300, v6;
	v14 =	vld.idx.msk [tilespmem:v16+s24+$0x0], $0xffff  }
0x55: {  	[tilespmem:s13+$0x0] =	vst v15;
	v7 =	vld.idx.msk [tilespmem:v7+s24+$0x0], $0xffff  }
0x56: {  	s4 =	simm.s32 $0x80;
	v16 =	vor.u32 $0x200, v4;
	v15 =	vld.idx.msk [tilespmem:v17+s24+$0x0], $0xffff  }
0x57: {  	s22 =	sand.u32 $0x60, s4;
	v18 =	vor.u32 $0x180, v0;
	v17 =	vld.idx.msk [tilespmem:v3+s24+$0x0], $0xffff;
	[tilespmem:s1+$0x280] =	vst v10  }
0x58: {  	s23 =	sand.u32 $0x780, s4;
	s3 =	sor.u32 $0x10, s22;
	[tilespmem:s6+$0x280] =	vst v9;
	v9 =	vor.u32 $0x100, v2;
	v10 =	vld.idx.msk [tilespmem:v12+s24+$0x0], $0xffff  }
0x59: {  	s26 =	sand.u32 $0x3, s29;
	s12 =	simm.s32 $0x300;
	s1 =	sor.u32 s3, s23;
	v12 =	vor.u32 $0x80, v3;
	v13 =	vld.idx.msk [tilespmem:v13+s24+$0x0], $0xffff  }
0x5a: {  	v21 =	vor.u32 $0x380, v5;
	s28 =	sand.u32 $0x3C00, s12;
	s6 =	sshll.u32 s26, $0x5;
	v19 =	vshll.u32 v11, $0x3;
	v20 =	vld [tilespmem:s1+$0x0];
	[tilespmem:s19+$0x180] =	vst v14  }
0x5b: {  	s16 =	sadd.s32 $0x11000, s28;
	v6 =	vor.u32 $0x380, v6;
	v11 =	vand.u32 $0x7F, v11;
	s23 =	sadd.s32 $0x0, s6;
	v5 =	vand.u32 $0xFFFFFC00, v19;
	[tilespmem:s10+$0x100] =	vst v7;
	v7 =	vld.idx.msk [tilespmem:v16+s24+$0x0], $0xffff  }
0x5c: {  	s8 =	sor.u32 s20, s16;
	s26 =	sadd.s32 $0x10, s23;
	v5 =	vor.u32 v11, v5;
	[tilespmem:s13+$0x80] =	vst v15;
	v16 =	vld.idx.msk [tilespmem:v18+s24+$0x0], $0xffff  }
0x5d: {  	v19 =	vor.u32 $0x280, v4;
	s29 =	sor.u32 $0x300, s26;
	v14 =	vld.idx.msk [tilespmem:v9+s24+$0x0], $0xffff;
	[tilespmem:s8+$0x0] =	vst v17  }
0x5e: {  	s30 =	sor.u32 $0x300, s23;
	v17 =	vor.u32 $0x280, v1;
	v15 =	vld.idx.msk [tilespmem:v12+s24+$0x0], $0xffff;
	[tilespmem:s29+$0x11000] =	vst v10  }
0x5f: {  	v18 =	vor.u32 $0x200, v0;
	[tilespmem:s30+$0x11000] =	vst v13;
	v12 =	vld.idx.msk [tilespmem:v21+s24+$0x0], $0xffff  }
0x60: {  	s31 =	simm.s32 $0x1;
	[tilespmem:s14+$0x200] =	vst v8;
	v11 =	vld.idx.msk [tilespmem:v6+s24+$0x0], $0xffff  }
0x61: {  	s17 =	simm.s32 $0xA0;
	s15 =	simm.s32 $0x8;
	s20 =	simm.s32 $0x400;
	v8 =	vor.u32 $0x80, v5;
	v9 =	vshll.u32 v20, $0x3;
	v10 =	vor.u32 $0x180, v2;
	v13 =	vld.idx.msk [tilespmem:v5+s24+$0x0], $0xffff;
	[tilespmem:s19+$0x200] =	vst v7  }
0x62: {  	s18 =	simm.s32 $0xA0;
	s6 =	simm.s32 $0x2;
	s1 =	sand.u32 $0x3, s31;
	v6 =	vand.u32 $0x7F, v20;
	v7 =	vand.u32 $0xFFFFFC00, v9;
	v9 =	vor.u32 $0x100, v3;
	[tilespmem:s10+$0x180] =	vst v16;
	v16 =	vld.idx.msk [tilespmem:v19+s24+$0x0], $0xffff  }
.LBB2_2:
0x63: {  	s28 =	sand.u32 $0x60, s17;
	s15 =	sadd.s32 $0x2, s15;
	[tilespmem:s13+$0x100] =	vst v14;
	v14 =	vld.idx.msk [tilespmem:v17+s24+$0x0], $0xffff;
	s23 =	sor.u32 $0x380, s23  }
0x64: {  	s29 =	sand.u32 $0x780, s17;
	v6 =	vor.u32 v6, v7;
	s26 =	sor.u32 $0x380, s26;
	s5 =	sor.u32 $0x10, s28;
	[tilespmem:s8+$0x80] =	vst v15;
	v7 =	vld.idx.msk [tilespmem:v18+s24+$0x0], $0xffff  }
0x65: {  	s30 =	sand.u32 $0x3, s6;
	v17 =	vor.u32 $0x300, v4;
	p0 =	slt.u32 s15, $0x7E;
	v18 =	vor.u32 $0x300, v1;
	s29 =	sor.u32 s5, s29;
	v15 =	vld [tilespmem:s4+$0x0];
	[tilespmem:s26+$0x11000] =	vst v12  }
0x66: {  	s16 =	sor.u32 s21, s16;
	s21 =	smov.u32 s22;
	s22 =	smov.u32 s28;
	v10 =	vld.idx.msk [tilespmem:v10+s24+$0x0], $0xffff;
	[tilespmem:s23+$0x11000] =	vst v11  }
0x67: {  	s4 =	smov.u32 s18;
	[tilespmem:s16+$0x0] =	vst v13;
	v9 =	vld.idx.msk [tilespmem:v9+s24+$0x0], $0xffff  }
0x68: {  	v11 =	vor.u32 $0x200, v2;
	v8 =	vld.idx.msk [tilespmem:v8+s24+$0x0], $0xffff;
	[tilespmem:s19+$0x280] =	vst v16;
	s19 =	smov.u32 s13;
	s13 =	smov.u32 s16  }
0x69: {  	v13 =	vor.u32 $0x180, v3;
	v12 =	vld.idx.msk [tilespmem:v6+s24+$0x0], $0xffff;
	[tilespmem:s14+$0x280] =	vst v14;
	s14 =	smov.u32 s10;
	s10 =	smov.u32 s8  }
0x6a: {  	v16 =	vor.u32 $0x100, v5;
	v14 =	vshll.u32 v15, $0x3;
	[tilespmem:s14+$0x200] =	vst v7;
	v7 =	vld.idx.msk [tilespmem:v18+s24+$0x0], $0xffff  }
0x6b: {  	v18 =	vor.u32 $0x80, v6;
	v14 =	vand.u32 $0xFFFFFC00, v14;
	v19 =	vld.idx.msk [tilespmem:v17+s24+$0x0], $0xffff  }
0x6c: {  	v21 =	vor.u32 $0x380, v1;
	v1 =	vmovc v0;
	v0 =	vmovc v3;
	s23 =	sshll.u32 s1, $0x5;
	s1 =	smov.u32 s30;
	v3 =	vmov v6;
	s8 =	sand.u32 $0x3C00, s20;
	v20 =	vld [tilespmem:s29+$0x0];
	[tilespmem:s19+$0x180] =	vst v10;
	v10 =	vor.u32 $0x380, v4  }
0x6d: {  	s23 =	sadd.s32 s23, s11;
	s11 =	smov.u32 s7;
	v6 =	vand.u32 $0x7F, v15;
	s16 =	sadd.s32 $0x11000, s8;
	v4 =	vmov v2;
	v2 =	vmov v5;
	[tilespmem:s10+$0x100] =	vst v9;
	v9 =	vld.idx.msk [tilespmem:v11+s24+$0x0], $0xffff  }
0x6e: {  	s26 =	sadd.s32 $0x10, s23;
	s8 =	sor.u32 s3, s16;
	s3 =	smov.u32 s5;
	v5 =	vor.u32 v6, v14;
	[tilespmem:s13+$0x80] =	vst v8;
	v22 =	vld.idx.msk [tilespmem:v13+s24+$0x0], $0xffff  }
0x6f: {  	s7 =	smov.u32 s12;
	s28 =	sor.u32 $0x300, s26;
	s5 =	sor.u32 $0x300, s23;
	v8 =	vor.u32 $0x80, v5;
	[tilespmem:s8+$0x0] =	vst v12;
	v14 =	vld.idx.msk [tilespmem:v16+s24+$0x0], $0xffff;
	v16 =	vor.u32 $0x280, v4  }
.Ltmp0:
0x70: {  	s12 =	smov.u32 s20;
	v17 =	vor.u32 $0x280, v1;
	v15 =	vld.idx.msk [tilespmem:v18+s24+$0x0], $0xffff;
	[tilespmem:s28+$0x11000] =	vst v7;
	(pc) =	sbr.rel @p0 .LBB2_2-.Ltmp0, $4  }
0x71: {  	v18 =	vor.u32 $0x200, v0;
	v6 =	vand.u32 $0x7F, v20;
	v7 =	vshll.u32 v20, $0x3;
	[tilespmem:s5+$0x11000] =	vst v19;
	v12 =	vld.idx.msk [tilespmem:v21+s24+$0x0], $0xffff  }
0x72: {  	v7 =	vand.u32 $0xFFFFFC00, v7;
	v11 =	vld.idx.msk [tilespmem:v10+s24+$0x0], $0xffff  }
0x73: {  	s6 =	sadd.s32 $0x1, s6;
	v10 =	vor.u32 $0x180, v2;
	v13 =	vld.idx.msk [tilespmem:v5+s24+$0x0], $0xffff;
	[tilespmem:s19+$0x200] =	vst v9  }
0x74: {  	s17 =	sadd.s32 $0x20, s17;
	s18 =	sadd.s32 $0x20, s18;
	s20 =	sadd.s32 $0x100, s20;
	v9 =	vor.u32 $0x100, v3;
	[tilespmem:s10+$0x180] =	vst v22;
	v16 =	vld.idx.msk [tilespmem:v16+s24+$0x0], $0xffff  }
0x75: {  	v19 =	vld [tilespmem:s4+$0x0];
	_ =	sdelay $0x4  }
0x76: {  	v20 =	vshll.u32 v19, $0x3  }
0x77: {  	v7 =	vor.u32 v6, v7;
	v19 =	vand.u32 $0x7F, v19;
	v6 =	vand.u32 $0xFFFFFC00, v20  }
0x78: {  	v6 =	vor.u32 v19, v6;
	_ =	sdelay $0x3  }
0x79: {  	[tilespmem:s13+$0x100] =	vst v14;
	v14 =	vld.idx.msk [tilespmem:v7+s24+$0x0], $0xffff  }
0x7a: {  	[tilespmem:s8+$0x80] =	vst v15;
	s29 =	sor.u32 $0x380, s26;
	v15 =	vor.u32 $0x80, v7;
	v19 =	vld.idx.msk [tilespmem:v6+s24+$0x0], $0xffff  }
0x7b: {  	s5 =	sor.u32 $0x380, s23;
	s30 =	sand.u32 $0x3C00, s20;
	[tilespmem:s29+$0x11000] =	vst v12;
	v12 =	vor.u32 $0x80, v6  }
0x7c: {  	v17 =	vld.idx.msk [tilespmem:v17+s24+$0x0], $0xffff;
	s15 =	sor.u32 s21, s16;
	s31 =	sadd.s32 $0x11000, s30;
	[tilespmem:s5+$0x11000] =	vst v11  }
0x7d: {  	v11 =	vld.idx.msk [tilespmem:v18+s24+$0x0], $0xffff;
	s4 =	sor.u32 s3, s31;
	[tilespmem:s15+$0x0] =	vst v13  }
0x7e: {  	s0 =	sor.u32 s22, s31;
	v13 =	vor.u32 $0x300, v1;
	v8 =	vld.idx.msk [tilespmem:v8+s24+$0x0], $0xffff;
	[tilespmem:s4+$0x0] =	vst v14  }
0x7f: {  	v14 =	vor.u32 $0x100, v5;
	v15 =	vld.idx.msk [tilespmem:v15+s24+$0x0], $0xffff;
	[tilespmem:s0+$0x0] =	vst v19  }
0x80: {  	[tilespmem:s19+$0x280] =	vst v16;
	v16 =	vor.u32 $0x100, v7;
	v12 =	vld.idx.msk [tilespmem:v12+s24+$0x0], $0xffff  }
0x81: {  	v10 =	vld.idx.msk [tilespmem:v10+s24+$0x0], $0xffff;
	[tilespmem:s14+$0x280] =	vst v17;
	v17 =	vor.u32 $0x100, v6  }
0x82: {  	v9 =	vld.idx.msk [tilespmem:v9+s24+$0x0], $0xffff;
	[tilespmem:s10+$0x200] =	vst v11;
	v11 =	vor.u32 $0x200, v2  }
0x83: {  	v18 =	vor.u32 $0x300, v4;
	v13 =	vld.idx.msk [tilespmem:v13+s24+$0x0], $0xffff;
	[tilespmem:s15+$0x80] =	vst v8  }
0x84: {  	s1 =	sshll.u32 s1, $0x5;
	v8 =	vor.u32 $0x180, v3;
	v14 =	vld.idx.msk [tilespmem:v14+s24+$0x0], $0xffff;
	[tilespmem:s4+$0x80] =	vst v15  }
0x85: {  	s1 =	sadd.s32 s1, s11;
	v15 =	vor.u32 $0x180, v5;
	v16 =	vld.idx.msk [tilespmem:v16+s24+$0x0], $0xffff;
	[tilespmem:s0+$0x80] =	vst v12  }
0x86: {  	s9 =	sadd.s32 $0x10, s1;
	[tilespmem:s13+$0x180] =	vst v10;
	v10 =	vor.u32 $0x180, v7;
	v12 =	vld.idx.msk [tilespmem:v17+s24+$0x0], $0xffff  }
0x87: {  	s14 =	sor.u32 $0x300, s9;
	[tilespmem:s8+$0x100] =	vst v9;
	v9 =	vor.u32 $0x180, v6;
	v11 =	vld.idx.msk [tilespmem:v11+s24+$0x0], $0xffff  }
0x88: {  	v1 =	vor.u32 $0x380, v1;
	[tilespmem:s14+$0x11000] =	vst v13;
	v17 =	vld.idx.msk [tilespmem:v18+s24+$0x0], $0xffff  }
0x89: {  	v4 =	vor.u32 $0x380, v4;
	v8 =	vld.idx.msk [tilespmem:v8+s24+$0x0], $0xffff;
	[tilespmem:s15+$0x100] =	vst v14  }
0x8a: {  	v13 =	vor.u32 $0x200, v3;
	v14 =	vld.idx.msk [tilespmem:v15+s24+$0x0], $0xffff;
	[tilespmem:s4+$0x100] =	vst v16  }
0x8b: {  	v15 =	vor.u32 $0x200, v5;
	v10 =	vld.idx.msk [tilespmem:v10+s24+$0x0], $0xffff;
	[tilespmem:s0+$0x100] =	vst v12  }
0x8c: {  	s16 =	sor.u32 $0x300, s1;
	[tilespmem:s13+$0x200] =	vst v11;
	v12 =	vor.u32 $0x200, v7;
	v9 =	vld.idx.msk [tilespmem:v9+s24+$0x0], $0xffff  }
0x8d: {  	v1 =	vld.idx.msk [tilespmem:v1+s24+$0x0], $0xffff;
	v11 =	vor.u32 $0x200, v6;
	[tilespmem:s16+$0x11000] =	vst v17  }
0x8e: {  	[tilespmem:s8+$0x180] =	vst v8;
	v16 =	vor.u32 $0x280, v0;
	v4 =	vld.idx.msk [tilespmem:v4+s24+$0x0], $0xffff  }
0x8f: {  	v8 =	vor.u32 $0x280, v2;
	v13 =	vld.idx.msk [tilespmem:v13+s24+$0x0], $0xffff;
	[tilespmem:s15+$0x180] =	vst v14  }
0x90: {  	v14 =	vld.idx.msk [tilespmem:v15+s24+$0x0], $0xffff;
	v15 =	vor.u32 $0x280, v3;
	[tilespmem:s4+$0x180] =	vst v10  }
0x91: {  	s5 =	sor.u32 $0x380, s9;
	v10 =	vor.u32 $0x280, v5;
	v12 =	vld.idx.msk [tilespmem:v12+s24+$0x0], $0xffff;
	[tilespmem:s0+$0x180] =	vst v9  }
0x92: {  	s1 =	sor.u32 $0x380, s1;
	[tilespmem:s5+$0x11000] =	vst v1;
	v9 =	vor.u32 $0x280, v7;
	v1 =	vld.idx.msk [tilespmem:v11+s24+$0x0], $0xffff  }
0x93: {  	[tilespmem:s1+$0x11000] =	vst v4;
	v4 =	vor.u32 $0x280, v6;
	v11 =	vld.idx.msk [tilespmem:v16+s24+$0x0], $0xffff  }
0x94: {  	v8 =	vld.idx.msk [tilespmem:v8+s24+$0x0], $0xffff;
	[tilespmem:s8+$0x200] =	vst v13;
	v16 =	vor.u32 $0x300, v0  }
0x95: {  	v13 =	vor.u32 $0x300, v2;
	[tilespmem:s15+$0x200] =	vst v14;
	v14 =	vld.idx.msk [tilespmem:v15+s24+$0x0], $0xffff  }
0x96: {  	v15 =	vor.u32 $0x300, v3;
	v10 =	vld.idx.msk [tilespmem:v10+s24+$0x0], $0xffff;
	[tilespmem:s4+$0x200] =	vst v12  }
0x97: {  	v12 =	vor.u32 $0x300, v5;
	[tilespmem:s0+$0x200] =	vst v1;
	v1 =	vld.idx.msk [tilespmem:v9+s24+$0x0], $0xffff  }
0x98: {  	[tilespmem:s10+$0x280] =	vst v11;
	v9 =	vor.u32 $0x300, v7;
	v4 =	vld.idx.msk [tilespmem:v4+s24+$0x0], $0xffff  }
0x99: {  	s17 =	sand.u32 $0x3, s6;
	[tilespmem:s13+$0x280] =	vst v8;
	v11 =	vor.u32 $0x300, v6;
	v8 =	vld.idx.msk [tilespmem:v16+s24+$0x0], $0xffff  }
0x9a: {  	s18 =	sadd.s32 $0x1, s6;
	v13 =	vld.idx.msk [tilespmem:v13+s24+$0x0], $0xffff;
	s1 =	sshll.u32 s17, $0x5;
	v0 =	vor.u32 $0x380, v0;
	[tilespmem:s8+$0x280] =	vst v14  }
0x9b: {  	s6 =	sand.u32 $0x3, s18;
	v2 =	vor.u32 $0x380, v2;
	s1 =	sadd.s32 s1, s7;
	[tilespmem:s15+$0x280] =	vst v10;
	v10 =	vld.idx.msk [tilespmem:v15+s24+$0x0], $0xffff  }
0x9c: {  	s6 =	sshll.u32 s6, $0x5;
	s5 =	sadd.s32 $0x1, s18;
	v3 =	vor.u32 $0x380, v3;
	s7 =	sadd.s32 $0x10, s1;
	v12 =	vld.idx.msk [tilespmem:v12+s24+$0x0], $0xffff;
	[tilespmem:s4+$0x280] =	vst v1  }
0x9d: {  	s6 =	sadd.s32 s6, s12;
	s5 =	sand.u32 $0x3, s5;
	s19 =	sor.u32 $0x300, s7;
	v1 =	vor.u32 $0x380, v5;
	[tilespmem:s0+$0x280] =	vst v4;
	v4 =	vld.idx.msk [tilespmem:v9+s24+$0x0], $0xffff  }
0x9e: {  	s22 =	sadd.s32 $0x10, s6;
	s5 =	sshll.u32 s5, $0x5;
	s21 =	sor.u32 $0x300, s1;
	v7 =	vor.u32 $0x380, v7;
	[tilespmem:s19+$0x11000] =	vst v8;
	v5 =	vld.idx.msk [tilespmem:v11+s24+$0x0], $0xffff  }
0x9f: {  	s23 =	sor.u32 $0x300, s22;
	s5 =	sadd.s32 s5, s20;
	[tilespmem:s21+$0x11000] =	vst v13;
	v6 =	vor.u32 $0x380, v6;
	v0 =	vld.idx.msk [tilespmem:v0+s24+$0x0], $0xffff  }
0xa0: {  	s26 =	sor.u32 $0x300, s6;
	s28 =	sadd.s32 $0x10, s5;
	v2 =	vld.idx.msk [tilespmem:v2+s24+$0x0], $0xffff;
	[tilespmem:s23+$0x11000] =	vst v10  }
0xa1: {  	s29 =	sor.u32 $0x300, s28;
	v3 =	vld.idx.msk [tilespmem:v3+s24+$0x0], $0xffff;
	[tilespmem:s26+$0x11000] =	vst v12  }
0xa2: {  	s30 =	sor.u32 $0x300, s5;
	v1 =	vld.idx.msk [tilespmem:v1+s24+$0x0], $0xffff;
	[tilespmem:s29+$0x11000] =	vst v4  }
0xa3: {  	s7 =	sor.u32 $0x380, s7;
	[tilespmem:s30+$0x11000] =	vst v5;
	v4 =	vld.idx.msk [tilespmem:v7+s24+$0x0], $0xffff  }
0xa4: {  	s1 =	sor.u32 $0x380, s1;
	[tilespmem:s7+$0x11000] =	vst v0;
	v0 =	vld.idx.msk [tilespmem:v6+s24+$0x0], $0xffff  }
0xa5: {  	s31 =	sor.u32 $0x380, s22;
	[tilespmem:s1+$0x11000] =	vst v2  }
0xa6: {  	s0 =	sor.u32 $0x380, s6;
	[tilespmem:s31+$0x11000] =	vst v3  }
0xa7: {  	s3 =	sor.u32 $0x380, s28;
	[tilespmem:s0+$0x11000] =	vst v1  }
0xa8: {  	s4 =	sor.u32 $0x380, s5;
	[tilespmem:s3+$0x11000] =	vst v4  }
0xa9: {  	s5 =	simm.s32 $0x11000;
	[tilespmem:s4+$0x11000] =	vst v0  }
0xaa: {  	s6 =	simm.s32 $0x810;
	s7 =	simm.s32 $0x0;
	s0 =	rddreg [dreg:$0x6]  }
0xab: {  	[hbm4b:s0+s7] =	stream.linear.scatter [tilespmem:s5], [sflag:$0x3], $0x4000, $0x38;
	[tilespmem:$0x19000] =	vst v63  }
0xac: {  	v0 =	vld [tilespmem:s6+$0x0];
	_ =	sdelay $0x4  }
0xad: {  	v1 =	vshll.u32 v0, $0x3  }
0xae: {  	v0 =	vand.u32 $0x7F, v0;
	v1 =	vand.u32 $0xFFFFFC00, v1  }
0xaf: {  	v3 =	vor.u32 v0, v1  }
0xb0: {  	v0 =	vld [tilespmem:s6+$0xFFFFFFF0];
	_ =	sdelay $0x3  }
0xb1: {  	v1 =	vld.idx.msk [tilespmem:v3+s24+$0x0], $0xffff  }
0xb2: {  	v4 =	vor.u32 $0x80, v3;
	v2 =	vshll.u32 v0, $0x3  }
0xb3: {  	s9 =	simm.s32 $0x80;
	s8 =	simm.s32 $0x10;
	v0 =	vand.u32 $0x7F, v0;
	v2 =	vand.u32 $0xFFFFFC00, v2  }
0xb4: {  	s10 =	simm.s32 $0x830;
	s1 =	sand.u32 $0x70, s8;
	s3 =	sand.u32 $0xFFFFFC00, s9;
	v2 =	vor.u32 v0, v2  }
0xb5: {  	s1 =	sor.u32 s1, s3;
	v0 =	vld [tilespmem:s10+$0x0]  }
0xb6: {  	[tilespmem:s1+$0x15000] =	vst v1;
	v1 =	vld [tilespmem:s10+$0xFFFFFFF0]  }
0xb7: {  	v4 =	vld.idx.msk [tilespmem:v4+s24+$0x0], $0xffff  }
0xb8: {  	v5 =	vor.u32 $0x100, v3  }
0xb9: {  	v6 =	vld.idx.msk [tilespmem:v2+s24+$0x0], $0xffff  }
0xba: {  	v7 =	vor.u32 $0x80, v2;
	v8 =	vshll.u32 v0, $0x3  }
0xbb: {  	s11 =	simm.s32 $0x4000;
	s12 =	simm.s32 $0x800;
	s1 =	sadd.s32 $0x15000, s1;
	v0 =	vand.u32 $0x7F, v0;
	v8 =	vand.u32 $0xFFFFFC00, v8;
	v9 =	vshll.u32 v1, $0x3  }
0xbc: {  	s4 =	sand.u32 $0x60, s12;
	s3 =	sand.u32 $0x7C00, s11;
	v0 =	vor.u32 v0, v8;
	v1 =	vand.u32 $0x7F, v1;
	[tilespmem:s1+$0x80] =	vst v4;
	v4 =	vand.u32 $0xFFFFFC00, v9  }
0xbd: {  	s10 =	sor.u32 s4, s3;
	v5 =	vld.idx.msk [tilespmem:v5+s24+$0x0], $0xffff;
	v8 =	vor.u32 v1, v4  }
0xbe: {  	[tilespmem:s10+$0x11000] =	vst v6;
	v1 =	vor.u32 $0x180, v3  }
0xbf: {  	v4 =	vld.idx.msk [tilespmem:v7+s24+$0x0], $0xffff  }
0xc0: {  	v6 =	vor.u32 $0x100, v2  }
0xc1: {  	v7 =	vld.idx.msk [tilespmem:v0+s24+$0x0], $0xffff  }
0xc2: {  	s14 =	simm.s32 $0x180;
	v10 =	vor.u32 $0x80, v0;
	v9 =	vld.idx.msk [tilespmem:v8+s24+$0x0], $0xffff;
	[tilespmem:s1+$0x100] =	vst v5  }
0xc3: {  	s13 =	simm.s32 $0x30;
	s16 =	simm.s32 $0x820;
	s15 =	simm.s32 $0x850;
	v1 =	vld.idx.msk [tilespmem:v1+s24+$0x0], $0xffff  }
0xc4: {  	s12 =	simm.s32 $0x4100;
	v11 =	vor.u32 $0x200, v3;
	s3 =	sand.u32 $0x70, s13;
	s4 =	sand.u32 $0xFFFFFC00, s14;
	[tilespmem:s10+$0x11080] =	vst v4;
	v4 =	vld [tilespmem:s15+$0x0]  }
0xc5: {  	s17 =	sand.u32 $0x7C00, s12;
	s6 =	sand.u32 $0x60, s16;
	s3 =	sor.u32 s3, s4;
	v6 =	vld.idx.msk [tilespmem:v6+s24+$0x0], $0xffff  }
0xc6: {  	s11 =	sor.u32 s6, s17;
	v5 =	vor.u32 $0x80, v8;
	[tilespmem:s3+$0x15000] =	vst v7;
	v7 =	vld [tilespmem:s15+$0xFFFFFFF0]  }
0xc7: {  	v12 =	vor.u32 $0x180, v2;
	v10 =	vld.idx.msk [tilespmem:v10+s24+$0x0], $0xffff;
	[tilespmem:s11+$0x11000] =	vst v9  }
0xc8: {  	v9 =	vor.u32 $0x100, v0;
	[tilespmem:s1+$0x180] =	vst v1  }
0xc9: {  	v1 =	vshll.u32 v4, $0x3;
	v11 =	vld.idx.msk [tilespmem:v11+s24+$0x0], $0xffff  }
0xca: {  	v4 =	vand.u32 $0x7F, v4;
	[tilespmem:s10+$0x11100] =	vst v6;
	v1 =	vand.u32 $0xFFFFFC00, v1;
	v6 =	vor.u32 $0x280, v3  }
0xcb: {  	s19 =	sadd.s32 $0x15000, s3;
	v5 =	vld.idx.msk [tilespmem:v5+s24+$0x0], $0xffff;
	v14 =	vshll.u32 v7, $0x3;
	v1 =	vor.u32 v4, v1  }
0xcc: {  	v13 =	vor.u32 $0x100, v8;
	v7 =	vand.u32 $0x7F, v7;
	v12 =	vld.idx.msk [tilespmem:v12+s24+$0x0], $0xffff;
	[tilespmem:s19+$0x80] =	vst v10;
	v10 =	vand.u32 $0xFFFFFC00, v14  }
0xcd: {  	s21 =	simm.s32 $0x870;
	v10 =	vor.u32 v7, v10;
	v9 =	vld.idx.msk [tilespmem:v9+s24+$0x0], $0xffff  }
0xce: {  	v15 =	vld [tilespmem:s21+$0x0];
	v7 =	vor.u32 $0x180, v0;
	[tilespmem:s1+$0x200] =	vst v11  }
0xcf: {  	v4 =	vor.u32 $0x200, v2;
	v6 =	vld.idx.msk [tilespmem:v6+s24+$0x0], $0xffff  }
0xd0: {  	[tilespmem:s11+$0x11080] =	vst v5;
	v11 =	vld.idx.msk [tilespmem:v1+s24+$0x0], $0xffff  }
0xd1: {  	v5 =	vld.idx.msk [tilespmem:v13+s24+$0x0], $0xffff;
	[tilespmem:s10+$0x11180] =	vst v12;
	v12 =	vor.u32 $0x300, v3  }
0xd2: {  	s18 =	simm.s32 $0x50;
	s20 =	simm.s32 $0x280;
	v14 =	vor.u32 $0x80, v1;
	v13 =	vld.idx.msk [tilespmem:v10+s24+$0x0], $0xffff;
	[tilespmem:s19+$0x100] =	vst v9  }
0xd3: {  	s4 =	sand.u32 $0xFFFFFC00, s20;
	s3 =	sand.u32 $0x70, s18;
	v9 =	vor.u32 $0x80, v10;
	v7 =	vld.idx.msk [tilespmem:v7+s24+$0x0], $0xffff  }
0xd4: {  	s22 =	simm.s32 $0x840;
	s13 =	simm.s32 $0x4200;
	v16 =	vor.u32 $0x200, v0;
	s3 =	sor.u32 s3, s4;
	v4 =	vld.idx.msk [tilespmem:v4+s24+$0x0], $0xffff;
	[tilespmem:s1+$0x280] =	vst v6  }
0xd5: {  	s6 =	sand.u32 $0x60, s22;
	s23 =	sand.u32 $0x7C00, s13;
	v6 =	vor.u32 $0x180, v8;
	[tilespmem:s3+$0x15000] =	vst v11;
	v11 =	vld [tilespmem:s21+$0xFFFFFFF0]  }
0xd6: {  	v17 =	vor.u32 $0x280, v2;
	s14 =	sor.u32 s6, s23;
	v12 =	vld.idx.msk [tilespmem:v12+s24+$0x0], $0xffff  }
0xd7: {  	v3 =	vor.u32 $0x380, v3;
	v14 =	vld.idx.msk [tilespmem:v14+s24+$0x0], $0xffff;
	[tilespmem:s14+$0x11000] =	vst v13  }
0xd8: {  	v13 =	vor.u32 $0x100, v1;
	v9 =	vld.idx.msk [tilespmem:v9+s24+$0x0], $0xffff;
	[tilespmem:s19+$0x180] =	vst v7  }
0xd9: {  	[tilespmem:s11+$0x11100] =	vst v5;
	v7 =	vor.u32 $0x100, v10;
	v5 =	vld.idx.msk [tilespmem:v16+s24+$0x0], $0xffff;
	v16 =	vshll.u32 v15, $0x3  }
0xda: {  	[tilespmem:s10+$0x11200] =	vst v4;
	v4 =	vand.u32 $0x7F, v15;
	v15 =	vor.u32 $0x280, v0;
	v18 =	vld.idx.msk [tilespmem:v6+s24+$0x0], $0xffff;
	v6 =	vand.u32 $0xFFFFFC00, v16  }
0xdb: {  	s6 =	sadd.s32 $0x15000, s3;
	v16 =	vld.idx.msk [tilespmem:v17+s24+$0x0], $0xffff;
	[tilespmem:s1+$0x300] =	vst v12;
	v12 =	vshll.u32 v11, $0x3;
	v6 =	vor.u32 v4, v6  }
0xdc: {  	s26 =	sand.u32 $0x7, s7;
	v17 =	vor.u32 $0x200, v8;
	v4 =	vand.u32 $0x7F, v11;
	[tilespmem:s6+$0x80] =	vst v14;
	v21 =	vld.idx.msk [tilespmem:v3+s24+$0x0], $0xffff;
	v3 =	vand.u32 $0xFFFFFC00, v12  }
0xdd: {  	s1 =	sshll.u32 s26, $0x4;
	v14 =	vld.idx.msk [tilespmem:v13+s24+$0x0], $0xffff;
	[tilespmem:s14+$0x11080] =	vst v9;
	v23 =	vor.u32 v4, v3  }
0xde: {  	v27 =	vor.u32 $0x300, v2;
	v24 =	vor.u32 $0x180, v1;
	s28 =	sadd.s32 $0x4000, s1;
	v28 =	vld.idx.msk [tilespmem:v7+s24+$0x0], $0xffff;
	[tilespmem:s19+$0x200] =	vst v5  }
0xdf: {  	v11 =	vor.u32 $0x280, v10;
	v9 =	vor.u32 $0x280, v8;
	v13 =	vor.u32 $0x180, v10;
	s3 =	sadd.s32 $0xFFFFC090, s28;
	v19 =	vld.idx.msk [tilespmem:v15+s24+$0x0], $0xffff  }
0xe0: {  	v12 =	vor.u32 $0x200, v10;
	v26 =	vor.u32 $0x80, v6;
	v4 =	vor.u32 $0x380, v2;
	s29 =	sor.u32 $0x300, s3;
	[tilespmem:s11+$0x11180] =	vst v18;
	v22 =	vld.idx.msk [tilespmem:v6+s24+$0x0], $0xffff  }
0xe1: {  	s31 =	simm.s32 $0x380;
	v3 =	vor.u32 $0x380, v8;
	v7 =	vor.u32 $0x300, v10;
	v20 =	vld.idx.msk [tilespmem:v17+s24+$0x0], $0xffff;
	[tilespmem:s29+$0x15000] =	vst v21;
	v21 =	vor.u32 $0x300, v0  }
0xe2: {  	s8 =	simm.s32 $0x4300;
	s30 =	simm.s32 $0x70;
	s16 =	sand.u32 $0xFFFFFC00, s31;
	v2 =	vor.u32 $0x380, v10;
	v5 =	vor.u32 $0x300, v8;
	v8 =	vor.u32 $0x380, v23;
	[tilespmem:s6+$0x100] =	vst v14;
	v25 =	vld.idx.msk [tilespmem:v23+s24+$0x0], $0xffff  }
0xe3: {  	s15 =	sand.u32 $0x70, s30;
	s3 =	simm.s32 $0x860;
	v10 =	vor.u32 $0x300, v23;
	[tilespmem:s10+$0x11280] =	vst v16;
	v18 =	vor.u32 $0x80, v23;
	v15 =	vor.u32 $0x100, v23;
	v24 =	vld.idx.msk [tilespmem:v24+s24+$0x0], $0xffff  }
0xe4: {  	s4 =	simm.s32 $0x890;
	s1 =	simm.s32 $0x86;
	v16 =	vor.u32 $0x280, v23;
	s5 =	sand.u32 $0x60, s3;
	v17 =	vor.u32 $0x180, v23;
	v14 =	vor.u32 $0x200, v23;
	[tilespmem:s14+$0x11100] =	vst v28;
	v23 =	vld.idx.msk [tilespmem:v27+s24+$0x0], $0xffff  }
.LBB2_4:
0xe5: {  	v27 =	vld [tilespmem:s4+$0x0];
	s17 =	sand.u32 $0x7C00, s8;
	s16 =	sor.u32 s15, s16;
	v28 =	vor.u32 $0x200, v1;
	[tilespmem:s19+$0x280] =	vst v19;
	s15 =	smov.u32 s10  }
0xe6: {  	s1 =	sadd.s32 $0x2, s1;
	s10 =	smov.u32 s11;
	s5 =	sor.u32 s5, s17;
	[tilespmem:s16+$0x15000] =	vst v22;
	v19 =	vld.idx.msk [tilespmem:v21+s24+$0x0], $0xffff  }
0xe7: {  	s11 =	smov.u32 s14;
	p0 =	slt.u32 s1, $0xFE;
	v21 =	vld.idx.msk [tilespmem:v26+s24+$0x0], $0xffff;
	[tilespmem:s10+$0x11200] =	vst v20;
	s14 =	smov.u32 s5  }
0xe8: {  	v22 =	vor.u32 $0x380, v0;
	v0 =	vmov v1;
	v1 =	vmov v6;
	v20 =	vld [tilespmem:s4+$0xFFFFFFF0];
	[tilespmem:s14+$0x11000] =	vst v25  }
0xe9: {  	v25 =	vor.u32 $0x100, v1;
	v18 =	vld.idx.msk [tilespmem:v18+s24+$0x0], $0xffff;
	[tilespmem:s6+$0x180] =	vst v24  }
0xea: {  	v24 =	vld.idx.msk [tilespmem:v28+s24+$0x0], $0xffff;
	[tilespmem:s15+$0x11300] =	vst v23  }
0xeb: {  	v6 =	vshll.u32 v27, $0x3;
	v23 =	vld.idx.msk [tilespmem:v13+s24+$0x0], $0xffff;
	v13 =	vmov v17  }
0xec: {  	v26 =	vor.u32 $0x280, v0;
	v17 =	vand.u32 $0x7F, v27;
	v6 =	vand.u32 $0xFFFFFC00, v6;
	v27 =	vld.idx.msk [tilespmem:v9+s24+$0x0], $0xffff;
	[tilespmem:s19+$0x300] =	vst v19;
	v9 =	vmovc v11;
	v11 =	vmovc v16;
	s19 =	smov.u32 s6;
	s6 =	sadd.s32 $0x15000, s16  }
0xed: {  	s7 =	sadd.s32 $0x2, s7;
	v6 =	vor.u32 v17, v6;
	v16 =	vand.u32 $0x7F, v20;
	v19 =	vshll.u32 v20, $0x3;
	[tilespmem:s6+$0x80] =	vst v21;
	v28 =	vld.idx.msk [tilespmem:v22+s24+$0x0], $0xffff  }
0xee: {  	s5 =	sand.u32 $0x7, s7;
	v17 =	vand.u32 $0xFFFFFC00, v19;
	v29 =	vld.idx.msk [tilespmem:v25+s24+$0x0], $0xffff  }
0xef: {  	s5 =	sshll.u32 s5, $0x4;
	v25 =	vor.u32 v16, v17;
	[tilespmem:s14+$0x11080] =	vst v18;
	v30 =	vld.idx.msk [tilespmem:v4+s24+$0x0], $0xffff;
	v4 =	vmovc v3;
	v3 =	vmov v2;
	v2 =	vmov v8  }
0xf0: {  	v32 =	vor.u32 $0x180, v1;
	s5 =	sadd.s32 s12, s5;
	s12 =	smov.u32 s13;
	s13 =	smov.u32 s8;
	v18 =	vor.u32 $0x80, v25;
	v31 =	vld.idx.msk [tilespmem:v15+s24+$0x0], $0xffff;
	v15 =	vor.u32 $0x100, v25;
	[tilespmem:s19+$0x200] =	vst v24  }
0xf1: {  	s5 =	sadd.s32 $0xFFFFC090, s5;
	v17 =	vor.u32 $0x180, v25;
	v24 =	vor.u32 $0x200, v25;
	v16 =	vor.u32 $0x280, v25;
	[tilespmem:s11+$0x11180] =	vst v23;
	v19 =	vld.idx.msk [tilespmem:v26+s24+$0x0], $0xffff  }
.Ltmp1:
0xf2: {  	s5 =	sor.u32 $0x300, s5;
	v33 =	vor.u32 $0x300, v25;
	v8 =	vor.u32 $0x380, v25;
	v22 =	vld.idx.msk [tilespmem:v6+s24+$0x0], $0xffff;
	[tilespmem:s10+$0x11280] =	vst v27;
	(pc) =	sbr.rel @p0 .LBB2_4-.Ltmp1, $4  }
0xf3: {  	v21 =	vor.u32 $0x300, v0;
	v20 =	vld.idx.msk [tilespmem:v12+s24+$0x0], $0xffff;
	[tilespmem:s5+$0x15000] =	vst v28;
	v12 =	vmov v14;
	v14 =	vmov v24  }
0xf4: {  	s3 =	sadd.s32 $0x20, s3;
	s8 =	sadd.s32 $0x100, s8;
	v26 =	vor.u32 $0x80, v6;
	v25 =	vld.idx.msk [tilespmem:v25+s24+$0x0], $0xffff;
	[tilespmem:s6+$0x100] =	vst v29  }
0xf5: {  	s17 =	sadd.s32 $0xFFFFC080, s8;
	s16 =	sadd.s32 $0xFFFFF810, s3;
	s5 =	sand.u32 $0x60, s3;
	v24 =	vld.idx.msk [tilespmem:v32+s24+$0x0], $0xffff;
	[tilespmem:s15+$0x11380] =	vst v30  }
0xf6: {  	s4 =	sadd.s32 $0x20, s4;
	s15 =	sand.u32 $0x70, s16;
	s16 =	sand.u32 $0xFFFFFC00, s17;
	[tilespmem:s14+$0x11100] =	vst v31;
	v23 =	vld.idx.msk [tilespmem:v5+s24+$0x0], $0xffff;
	v5 =	vmov v7;
	v7 =	vmov v10;
	v10 =	vmov v33  }
0xf7: {  	_ =	sdelay $0x1  }
0xf8: {  	s3 =	sor.u32 s15, s16;
	s1 =	sand.u32 $0x7C00, s8  }
0xf9: {  	[tilespmem:s3+$0x15000] =	vst v22;
	s1 =	sor.u32 s5, s1  }
0xfa: {  	v22 =	vld.idx.msk [tilespmem:v26+s24+$0x0], $0xffff;
	[tilespmem:s1+$0x11000] =	vst v25  }
0xfb: {  	v60 =	vor.u32 $0x100, v6;
	v18 =	vld.idx.msk [tilespmem:v18+s24+$0x0], $0xffff;
	_ =	sdelay $0x2  }
0xfc: {  	s3 =	sadd.s32 $0x15000, s3  }
0xfd: {  	[tilespmem:s3+$0x80] =	vst v22  }
0xfe: {  	v22 =	vld.idx.msk [tilespmem:v60+s24+$0x0], $0xffff;
	[tilespmem:s1+$0x11080] =	vst v18  }
0xff: {  	v18 =	vor.u32 $0x180, v6;
	v15 =	vld.idx.msk [tilespmem:v15+s24+$0x0], $0xffff;
	_ =	sdelay $0x2  }
0x100: {  	v13 =	vld.idx.msk [tilespmem:v13+s24+$0x0], $0xffff  }
0x101: {  	[tilespmem:s3+$0x100] =	vst v22  }
0x102: {  	v61 =	vor.u32 $0x200, v1;
	v18 =	vld.idx.msk [tilespmem:v18+s24+$0x0], $0xffff;
	[tilespmem:s1+$0x11100] =	vst v15  }
0x103: {  	v15 =	vor.u32 $0x200, v6;
	v17 =	vld.idx.msk [tilespmem:v17+s24+$0x0], $0xffff  }
0x104: {  	[tilespmem:s19+$0x280] =	vst v19  }
0x105: {  	[tilespmem:s14+$0x11180] =	vst v13  }
0x106: {  	[tilespmem:s6+$0x180] =	vst v24;
	v12 =	vld.idx.msk [tilespmem:v12+s24+$0x0], $0xffff  }
0x107: {  	v19 =	vld.idx.msk [tilespmem:v61+s24+$0x0], $0xffff;
	[tilespmem:s3+$0x180] =	vst v18  }
0x108: {  	v62 =	vor.u32 $0x280, v1;
	v13 =	vld.idx.msk [tilespmem:v15+s24+$0x0], $0xffff;
	[tilespmem:s1+$0x11180] =	vst v17  }
0x109: {  	[tilespmem:s11+$0x11200] =	vst v20;
	v15 =	vor.u32 $0x280, v6;
	v14 =	vld.idx.msk [tilespmem:v14+s24+$0x0], $0xffff  }
0x10a: {  	[tilespmem:s10+$0x11300] =	vst v23;
	v17 =	vld.idx.msk [tilespmem:v21+s24+$0x0], $0xffff  }
0x10b: {  	v0 =	vor.u32 $0x380, v0;
	v9 =	vld.idx.msk [tilespmem:v9+s24+$0x0], $0xffff;
	[tilespmem:s14+$0x11200] =	vst v12  }
0x10c: {  	[tilespmem:s6+$0x200] =	vst v19;
	v11 =	vld.idx.msk [tilespmem:v11+s24+$0x0], $0xffff  }
0x10d: {  	v18 =	vld.idx.msk [tilespmem:v62+s24+$0x0], $0xffff;
	[tilespmem:s3+$0x200] =	vst v13  }
0x10e: {  	v19 =	vor.u32 $0x300, v1;
	v12 =	vld.idx.msk [tilespmem:v15+s24+$0x0], $0xffff;
	[tilespmem:s1+$0x11200] =	vst v14  }
0x10f: {  	s4 =	sadd.s32 $0x2, s7;
	v13 =	vor.u32 $0x300, v6;
	[tilespmem:s19+$0x300] =	vst v17;
	v14 =	vld.idx.msk [tilespmem:v16+s24+$0x0], $0xffff  }
0x110: {  	s7 =	sand.u32 $0x7, s4;
	[tilespmem:s11+$0x11280] =	vst v9;
	v0 =	vld.idx.msk [tilespmem:v0+s24+$0x0], $0xffff  }
0x111: {  	s5 =	sshll.u32 s7, $0x4;
	v5 =	vld.idx.msk [tilespmem:v5+s24+$0x0], $0xffff;
	[tilespmem:s14+$0x11280] =	vst v11  }
0x112: {  	s5 =	sadd.s32 s12, s5;
	v7 =	vld.idx.msk [tilespmem:v7+s24+$0x0], $0xffff;
	[tilespmem:s6+$0x280] =	vst v18  }
0x113: {  	s5 =	sadd.s32 $0xFFFFC090, s5;
	v9 =	vld.idx.msk [tilespmem:v19+s24+$0x0], $0xffff;
	[tilespmem:s3+$0x280] =	vst v12  }
0x114: {  	s5 =	sor.u32 $0x300, s5;
	v1 =	vor.u32 $0x380, v1;
	v11 =	vld.idx.msk [tilespmem:v13+s24+$0x0], $0xffff;
	[tilespmem:s1+$0x11280] =	vst v14  }
0x115: {  	v6 =	vor.u32 $0x380, v6;
	[tilespmem:s5+$0x15000] =	vst v0;
	v0 =	vld.idx.msk [tilespmem:v10+s24+$0x0], $0xffff  }
0x116: {  	v4 =	vld.idx.msk [tilespmem:v4+s24+$0x0], $0xffff;
	[tilespmem:s11+$0x11300] =	vst v5  }
0x117: {  	v3 =	vld.idx.msk [tilespmem:v3+s24+$0x0], $0xffff;
	[tilespmem:s14+$0x11300] =	vst v7  }
0x118: {  	s4 =	sadd.s32 $0x2, s4;
	v2 =	vld.idx.msk [tilespmem:v2+s24+$0x0], $0xffff;
	[tilespmem:s6+$0x300] =	vst v9  }
0x119: {  	s9 =	sand.u32 $0x7, s4;
	s12 =	sadd.s32 $0x2, s4;
	v1 =	vld.idx.msk [tilespmem:v1+s24+$0x0], $0xffff;
	[tilespmem:s3+$0x300] =	vst v11  }
0x11a: {  	s5 =	sshll.u32 s9, $0x4;
	s3 =	sand.u32 $0x7, s12;
	v5 =	vld.idx.msk [tilespmem:v6+s24+$0x0], $0xffff;
	[tilespmem:s1+$0x11300] =	vst v0  }
0x11b: {  	[tilespmem:s10+$0x11380] =	vst v4;
	s13 =	sadd.s32 s13, s5;
	s3 =	sshll.u32 s3, $0x4;
	v0 =	vld.idx.msk [tilespmem:v8+s24+$0x0], $0xffff  }
0x11c: {  	[tilespmem:s11+$0x11380] =	vst v3;
	s4 =	sadd.s32 $0xFFFFC090, s13;
	s3 =	sadd.s32 s8, s3  }
0x11d: {  	[tilespmem:s14+$0x11380] =	vst v2;
	s4 =	sor.u32 $0x300, s4;
	s3 =	sadd.s32 $0xFFFFC090, s3  }
0x11e: {  	[tilespmem:s4+$0x15000] =	vst v1;
	s3 =	sor.u32 $0x300, s3  }
0x11f: {  	[tilespmem:s3+$0x15000] =	vst v5  }
0x120: {  	[tilespmem:s1+$0x11380] =	vst v0  }
0x121: {  	s15 =	simm.s32 $0x15000;
	s1 =	simm.s32 $0x0;
	s0 =	rddreg [dreg:$0x8]  }
0x122: {  	[hbm4b:s0+s1] =	stream.linear.scatter [tilespmem:s15], [sflag:$0x4], $0x4000, $0x38;
	[tilespmem:$0x19000] =	vst v63  }
0x123: {  	s17 =	simm.s32 $0x2;
	s16 =	rddreg [dreg:$0x9]  }
0x124: {  	[tilespmem:s24], [sflag:$0x1] =	stream.linear.gather [hbm4b:s16+s1], $0x8000, $0x38;
	[tilespmem:$0x19000] =	vst v63  }
0x125: {  	_ =	swait.ge [sflag:s17], $0x8000  }
0x126: {  	[sflag:s17] =	ssyncset.done $0x0  }
0x127: {  	s18 =	simm.s32 $0x3;
	[sflag:s17] =	ssyncadd.s32 $0xFFFF8000  }
0x128: {  	s19 =	sand.u32 $0x60, s1;
	_ =	swait.ge [sflag:s18], $0x4000  }
0x129: {  	s21 =	sand.u32 $0x780, s1;
	s20 =	sor.u32 $0x10, s19;
	[sflag:s18] =	ssyncset.done $0x0  }
0x12a: {  	s5 =	sor.u32 s20, s21;
	[sflag:s18] =	ssyncadd.s32 $0xFFFFC000  }
0x12b: {  	v0 =	vld [tilespmem:s5+$0x0];
	_ =	sdelay $0x3  }
0x12c: {  	v2 =	vld [tilespmem:s1+$0x0]  }
0x12d: {  	v1 =	vshll.u32 v0, $0x3  }
0x12e: {  	v0 =	vand.u32 $0x7F, v0;
	v1 =	vand.u32 $0xFFFFFC00, v1  }
0x12f: {  	s22 =	simm.s32 $0x20;
	v5 =	vor.u32 v0, v1  }
0x130: {  	s23 =	sand.u32 $0x60, s22  }
0x131: {  	s28 =	sand.u32 $0x780, s22;
	s26 =	sor.u32 $0x10, s23;
	v0 =	vshll.u32 v2, $0x3  }
0x132: {  	s8 =	sor.u32 s26, s28;
	v1 =	vand.u32 $0x7F, v2;
	v0 =	vand.u32 $0xFFFFFC00, v0  }
0x133: {  	v6 =	vor.u32 v1, v0;
	v0 =	vld [tilespmem:s8+$0x0]  }
0x134: {  	v2 =	vld.idx.msk [tilespmem:v5+s25+$0x0], $0xffff  }
0x135: {  	v1 =	vor.u32 $0x80, v5  }
0x136: {  	s29 =	sand.u32 $0x3C00, s1  }
0x137: {  	s8 =	sadd.s32 $0x11000, s29  }
0x138: {  	s3 =	sor.u32 s20, s8;
	v3 =	vld.idx.msk [tilespmem:v6+s25+$0x0], $0xffff  }
0x139: {  	v4 =	vor.u32 $0x80, v6;
	[tilespmem:s3+$0x0] =	vst v2;
	v2 =	vshll.u32 v0, $0x3  }
0x13a: {  	v0 =	vand.u32 $0x7F, v0;
	v7 =	vld.idx.msk [tilespmem:v1+s25+$0x0], $0xffff;
	v1 =	vand.u32 $0xFFFFFC00, v2  }
0x13b: {  	v1 =	vor.u32 v0, v1;
	v0 =	vld [tilespmem:s22+$0x0]  }
0x13c: {  	s30 =	sor.u32 s19, s8  }
0x13d: {  	s31 =	simm.s32 $0x40;
	v2 =	vor.u32 $0x100, v5;
	[tilespmem:s30+$0x0] =	vst v3  }
0x13e: {  	s0 =	sand.u32 $0x60, s31;
	v3 =	vld.idx.msk [tilespmem:v4+s25+$0x0], $0xffff  }
0x13f: {  	s15 =	sand.u32 $0x780, s31;
	s9 =	sor.u32 $0x10, s0;
	v8 =	vor.u32 $0x100, v6  }
0x140: {  	s12 =	sor.u32 s9, s15;
	[tilespmem:s3+$0x80] =	vst v7;
	v7 =	vld.idx.msk [tilespmem:v1+s25+$0x0], $0xffff;
	v4 =	vshll.u32 v0, $0x3  }
0x141: {  	s11 =	simm.s32 $0x100;
	v10 =	vld [tilespmem:s12+$0x0];
	v9 =	vor.u32 $0x80, v1;
	v0 =	vand.u32 $0x7F, v0;
	v4 =	vand.u32 $0xFFFFFC00, v4  }
0x142: {  	s16 =	sand.u32 $0x3C00, s11;
	v2 =	vld.idx.msk [tilespmem:v2+s25+$0x0], $0xffff;
	v4 =	vor.u32 v0, v4  }
0x143: {  	s12 =	sadd.s32 $0x11000, s16;
	[tilespmem:s30+$0x80] =	vst v3;
	v0 =	vor.u32 $0x180, v5  }
0x144: {  	s14 =	sor.u32 s26, s12;
	v3 =	vld.idx.msk [tilespmem:v8+s25+$0x0], $0xffff  }
0x145: {  	[tilespmem:s14+$0x0] =	vst v7;
	v7 =	vor.u32 $0x180, v6  }
0x146: {  	v8 =	vld.idx.msk [tilespmem:v9+s25+$0x0], $0xffff  }
0x147: {  	v11 =	vor.u32 $0x100, v1;
	[tilespmem:s3+$0x100] =	vst v2;
	v2 =	vshll.u32 v10, $0x3;
	v9 =	vld.idx.msk [tilespmem:v4+s25+$0x0], $0xffff  }
0x148: {  	v13 =	vor.u32 $0x80, v4;
	v2 =	vand.u32 $0xFFFFFC00, v2;
	v12 =	vld.idx.msk [tilespmem:v0+s25+$0x0], $0xffff;
	v0 =	vand.u32 $0x7F, v10  }
0x149: {  	[tilespmem:s30+$0x100] =	vst v3;
	v0 =	vor.u32 v0, v2;
	v2 =	vld [tilespmem:s31+$0x0]  }
0x14a: {  	v3 =	vor.u32 $0x200, v5;
	v7 =	vld.idx.msk [tilespmem:v7+s25+$0x0], $0xffff  }
0x14b: {  	s19 =	sor.u32 s23, s12;
	[tilespmem:s14+$0x80] =	vst v8;
	v8 =	vor.u32 $0x200, v6  }
0x14c: {  	[tilespmem:s19+$0x0] =	vst v9;
	v9 =	vld.idx.msk [tilespmem:v11+s25+$0x0], $0xffff  }
0x14d: {  	s17 =	simm.s32 $0x60;
	v11 =	vor.u32 $0x180, v1;
	v10 =	vld.idx.msk [tilespmem:v13+s25+$0x0], $0xffff  }
0x14e: {  	s21 =	sand.u32 $0x60, s17;
	v14 =	vor.u32 $0x100, v4;
	[tilespmem:s3+$0x180] =	vst v12;
	v12 =	vld.idx.msk [tilespmem:v0+s25+$0x0], $0xffff;
	v13 =	vshll.u32 v2, $0x3  }
0x14f: {  	s7 =	simm.s32 $0x200;
	s18 =	sor.u32 $0x10, s21;
	s20 =	sand.u32 $0x780, s17;
	v15 =	vor.u32 $0x80, v0;
	v3 =	vld.idx.msk [tilespmem:v3+s25+$0x0], $0xffff;
	v2 =	vand.u32 $0x7F, v2;
	v13 =	vand.u32 $0xFFFFFC00, v13;
	[tilespmem:s30+$0x180] =	vst v7  }
0x150: {  	s10 =	sor.u32 s18, s20;
	s22 =	sand.u32 $0x3C00, s7;
	v2 =	vor.u32 v2, v13;
	v7 =	vld.idx.msk [tilespmem:v8+s25+$0x0], $0xffff  }
0x151: {  	s13 =	sadd.s32 $0x11000, s22;
	v8 =	vld [tilespmem:s10+$0x0];
	[tilespmem:s14+$0x100] =	vst v9;
	v9 =	vor.u32 $0x280, v6  }
0x152: {  	s10 =	sor.u32 s9, s13;
	[tilespmem:s19+$0x80] =	vst v10;
	v10 =	vld.idx.msk [tilespmem:v11+s25+$0x0], $0xffff;
	v11 =	vor.u32 $0x280, v5  }
0x153: {  	[tilespmem:s10+$0x0] =	vst v12;
	v12 =	vld.idx.msk [tilespmem:v14+s25+$0x0], $0xffff  }
0x154: {  	v13 =	vor.u32 $0x200, v1;
	v14 =	vld.idx.msk [tilespmem:v15+s25+$0x0], $0xffff  }
0x155: {  	v16 =	vor.u32 $0x180, v4;
	v15 =	vld.idx.msk [tilespmem:v2+s25+$0x0], $0xffff;
	[tilespmem:s30+$0x200] =	vst v7  }
0x156: {  	[tilespmem:s3+$0x200] =	vst v3;
	v3 =	vshll.u32 v8, $0x3;
	v7 =	vor.u32 $0x100, v0;
	v9 =	vld.idx.msk [tilespmem:v9+s25+$0x0], $0xffff  }
0x157: {  	v17 =	vor.u32 $0x80, v2;
	v8 =	vand.u32 $0x7F, v8;
	v3 =	vand.u32 $0xFFFFFC00, v3;
	[tilespmem:s14+$0x180] =	vst v10;
	v10 =	vld.idx.msk [tilespmem:v11+s25+$0x0], $0xffff  }
0x158: {  	v3 =	vor.u32 v8, v3;
	v11 =	vld [tilespmem:s17+$0x0]  }
0x159: {  	v8 =	vld.idx.msk [tilespmem:v13+s25+$0x0], $0xffff;
	[tilespmem:s19+$0x100] =	vst v12;
	v12 =	vor.u32 $0x300, v5  }
0x15a: {  	s13 =	sor.u32 s0, s13;
	[tilespmem:s10+$0x80] =	vst v14;
	v13 =	vor.u32 $0x300, v6;
	v14 =	vld.idx.msk [tilespmem:v16+s25+$0x0], $0xffff  }
0x15b: {  	[tilespmem:s13+$0x0] =	vst v15;
	v7 =	vld.idx.msk [tilespmem:v7+s25+$0x0], $0xffff  }
0x15c: {  	s4 =	simm.s32 $0x80;
	v16 =	vor.u32 $0x200, v4;
	v15 =	vld.idx.msk [tilespmem:v17+s25+$0x0], $0xffff  }
0x15d: {  	s22 =	sand.u32 $0x60, s4;
	v18 =	vor.u32 $0x180, v0;
	v17 =	vld.idx.msk [tilespmem:v3+s25+$0x0], $0xffff;
	[tilespmem:s3+$0x280] =	vst v10  }
0x15e: {  	s23 =	sand.u32 $0x780, s4;
	[tilespmem:s30+$0x280] =	vst v9;
	v9 =	vor.u32 $0x100, v2;
	s3 =	sor.u32 $0x10, s22;
	v10 =	vld.idx.msk [tilespmem:v12+s25+$0x0], $0xffff  }
0x15f: {  	s1 =	sand.u32 $0x3, s1;
	s12 =	simm.s32 $0x300;
	s26 =	sor.u32 s3, s23;
	v12 =	vor.u32 $0x80, v3;
	v13 =	vld.idx.msk [tilespmem:v13+s25+$0x0], $0xffff  }
0x160: {  	s1 =	sshll.u32 s1, $0x5;
	v63 =	vor.u32 $0x380, v5;
	s28 =	sand.u32 $0x3C00, s12;
	v19 =	vshll.u32 v11, $0x3;
	v20 =	vld [tilespmem:s26+$0x0];
	[tilespmem:s19+$0x180] =	vst v14  }
0x161: {  	s16 =	sadd.s32 $0x11000, s28;
	v6 =	vor.u32 $0x380, v6;
	v11 =	vand.u32 $0x7F, v11;
	v5 =	vand.u32 $0xFFFFFC00, v19;
	s23 =	sadd.s32 $0x0, s1;
	[tilespmem:s10+$0x100] =	vst v7;
	v7 =	vld.idx.msk [tilespmem:v16+s25+$0x0], $0xffff  }
0x162: {  	s8 =	sor.u32 s18, s16;
	v5 =	vor.u32 v11, v5;
	s26 =	sadd.s32 $0x10, s23;
	[tilespmem:s13+$0x80] =	vst v15;
	v16 =	vld.idx.msk [tilespmem:v18+s25+$0x0], $0xffff  }
0x163: {  	v19 =	vor.u32 $0x280, v4;
	s29 =	sor.u32 $0x300, s26;
	v14 =	vld.idx.msk [tilespmem:v9+s25+$0x0], $0xffff;
	[tilespmem:s8+$0x0] =	vst v17  }
0x164: {  	s30 =	sor.u32 $0x300, s23;
	v17 =	vor.u32 $0x280, v1;
	v15 =	vld.idx.msk [tilespmem:v12+s25+$0x0], $0xffff;
	[tilespmem:s29+$0x11000] =	vst v10  }
0x165: {  	v18 =	vor.u32 $0x200, v0;
	[tilespmem:s30+$0x11000] =	vst v13;
	v12 =	vld.idx.msk [tilespmem:v63+s25+$0x0], $0xffff  }
0x166: {  	s6 =	simm.s32 $0x2;
	[tilespmem:s14+$0x200] =	vst v8;
	v11 =	vld.idx.msk [tilespmem:v6+s25+$0x0], $0xffff  }
0x167: {  	s15 =	simm.s32 $0x8;
	s20 =	simm.s32 $0x400;
	s31 =	simm.s32 $0x1;
	v8 =	vor.u32 $0x80, v5;
	v10 =	vor.u32 $0x180, v2;
	v9 =	vshll.u32 v20, $0x3;
	v13 =	vld.idx.msk [tilespmem:v5+s25+$0x0], $0xffff;
	[tilespmem:s19+$0x200] =	vst v7  }
0x168: {  	s18 =	simm.s32 $0xA0;
	s17 =	simm.s32 $0xA0;
	s1 =	sand.u32 $0x3, s31;
	v6 =	vand.u32 $0x7F, v20;
	v7 =	vand.u32 $0xFFFFFC00, v9;
	v9 =	vor.u32 $0x100, v3;
	[tilespmem:s10+$0x180] =	vst v16;
	v16 =	vld.idx.msk [tilespmem:v19+s25+$0x0], $0xffff  }
.LBB2_6:
0x169: {  	s28 =	sand.u32 $0x60, s17;
	s15 =	sadd.s32 $0x2, s15;
	[tilespmem:s13+$0x100] =	vst v14;
	v14 =	vld.idx.msk [tilespmem:v17+s25+$0x0], $0xffff;
	s23 =	sor.u32 $0x380, s23  }
0x16a: {  	s29 =	sand.u32 $0x780, s17;
	v6 =	vor.u32 v6, v7;
	s26 =	sor.u32 $0x380, s26;
	s5 =	sor.u32 $0x10, s28;
	[tilespmem:s8+$0x80] =	vst v15;
	v7 =	vld.idx.msk [tilespmem:v18+s25+$0x0], $0xffff  }
0x16b: {  	s30 =	sand.u32 $0x3, s6;
	v17 =	vor.u32 $0x300, v4;
	p0 =	slt.u32 s15, $0x7E;
	v18 =	vor.u32 $0x300, v1;
	s29 =	sor.u32 s5, s29;
	v15 =	vld [tilespmem:s4+$0x0];
	[tilespmem:s26+$0x11000] =	vst v12  }
0x16c: {  	s16 =	sor.u32 s21, s16;
	s21 =	smov.u32 s22;
	s22 =	smov.u32 s28;
	v10 =	vld.idx.msk [tilespmem:v10+s25+$0x0], $0xffff;
	[tilespmem:s23+$0x11000] =	vst v11  }
0x16d: {  	s4 =	smov.u32 s18;
	[tilespmem:s16+$0x0] =	vst v13;
	v9 =	vld.idx.msk [tilespmem:v9+s25+$0x0], $0xffff  }
0x16e: {  	v11 =	vor.u32 $0x200, v2;
	v8 =	vld.idx.msk [tilespmem:v8+s25+$0x0], $0xffff;
	[tilespmem:s19+$0x280] =	vst v16;
	s19 =	smov.u32 s13;
	s13 =	smov.u32 s16  }
0x16f: {  	v13 =	vor.u32 $0x180, v3;
	v12 =	vld.idx.msk [tilespmem:v6+s25+$0x0], $0xffff;
	[tilespmem:s14+$0x280] =	vst v14;
	s14 =	smov.u32 s10;
	s10 =	smov.u32 s8  }
0x170: {  	v16 =	vor.u32 $0x100, v5;
	v14 =	vshll.u32 v15, $0x3;
	[tilespmem:s14+$0x200] =	vst v7;
	v7 =	vld.idx.msk [tilespmem:v18+s25+$0x0], $0xffff  }
0x171: {  	v18 =	vor.u32 $0x80, v6;
	v14 =	vand.u32 $0xFFFFFC00, v14;
	v19 =	vld.idx.msk [tilespmem:v17+s25+$0x0], $0xffff  }
0x172: {  	v21 =	vor.u32 $0x380, v1;
	v1 =	vmovc v0;
	v0 =	vmovc v3;
	s23 =	sshll.u32 s1, $0x5;
	s1 =	smov.u32 s30;
	v3 =	vmov v6;
	s8 =	sand.u32 $0x3C00, s20;
	v20 =	vld [tilespmem:s29+$0x0];
	[tilespmem:s19+$0x180] =	vst v10;
	v10 =	vor.u32 $0x380, v4  }
0x173: {  	s23 =	sadd.s32 s23, s11;
	s11 =	smov.u32 s7;
	v6 =	vand.u32 $0x7F, v15;
	s16 =	sadd.s32 $0x11000, s8;
	v4 =	vmov v2;
	v2 =	vmov v5;
	[tilespmem:s10+$0x100] =	vst v9;
	v9 =	vld.idx.msk [tilespmem:v11+s25+$0x0], $0xffff  }
0x174: {  	s26 =	sadd.s32 $0x10, s23;
	s8 =	sor.u32 s3, s16;
	s3 =	smov.u32 s5;
	v5 =	vor.u32 v6, v14;
	[tilespmem:s13+$0x80] =	vst v8;
	v22 =	vld.idx.msk [tilespmem:v13+s25+$0x0], $0xffff  }
0x175: {  	s7 =	smov.u32 s12;
	s28 =	sor.u32 $0x300, s26;
	s5 =	sor.u32 $0x300, s23;
	v8 =	vor.u32 $0x80, v5;
	[tilespmem:s8+$0x0] =	vst v12;
	v14 =	vld.idx.msk [tilespmem:v16+s25+$0x0], $0xffff;
	v16 =	vor.u32 $0x280, v4  }
.Ltmp2:
0x176: {  	s12 =	smov.u32 s20;
	v17 =	vor.u32 $0x280, v1;
	v15 =	vld.idx.msk [tilespmem:v18+s25+$0x0], $0xffff;
	[tilespmem:s28+$0x11000] =	vst v7;
	(pc) =	sbr.rel @p0 .LBB2_6-.Ltmp2, $4  }
0x177: {  	v18 =	vor.u32 $0x200, v0;
	v6 =	vand.u32 $0x7F, v20;
	v7 =	vshll.u32 v20, $0x3;
	[tilespmem:s5+$0x11000] =	vst v19;
	v12 =	vld.idx.msk [tilespmem:v21+s25+$0x0], $0xffff  }
0x178: {  	v7 =	vand.u32 $0xFFFFFC00, v7;
	v11 =	vld.idx.msk [tilespmem:v10+s25+$0x0], $0xffff  }
0x179: {  	s6 =	sadd.s32 $0x1, s6;
	v10 =	vor.u32 $0x180, v2;
	v13 =	vld.idx.msk [tilespmem:v5+s25+$0x0], $0xffff;
	[tilespmem:s19+$0x200] =	vst v9  }
0x17a: {  	s17 =	sadd.s32 $0x20, s17;
	s18 =	sadd.s32 $0x20, s18;
	s20 =	sadd.s32 $0x100, s20;
	v9 =	vor.u32 $0x100, v3;
	[tilespmem:s10+$0x180] =	vst v22;
	v16 =	vld.idx.msk [tilespmem:v16+s25+$0x0], $0xffff  }
0x17b: {  	v19 =	vld [tilespmem:s4+$0x0];
	_ =	sdelay $0x4  }
0x17c: {  	v20 =	vshll.u32 v19, $0x3  }
0x17d: {  	v7 =	vor.u32 v6, v7;
	v19 =	vand.u32 $0x7F, v19;
	v6 =	vand.u32 $0xFFFFFC00, v20  }
0x17e: {  	v6 =	vor.u32 v19, v6;
	_ =	sdelay $0x3  }
0x17f: {  	[tilespmem:s13+$0x100] =	vst v14;
	v14 =	vld.idx.msk [tilespmem:v7+s25+$0x0], $0xffff  }
0x180: {  	[tilespmem:s8+$0x80] =	vst v15;
	s29 =	sor.u32 $0x380, s26;
	v15 =	vor.u32 $0x80, v7;
	v19 =	vld.idx.msk [tilespmem:v6+s25+$0x0], $0xffff  }
0x181: {  	s5 =	sor.u32 $0x380, s23;
	s30 =	sand.u32 $0x3C00, s20;
	[tilespmem:s29+$0x11000] =	vst v12;
	v12 =	vor.u32 $0x80, v6  }
0x182: {  	v17 =	vld.idx.msk [tilespmem:v17+s25+$0x0], $0xffff;
	s15 =	sor.u32 s21, s16;
	s31 =	sadd.s32 $0x11000, s30;
	[tilespmem:s5+$0x11000] =	vst v11  }
0x183: {  	v11 =	vld.idx.msk [tilespmem:v18+s25+$0x0], $0xffff;
	s4 =	sor.u32 s3, s31;
	[tilespmem:s15+$0x0] =	vst v13  }
0x184: {  	s0 =	sor.u32 s22, s31;
	v13 =	vor.u32 $0x300, v1;
	v8 =	vld.idx.msk [tilespmem:v8+s25+$0x0], $0xffff;
	[tilespmem:s4+$0x0] =	vst v14  }
0x185: {  	v14 =	vor.u32 $0x100, v5;
	v15 =	vld.idx.msk [tilespmem:v15+s25+$0x0], $0xffff;
	[tilespmem:s0+$0x0] =	vst v19  }
0x186: {  	[tilespmem:s19+$0x280] =	vst v16;
	v16 =	vor.u32 $0x100, v7;
	v12 =	vld.idx.msk [tilespmem:v12+s25+$0x0], $0xffff  }
0x187: {  	v10 =	vld.idx.msk [tilespmem:v10+s25+$0x0], $0xffff;
	[tilespmem:s14+$0x280] =	vst v17;
	v17 =	vor.u32 $0x100, v6  }
0x188: {  	v9 =	vld.idx.msk [tilespmem:v9+s25+$0x0], $0xffff;
	[tilespmem:s10+$0x200] =	vst v11;
	v11 =	vor.u32 $0x200, v2  }
0x189: {  	v18 =	vor.u32 $0x300, v4;
	v13 =	vld.idx.msk [tilespmem:v13+s25+$0x0], $0xffff;
	[tilespmem:s15+$0x80] =	vst v8  }
0x18a: {  	s1 =	sshll.u32 s1, $0x5;
	v8 =	vor.u32 $0x180, v3;
	v14 =	vld.idx.msk [tilespmem:v14+s25+$0x0], $0xffff;
	[tilespmem:s4+$0x80] =	vst v15  }
0x18b: {  	s1 =	sadd.s32 s1, s11;
	v15 =	vor.u32 $0x180, v5;
	v16 =	vld.idx.msk [tilespmem:v16+s25+$0x0], $0xffff;
	[tilespmem:s0+$0x80] =	vst v12  }
0x18c: {  	s9 =	sadd.s32 $0x10, s1;
	[tilespmem:s13+$0x180] =	vst v10;
	v10 =	vor.u32 $0x180, v7;
	v12 =	vld.idx.msk [tilespmem:v17+s25+$0x0], $0xffff  }
0x18d: {  	s14 =	sor.u32 $0x300, s9;
	[tilespmem:s8+$0x100] =	vst v9;
	v9 =	vor.u32 $0x180, v6;
	v11 =	vld.idx.msk [tilespmem:v11+s25+$0x0], $0xffff  }
0x18e: {  	v1 =	vor.u32 $0x380, v1;
	[tilespmem:s14+$0x11000] =	vst v13;
	v17 =	vld.idx.msk [tilespmem:v18+s25+$0x0], $0xffff  }
0x18f: {  	v4 =	vor.u32 $0x380, v4;
	v8 =	vld.idx.msk [tilespmem:v8+s25+$0x0], $0xffff;
	[tilespmem:s15+$0x100] =	vst v14  }
0x190: {  	v13 =	vor.u32 $0x200, v3;
	v14 =	vld.idx.msk [tilespmem:v15+s25+$0x0], $0xffff;
	[tilespmem:s4+$0x100] =	vst v16  }
0x191: {  	v15 =	vor.u32 $0x200, v5;
	v10 =	vld.idx.msk [tilespmem:v10+s25+$0x0], $0xffff;
	[tilespmem:s0+$0x100] =	vst v12  }
0x192: {  	s16 =	sor.u32 $0x300, s1;
	[tilespmem:s13+$0x200] =	vst v11;
	v12 =	vor.u32 $0x200, v7;
	v9 =	vld.idx.msk [tilespmem:v9+s25+$0x0], $0xffff  }
0x193: {  	v1 =	vld.idx.msk [tilespmem:v1+s25+$0x0], $0xffff;
	v11 =	vor.u32 $0x200, v6;
	[tilespmem:s16+$0x11000] =	vst v17  }
0x194: {  	[tilespmem:s8+$0x180] =	vst v8;
	v16 =	vor.u32 $0x280, v0;
	v4 =	vld.idx.msk [tilespmem:v4+s25+$0x0], $0xffff  }
0x195: {  	v8 =	vor.u32 $0x280, v2;
	v13 =	vld.idx.msk [tilespmem:v13+s25+$0x0], $0xffff;
	[tilespmem:s15+$0x180] =	vst v14  }
0x196: {  	v14 =	vld.idx.msk [tilespmem:v15+s25+$0x0], $0xffff;
	v15 =	vor.u32 $0x280, v3;
	[tilespmem:s4+$0x180] =	vst v10  }
0x197: {  	s5 =	sor.u32 $0x380, s9;
	v10 =	vor.u32 $0x280, v5;
	v12 =	vld.idx.msk [tilespmem:v12+s25+$0x0], $0xffff;
	[tilespmem:s0+$0x180] =	vst v9  }
0x198: {  	s1 =	sor.u32 $0x380, s1;
	[tilespmem:s5+$0x11000] =	vst v1;
	v9 =	vor.u32 $0x280, v7;
	v1 =	vld.idx.msk [tilespmem:v11+s25+$0x0], $0xffff  }
0x199: {  	[tilespmem:s1+$0x11000] =	vst v4;
	v4 =	vor.u32 $0x280, v6;
	v11 =	vld.idx.msk [tilespmem:v16+s25+$0x0], $0xffff  }
0x19a: {  	v8 =	vld.idx.msk [tilespmem:v8+s25+$0x0], $0xffff;
	[tilespmem:s8+$0x200] =	vst v13;
	v16 =	vor.u32 $0x300, v0  }
0x19b: {  	v13 =	vor.u32 $0x300, v2;
	[tilespmem:s15+$0x200] =	vst v14;
	v14 =	vld.idx.msk [tilespmem:v15+s25+$0x0], $0xffff  }
0x19c: {  	v15 =	vor.u32 $0x300, v3;
	v10 =	vld.idx.msk [tilespmem:v10+s25+$0x0], $0xffff;
	[tilespmem:s4+$0x200] =	vst v12  }
0x19d: {  	v12 =	vor.u32 $0x300, v5;
	[tilespmem:s0+$0x200] =	vst v1;
	v1 =	vld.idx.msk [tilespmem:v9+s25+$0x0], $0xffff  }
0x19e: {  	[tilespmem:s10+$0x280] =	vst v11;
	v9 =	vor.u32 $0x300, v7;
	v4 =	vld.idx.msk [tilespmem:v4+s25+$0x0], $0xffff  }
0x19f: {  	s17 =	sand.u32 $0x3, s6;
	[tilespmem:s13+$0x280] =	vst v8;
	v11 =	vor.u32 $0x300, v6;
	v8 =	vld.idx.msk [tilespmem:v16+s25+$0x0], $0xffff  }
0x1a0: {  	s18 =	sadd.s32 $0x1, s6;
	v13 =	vld.idx.msk [tilespmem:v13+s25+$0x0], $0xffff;
	s1 =	sshll.u32 s17, $0x5;
	v0 =	vor.u32 $0x380, v0;
	[tilespmem:s8+$0x280] =	vst v14  }
0x1a1: {  	s6 =	sand.u32 $0x3, s18;
	v2 =	vor.u32 $0x380, v2;
	s1 =	sadd.s32 s1, s7;
	[tilespmem:s15+$0x280] =	vst v10;
	v10 =	vld.idx.msk [tilespmem:v15+s25+$0x0], $0xffff  }
0x1a2: {  	s6 =	sshll.u32 s6, $0x5;
	s5 =	sadd.s32 $0x1, s18;
	v3 =	vor.u32 $0x380, v3;
	s7 =	sadd.s32 $0x10, s1;
	v12 =	vld.idx.msk [tilespmem:v12+s25+$0x0], $0xffff;
	[tilespmem:s4+$0x280] =	vst v1  }
0x1a3: {  	s6 =	sadd.s32 s6, s12;
	s5 =	sand.u32 $0x3, s5;
	s19 =	sor.u32 $0x300, s7;
	v1 =	vor.u32 $0x380, v5;
	[tilespmem:s0+$0x280] =	vst v4;
	v4 =	vld.idx.msk [tilespmem:v9+s25+$0x0], $0xffff  }
0x1a4: {  	s22 =	sadd.s32 $0x10, s6;
	s5 =	sshll.u32 s5, $0x5;
	s21 =	sor.u32 $0x300, s1;
	v7 =	vor.u32 $0x380, v7;
	[tilespmem:s19+$0x11000] =	vst v8;
	v5 =	vld.idx.msk [tilespmem:v11+s25+$0x0], $0xffff  }
0x1a5: {  	s23 =	sor.u32 $0x300, s22;
	s5 =	sadd.s32 s5, s20;
	[tilespmem:s21+$0x11000] =	vst v13;
	v6 =	vor.u32 $0x380, v6;
	v0 =	vld.idx.msk [tilespmem:v0+s25+$0x0], $0xffff  }
0x1a6: {  	s26 =	sor.u32 $0x300, s6;
	s28 =	sadd.s32 $0x10, s5;
	v2 =	vld.idx.msk [tilespmem:v2+s25+$0x0], $0xffff;
	[tilespmem:s23+$0x11000] =	vst v10  }
0x1a7: {  	s29 =	sor.u32 $0x300, s28;
	v3 =	vld.idx.msk [tilespmem:v3+s25+$0x0], $0xffff;
	[tilespmem:s26+$0x11000] =	vst v12  }
0x1a8: {  	s30 =	sor.u32 $0x300, s5;
	v1 =	vld.idx.msk [tilespmem:v1+s25+$0x0], $0xffff;
	[tilespmem:s29+$0x11000] =	vst v4  }
0x1a9: {  	s7 =	sor.u32 $0x380, s7;
	[tilespmem:s30+$0x11000] =	vst v5;
	v4 =	vld.idx.msk [tilespmem:v7+s25+$0x0], $0xffff  }
0x1aa: {  	s1 =	sor.u32 $0x380, s1;
	[tilespmem:s7+$0x11000] =	vst v0;
	v0 =	vld.idx.msk [tilespmem:v6+s25+$0x0], $0xffff  }
0x1ab: {  	s31 =	sor.u32 $0x380, s22;
	[tilespmem:s1+$0x11000] =	vst v2  }
0x1ac: {  	s0 =	sor.u32 $0x380, s6;
	[tilespmem:s31+$0x11000] =	vst v3  }
0x1ad: {  	s3 =	sor.u32 $0x380, s28;
	[tilespmem:s0+$0x11000] =	vst v1  }
0x1ae: {  	s4 =	sor.u32 $0x380, s5;
	[tilespmem:s3+$0x11000] =	vst v4  }
0x1af: {  	[tilespmem:s4+$0x11000] =	vst v0  }
0x1b0: {  	s5 =	simm.s32 $0x11000;
	s7 =	simm.s32 $0x0;
	s0 =	rddreg [dreg:$0xa]  }
0x1b1: {  	[hbm4b:s0+s7] =	stream.linear.scatter [tilespmem:s5], [sflag:$0x3], $0x4000, $0x38;
	[tilespmem:$0x19000] =	vst v63  }
0x1b2: {  	_ =	swait.ge [sflag:s2], $0x4000  }
0x1b3: {  	[sflag:s2] =	ssyncset.done $0x0  }
0x1b4: {  	s6 =	simm.s32 $0x810;
	[sflag:s2] =	ssyncadd.s32 $0xFFFFC000  }
0x1b5: {  	v0 =	vld [tilespmem:s6+$0x0];
	_ =	sdelay $0x4  }
0x1b6: {  	v1 =	vshll.u32 v0, $0x3  }
0x1b7: {  	v0 =	vand.u32 $0x7F, v0;
	v1 =	vand.u32 $0xFFFFFC00, v1  }
0x1b8: {  	v3 =	vor.u32 v0, v1  }
0x1b9: {  	v0 =	vld [tilespmem:s6+$0xFFFFFFF0];
	_ =	sdelay $0x3  }
0x1ba: {  	v1 =	vld.idx.msk [tilespmem:v3+s25+$0x0], $0xffff  }
0x1bb: {  	v4 =	vor.u32 $0x80, v3;
	v2 =	vshll.u32 v0, $0x3  }
0x1bc: {  	s9 =	simm.s32 $0x80;
	s8 =	simm.s32 $0x10;
	v0 =	vand.u32 $0x7F, v0;
	v2 =	vand.u32 $0xFFFFFC00, v2  }
0x1bd: {  	s10 =	simm.s32 $0x830;
	s1 =	sand.u32 $0x70, s8;
	s3 =	sand.u32 $0xFFFFFC00, s9;
	v2 =	vor.u32 v0, v2  }
0x1be: {  	s1 =	sor.u32 s1, s3;
	v0 =	vld [tilespmem:s10+$0x0]  }
0x1bf: {  	[tilespmem:s1+$0x15000] =	vst v1;
	v1 =	vld [tilespmem:s10+$0xFFFFFFF0]  }
0x1c0: {  	v4 =	vld.idx.msk [tilespmem:v4+s25+$0x0], $0xffff  }
0x1c1: {  	v5 =	vor.u32 $0x100, v3  }
0x1c2: {  	v6 =	vld.idx.msk [tilespmem:v2+s25+$0x0], $0xffff  }
0x1c3: {  	v7 =	vor.u32 $0x80, v2;
	v8 =	vshll.u32 v0, $0x3  }
0x1c4: {  	s11 =	simm.s32 $0x4000;
	s12 =	simm.s32 $0x800;
	s1 =	sadd.s32 $0x15000, s1;
	v0 =	vand.u32 $0x7F, v0;
	v8 =	vand.u32 $0xFFFFFC00, v8;
	v9 =	vshll.u32 v1, $0x3  }
0x1c5: {  	s4 =	sand.u32 $0x60, s12;
	s3 =	sand.u32 $0x7C00, s11;
	v0 =	vor.u32 v0, v8;
	v1 =	vand.u32 $0x7F, v1;
	[tilespmem:s1+$0x80] =	vst v4;
	v4 =	vand.u32 $0xFFFFFC00, v9  }
0x1c6: {  	s10 =	sor.u32 s4, s3;
	v5 =	vld.idx.msk [tilespmem:v5+s25+$0x0], $0xffff;
	v8 =	vor.u32 v1, v4  }
0x1c7: {  	[tilespmem:s10+$0x11000] =	vst v6;
	v1 =	vor.u32 $0x180, v3  }
0x1c8: {  	v4 =	vld.idx.msk [tilespmem:v7+s25+$0x0], $0xffff  }
0x1c9: {  	v6 =	vor.u32 $0x100, v2  }
0x1ca: {  	v7 =	vld.idx.msk [tilespmem:v0+s25+$0x0], $0xffff  }
0x1cb: {  	s14 =	simm.s32 $0x180;
	v10 =	vor.u32 $0x80, v0;
	v9 =	vld.idx.msk [tilespmem:v8+s25+$0x0], $0xffff;
	[tilespmem:s1+$0x100] =	vst v5  }
0x1cc: {  	s13 =	simm.s32 $0x30;
	s16 =	simm.s32 $0x820;
	s15 =	simm.s32 $0x850;
	v1 =	vld.idx.msk [tilespmem:v1+s25+$0x0], $0xffff  }
0x1cd: {  	s12 =	simm.s32 $0x4100;
	v11 =	vor.u32 $0x200, v3;
	s3 =	sand.u32 $0x70, s13;
	s4 =	sand.u32 $0xFFFFFC00, s14;
	[tilespmem:s10+$0x11080] =	vst v4;
	v4 =	vld [tilespmem:s15+$0x0]  }
0x1ce: {  	s17 =	sand.u32 $0x7C00, s12;
	s6 =	sand.u32 $0x60, s16;
	s3 =	sor.u32 s3, s4;
	v6 =	vld.idx.msk [tilespmem:v6+s25+$0x0], $0xffff  }
0x1cf: {  	s11 =	sor.u32 s6, s17;
	v5 =	vor.u32 $0x80, v8;
	[tilespmem:s3+$0x15000] =	vst v7;
	v7 =	vld [tilespmem:s15+$0xFFFFFFF0]  }
0x1d0: {  	v12 =	vor.u32 $0x180, v2;
	v10 =	vld.idx.msk [tilespmem:v10+s25+$0x0], $0xffff;
	[tilespmem:s11+$0x11000] =	vst v9  }
0x1d1: {  	v9 =	vor.u32 $0x100, v0;
	[tilespmem:s1+$0x180] =	vst v1  }
0x1d2: {  	v1 =	vshll.u32 v4, $0x3;
	v11 =	vld.idx.msk [tilespmem:v11+s25+$0x0], $0xffff  }
0x1d3: {  	v4 =	vand.u32 $0x7F, v4;
	[tilespmem:s10+$0x11100] =	vst v6;
	v1 =	vand.u32 $0xFFFFFC00, v1;
	v6 =	vor.u32 $0x280, v3  }
0x1d4: {  	s19 =	sadd.s32 $0x15000, s3;
	v5 =	vld.idx.msk [tilespmem:v5+s25+$0x0], $0xffff;
	v14 =	vshll.u32 v7, $0x3;
	v1 =	vor.u32 v4, v1  }
0x1d5: {  	v13 =	vor.u32 $0x100, v8;
	v7 =	vand.u32 $0x7F, v7;
	v12 =	vld.idx.msk [tilespmem:v12+s25+$0x0], $0xffff;
	[tilespmem:s19+$0x80] =	vst v10;
	v10 =	vand.u32 $0xFFFFFC00, v14  }
0x1d6: {  	s21 =	simm.s32 $0x870;
	v10 =	vor.u32 v7, v10;
	v9 =	vld.idx.msk [tilespmem:v9+s25+$0x0], $0xffff  }
0x1d7: {  	v15 =	vld [tilespmem:s21+$0x0];
	v7 =	vor.u32 $0x180, v0;
	[tilespmem:s1+$0x200] =	vst v11  }
0x1d8: {  	v4 =	vor.u32 $0x200, v2;
	v6 =	vld.idx.msk [tilespmem:v6+s25+$0x0], $0xffff  }
0x1d9: {  	[tilespmem:s11+$0x11080] =	vst v5;
	v11 =	vld.idx.msk [tilespmem:v1+s25+$0x0], $0xffff  }
0x1da: {  	v5 =	vld.idx.msk [tilespmem:v13+s25+$0x0], $0xffff;
	[tilespmem:s10+$0x11180] =	vst v12;
	v12 =	vor.u32 $0x300, v3  }
0x1db: {  	s18 =	simm.s32 $0x50;
	s20 =	simm.s32 $0x280;
	v14 =	vor.u32 $0x80, v1;
	v13 =	vld.idx.msk [tilespmem:v10+s25+$0x0], $0xffff;
	[tilespmem:s19+$0x100] =	vst v9  }
0x1dc: {  	s4 =	sand.u32 $0xFFFFFC00, s20;
	s3 =	sand.u32 $0x70, s18;
	v9 =	vor.u32 $0x80, v10;
	v7 =	vld.idx.msk [tilespmem:v7+s25+$0x0], $0xffff  }
0x1dd: {  	s22 =	simm.s32 $0x840;
	s13 =	simm.s32 $0x4200;
	v16 =	vor.u32 $0x200, v0;
	s3 =	sor.u32 s3, s4;
	v4 =	vld.idx.msk [tilespmem:v4+s25+$0x0], $0xffff;
	[tilespmem:s1+$0x280] =	vst v6  }
0x1de: {  	s6 =	sand.u32 $0x60, s22;
	s23 =	sand.u32 $0x7C00, s13;
	v6 =	vor.u32 $0x180, v8;
	[tilespmem:s3+$0x15000] =	vst v11;
	v11 =	vld [tilespmem:s21+$0xFFFFFFF0]  }
0x1df: {  	v17 =	vor.u32 $0x280, v2;
	s14 =	sor.u32 s6, s23;
	v12 =	vld.idx.msk [tilespmem:v12+s25+$0x0], $0xffff  }
0x1e0: {  	v3 =	vor.u32 $0x380, v3;
	v14 =	vld.idx.msk [tilespmem:v14+s25+$0x0], $0xffff;
	[tilespmem:s14+$0x11000] =	vst v13  }
0x1e1: {  	v13 =	vor.u32 $0x100, v1;
	v9 =	vld.idx.msk [tilespmem:v9+s25+$0x0], $0xffff;
	[tilespmem:s19+$0x180] =	vst v7  }
0x1e2: {  	[tilespmem:s11+$0x11100] =	vst v5;
	v7 =	vor.u32 $0x100, v10;
	v5 =	vld.idx.msk [tilespmem:v16+s25+$0x0], $0xffff;
	v16 =	vshll.u32 v15, $0x3  }
0x1e3: {  	[tilespmem:s10+$0x11200] =	vst v4;
	v4 =	vand.u32 $0x7F, v15;
	v15 =	vor.u32 $0x280, v0;
	v18 =	vld.idx.msk [tilespmem:v6+s25+$0x0], $0xffff;
	v6 =	vand.u32 $0xFFFFFC00, v16  }
0x1e4: {  	s6 =	sadd.s32 $0x15000, s3;
	v16 =	vld.idx.msk [tilespmem:v17+s25+$0x0], $0xffff;
	[tilespmem:s1+$0x300] =	vst v12;
	v12 =	vshll.u32 v11, $0x3;
	v6 =	vor.u32 v4, v6  }
0x1e5: {  	s26 =	sand.u32 $0x7, s7;
	v17 =	vor.u32 $0x200, v8;
	v4 =	vand.u32 $0x7F, v11;
	[tilespmem:s6+$0x80] =	vst v14;
	v21 =	vld.idx.msk [tilespmem:v3+s25+$0x0], $0xffff;
	v3 =	vand.u32 $0xFFFFFC00, v12  }
0x1e6: {  	s1 =	sshll.u32 s26, $0x4;
	v14 =	vld.idx.msk [tilespmem:v13+s25+$0x0], $0xffff;
	[tilespmem:s14+$0x11080] =	vst v9;
	v23 =	vor.u32 v4, v3  }
0x1e7: {  	v27 =	vor.u32 $0x300, v2;
	v24 =	vor.u32 $0x180, v1;
	s28 =	sadd.s32 $0x4000, s1;
	v28 =	vld.idx.msk [tilespmem:v7+s25+$0x0], $0xffff;
	[tilespmem:s19+$0x200] =	vst v5  }
0x1e8: {  	v11 =	vor.u32 $0x280, v10;
	v9 =	vor.u32 $0x280, v8;
	v13 =	vor.u32 $0x180, v10;
	s3 =	sadd.s32 $0xFFFFC090, s28;
	v19 =	vld.idx.msk [tilespmem:v15+s25+$0x0], $0xffff  }
0x1e9: {  	v12 =	vor.u32 $0x200, v10;
	v26 =	vor.u32 $0x80, v6;
	v4 =	vor.u32 $0x380, v2;
	s29 =	sor.u32 $0x300, s3;
	[tilespmem:s11+$0x11180] =	vst v18;
	v22 =	vld.idx.msk [tilespmem:v6+s25+$0x0], $0xffff  }
0x1ea: {  	s31 =	simm.s32 $0x380;
	v3 =	vor.u32 $0x380, v8;
	v7 =	vor.u32 $0x300, v10;
	v20 =	vld.idx.msk [tilespmem:v17+s25+$0x0], $0xffff;
	[tilespmem:s29+$0x15000] =	vst v21;
	v21 =	vor.u32 $0x300, v0  }
0x1eb: {  	s8 =	simm.s32 $0x4300;
	s30 =	simm.s32 $0x70;
	s16 =	sand.u32 $0xFFFFFC00, s31;
	v2 =	vor.u32 $0x380, v10;
	v5 =	vor.u32 $0x300, v8;
	v8 =	vor.u32 $0x380, v23;
	[tilespmem:s6+$0x100] =	vst v14;
	v25 =	vld.idx.msk [tilespmem:v23+s25+$0x0], $0xffff  }
0x1ec: {  	s15 =	sand.u32 $0x70, s30;
	s3 =	simm.s32 $0x860;
	v10 =	vor.u32 $0x300, v23;
	[tilespmem:s10+$0x11280] =	vst v16;
	v18 =	vor.u32 $0x80, v23;
	v15 =	vor.u32 $0x100, v23;
	v24 =	vld.idx.msk [tilespmem:v24+s25+$0x0], $0xffff  }
0x1ed: {  	s4 =	simm.s32 $0x890;
	s1 =	simm.s32 $0x86;
	v16 =	vor.u32 $0x280, v23;
	s5 =	sand.u32 $0x60, s3;
	v17 =	vor.u32 $0x180, v23;
	v14 =	vor.u32 $0x200, v23;
	[tilespmem:s14+$0x11100] =	vst v28;
	v23 =	vld.idx.msk [tilespmem:v27+s25+$0x0], $0xffff  }
.LBB2_8:
0x1ee: {  	v27 =	vld [tilespmem:s4+$0x0];
	s17 =	sand.u32 $0x7C00, s8;
	s16 =	sor.u32 s15, s16;
	v28 =	vor.u32 $0x200, v1;
	[tilespmem:s19+$0x280] =	vst v19;
	s15 =	smov.u32 s10  }
0x1ef: {  	s1 =	sadd.s32 $0x2, s1;
	s10 =	smov.u32 s11;
	s5 =	sor.u32 s5, s17;
	[tilespmem:s16+$0x15000] =	vst v22;
	v19 =	vld.idx.msk [tilespmem:v21+s25+$0x0], $0xffff  }
0x1f0: {  	s11 =	smov.u32 s14;
	p0 =	slt.u32 s1, $0xFE;
	v21 =	vld.idx.msk [tilespmem:v26+s25+$0x0], $0xffff;
	[tilespmem:s10+$0x11200] =	vst v20;
	s14 =	smov.u32 s5  }
0x1f1: {  	v22 =	vor.u32 $0x380, v0;
	v0 =	vmov v1;
	v1 =	vmov v6;
	v20 =	vld [tilespmem:s4+$0xFFFFFFF0];
	[tilespmem:s14+$0x11000] =	vst v25  }
0x1f2: {  	v25 =	vor.u32 $0x100, v1;
	v18 =	vld.idx.msk [tilespmem:v18+s25+$0x0], $0xffff;
	[tilespmem:s6+$0x180] =	vst v24  }
0x1f3: {  	v24 =	vld.idx.msk [tilespmem:v28+s25+$0x0], $0xffff;
	[tilespmem:s15+$0x11300] =	vst v23  }
0x1f4: {  	v6 =	vshll.u32 v27, $0x3;
	v23 =	vld.idx.msk [tilespmem:v13+s25+$0x0], $0xffff;
	v13 =	vmov v17  }
0x1f5: {  	v26 =	vor.u32 $0x280, v0;
	v17 =	vand.u32 $0x7F, v27;
	v6 =	vand.u32 $0xFFFFFC00, v6;
	v27 =	vld.idx.msk [tilespmem:v9+s25+$0x0], $0xffff;
	[tilespmem:s19+$0x300] =	vst v19;
	v9 =	vmovc v11;
	v11 =	vmovc v16;
	s19 =	smov.u32 s6;
	s6 =	sadd.s32 $0x15000, s16  }
0x1f6: {  	s7 =	sadd.s32 $0x2, s7;
	v6 =	vor.u32 v17, v6;
	v16 =	vand.u32 $0x7F, v20;
	v19 =	vshll.u32 v20, $0x3;
	[tilespmem:s6+$0x80] =	vst v21;
	v28 =	vld.idx.msk [tilespmem:v22+s25+$0x0], $0xffff  }
0x1f7: {  	s5 =	sand.u32 $0x7, s7;
	v17 =	vand.u32 $0xFFFFFC00, v19;
	v29 =	vld.idx.msk [tilespmem:v25+s25+$0x0], $0xffff  }
0x1f8: {  	s5 =	sshll.u32 s5, $0x4;
	v25 =	vor.u32 v16, v17;
	[tilespmem:s14+$0x11080] =	vst v18;
	v30 =	vld.idx.msk [tilespmem:v4+s25+$0x0], $0xffff;
	v4 =	vmovc v3;
	v3 =	vmov v2;
	v2 =	vmov v8  }
0x1f9: {  	v32 =	vor.u32 $0x180, v1;
	s5 =	sadd.s32 s12, s5;
	s12 =	smov.u32 s13;
	s13 =	smov.u32 s8;
	v18 =	vor.u32 $0x80, v25;
	v31 =	vld.idx.msk [tilespmem:v15+s25+$0x0], $0xffff;
	v15 =	vor.u32 $0x100, v25;
	[tilespmem:s19+$0x200] =	vst v24  }
0x1fa: {  	s5 =	sadd.s32 $0xFFFFC090, s5;
	v17 =	vor.u32 $0x180, v25;
	v24 =	vor.u32 $0x200, v25;
	v16 =	vor.u32 $0x280, v25;
	[tilespmem:s11+$0x11180] =	vst v23;
	v19 =	vld.idx.msk [tilespmem:v26+s25+$0x0], $0xffff  }
.Ltmp3:
0x1fb: {  	s5 =	sor.u32 $0x300, s5;
	v33 =	vor.u32 $0x300, v25;
	v8 =	vor.u32 $0x380, v25;
	v22 =	vld.idx.msk [tilespmem:v6+s25+$0x0], $0xffff;
	[tilespmem:s10+$0x11280] =	vst v27;
	(pc) =	sbr.rel @p0 .LBB2_8-.Ltmp3, $4  }
0x1fc: {  	v21 =	vor.u32 $0x300, v0;
	v20 =	vld.idx.msk [tilespmem:v12+s25+$0x0], $0xffff;
	[tilespmem:s5+$0x15000] =	vst v28;
	v12 =	vmov v14;
	v14 =	vmov v24  }
0x1fd: {  	s3 =	sadd.s32 $0x20, s3;
	s8 =	sadd.s32 $0x100, s8;
	v26 =	vor.u32 $0x80, v6;
	v25 =	vld.idx.msk [tilespmem:v25+s25+$0x0], $0xffff;
	[tilespmem:s6+$0x100] =	vst v29  }
0x1fe: {  	s17 =	sadd.s32 $0xFFFFC080, s8;
	s16 =	sadd.s32 $0xFFFFF810, s3;
	s5 =	sand.u32 $0x60, s3;
	v24 =	vld.idx.msk [tilespmem:v32+s25+$0x0], $0xffff;
	[tilespmem:s15+$0x11380] =	vst v30  }
0x1ff: {  	s4 =	sadd.s32 $0x20, s4;
	s15 =	sand.u32 $0x70, s16;
	s16 =	sand.u32 $0xFFFFFC00, s17;
	[tilespmem:s14+$0x11100] =	vst v31;
	v23 =	vld.idx.msk [tilespmem:v5+s25+$0x0], $0xffff;
	v5 =	vmov v7;
	v7 =	vmov v10;
	v10 =	vmov v33  }
0x200: {  	_ =	sdelay $0x1  }
0x201: {  	s3 =	sor.u32 s15, s16;
	s1 =	sand.u32 $0x7C00, s8  }
0x202: {  	[tilespmem:s3+$0x15000] =	vst v22;
	s1 =	sor.u32 s5, s1  }
0x203: {  	v22 =	vld.idx.msk [tilespmem:v26+s25+$0x0], $0xffff;
	[tilespmem:s1+$0x11000] =	vst v25  }
0x204: {  	v45 =	vor.u32 $0x100, v6;
	v18 =	vld.idx.msk [tilespmem:v18+s25+$0x0], $0xffff;
	_ =	sdelay $0x2  }
0x205: {  	s3 =	sadd.s32 $0x15000, s3  }
0x206: {  	[tilespmem:s3+$0x80] =	vst v22  }
0x207: {  	v22 =	vld.idx.msk [tilespmem:v45+s25+$0x0], $0xffff;
	[tilespmem:s1+$0x11080] =	vst v18  }
0x208: {  	v46 =	vor.u32 $0x180, v6;
	v15 =	vld.idx.msk [tilespmem:v15+s25+$0x0], $0xffff;
	_ =	sdelay $0x3  }
0x209: {  	v47 =	vor.u32 $0x200, v1;
	v13 =	vld.idx.msk [tilespmem:v13+s25+$0x0], $0xffff;
	[tilespmem:s3+$0x100] =	vst v22  }
0x20a: {  	v18 =	vld.idx.msk [tilespmem:v46+s25+$0x0], $0xffff;
	[tilespmem:s1+$0x11100] =	vst v15  }
0x20b: {  	v48 =	vor.u32 $0x200, v6;
	v17 =	vld.idx.msk [tilespmem:v17+s25+$0x0], $0xffff  }
0x20c: {  	[tilespmem:s19+$0x280] =	vst v19  }
0x20d: {  	[tilespmem:s6+$0x180] =	vst v24  }
0x20e: {  	v49 =	vld.idx.msk [tilespmem:v47+s25+$0x0], $0xffff;
	[tilespmem:s14+$0x11180] =	vst v13  }
0x20f: {  	v50 =	vor.u32 $0x280, v1;
	v12 =	vld.idx.msk [tilespmem:v12+s25+$0x0], $0xffff;
	[tilespmem:s3+$0x180] =	vst v18  }
0x210: {  	v51 =	vld.idx.msk [tilespmem:v48+s25+$0x0], $0xffff;
	[tilespmem:s1+$0x11180] =	vst v17  }
0x211: {  	v52 =	vor.u32 $0x280, v6;
	[tilespmem:s11+$0x11200] =	vst v20;
	v14 =	vld.idx.msk [tilespmem:v14+s25+$0x0], $0xffff  }
0x212: {  	v53 =	vld.idx.msk [tilespmem:v21+s25+$0x0], $0xffff;
	[tilespmem:s10+$0x11300] =	vst v23  }
0x213: {  	v0 =	vor.u32 $0x380, v0;
	v9 =	vld.idx.msk [tilespmem:v9+s25+$0x0], $0xffff;
	[tilespmem:s6+$0x200] =	vst v49  }
0x214: {  	v54 =	vld.idx.msk [tilespmem:v50+s25+$0x0], $0xffff;
	[tilespmem:s14+$0x11200] =	vst v12  }
0x215: {  	v55 =	vor.u32 $0x300, v1;
	v11 =	vld.idx.msk [tilespmem:v11+s25+$0x0], $0xffff;
	[tilespmem:s3+$0x200] =	vst v51  }
0x216: {  	v56 =	vld.idx.msk [tilespmem:v52+s25+$0x0], $0xffff;
	[tilespmem:s1+$0x11200] =	vst v14  }
0x217: {  	v57 =	vor.u32 $0x300, v6;
	s4 =	sadd.s32 $0x2, s7;
	[tilespmem:s19+$0x300] =	vst v53;
	v14 =	vld.idx.msk [tilespmem:v16+s25+$0x0], $0xffff  }
0x218: {  	s23 =	sand.u32 $0x7, s4;
	v0 =	vld.idx.msk [tilespmem:v0+s25+$0x0], $0xffff;
	[tilespmem:s11+$0x11280] =	vst v9  }
0x219: {  	s5 =	sshll.u32 s23, $0x4;
	v5 =	vld.idx.msk [tilespmem:v5+s25+$0x0], $0xffff;
	[tilespmem:s6+$0x280] =	vst v54  }
0x21a: {  	s5 =	sadd.s32 s12, s5;
	v58 =	vld.idx.msk [tilespmem:v55+s25+$0x0], $0xffff;
	[tilespmem:s14+$0x11280] =	vst v11  }
0x21b: {  	v59 =	vor.u32 $0x380, v1;
	s5 =	sadd.s32 $0xFFFFC090, s5;
	v7 =	vld.idx.msk [tilespmem:v7+s25+$0x0], $0xffff;
	[tilespmem:s3+$0x280] =	vst v56  }
0x21c: {  	s5 =	sor.u32 $0x300, s5;
	v60 =	vld.idx.msk [tilespmem:v57+s25+$0x0], $0xffff;
	[tilespmem:s1+$0x11280] =	vst v14  }
0x21d: {  	v61 =	vor.u32 $0x380, v6;
	[tilespmem:s5+$0x15000] =	vst v0;
	v62 =	vld.idx.msk [tilespmem:v10+s25+$0x0], $0xffff  }
0x21e: {  	v4 =	vld.idx.msk [tilespmem:v4+s25+$0x0], $0xffff;
	[tilespmem:s11+$0x11300] =	vst v5  }
0x21f: {  	s4 =	sadd.s32 $0x2, s4;
	v3 =	vld.idx.msk [tilespmem:v3+s25+$0x0], $0xffff;
	[tilespmem:s6+$0x300] =	vst v58  }
0x220: {  	s26 =	sand.u32 $0x7, s4;
	v1 =	vld.idx.msk [tilespmem:v59+s25+$0x0], $0xffff;
	[tilespmem:s14+$0x11300] =	vst v7  }
0x221: {  	s28 =	sadd.s32 $0x2, s4;
	s5 =	sshll.u32 s26, $0x4;
	v2 =	vld.idx.msk [tilespmem:v2+s25+$0x0], $0xffff;
	[tilespmem:s3+$0x300] =	vst v60  }
0x222: {  	s29 =	sadd.s32 s13, s5;
	s3 =	sand.u32 $0x7, s28;
	v63 =	vld.idx.msk [tilespmem:v61+s25+$0x0], $0xffff;
	[tilespmem:s1+$0x11300] =	vst v62  }
0x223: {  	[tilespmem:s10+$0x11380] =	vst v4;
	s4 =	sadd.s32 $0xFFFFC090, s29;
	s3 =	sshll.u32 s3, $0x4;
	v0 =	vld.idx.msk [tilespmem:v8+s25+$0x0], $0xffff  }
0x224: {  	s4 =	sor.u32 $0x300, s4;
	[tilespmem:s11+$0x11380] =	vst v3;
	s3 =	sadd.s32 s8, s3  }
0x225: {  	[tilespmem:s4+$0x15000] =	vst v1;
	s3 =	sadd.s32 $0xFFFFC090, s3  }
0x226: {  	[tilespmem:s14+$0x11380] =	vst v2;
	s3 =	sor.u32 $0x300, s3  }
0x227: {  	[tilespmem:s3+$0x15000] =	vst v63  }
0x228: {  	[tilespmem:s1+$0x11380] =	vst v0  }
0x229: {  	s7 =	simm.s32 $0x0;
	s30 =	simm.s32 $0x15000;
	s0 =	rddreg [dreg:$0xb]  }
0x22a: {  	[hbm4b:s0+s7] =	stream.linear.scatter [tilespmem:s30], [sflag:$0x4], $0x4000, $0x38;
	[tilespmem:$0x19000] =	vst v63  }
0x22b: {  	s10 =	simm.s32 $0x0;
	s31 =	rddreg [dreg:$0xc]  }
0x22c: {  	[tilespmem:s25], [sflag:$0x2] =	stream.linear.gather [hbm4b:s31+s7], $0x8000, $0x38;
	[tilespmem:$0x19000] =	vst v63  }
.LBB2_10:
0x22d: {  	s0 =	simm.s32 $0x1  }
0x22e: {  	_ =	swait.ge [sflag:s0], $0x8000  }
0x22f: {  	[sflag:s0] =	ssyncset.done $0x0  }
0x230: {  	s22 =	simm.s32 $0x3;
	[sflag:s0] =	ssyncadd.s32 $0xFFFF8000  }
0x231: {  	s3 =	sand.u32 $0x60, s7;
	_ =	swait.ge [sflag:s22], $0x4000  }
0x232: {  	s4 =	sand.u32 $0x780, s7;
	s1 =	sor.u32 $0x10, s3;
	[sflag:s22] =	ssyncset.done $0x0  }
0x233: {  	s4 =	sor.u32 s1, s4;
	[sflag:s22] =	ssyncadd.s32 $0xFFFFC000  }
0x234: {  	v0 =	vld [tilespmem:s4+$0x0];
	_ =	sdelay $0x3  }
0x235: {  	v2 =	vld [tilespmem:s7+$0x0]  }
0x236: {  	v1 =	vshll.u32 v0, $0x3  }
0x237: {  	v0 =	vand.u32 $0x7F, v0;
	v1 =	vand.u32 $0xFFFFFC00, v1  }
0x238: {  	s5 =	simm.s32 $0x20;
	v5 =	vor.u32 v0, v1  }
0x239: {  	s23 =	sand.u32 $0x60, s5  }
0x23a: {  	s6 =	sand.u32 $0x780, s5;
	s11 =	sor.u32 $0x10, s23;
	v0 =	vshll.u32 v2, $0x3  }
0x23b: {  	s6 =	sor.u32 s11, s6;
	v1 =	vand.u32 $0x7F, v2;
	v0 =	vand.u32 $0xFFFFFC00, v0  }
0x23c: {  	v6 =	vor.u32 v1, v0;
	v0 =	vld [tilespmem:s6+$0x0]  }
0x23d: {  	v2 =	vld.idx.msk [tilespmem:v5+s24+$0x0], $0xffff  }
0x23e: {  	v1 =	vor.u32 $0x80, v5  }
0x23f: {  	s26 =	sand.u32 $0x3C00, s7  }
0x240: {  	s6 =	sadd.s32 $0x11000, s26  }
0x241: {  	s1 =	sor.u32 s1, s6;
	v3 =	vld.idx.msk [tilespmem:v6+s24+$0x0], $0xffff  }
0x242: {  	v4 =	vor.u32 $0x80, v6;
	[tilespmem:s1+$0x0] =	vst v2;
	v2 =	vshll.u32 v0, $0x3  }
0x243: {  	v0 =	vand.u32 $0x7F, v0;
	v7 =	vld.idx.msk [tilespmem:v1+s24+$0x0], $0xffff;
	v1 =	vand.u32 $0xFFFFFC00, v2  }
0x244: {  	v1 =	vor.u32 v0, v1;
	v0 =	vld [tilespmem:s5+$0x0]  }
0x245: {  	s6 =	sor.u32 s3, s6  }
0x246: {  	s28 =	simm.s32 $0x40;
	v2 =	vor.u32 $0x100, v5;
	[tilespmem:s6+$0x0] =	vst v3  }
0x247: {  	s31 =	sand.u32 $0x60, s28;
	v3 =	vld.idx.msk [tilespmem:v4+s24+$0x0], $0xffff  }
0x248: {  	s12 =	sand.u32 $0x780, s28;
	s8 =	sor.u32 $0x10, s31;
	v8 =	vor.u32 $0x100, v6  }
0x249: {  	s12 =	sor.u32 s8, s12;
	[tilespmem:s1+$0x80] =	vst v7;
	v7 =	vld.idx.msk [tilespmem:v1+s24+$0x0], $0xffff;
	v4 =	vshll.u32 v0, $0x3  }
0x24a: {  	s13 =	simm.s32 $0x100;
	v10 =	vld [tilespmem:s12+$0x0];
	v9 =	vor.u32 $0x80, v1;
	v0 =	vand.u32 $0x7F, v0;
	v4 =	vand.u32 $0xFFFFFC00, v4  }
0x24b: {  	s0 =	sand.u32 $0x3C00, s13;
	v2 =	vld.idx.msk [tilespmem:v2+s24+$0x0], $0xffff;
	v4 =	vor.u32 v0, v4  }
0x24c: {  	s12 =	sadd.s32 $0x11000, s0;
	[tilespmem:s6+$0x80] =	vst v3;
	v0 =	vor.u32 $0x180, v5  }
0x24d: {  	s20 =	sor.u32 s11, s12;
	v3 =	vld.idx.msk [tilespmem:v8+s24+$0x0], $0xffff  }
0x24e: {  	[tilespmem:s20+$0x0] =	vst v7;
	v7 =	vor.u32 $0x180, v6  }
0x24f: {  	v8 =	vld.idx.msk [tilespmem:v9+s24+$0x0], $0xffff  }
0x250: {  	v11 =	vor.u32 $0x100, v1;
	[tilespmem:s1+$0x100] =	vst v2;
	v2 =	vshll.u32 v10, $0x3;
	v9 =	vld.idx.msk [tilespmem:v4+s24+$0x0], $0xffff  }
0x251: {  	v13 =	vor.u32 $0x80, v4;
	v2 =	vand.u32 $0xFFFFFC00, v2;
	v12 =	vld.idx.msk [tilespmem:v0+s24+$0x0], $0xffff;
	v0 =	vand.u32 $0x7F, v10  }
0x252: {  	[tilespmem:s6+$0x100] =	vst v3;
	v0 =	vor.u32 v0, v2;
	v2 =	vld [tilespmem:s28+$0x0]  }
0x253: {  	v3 =	vor.u32 $0x200, v5;
	v7 =	vld.idx.msk [tilespmem:v7+s24+$0x0], $0xffff  }
0x254: {  	s21 =	sor.u32 s23, s12;
	[tilespmem:s20+$0x80] =	vst v8;
	v8 =	vor.u32 $0x200, v6  }
0x255: {  	[tilespmem:s21+$0x0] =	vst v9;
	v9 =	vld.idx.msk [tilespmem:v11+s24+$0x0], $0xffff  }
0x256: {  	s5 =	simm.s32 $0x60;
	v11 =	vor.u32 $0x180, v1;
	v10 =	vld.idx.msk [tilespmem:v13+s24+$0x0], $0xffff  }
0x257: {  	s23 =	sand.u32 $0x60, s5;
	v14 =	vor.u32 $0x100, v4;
	[tilespmem:s1+$0x180] =	vst v12;
	v12 =	vld.idx.msk [tilespmem:v0+s24+$0x0], $0xffff;
	v13 =	vshll.u32 v2, $0x3  }
0x258: {  	s11 =	simm.s32 $0x200;
	s15 =	sand.u32 $0x780, s5;
	s9 =	sor.u32 $0x10, s23;
	v15 =	vor.u32 $0x80, v0;
	v3 =	vld.idx.msk [tilespmem:v3+s24+$0x0], $0xffff;
	v2 =	vand.u32 $0x7F, v2;
	v13 =	vand.u32 $0xFFFFFC00, v13;
	[tilespmem:s6+$0x180] =	vst v7  }
0x259: {  	s14 =	sand.u32 $0x3C00, s11;
	s12 =	sor.u32 s9, s15;
	v2 =	vor.u32 v2, v13;
	v7 =	vld.idx.msk [tilespmem:v8+s24+$0x0], $0xffff  }
0x25a: {  	s14 =	sadd.s32 $0x11000, s14;
	v8 =	vld [tilespmem:s12+$0x0];
	[tilespmem:s20+$0x100] =	vst v9;
	v9 =	vor.u32 $0x280, v6  }
0x25b: {  	s12 =	sor.u32 s8, s14;
	[tilespmem:s21+$0x80] =	vst v10;
	v10 =	vld.idx.msk [tilespmem:v11+s24+$0x0], $0xffff;
	v11 =	vor.u32 $0x280, v5  }
0x25c: {  	[tilespmem:s12+$0x0] =	vst v12;
	v12 =	vld.idx.msk [tilespmem:v14+s24+$0x0], $0xffff  }
0x25d: {  	v13 =	vor.u32 $0x200, v1;
	v14 =	vld.idx.msk [tilespmem:v15+s24+$0x0], $0xffff  }
0x25e: {  	v16 =	vor.u32 $0x180, v4;
	v15 =	vld.idx.msk [tilespmem:v2+s24+$0x0], $0xffff;
	[tilespmem:s6+$0x200] =	vst v7  }
0x25f: {  	[tilespmem:s1+$0x200] =	vst v3;
	v3 =	vshll.u32 v8, $0x3;
	v7 =	vor.u32 $0x100, v0;
	v9 =	vld.idx.msk [tilespmem:v9+s24+$0x0], $0xffff  }
0x260: {  	v17 =	vor.u32 $0x80, v2;
	v8 =	vand.u32 $0x7F, v8;
	v3 =	vand.u32 $0xFFFFFC00, v3;
	[tilespmem:s20+$0x180] =	vst v10;
	v10 =	vld.idx.msk [tilespmem:v11+s24+$0x0], $0xffff  }
0x261: {  	v3 =	vor.u32 v8, v3;
	v11 =	vld [tilespmem:s5+$0x0]  }
0x262: {  	v8 =	vld.idx.msk [tilespmem:v13+s24+$0x0], $0xffff;
	[tilespmem:s21+$0x100] =	vst v12;
	v12 =	vor.u32 $0x300, v5  }
0x263: {  	s19 =	sor.u32 s31, s14;
	[tilespmem:s12+$0x80] =	vst v14;
	v13 =	vor.u32 $0x300, v6;
	v14 =	vld.idx.msk [tilespmem:v16+s24+$0x0], $0xffff  }
0x264: {  	[tilespmem:s19+$0x0] =	vst v15;
	v7 =	vld.idx.msk [tilespmem:v7+s24+$0x0], $0xffff  }
0x265: {  	s4 =	simm.s32 $0x80;
	v16 =	vor.u32 $0x200, v4;
	v15 =	vld.idx.msk [tilespmem:v17+s24+$0x0], $0xffff  }
0x266: {  	s26 =	sand.u32 $0x60, s4;
	v18 =	vor.u32 $0x180, v0;
	v17 =	vld.idx.msk [tilespmem:v3+s24+$0x0], $0xffff;
	[tilespmem:s1+$0x280] =	vst v10  }
0x267: {  	s16 =	sand.u32 $0x780, s4;
	s3 =	sor.u32 $0x10, s26;
	[tilespmem:s6+$0x280] =	vst v9;
	v9 =	vor.u32 $0x100, v2;
	v10 =	vld.idx.msk [tilespmem:v12+s24+$0x0], $0xffff  }
0x268: {  	s17 =	sand.u32 $0x3, s7;
	s14 =	simm.s32 $0x300;
	s1 =	sor.u32 s3, s16;
	v12 =	vor.u32 $0x80, v3;
	v13 =	vld.idx.msk [tilespmem:v13+s24+$0x0], $0xffff  }
0x269: {  	v21 =	vor.u32 $0x380, v5;
	s18 =	sand.u32 $0x3C00, s14;
	s6 =	sshll.u32 s17, $0x5;
	v19 =	vshll.u32 v11, $0x3;
	v20 =	vld [tilespmem:s1+$0x0];
	[tilespmem:s21+$0x180] =	vst v14  }
0x26a: {  	v6 =	vor.u32 $0x380, v6;
	v11 =	vand.u32 $0x7F, v11;
	s16 =	sadd.s32 $0x11000, s18;
	s29 =	sadd.s32 $0x0, s6;
	v5 =	vand.u32 $0xFFFFFC00, v19;
	[tilespmem:s12+$0x100] =	vst v7;
	v7 =	vld.idx.msk [tilespmem:v16+s24+$0x0], $0xffff  }
0x26b: {  	s8 =	sor.u32 s9, s16;
	s30 =	sadd.s32 $0x10, s29;
	v5 =	vor.u32 v11, v5;
	[tilespmem:s19+$0x80] =	vst v15;
	v16 =	vld.idx.msk [tilespmem:v18+s24+$0x0], $0xffff  }
0x26c: {  	v19 =	vor.u32 $0x280, v4;
	s22 =	sor.u32 $0x300, s30;
	v14 =	vld.idx.msk [tilespmem:v9+s24+$0x0], $0xffff;
	[tilespmem:s8+$0x0] =	vst v17  }
0x26d: {  	s28 =	sor.u32 $0x300, s29;
	v17 =	vor.u32 $0x280, v1;
	v15 =	vld.idx.msk [tilespmem:v12+s24+$0x0], $0xffff;
	[tilespmem:s22+$0x11000] =	vst v10  }
0x26e: {  	v18 =	vor.u32 $0x200, v0;
	[tilespmem:s28+$0x11000] =	vst v13;
	v12 =	vld.idx.msk [tilespmem:v21+s24+$0x0], $0xffff  }
0x26f: {  	s31 =	simm.s32 $0x1;
	[tilespmem:s20+$0x200] =	vst v8;
	v11 =	vld.idx.msk [tilespmem:v6+s24+$0x0], $0xffff  }
0x270: {  	s15 =	simm.s32 $0x8;
	s17 =	simm.s32 $0xA0;
	s6 =	simm.s32 $0x2;
	v8 =	vor.u32 $0x80, v5;
	v9 =	vshll.u32 v20, $0x3;
	v10 =	vor.u32 $0x180, v2;
	v13 =	vld.idx.msk [tilespmem:v5+s24+$0x0], $0xffff;
	[tilespmem:s21+$0x200] =	vst v7  }
0x271: {  	s18 =	simm.s32 $0xA0;
	s1 =	sand.u32 $0x3, s31;
	s22 =	simm.s32 $0x400;
	v6 =	vand.u32 $0x7F, v20;
	v7 =	vand.u32 $0xFFFFFC00, v9;
	v9 =	vor.u32 $0x100, v3;
	[tilespmem:s12+$0x180] =	vst v16;
	v16 =	vld.idx.msk [tilespmem:v19+s24+$0x0], $0xffff  }
.LBB2_11:
0x272: {  	s28 =	sand.u32 $0x60, s17;
	s15 =	sadd.s32 $0x2, s15;
	[tilespmem:s19+$0x100] =	vst v14;
	v14 =	vld.idx.msk [tilespmem:v17+s24+$0x0], $0xffff;
	s29 =	sor.u32 $0x380, s29  }
0x273: {  	s31 =	sand.u32 $0x780, s17;
	v6 =	vor.u32 v6, v7;
	s30 =	sor.u32 $0x380, s30;
	s5 =	sor.u32 $0x10, s28;
	[tilespmem:s8+$0x80] =	vst v15;
	v7 =	vld.idx.msk [tilespmem:v18+s24+$0x0], $0xffff  }
0x274: {  	s9 =	sand.u32 $0x3, s6;
	v17 =	vor.u32 $0x300, v4;
	p0 =	slt.u32 s15, $0x7E;
	v18 =	vor.u32 $0x300, v1;
	s31 =	sor.u32 s5, s31;
	v15 =	vld [tilespmem:s4+$0x0];
	[tilespmem:s30+$0x11000] =	vst v12  }
0x275: {  	s16 =	sor.u32 s23, s16;
	s23 =	smov.u32 s26;
	s26 =	smov.u32 s28;
	v10 =	vld.idx.msk [tilespmem:v10+s24+$0x0], $0xffff;
	[tilespmem:s29+$0x11000] =	vst v11  }
0x276: {  	s4 =	smov.u32 s18;
	[tilespmem:s16+$0x0] =	vst v13;
	v9 =	vld.idx.msk [tilespmem:v9+s24+$0x0], $0xffff  }
0x277: {  	v11 =	vor.u32 $0x200, v2;
	v8 =	vld.idx.msk [tilespmem:v8+s24+$0x0], $0xffff;
	[tilespmem:s21+$0x280] =	vst v16;
	s21 =	smov.u32 s19;
	s19 =	smov.u32 s16  }
0x278: {  	v13 =	vor.u32 $0x180, v3;
	v12 =	vld.idx.msk [tilespmem:v6+s24+$0x0], $0xffff;
	[tilespmem:s20+$0x280] =	vst v14;
	s20 =	smov.u32 s12;
	s12 =	smov.u32 s8  }
0x279: {  	v16 =	vor.u32 $0x100, v5;
	v14 =	vshll.u32 v15, $0x3;
	[tilespmem:s20+$0x200] =	vst v7;
	v7 =	vld.idx.msk [tilespmem:v18+s24+$0x0], $0xffff  }
0x27a: {  	v18 =	vor.u32 $0x80, v6;
	v14 =	vand.u32 $0xFFFFFC00, v14;
	v19 =	vld.idx.msk [tilespmem:v17+s24+$0x0], $0xffff  }
0x27b: {  	v21 =	vor.u32 $0x380, v1;
	s28 =	sshll.u32 s1, $0x5;
	v1 =	vmovc v0;
	v0 =	vmovc v3;
	s1 =	smov.u32 s9;
	v3 =	vmov v6;
	s8 =	sand.u32 $0x3C00, s22;
	v20 =	vld [tilespmem:s31+$0x0];
	[tilespmem:s21+$0x180] =	vst v10;
	v10 =	vor.u32 $0x380, v4  }
0x27c: {  	s29 =	sadd.s32 s28, s13;
	s13 =	smov.u32 s11;
	v6 =	vand.u32 $0x7F, v15;
	s16 =	sadd.s32 $0x11000, s8;
	v4 =	vmov v2;
	v2 =	vmov v5;
	[tilespmem:s12+$0x100] =	vst v9;
	v9 =	vld.idx.msk [tilespmem:v11+s24+$0x0], $0xffff  }
0x27d: {  	s30 =	sadd.s32 $0x10, s29;
	s8 =	sor.u32 s3, s16;
	s3 =	smov.u32 s5;
	v5 =	vor.u32 v6, v14;
	[tilespmem:s19+$0x80] =	vst v8;
	v22 =	vld.idx.msk [tilespmem:v13+s24+$0x0], $0xffff  }
0x27e: {  	s11 =	smov.u32 s14;
	s9 =	sor.u32 $0x300, s30;
	s5 =	sor.u32 $0x300, s29;
	v8 =	vor.u32 $0x80, v5;
	[tilespmem:s8+$0x0] =	vst v12;
	v14 =	vld.idx.msk [tilespmem:v16+s24+$0x0], $0xffff;
	v16 =	vor.u32 $0x280, v4  }
.Ltmp4:
0x27f: {  	s14 =	smov.u32 s22;
	v17 =	vor.u32 $0x280, v1;
	v15 =	vld.idx.msk [tilespmem:v18+s24+$0x0], $0xffff;
	[tilespmem:s9+$0x11000] =	vst v7;
	(pc) =	sbr.rel @p0 .LBB2_11-.Ltmp4, $4  }
0x280: {  	v18 =	vor.u32 $0x200, v0;
	v6 =	vand.u32 $0x7F, v20;
	v7 =	vshll.u32 v20, $0x3;
	[tilespmem:s5+$0x11000] =	vst v19;
	v12 =	vld.idx.msk [tilespmem:v21+s24+$0x0], $0xffff  }
0x281: {  	v7 =	vand.u32 $0xFFFFFC00, v7;
	v11 =	vld.idx.msk [tilespmem:v10+s24+$0x0], $0xffff  }
0x282: {  	s6 =	sadd.s32 $0x1, s6;
	v10 =	vor.u32 $0x180, v2;
	v13 =	vld.idx.msk [tilespmem:v5+s24+$0x0], $0xffff;
	[tilespmem:s21+$0x200] =	vst v9  }
0x283: {  	s17 =	sadd.s32 $0x20, s17;
	s18 =	sadd.s32 $0x20, s18;
	s22 =	sadd.s32 $0x100, s22;
	v9 =	vor.u32 $0x100, v3;
	[tilespmem:s12+$0x180] =	vst v22;
	v16 =	vld.idx.msk [tilespmem:v16+s24+$0x0], $0xffff  }
0x284: {  	v19 =	vld [tilespmem:s4+$0x0];
	v7 =	vor.u32 v6, v7;
	_ =	sdelay $0x4  }
0x285: {  	[tilespmem:s19+$0x100] =	vst v14;
	v20 =	vshll.u32 v19, $0x3;
	v14 =	vld.idx.msk [tilespmem:v7+s24+$0x0], $0xffff  }
0x286: {  	[tilespmem:s8+$0x80] =	vst v15;
	v15 =	vor.u32 $0x80, v7;
	v19 =	vand.u32 $0x7F, v19;
	v6 =	vand.u32 $0xFFFFFC00, v20  }
0x287: {  	s31 =	sor.u32 $0x380, s30;
	s0 =	sand.u32 $0x3C00, s22;
	v6 =	vor.u32 v19, v6  }
0x288: {  	v17 =	vld.idx.msk [tilespmem:v17+s24+$0x0], $0xffff;
	s15 =	sor.u32 s23, s16;
	[tilespmem:s31+$0x11000] =	vst v12;
	s9 =	sadd.s32 $0x11000, s0  }
0x289: {  	v10 =	vld.idx.msk [tilespmem:v10+s24+$0x0], $0xffff;
	s4 =	sor.u32 s3, s9;
	[tilespmem:s15+$0x0] =	vst v13  }
0x28a: {  	s5 =	sor.u32 $0x380, s29;
	v13 =	vor.u32 $0x300, v1;
	v8 =	vld.idx.msk [tilespmem:v8+s24+$0x0], $0xffff;
	[tilespmem:s4+$0x0] =	vst v14  }
0x28b: {  	[tilespmem:s5+$0x11000] =	vst v11;
	v14 =	vor.u32 $0x100, v5;
	v15 =	vld.idx.msk [tilespmem:v15+s24+$0x0], $0xffff  }
0x28c: {  	[tilespmem:s21+$0x280] =	vst v16;
	v16 =	vor.u32 $0x100, v7;
	v19 =	vld.idx.msk [tilespmem:v6+s24+$0x0], $0xffff  }
0x28d: {  	v9 =	vld.idx.msk [tilespmem:v9+s24+$0x0], $0xffff;
	[tilespmem:s20+$0x280] =	vst v17;
	v12 =	vor.u32 $0x80, v6  }
0x28e: {  	v11 =	vld.idx.msk [tilespmem:v18+s24+$0x0], $0xffff;
	[tilespmem:s19+$0x180] =	vst v10  }
0x28f: {  	v13 =	vld.idx.msk [tilespmem:v13+s24+$0x0], $0xffff;
	[tilespmem:s15+$0x80] =	vst v8  }
0x290: {  	s1 =	sshll.u32 s1, $0x5;
	s16 =	sor.u32 s26, s9;
	v8 =	vor.u32 $0x180, v3;
	v14 =	vld.idx.msk [tilespmem:v14+s24+$0x0], $0xffff;
	[tilespmem:s4+$0x80] =	vst v15  }
0x291: {  	s1 =	sadd.s32 s1, s13;
	v15 =	vor.u32 $0x180, v5;
	[tilespmem:s16+$0x0] =	vst v19;
	v16 =	vld.idx.msk [tilespmem:v16+s24+$0x0], $0xffff  }
0x292: {  	s17 =	sadd.s32 $0x10, s1;
	v10 =	vor.u32 $0x180, v7;
	[tilespmem:s8+$0x100] =	vst v9;
	v12 =	vld.idx.msk [tilespmem:v12+s24+$0x0], $0xffff  }
0x293: {  	s9 =	sor.u32 $0x300, s17;
	[tilespmem:s12+$0x200] =	vst v11;
	v17 =	vor.u32 $0x100, v6  }
0x294: {  	v11 =	vor.u32 $0x200, v2;
	[tilespmem:s9+$0x11000] =	vst v13  }
0x295: {  	v18 =	vor.u32 $0x300, v4;
	v8 =	vld.idx.msk [tilespmem:v8+s24+$0x0], $0xffff;
	[tilespmem:s15+$0x100] =	vst v14  }
0x296: {  	v13 =	vor.u32 $0x200, v3;
	v14 =	vld.idx.msk [tilespmem:v15+s24+$0x0], $0xffff;
	[tilespmem:s4+$0x100] =	vst v16  }
0x297: {  	v15 =	vor.u32 $0x200, v5;
	[tilespmem:s16+$0x80] =	vst v12;
	v10 =	vld.idx.msk [tilespmem:v10+s24+$0x0], $0xffff  }
0x298: {  	v1 =	vor.u32 $0x380, v1;
	v12 =	vld.idx.msk [tilespmem:v17+s24+$0x0], $0xffff  }
0x299: {  	v9 =	vor.u32 $0x180, v6;
	v11 =	vld.idx.msk [tilespmem:v11+s24+$0x0], $0xffff  }
0x29a: {  	[tilespmem:s8+$0x180] =	vst v8;
	v8 =	vor.u32 $0x280, v2;
	v17 =	vld.idx.msk [tilespmem:v18+s24+$0x0], $0xffff  }
0x29b: {  	v4 =	vor.u32 $0x380, v4;
	v13 =	vld.idx.msk [tilespmem:v13+s24+$0x0], $0xffff;
	[tilespmem:s15+$0x180] =	vst v14  }
0x29c: {  	v14 =	vld.idx.msk [tilespmem:v15+s24+$0x0], $0xffff;
	v15 =	vor.u32 $0x280, v3;
	[tilespmem:s4+$0x180] =	vst v10  }
0x29d: {  	v1 =	vld.idx.msk [tilespmem:v1+s24+$0x0], $0xffff;
	v10 =	vor.u32 $0x280, v5;
	[tilespmem:s16+$0x100] =	vst v12  }
0x29e: {  	s18 =	sor.u32 $0x300, s1;
	[tilespmem:s19+$0x200] =	vst v11;
	v12 =	vor.u32 $0x200, v7;
	v9 =	vld.idx.msk [tilespmem:v9+s24+$0x0], $0xffff  }
0x29f: {  	v11 =	vor.u32 $0x200, v6;
	v8 =	vld.idx.msk [tilespmem:v8+s24+$0x0], $0xffff;
	[tilespmem:s18+$0x11000] =	vst v17  }
0x2a0: {  	[tilespmem:s8+$0x200] =	vst v13;
	v4 =	vld.idx.msk [tilespmem:v4+s24+$0x0], $0xffff  }
0x2a1: {  	s5 =	sor.u32 $0x380, s17;
	v16 =	vor.u32 $0x280, v0;
	[tilespmem:s15+$0x200] =	vst v14;
	v14 =	vld.idx.msk [tilespmem:v15+s24+$0x0], $0xffff  }
0x2a2: {  	[tilespmem:s5+$0x11000] =	vst v1;
	v13 =	vor.u32 $0x300, v2;
	v10 =	vld.idx.msk [tilespmem:v10+s24+$0x0], $0xffff  }
0x2a3: {  	v15 =	vor.u32 $0x300, v3;
	v12 =	vld.idx.msk [tilespmem:v12+s24+$0x0], $0xffff;
	[tilespmem:s16+$0x180] =	vst v9  }
0x2a4: {  	s1 =	sor.u32 $0x380, s1;
	[tilespmem:s19+$0x280] =	vst v8;
	v9 =	vor.u32 $0x280, v7;
	v1 =	vld.idx.msk [tilespmem:v11+s24+$0x0], $0xffff  }
0x2a5: {  	[tilespmem:s1+$0x11000] =	vst v4  }
0x2a6: {  	v4 =	vor.u32 $0x280, v6;
	v11 =	vld.idx.msk [tilespmem:v16+s24+$0x0], $0xffff;
	[tilespmem:s8+$0x280] =	vst v14  }
0x2a7: {  	s21 =	sadd.s32 $0x1, s6;
	v13 =	vld.idx.msk [tilespmem:v13+s24+$0x0], $0xffff;
	v16 =	vor.u32 $0x300, v0;
	[tilespmem:s15+$0x280] =	vst v10  }
0x2a8: {  	s20 =	sand.u32 $0x3, s6;
	s6 =	sand.u32 $0x3, s21;
	v10 =	vld.idx.msk [tilespmem:v15+s24+$0x0], $0xffff;
	[tilespmem:s4+$0x200] =	vst v12;
	v12 =	vor.u32 $0x300, v5  }
0x2a9: {  	s6 =	sshll.u32 s6, $0x5;
	v2 =	vor.u32 $0x380, v2;
	s1 =	sshll.u32 s20, $0x5;
	[tilespmem:s16+$0x200] =	vst v1;
	v1 =	vld.idx.msk [tilespmem:v9+s24+$0x0], $0xffff  }
0x2aa: {  	s6 =	sadd.s32 s6, s14;
	v3 =	vor.u32 $0x380, v3;
	s1 =	sadd.s32 s1, s11  }
0x2ab: {  	s29 =	sadd.s32 $0x10, s6;
	s28 =	sor.u32 $0x300, s1;
	[tilespmem:s12+$0x280] =	vst v11;
	v9 =	vor.u32 $0x300, v7;
	v4 =	vld.idx.msk [tilespmem:v4+s24+$0x0], $0xffff  }
0x2ac: {  	s30 =	sor.u32 $0x300, s29;
	[tilespmem:s28+$0x11000] =	vst v13;
	v11 =	vor.u32 $0x300, v6;
	v8 =	vld.idx.msk [tilespmem:v16+s24+$0x0], $0xffff  }
0x2ad: {  	v0 =	vor.u32 $0x380, v0;
	[tilespmem:s30+$0x11000] =	vst v10;
	v12 =	vld.idx.msk [tilespmem:v12+s24+$0x0], $0xffff  }
0x2ae: {  	v2 =	vld.idx.msk [tilespmem:v2+s24+$0x0], $0xffff;
	[tilespmem:s4+$0x280] =	vst v1;
	v1 =	vor.u32 $0x380, v5  }
0x2af: {  	s5 =	sadd.s32 $0x1, s21;
	s23 =	sadd.s32 $0x10, s1;
	v3 =	vld.idx.msk [tilespmem:v3+s24+$0x0], $0xffff  }
0x2b0: {  	s5 =	sand.u32 $0x3, s5;
	s26 =	sor.u32 $0x300, s23;
	[tilespmem:s16+$0x280] =	vst v4;
	v4 =	vld.idx.msk [tilespmem:v9+s24+$0x0], $0xffff  }
0x2b1: {  	s31 =	sor.u32 $0x300, s6;
	s5 =	sshll.u32 s5, $0x5;
	v7 =	vor.u32 $0x380, v7;
	[tilespmem:s26+$0x11000] =	vst v8;
	v5 =	vld.idx.msk [tilespmem:v11+s24+$0x0], $0xffff  }
0x2b2: {  	s5 =	sadd.s32 s5, s22;
	s1 =	sor.u32 $0x380, s1;
	v6 =	vor.u32 $0x380, v6;
	v0 =	vld.idx.msk [tilespmem:v0+s24+$0x0], $0xffff;
	[tilespmem:s31+$0x11000] =	vst v12  }
0x2b3: {  	s13 =	sor.u32 $0x380, s29;
	s0 =	sadd.s32 $0x10, s5;
	[tilespmem:s1+$0x11000] =	vst v2;
	v1 =	vld.idx.msk [tilespmem:v1+s24+$0x0], $0xffff  }
0x2b4: {  	s11 =	sor.u32 $0x300, s0;
	[tilespmem:s13+$0x11000] =	vst v3  }
0x2b5: {  	s12 =	sor.u32 $0x300, s5;
	[tilespmem:s11+$0x11000] =	vst v4  }
0x2b6: {  	s8 =	sor.u32 $0x380, s23;
	[tilespmem:s12+$0x11000] =	vst v5;
	v4 =	vld.idx.msk [tilespmem:v7+s24+$0x0], $0xffff  }
0x2b7: {  	s14 =	sor.u32 $0x380, s6;
	[tilespmem:s8+$0x11000] =	vst v0;
	v0 =	vld.idx.msk [tilespmem:v6+s24+$0x0], $0xffff  }
0x2b8: {  	[tilespmem:s14+$0x11000] =	vst v1  }
0x2b9: {  	s15 =	sor.u32 $0x380, s0;
	s11 =	sshll.u32 s10, $0x4;
	s0 =	rddreg [dreg:$0xd]  }
0x2ba: {  	s16 =	sadd.s32 s11, s0  }
0x2bb: {  	s17 =	sor.u32 $0x380, s5;
	s18 =	rddreg [dreg:$0x2];
	[tilespmem:s15+$0x11000] =	vst v4;
	s12 =	sshll.u32 s16, $0x9  }
0x2bc: {  	s20 =	simm.s32 $0x11000;
	s13 =	simm.s32 $0x0;
	[tilespmem:s17+$0x11000] =	vst v0;
	s19 =	sadd.s32 s18, s12  }
0x2bd: {  	[hbm4b:s19+s13] =	stream.linear.scatter [tilespmem:s20], [sflag:$0x3], $0x4000, $0x38;
	[tilespmem:$0x19000] =	vst v63  }
0x2be: {  	_ =	swait.ge [sflag:s2], $0x4000  }
0x2bf: {  	[sflag:s2] =	ssyncset.done $0x0  }
0x2c0: {  	s21 =	simm.s32 $0x810;
	[sflag:s2] =	ssyncadd.s32 $0xFFFFC000  }
0x2c1: {  	v0 =	vld [tilespmem:s21+$0x0];
	_ =	sdelay $0x4  }
0x2c2: {  	v1 =	vshll.u32 v0, $0x3  }
0x2c3: {  	v0 =	vand.u32 $0x7F, v0;
	v1 =	vand.u32 $0xFFFFFC00, v1  }
0x2c4: {  	v3 =	vor.u32 v0, v1  }
0x2c5: {  	v0 =	vld [tilespmem:s21+$0xFFFFFFF0];
	_ =	sdelay $0x3  }
0x2c6: {  	v1 =	vld.idx.msk [tilespmem:v3+s24+$0x0], $0xffff  }
0x2c7: {  	v4 =	vor.u32 $0x80, v3;
	v2 =	vshll.u32 v0, $0x3  }
0x2c8: {  	s22 =	simm.s32 $0x10;
	s23 =	simm.s32 $0x80;
	v0 =	vand.u32 $0x7F, v0;
	v2 =	vand.u32 $0xFFFFFC00, v2  }
0x2c9: {  	s3 =	sand.u32 $0xFFFFFC00, s23;
	s1 =	sand.u32 $0x70, s22;
	s26 =	simm.s32 $0x830;
	v2 =	vor.u32 v0, v2  }
0x2ca: {  	s1 =	sor.u32 s1, s3;
	v0 =	vld [tilespmem:s26+$0x0]  }
0x2cb: {  	[tilespmem:s1+$0x15000] =	vst v1;
	v1 =	vld [tilespmem:s26+$0xFFFFFFF0]  }
0x2cc: {  	v4 =	vld.idx.msk [tilespmem:v4+s24+$0x0], $0xffff  }
0x2cd: {  	v5 =	vor.u32 $0x100, v3  }
0x2ce: {  	v6 =	vld.idx.msk [tilespmem:v2+s24+$0x0], $0xffff  }
0x2cf: {  	v7 =	vor.u32 $0x80, v2;
	v8 =	vshll.u32 v0, $0x3  }
0x2d0: {  	s29 =	simm.s32 $0x800;
	s28 =	simm.s32 $0x4000;
	s1 =	sadd.s32 $0x15000, s1;
	v0 =	vand.u32 $0x7F, v0;
	v8 =	vand.u32 $0xFFFFFC00, v8;
	v9 =	vshll.u32 v1, $0x3  }
0x2d1: {  	s3 =	sand.u32 $0x7C00, s28;
	s4 =	sand.u32 $0x60, s29;
	v0 =	vor.u32 v0, v8;
	v1 =	vand.u32 $0x7F, v1;
	[tilespmem:s1+$0x80] =	vst v4;
	v4 =	vand.u32 $0xFFFFFC00, v9  }
0x2d2: {  	s14 =	sor.u32 s4, s3;
	v5 =	vld.idx.msk [tilespmem:v5+s24+$0x0], $0xffff;
	v8 =	vor.u32 v1, v4  }
0x2d3: {  	[tilespmem:s14+$0x11000] =	vst v6;
	v1 =	vor.u32 $0x180, v3  }
0x2d4: {  	v4 =	vld.idx.msk [tilespmem:v7+s24+$0x0], $0xffff  }
0x2d5: {  	v6 =	vor.u32 $0x100, v2  }
0x2d6: {  	v7 =	vld.idx.msk [tilespmem:v0+s24+$0x0], $0xffff  }
0x2d7: {  	s30 =	simm.s32 $0x30;
	v10 =	vor.u32 $0x80, v0;
	v9 =	vld.idx.msk [tilespmem:v8+s24+$0x0], $0xffff;
	[tilespmem:s1+$0x100] =	vst v5  }
0x2d8: {  	s31 =	simm.s32 $0x180;
	s8 =	simm.s32 $0x820;
	s0 =	simm.s32 $0x850;
	v1 =	vld.idx.msk [tilespmem:v1+s24+$0x0], $0xffff  }
0x2d9: {  	s3 =	sand.u32 $0x70, s30;
	s4 =	sand.u32 $0xFFFFFC00, s31;
	s20 =	simm.s32 $0x4100;
	v11 =	vor.u32 $0x200, v3;
	[tilespmem:s14+$0x11080] =	vst v4;
	v4 =	vld [tilespmem:s0+$0x0]  }
0x2da: {  	s6 =	sand.u32 $0x60, s8;
	s3 =	sor.u32 s3, s4;
	s9 =	sand.u32 $0x7C00, s20;
	v6 =	vld.idx.msk [tilespmem:v6+s24+$0x0], $0xffff  }
0x2db: {  	s19 =	sor.u32 s6, s9;
	v5 =	vor.u32 $0x80, v8;
	[tilespmem:s3+$0x15000] =	vst v7;
	v7 =	vld [tilespmem:s0+$0xFFFFFFF0]  }
0x2dc: {  	v12 =	vor.u32 $0x180, v2;
	v10 =	vld.idx.msk [tilespmem:v10+s24+$0x0], $0xffff;
	[tilespmem:s19+$0x11000] =	vst v9  }
0x2dd: {  	v9 =	vor.u32 $0x100, v0;
	[tilespmem:s1+$0x180] =	vst v1  }
0x2de: {  	v1 =	vshll.u32 v4, $0x3;
	v11 =	vld.idx.msk [tilespmem:v11+s24+$0x0], $0xffff  }
0x2df: {  	v4 =	vand.u32 $0x7F, v4;
	[tilespmem:s14+$0x11100] =	vst v6;
	v1 =	vand.u32 $0xFFFFFC00, v1;
	v6 =	vor.u32 $0x280, v3  }
0x2e0: {  	s23 =	sadd.s32 $0x15000, s3;
	v5 =	vld.idx.msk [tilespmem:v5+s24+$0x0], $0xffff;
	v14 =	vshll.u32 v7, $0x3;
	v1 =	vor.u32 v4, v1  }
0x2e1: {  	v13 =	vor.u32 $0x100, v8;
	v7 =	vand.u32 $0x7F, v7;
	v12 =	vld.idx.msk [tilespmem:v12+s24+$0x0], $0xffff;
	[tilespmem:s23+$0x80] =	vst v10;
	v10 =	vand.u32 $0xFFFFFC00, v14  }
0x2e2: {  	s17 =	simm.s32 $0x870;
	v10 =	vor.u32 v7, v10;
	v9 =	vld.idx.msk [tilespmem:v9+s24+$0x0], $0xffff  }
0x2e3: {  	v15 =	vld [tilespmem:s17+$0x0];
	v7 =	vor.u32 $0x180, v0;
	[tilespmem:s1+$0x200] =	vst v11  }
0x2e4: {  	v4 =	vor.u32 $0x200, v2;
	v6 =	vld.idx.msk [tilespmem:v6+s24+$0x0], $0xffff  }
0x2e5: {  	[tilespmem:s19+$0x11080] =	vst v5;
	v11 =	vld.idx.msk [tilespmem:v1+s24+$0x0], $0xffff  }
0x2e6: {  	v5 =	vld.idx.msk [tilespmem:v13+s24+$0x0], $0xffff;
	[tilespmem:s14+$0x11180] =	vst v12;
	v12 =	vor.u32 $0x300, v3  }
0x2e7: {  	s15 =	simm.s32 $0x50;
	s16 =	simm.s32 $0x280;
	v14 =	vor.u32 $0x80, v1;
	v13 =	vld.idx.msk [tilespmem:v10+s24+$0x0], $0xffff;
	[tilespmem:s23+$0x100] =	vst v9  }
0x2e8: {  	s4 =	sand.u32 $0xFFFFFC00, s16;
	s3 =	sand.u32 $0x70, s15;
	v9 =	vor.u32 $0x80, v10;
	v7 =	vld.idx.msk [tilespmem:v7+s24+$0x0], $0xffff  }
0x2e9: {  	s18 =	simm.s32 $0x840;
	s21 =	simm.s32 $0x4200;
	v16 =	vor.u32 $0x200, v0;
	s3 =	sor.u32 s3, s4;
	v4 =	vld.idx.msk [tilespmem:v4+s24+$0x0], $0xffff;
	[tilespmem:s1+$0x280] =	vst v6  }
0x2ea: {  	s6 =	sand.u32 $0x60, s18;
	s22 =	sand.u32 $0x7C00, s21;
	v6 =	vor.u32 $0x180, v8;
	[tilespmem:s3+$0x15000] =	vst v11;
	v11 =	vld [tilespmem:s17+$0xFFFFFFF0]  }
0x2eb: {  	s22 =	sor.u32 s6, s22;
	v17 =	vor.u32 $0x280, v2;
	v12 =	vld.idx.msk [tilespmem:v12+s24+$0x0], $0xffff  }
0x2ec: {  	v3 =	vor.u32 $0x380, v3;
	v14 =	vld.idx.msk [tilespmem:v14+s24+$0x0], $0xffff;
	[tilespmem:s22+$0x11000] =	vst v13  }
0x2ed: {  	v13 =	vor.u32 $0x100, v1;
	v9 =	vld.idx.msk [tilespmem:v9+s24+$0x0], $0xffff;
	[tilespmem:s23+$0x180] =	vst v7  }
0x2ee: {  	[tilespmem:s19+$0x11100] =	vst v5;
	v7 =	vor.u32 $0x100, v10;
	v5 =	vld.idx.msk [tilespmem:v16+s24+$0x0], $0xffff;
	v16 =	vshll.u32 v15, $0x3  }
0x2ef: {  	[tilespmem:s14+$0x11200] =	vst v4;
	v4 =	vand.u32 $0x7F, v15;
	v15 =	vor.u32 $0x280, v0;
	v18 =	vld.idx.msk [tilespmem:v6+s24+$0x0], $0xffff;
	v6 =	vand.u32 $0xFFFFFC00, v16  }
0x2f0: {  	s6 =	sadd.s32 $0x15000, s3;
	v16 =	vld.idx.msk [tilespmem:v17+s24+$0x0], $0xffff;
	[tilespmem:s1+$0x300] =	vst v12;
	v12 =	vshll.u32 v11, $0x3;
	v6 =	vor.u32 v4, v6  }
0x2f1: {  	s26 =	sand.u32 $0x7, s13;
	v17 =	vor.u32 $0x200, v8;
	v4 =	vand.u32 $0x7F, v11;
	[tilespmem:s6+$0x80] =	vst v14;
	v21 =	vld.idx.msk [tilespmem:v3+s24+$0x0], $0xffff;
	v3 =	vand.u32 $0xFFFFFC00, v12  }
0x2f2: {  	s1 =	sshll.u32 s26, $0x4;
	v14 =	vld.idx.msk [tilespmem:v13+s24+$0x0], $0xffff;
	[tilespmem:s22+$0x11080] =	vst v9;
	v23 =	vor.u32 v4, v3  }
0x2f3: {  	v27 =	vor.u32 $0x300, v2;
	v24 =	vor.u32 $0x180, v1;
	s28 =	sadd.s32 $0x4000, s1;
	v28 =	vld.idx.msk [tilespmem:v7+s24+$0x0], $0xffff;
	[tilespmem:s23+$0x200] =	vst v5  }
0x2f4: {  	v11 =	vor.u32 $0x280, v10;
	v9 =	vor.u32 $0x280, v8;
	v13 =	vor.u32 $0x180, v10;
	s3 =	sadd.s32 $0xFFFFC090, s28;
	v19 =	vld.idx.msk [tilespmem:v15+s24+$0x0], $0xffff  }
0x2f5: {  	v12 =	vor.u32 $0x200, v10;
	v26 =	vor.u32 $0x80, v6;
	v4 =	vor.u32 $0x380, v2;
	s29 =	sor.u32 $0x300, s3;
	[tilespmem:s19+$0x11180] =	vst v18;
	v22 =	vld.idx.msk [tilespmem:v6+s24+$0x0], $0xffff  }
0x2f6: {  	s31 =	simm.s32 $0x380;
	v3 =	vor.u32 $0x380, v8;
	v7 =	vor.u32 $0x300, v10;
	v20 =	vld.idx.msk [tilespmem:v17+s24+$0x0], $0xffff;
	[tilespmem:s29+$0x15000] =	vst v21;
	v21 =	vor.u32 $0x300, v0  }
0x2f7: {  	s8 =	simm.s32 $0x4300;
	s30 =	simm.s32 $0x70;
	s16 =	sand.u32 $0xFFFFFC00, s31;
	v2 =	vor.u32 $0x380, v10;
	v5 =	vor.u32 $0x300, v8;
	v8 =	vor.u32 $0x380, v23;
	[tilespmem:s6+$0x100] =	vst v14;
	v25 =	vld.idx.msk [tilespmem:v23+s24+$0x0], $0xffff  }
0x2f8: {  	s15 =	sand.u32 $0x70, s30;
	s3 =	simm.s32 $0x860;
	v10 =	vor.u32 $0x300, v23;
	[tilespmem:s14+$0x11280] =	vst v16;
	v18 =	vor.u32 $0x80, v23;
	v15 =	vor.u32 $0x100, v23;
	v24 =	vld.idx.msk [tilespmem:v24+s24+$0x0], $0xffff  }
0x2f9: {  	s4 =	simm.s32 $0x890;
	s1 =	simm.s32 $0x86;
	v16 =	vor.u32 $0x280, v23;
	s5 =	sand.u32 $0x60, s3;
	v17 =	vor.u32 $0x180, v23;
	v14 =	vor.u32 $0x200, v23;
	[tilespmem:s22+$0x11100] =	vst v28;
	v23 =	vld.idx.msk [tilespmem:v27+s24+$0x0], $0xffff  }
.LBB2_13:
0x2fa: {  	v27 =	vld [tilespmem:s4+$0x0];
	s9 =	sand.u32 $0x7C00, s8;
	s16 =	sor.u32 s15, s16;
	v28 =	vor.u32 $0x200, v1;
	[tilespmem:s23+$0x280] =	vst v19;
	s15 =	smov.u32 s14  }
0x2fb: {  	s1 =	sadd.s32 $0x2, s1;
	s14 =	smov.u32 s19;
	s5 =	sor.u32 s5, s9;
	[tilespmem:s16+$0x15000] =	vst v22;
	v19 =	vld.idx.msk [tilespmem:v21+s24+$0x0], $0xffff  }
0x2fc: {  	s19 =	smov.u32 s22;
	p0 =	slt.u32 s1, $0xFE;
	v21 =	vld.idx.msk [tilespmem:v26+s24+$0x0], $0xffff;
	[tilespmem:s14+$0x11200] =	vst v20;
	s22 =	smov.u32 s5  }
0x2fd: {  	v22 =	vor.u32 $0x380, v0;
	v0 =	vmov v1;
	v1 =	vmov v6;
	v20 =	vld [tilespmem:s4+$0xFFFFFFF0];
	[tilespmem:s22+$0x11000] =	vst v25  }
0x2fe: {  	v25 =	vor.u32 $0x100, v1;
	v18 =	vld.idx.msk [tilespmem:v18+s24+$0x0], $0xffff;
	[tilespmem:s6+$0x180] =	vst v24  }
0x2ff: {  	v24 =	vld.idx.msk [tilespmem:v28+s24+$0x0], $0xffff;
	[tilespmem:s15+$0x11300] =	vst v23  }
0x300: {  	v6 =	vshll.u32 v27, $0x3;
	v23 =	vld.idx.msk [tilespmem:v13+s24+$0x0], $0xffff;
	v13 =	vmov v17  }
0x301: {  	v26 =	vor.u32 $0x280, v0;
	v17 =	vand.u32 $0x7F, v27;
	v6 =	vand.u32 $0xFFFFFC00, v6;
	v27 =	vld.idx.msk [tilespmem:v9+s24+$0x0], $0xffff;
	[tilespmem:s23+$0x300] =	vst v19;
	v9 =	vmovc v11;
	v11 =	vmovc v16;
	s23 =	smov.u32 s6;
	s6 =	sadd.s32 $0x15000, s16  }
0x302: {  	s13 =	sadd.s32 $0x2, s13;
	v6 =	vor.u32 v17, v6;
	v16 =	vand.u32 $0x7F, v20;
	v19 =	vshll.u32 v20, $0x3;
	[tilespmem:s6+$0x80] =	vst v21;
	v28 =	vld.idx.msk [tilespmem:v22+s24+$0x0], $0xffff  }
0x303: {  	s5 =	sand.u32 $0x7, s13;
	v17 =	vand.u32 $0xFFFFFC00, v19;
	v29 =	vld.idx.msk [tilespmem:v25+s24+$0x0], $0xffff  }
0x304: {  	s5 =	sshll.u32 s5, $0x4;
	v25 =	vor.u32 v16, v17;
	[tilespmem:s22+$0x11080] =	vst v18;
	v30 =	vld.idx.msk [tilespmem:v4+s24+$0x0], $0xffff;
	v4 =	vmovc v3;
	v3 =	vmov v2;
	v2 =	vmov v8  }
0x305: {  	v32 =	vor.u32 $0x180, v1;
	s5 =	sadd.s32 s20, s5;
	s20 =	smov.u32 s21;
	s21 =	smov.u32 s8;
	v18 =	vor.u32 $0x80, v25;
	v31 =	vld.idx.msk [tilespmem:v15+s24+$0x0], $0xffff;
	v15 =	vor.u32 $0x100, v25;
	[tilespmem:s23+$0x200] =	vst v24  }
0x306: {  	s5 =	sadd.s32 $0xFFFFC090, s5;
	v17 =	vor.u32 $0x180, v25;
	v24 =	vor.u32 $0x200, v25;
	v16 =	vor.u32 $0x280, v25;
	[tilespmem:s19+$0x11180] =	vst v23;
	v19 =	vld.idx.msk [tilespmem:v26+s24+$0x0], $0xffff  }
.Ltmp5:
0x307: {  	s5 =	sor.u32 $0x300, s5;
	v33 =	vor.u32 $0x300, v25;
	v8 =	vor.u32 $0x380, v25;
	v22 =	vld.idx.msk [tilespmem:v6+s24+$0x0], $0xffff;
	[tilespmem:s14+$0x11280] =	vst v27;
	(pc) =	sbr.rel @p0 .LBB2_13-.Ltmp5, $4  }
0x308: {  	v21 =	vor.u32 $0x300, v0;
	v20 =	vld.idx.msk [tilespmem:v12+s24+$0x0], $0xffff;
	[tilespmem:s5+$0x15000] =	vst v28;
	v12 =	vmov v14;
	v14 =	vmov v24  }
0x309: {  	s3 =	sadd.s32 $0x20, s3;
	s8 =	sadd.s32 $0x100, s8;
	v26 =	vor.u32 $0x80, v6;
	v25 =	vld.idx.msk [tilespmem:v25+s24+$0x0], $0xffff;
	[tilespmem:s6+$0x100] =	vst v29  }
0x30a: {  	s9 =	sadd.s32 $0xFFFFF810, s3;
	s16 =	sadd.s32 $0xFFFFC080, s8;
	s5 =	sand.u32 $0x60, s3;
	v24 =	vld.idx.msk [tilespmem:v32+s24+$0x0], $0xffff;
	[tilespmem:s15+$0x11380] =	vst v30  }
0x30b: {  	s4 =	sadd.s32 $0x20, s4;
	s16 =	sand.u32 $0xFFFFFC00, s16;
	s15 =	sand.u32 $0x70, s9;
	[tilespmem:s22+$0x11100] =	vst v31;
	v23 =	vld.idx.msk [tilespmem:v5+s24+$0x0], $0xffff;
	v5 =	vmov v7;
	v7 =	vmov v10;
	v10 =	vmov v33  }
0x30c: {  	_ =	sdelay $0x1  }
0x30d: {  	s3 =	sor.u32 s15, s16;
	s1 =	sand.u32 $0x7C00, s8  }
0x30e: {  	[tilespmem:s3+$0x15000] =	vst v22;
	s1 =	sor.u32 s5, s1  }
0x30f: {  	v22 =	vld.idx.msk [tilespmem:v26+s24+$0x0], $0xffff;
	[tilespmem:s1+$0x11000] =	vst v25  }
0x310: {  	v60 =	vor.u32 $0x100, v6;
	v18 =	vld.idx.msk [tilespmem:v18+s24+$0x0], $0xffff;
	_ =	sdelay $0x2  }
0x311: {  	s3 =	sadd.s32 $0x15000, s3  }
0x312: {  	[tilespmem:s3+$0x80] =	vst v22  }
0x313: {  	v22 =	vld.idx.msk [tilespmem:v60+s24+$0x0], $0xffff;
	[tilespmem:s1+$0x11080] =	vst v18  }
0x314: {  	v18 =	vor.u32 $0x180, v6;
	v15 =	vld.idx.msk [tilespmem:v15+s24+$0x0], $0xffff;
	_ =	sdelay $0x2  }
0x315: {  	v13 =	vld.idx.msk [tilespmem:v13+s24+$0x0], $0xffff  }
0x316: {  	[tilespmem:s3+$0x100] =	vst v22  }
0x317: {  	v61 =	vor.u32 $0x200, v1;
	v18 =	vld.idx.msk [tilespmem:v18+s24+$0x0], $0xffff;
	[tilespmem:s1+$0x11100] =	vst v15  }
0x318: {  	v15 =	vor.u32 $0x200, v6;
	v17 =	vld.idx.msk [tilespmem:v17+s24+$0x0], $0xffff  }
0x319: {  	[tilespmem:s23+$0x280] =	vst v19  }
0x31a: {  	[tilespmem:s22+$0x11180] =	vst v13  }
0x31b: {  	[tilespmem:s6+$0x180] =	vst v24;
	v12 =	vld.idx.msk [tilespmem:v12+s24+$0x0], $0xffff  }
0x31c: {  	v19 =	vld.idx.msk [tilespmem:v61+s24+$0x0], $0xffff;
	[tilespmem:s3+$0x180] =	vst v18  }
0x31d: {  	v62 =	vor.u32 $0x280, v1;
	v13 =	vld.idx.msk [tilespmem:v15+s24+$0x0], $0xffff;
	[tilespmem:s1+$0x11180] =	vst v17  }
0x31e: {  	[tilespmem:s19+$0x11200] =	vst v20;
	v15 =	vor.u32 $0x280, v6;
	v14 =	vld.idx.msk [tilespmem:v14+s24+$0x0], $0xffff  }
0x31f: {  	[tilespmem:s14+$0x11300] =	vst v23;
	v17 =	vld.idx.msk [tilespmem:v21+s24+$0x0], $0xffff  }
0x320: {  	v0 =	vor.u32 $0x380, v0;
	v9 =	vld.idx.msk [tilespmem:v9+s24+$0x0], $0xffff;
	[tilespmem:s22+$0x11200] =	vst v12  }
0x321: {  	[tilespmem:s6+$0x200] =	vst v19;
	v11 =	vld.idx.msk [tilespmem:v11+s24+$0x0], $0xffff  }
0x322: {  	v18 =	vld.idx.msk [tilespmem:v62+s24+$0x0], $0xffff;
	[tilespmem:s3+$0x200] =	vst v13  }
0x323: {  	v19 =	vor.u32 $0x300, v1;
	v12 =	vld.idx.msk [tilespmem:v15+s24+$0x0], $0xffff;
	[tilespmem:s1+$0x11200] =	vst v14  }
0x324: {  	s4 =	sadd.s32 $0x2, s13;
	v13 =	vor.u32 $0x300, v6;
	[tilespmem:s23+$0x300] =	vst v17;
	v14 =	vld.idx.msk [tilespmem:v16+s24+$0x0], $0xffff  }
0x325: {  	s15 =	sand.u32 $0x7, s4;
	[tilespmem:s19+$0x11280] =	vst v9;
	v0 =	vld.idx.msk [tilespmem:v0+s24+$0x0], $0xffff  }
0x326: {  	s5 =	sshll.u32 s15, $0x4;
	v5 =	vld.idx.msk [tilespmem:v5+s24+$0x0], $0xffff;
	[tilespmem:s22+$0x11280] =	vst v11  }
0x327: {  	s5 =	sadd.s32 s20, s5;
	v7 =	vld.idx.msk [tilespmem:v7+s24+$0x0], $0xffff;
	[tilespmem:s6+$0x280] =	vst v18  }
0x328: {  	s5 =	sadd.s32 $0xFFFFC090, s5;
	v9 =	vld.idx.msk [tilespmem:v19+s24+$0x0], $0xffff;
	[tilespmem:s3+$0x280] =	vst v12  }
0x329: {  	s5 =	sor.u32 $0x300, s5;
	v1 =	vor.u32 $0x380, v1;
	v11 =	vld.idx.msk [tilespmem:v13+s24+$0x0], $0xffff;
	[tilespmem:s1+$0x11280] =	vst v14  }
0x32a: {  	v6 =	vor.u32 $0x380, v6;
	[tilespmem:s5+$0x15000] =	vst v0;
	v0 =	vld.idx.msk [tilespmem:v10+s24+$0x0], $0xffff  }
0x32b: {  	v4 =	vld.idx.msk [tilespmem:v4+s24+$0x0], $0xffff;
	[tilespmem:s19+$0x11300] =	vst v5  }
0x32c: {  	v3 =	vld.idx.msk [tilespmem:v3+s24+$0x0], $0xffff;
	[tilespmem:s22+$0x11300] =	vst v7  }
0x32d: {  	s4 =	sadd.s32 $0x2, s4;
	v2 =	vld.idx.msk [tilespmem:v2+s24+$0x0], $0xffff;
	[tilespmem:s6+$0x300] =	vst v9  }
0x32e: {  	s16 =	sand.u32 $0x7, s4;
	s17 =	sadd.s32 $0x2, s4;
	v1 =	vld.idx.msk [tilespmem:v1+s24+$0x0], $0xffff;
	[tilespmem:s3+$0x300] =	vst v11  }
0x32f: {  	s5 =	sshll.u32 s16, $0x4;
	s3 =	sand.u32 $0x7, s17;
	v5 =	vld.idx.msk [tilespmem:v6+s24+$0x0], $0xffff;
	[tilespmem:s1+$0x11300] =	vst v0  }
0x330: {  	[tilespmem:s14+$0x11380] =	vst v4;
	s18 =	sadd.s32 s21, s5;
	s3 =	sshll.u32 s3, $0x4;
	v0 =	vld.idx.msk [tilespmem:v8+s24+$0x0], $0xffff  }
0x331: {  	[tilespmem:s19+$0x11380] =	vst v3;
	s4 =	sadd.s32 $0xFFFFC090, s18;
	s3 =	sadd.s32 s8, s3  }
0x332: {  	[tilespmem:s22+$0x11380] =	vst v2;
	s4 =	sor.u32 $0x300, s4;
	s3 =	sadd.s32 $0xFFFFC090, s3  }
0x333: {  	[tilespmem:s4+$0x15000] =	vst v1;
	s3 =	sor.u32 $0x300, s3  }
0x334: {  	[tilespmem:s3+$0x15000] =	vst v5  }
0x335: {  	[tilespmem:s1+$0x11380] =	vst v0  }
0x336: {  	s0 =	rddreg [dreg:$0x7]  }
0x337: {  	s20 =	simm.s32 $0x15000;
	s21 =	rddreg [dreg:$0xe]  }
0x338: {  	s4 =	simm.s32 $0x0;
	s19 =	sadd.s32 s12, s0;
	s22 =	sadd.s32 s11, s21  }
0x339: {  	[hbm4b:s19+s4] =	stream.linear.scatter [tilespmem:s20], [sflag:$0x4], $0x4000, $0x38;
	[tilespmem:$0x19000] =	vst v63  }
0x33a: {  	s23 =	rddreg [dreg:$0x0];
	s1 =	sshll.u32 s22, $0x9  }
0x33b: {  	s26 =	simm.s32 $0x2;
	s1 =	sadd.s32 s23, s1  }
0x33c: {  	[tilespmem:s24], [sflag:$0x1] =	stream.linear.gather [hbm4b:s1+s4], $0x8000, $0x38;
	[tilespmem:$0x19000] =	vst v63  }
0x33d: {  	_ =	swait.ge [sflag:s26], $0x8000  }
0x33e: {  	[sflag:s26] =	ssyncset.done $0x0  }
0x33f: {  	s28 =	simm.s32 $0x3;
	[sflag:s26] =	ssyncadd.s32 $0xFFFF8000  }
0x340: {  	s31 =	sand.u32 $0x60, s4;
	_ =	swait.ge [sflag:s28], $0x4000  }
0x341: {  	s13 =	sand.u32 $0x780, s4;
	s12 =	sor.u32 $0x10, s31;
	[sflag:s28] =	ssyncset.done $0x0  }
0x342: {  	s5 =	sor.u32 s12, s13;
	[sflag:s28] =	ssyncadd.s32 $0xFFFFC000  }
0x343: {  	v0 =	vld [tilespmem:s5+$0x0];
	_ =	sdelay $0x3  }
0x344: {  	v2 =	vld [tilespmem:s4+$0x0]  }
0x345: {  	v1 =	vshll.u32 v0, $0x3  }
0x346: {  	v0 =	vand.u32 $0x7F, v0;
	v1 =	vand.u32 $0xFFFFFC00, v1  }
0x347: {  	s14 =	simm.s32 $0x20;
	v5 =	vor.u32 v0, v1  }
0x348: {  	s15 =	sand.u32 $0x60, s14  }
0x349: {  	s9 =	sor.u32 $0x10, s15;
	s16 =	sand.u32 $0x780, s14;
	v0 =	vshll.u32 v2, $0x3  }
0x34a: {  	s8 =	sor.u32 s9, s16;
	v1 =	vand.u32 $0x7F, v2;
	v0 =	vand.u32 $0xFFFFFC00, v0  }
0x34b: {  	v6 =	vor.u32 v1, v0;
	v0 =	vld [tilespmem:s8+$0x0]  }
0x34c: {  	v2 =	vld.idx.msk [tilespmem:v5+s25+$0x0], $0xffff  }
0x34d: {  	v1 =	vor.u32 $0x80, v5  }
0x34e: {  	s17 =	sand.u32 $0x3C00, s4  }
0x34f: {  	s8 =	sadd.s32 $0x11000, s17  }
0x350: {  	s1 =	sor.u32 s12, s8;
	v3 =	vld.idx.msk [tilespmem:v6+s25+$0x0], $0xffff  }
0x351: {  	v4 =	vor.u32 $0x80, v6;
	[tilespmem:s1+$0x0] =	vst v2;
	v2 =	vshll.u32 v0, $0x3  }
0x352: {  	v0 =	vand.u32 $0x7F, v0;
	v7 =	vld.idx.msk [tilespmem:v1+s25+$0x0], $0xffff;
	v1 =	vand.u32 $0xFFFFFC00, v2  }
0x353: {  	v1 =	vor.u32 v0, v1;
	v0 =	vld [tilespmem:s14+$0x0]  }
0x354: {  	s8 =	sor.u32 s31, s8  }
0x355: {  	s18 =	simm.s32 $0x40;
	v2 =	vor.u32 $0x100, v5;
	[tilespmem:s8+$0x0] =	vst v3  }
0x356: {  	s19 =	sand.u32 $0x60, s18;
	v3 =	vld.idx.msk [tilespmem:v4+s25+$0x0], $0xffff  }
0x357: {  	s21 =	sand.u32 $0x780, s18;
	s20 =	sor.u32 $0x10, s19;
	v8 =	vor.u32 $0x100, v6  }
0x358: {  	s12 =	sor.u32 s20, s21;
	[tilespmem:s1+$0x80] =	vst v7;
	v7 =	vld.idx.msk [tilespmem:v1+s25+$0x0], $0xffff;
	v4 =	vshll.u32 v0, $0x3  }
0x359: {  	v10 =	vld [tilespmem:s12+$0x0];
	s14 =	simm.s32 $0x100;
	v9 =	vor.u32 $0x80, v1;
	v0 =	vand.u32 $0x7F, v0;
	v4 =	vand.u32 $0xFFFFFC00, v4  }
0x35a: {  	s22 =	sand.u32 $0x3C00, s14;
	v2 =	vld.idx.msk [tilespmem:v2+s25+$0x0], $0xffff;
	v4 =	vor.u32 v0, v4  }
0x35b: {  	s12 =	sadd.s32 $0x11000, s22;
	[tilespmem:s8+$0x80] =	vst v3;
	v0 =	vor.u32 $0x180, v5  }
0x35c: {  	s21 =	sor.u32 s9, s12;
	v3 =	vld.idx.msk [tilespmem:v8+s25+$0x0], $0xffff  }
0x35d: {  	[tilespmem:s21+$0x0] =	vst v7;
	v7 =	vor.u32 $0x180, v6  }
0x35e: {  	v8 =	vld.idx.msk [tilespmem:v9+s25+$0x0], $0xffff  }
0x35f: {  	v11 =	vor.u32 $0x100, v1;
	[tilespmem:s1+$0x100] =	vst v2;
	v2 =	vshll.u32 v10, $0x3;
	v9 =	vld.idx.msk [tilespmem:v4+s25+$0x0], $0xffff  }
0x360: {  	v13 =	vor.u32 $0x80, v4;
	v2 =	vand.u32 $0xFFFFFC00, v2;
	v12 =	vld.idx.msk [tilespmem:v0+s25+$0x0], $0xffff;
	v0 =	vand.u32 $0x7F, v10  }
0x361: {  	[tilespmem:s8+$0x100] =	vst v3;
	v0 =	vor.u32 v0, v2;
	v2 =	vld [tilespmem:s18+$0x0]  }
0x362: {  	v3 =	vor.u32 $0x200, v5;
	v7 =	vld.idx.msk [tilespmem:v7+s25+$0x0], $0xffff  }
0x363: {  	s22 =	sor.u32 s15, s12;
	[tilespmem:s21+$0x80] =	vst v8;
	v8 =	vor.u32 $0x200, v6  }
0x364: {  	[tilespmem:s22+$0x0] =	vst v9;
	v9 =	vld.idx.msk [tilespmem:v11+s25+$0x0], $0xffff  }
0x365: {  	s23 =	simm.s32 $0x60;
	v11 =	vor.u32 $0x180, v1;
	v10 =	vld.idx.msk [tilespmem:v13+s25+$0x0], $0xffff  }
0x366: {  	s6 =	sand.u32 $0x60, s23;
	v14 =	vor.u32 $0x100, v4;
	[tilespmem:s1+$0x180] =	vst v12;
	v12 =	vld.idx.msk [tilespmem:v0+s25+$0x0], $0xffff;
	v13 =	vshll.u32 v2, $0x3  }
0x367: {  	s26 =	sor.u32 $0x10, s6;
	s28 =	sand.u32 $0x780, s23;
	s12 =	simm.s32 $0x200;
	v15 =	vor.u32 $0x80, v0;
	v3 =	vld.idx.msk [tilespmem:v3+s25+$0x0], $0xffff;
	v2 =	vand.u32 $0x7F, v2;
	v13 =	vand.u32 $0xFFFFFC00, v13;
	[tilespmem:s8+$0x180] =	vst v7  }
0x368: {  	s15 =	sor.u32 s26, s28;
	s31 =	sand.u32 $0x3C00, s12;
	v2 =	vor.u32 v2, v13;
	v7 =	vld.idx.msk [tilespmem:v8+s25+$0x0], $0xffff  }
0x369: {  	s0 =	sadd.s32 $0x11000, s31;
	v8 =	vld [tilespmem:s15+$0x0];
	[tilespmem:s21+$0x100] =	vst v9;
	v9 =	vor.u32 $0x280, v6  }
0x36a: {  	s13 =	sor.u32 s20, s0;
	[tilespmem:s22+$0x80] =	vst v10;
	v10 =	vld.idx.msk [tilespmem:v11+s25+$0x0], $0xffff;
	v11 =	vor.u32 $0x280, v5  }
0x36b: {  	[tilespmem:s13+$0x0] =	vst v12;
	v12 =	vld.idx.msk [tilespmem:v14+s25+$0x0], $0xffff  }
0x36c: {  	v13 =	vor.u32 $0x200, v1;
	v14 =	vld.idx.msk [tilespmem:v15+s25+$0x0], $0xffff  }
0x36d: {  	v16 =	vor.u32 $0x180, v4;
	v15 =	vld.idx.msk [tilespmem:v2+s25+$0x0], $0xffff;
	[tilespmem:s8+$0x200] =	vst v7  }
0x36e: {  	[tilespmem:s1+$0x200] =	vst v3;
	v3 =	vshll.u32 v8, $0x3;
	v7 =	vor.u32 $0x100, v0;
	v9 =	vld.idx.msk [tilespmem:v9+s25+$0x0], $0xffff  }
0x36f: {  	v17 =	vor.u32 $0x80, v2;
	v8 =	vand.u32 $0x7F, v8;
	v3 =	vand.u32 $0xFFFFFC00, v3;
	[tilespmem:s21+$0x180] =	vst v10;
	v10 =	vld.idx.msk [tilespmem:v11+s25+$0x0], $0xffff  }
0x370: {  	v3 =	vor.u32 v8, v3;
	v11 =	vld [tilespmem:s23+$0x0]  }
0x371: {  	v8 =	vld.idx.msk [tilespmem:v13+s25+$0x0], $0xffff;
	[tilespmem:s22+$0x100] =	vst v12;
	v12 =	vor.u32 $0x300, v5  }
0x372: {  	s20 =	sor.u32 s19, s0;
	[tilespmem:s13+$0x80] =	vst v14;
	v13 =	vor.u32 $0x300, v6;
	v14 =	vld.idx.msk [tilespmem:v16+s25+$0x0], $0xffff  }
0x373: {  	[tilespmem:s20+$0x0] =	vst v15;
	v7 =	vld.idx.msk [tilespmem:v7+s25+$0x0], $0xffff  }
0x374: {  	s15 =	simm.s32 $0x80;
	v16 =	vor.u32 $0x200, v4;
	v15 =	vld.idx.msk [tilespmem:v17+s25+$0x0], $0xffff  }
0x375: {  	v18 =	vor.u32 $0x180, v0;
	s3 =	sand.u32 $0x60, s15;
	v17 =	vld.idx.msk [tilespmem:v3+s25+$0x0], $0xffff;
	[tilespmem:s1+$0x280] =	vst v10  }
0x376: {  	s16 =	sand.u32 $0x780, s15;
	[tilespmem:s8+$0x280] =	vst v9;
	v9 =	vor.u32 $0x100, v2;
	s1 =	sor.u32 $0x10, s3;
	v10 =	vld.idx.msk [tilespmem:v12+s25+$0x0], $0xffff  }
0x377: {  	s4 =	sand.u32 $0x3, s4;
	s19 =	simm.s32 $0x300;
	s17 =	sor.u32 s1, s16;
	v12 =	vor.u32 $0x80, v3;
	v13 =	vld.idx.msk [tilespmem:v13+s25+$0x0], $0xffff  }
0x378: {  	s4 =	sshll.u32 s4, $0x5;
	v63 =	vor.u32 $0x380, v5;
	s18 =	sand.u32 $0x3C00, s19;
	v19 =	vshll.u32 v11, $0x3;
	v20 =	vld [tilespmem:s17+$0x0];
	[tilespmem:s22+$0x180] =	vst v14  }
0x379: {  	s30 =	sadd.s32 $0x0, s4;
	v6 =	vor.u32 $0x380, v6;
	v11 =	vand.u32 $0x7F, v11;
	v5 =	vand.u32 $0xFFFFFC00, v19;
	s17 =	sadd.s32 $0x11000, s18;
	[tilespmem:s13+$0x100] =	vst v7;
	v7 =	vld.idx.msk [tilespmem:v16+s25+$0x0], $0xffff  }
0x37a: {  	s5 =	sadd.s32 $0x10, s30;
	v5 =	vor.u32 v11, v5;
	s26 =	sor.u32 s26, s17;
	[tilespmem:s20+$0x80] =	vst v15;
	v16 =	vld.idx.msk [tilespmem:v18+s25+$0x0], $0xffff  }
0x37b: {  	s23 =	sor.u32 $0x300, s5;
	v19 =	vor.u32 $0x280, v4;
	v14 =	vld.idx.msk [tilespmem:v9+s25+$0x0], $0xffff;
	[tilespmem:s26+$0x0] =	vst v17  }
0x37c: {  	s28 =	sor.u32 $0x300, s30;
	v17 =	vor.u32 $0x280, v1;
	v15 =	vld.idx.msk [tilespmem:v12+s25+$0x0], $0xffff;
	[tilespmem:s23+$0x11000] =	vst v10  }
0x37d: {  	v18 =	vor.u32 $0x200, v0;
	[tilespmem:s28+$0x11000] =	vst v13;
	v12 =	vld.idx.msk [tilespmem:v63+s25+$0x0], $0xffff  }
0x37e: {  	s31 =	simm.s32 $0x1;
	[tilespmem:s21+$0x200] =	vst v8;
	v11 =	vld.idx.msk [tilespmem:v6+s25+$0x0], $0xffff  }
0x37f: {  	s29 =	simm.s32 $0xA0;
	s4 =	sand.u32 $0x3, s31;
	s8 =	simm.s32 $0x2;
	v8 =	vor.u32 $0x80, v5;
	v10 =	vor.u32 $0x180, v2;
	v9 =	vshll.u32 v20, $0x3;
	v13 =	vld.idx.msk [tilespmem:v5+s25+$0x0], $0xffff;
	[tilespmem:s22+$0x200] =	vst v7  }
0x380: {  	s16 =	simm.s32 $0x8;
	s18 =	simm.s32 $0xA0;
	s23 =	simm.s32 $0x400;
	v6 =	vand.u32 $0x7F, v20;
	v7 =	vand.u32 $0xFFFFFC00, v9;
	v9 =	vor.u32 $0x100, v3;
	[tilespmem:s13+$0x180] =	vst v16;
	v16 =	vld.idx.msk [tilespmem:v19+s25+$0x0], $0xffff  }
.LBB2_15:
0x381: {  	s9 =	sand.u32 $0x60, s18;
	s16 =	sadd.s32 $0x2, s16;
	[tilespmem:s20+$0x100] =	vst v14;
	v14 =	vld.idx.msk [tilespmem:v17+s25+$0x0], $0xffff;
	s30 =	sor.u32 $0x380, s30  }
0x382: {  	s31 =	sand.u32 $0x780, s18;
	v6 =	vor.u32 v6, v7;
	s5 =	sor.u32 $0x380, s5;
	s28 =	sor.u32 $0x10, s9;
	[tilespmem:s26+$0x80] =	vst v15;
	v7 =	vld.idx.msk [tilespmem:v18+s25+$0x0], $0xffff  }
0x383: {  	s0 =	sand.u32 $0x3, s8;
	v17 =	vor.u32 $0x300, v4;
	p0 =	slt.u32 s16, $0x7E;
	v18 =	vor.u32 $0x300, v1;
	s31 =	sor.u32 s28, s31;
	v15 =	vld [tilespmem:s15+$0x0];
	[tilespmem:s5+$0x11000] =	vst v12  }
0x384: {  	s5 =	sor.u32 s6, s17;
	s6 =	smov.u32 s3;
	s3 =	smov.u32 s9;
	v10 =	vld.idx.msk [tilespmem:v10+s25+$0x0], $0xffff;
	[tilespmem:s30+$0x11000] =	vst v11  }
0x385: {  	s15 =	smov.u32 s29;
	[tilespmem:s5+$0x0] =	vst v13;
	v9 =	vld.idx.msk [tilespmem:v9+s25+$0x0], $0xffff  }
0x386: {  	v11 =	vor.u32 $0x200, v2;
	v8 =	vld.idx.msk [tilespmem:v8+s25+$0x0], $0xffff;
	[tilespmem:s22+$0x280] =	vst v16;
	s22 =	smov.u32 s20;
	s20 =	smov.u32 s5  }
0x387: {  	v13 =	vor.u32 $0x180, v3;
	v12 =	vld.idx.msk [tilespmem:v6+s25+$0x0], $0xffff;
	[tilespmem:s21+$0x280] =	vst v14;
	s21 =	smov.u32 s13;
	s13 =	smov.u32 s26  }
0x388: {  	v16 =	vor.u32 $0x100, v5;
	v14 =	vshll.u32 v15, $0x3;
	[tilespmem:s21+$0x200] =	vst v7;
	v7 =	vld.idx.msk [tilespmem:v18+s25+$0x0], $0xffff  }
0x389: {  	v18 =	vor.u32 $0x80, v6;
	v14 =	vand.u32 $0xFFFFFC00, v14;
	v19 =	vld.idx.msk [tilespmem:v17+s25+$0x0], $0xffff  }
0x38a: {  	v21 =	vor.u32 $0x380, v1;
	v1 =	vmovc v0;
	v0 =	vmovc v3;
	s9 =	sshll.u32 s4, $0x5;
	s4 =	smov.u32 s0;
	v3 =	vmov v6;
	s5 =	sand.u32 $0x3C00, s23;
	v20 =	vld [tilespmem:s31+$0x0];
	[tilespmem:s22+$0x180] =	vst v10;
	v10 =	vor.u32 $0x380, v4  }
0x38b: {  	s30 =	sadd.s32 s9, s14;
	s14 =	smov.u32 s12;
	s17 =	sadd.s32 $0x11000, s5;
	v6 =	vand.u32 $0x7F, v15;
	v4 =	vmov v2;
	v2 =	vmov v5;
	[tilespmem:s13+$0x100] =	vst v9;
	v9 =	vld.idx.msk [tilespmem:v11+s25+$0x0], $0xffff  }
0x38c: {  	s5 =	sadd.s32 $0x10, s30;
	s26 =	sor.u32 s1, s17;
	s1 =	smov.u32 s28;
	v5 =	vor.u32 v6, v14;
	[tilespmem:s20+$0x80] =	vst v8;
	v22 =	vld.idx.msk [tilespmem:v13+s25+$0x0], $0xffff  }
0x38d: {  	s12 =	smov.u32 s19;
	s0 =	sor.u32 $0x300, s30;
	s9 =	sor.u32 $0x300, s5;
	v8 =	vor.u32 $0x80, v5;
	[tilespmem:s26+$0x0] =	vst v12;
	v14 =	vld.idx.msk [tilespmem:v16+s25+$0x0], $0xffff;
	v16 =	vor.u32 $0x280, v4  }
.Ltmp6:
0x38e: {  	s19 =	smov.u32 s23;
	v17 =	vor.u32 $0x280, v1;
	v15 =	vld.idx.msk [tilespmem:v18+s25+$0x0], $0xffff;
	[tilespmem:s9+$0x11000] =	vst v7;
	(pc) =	sbr.rel @p0 .LBB2_15-.Ltmp6, $4  }
0x38f: {  	v18 =	vor.u32 $0x200, v0;
	v6 =	vand.u32 $0x7F, v20;
	v7 =	vshll.u32 v20, $0x3;
	[tilespmem:s0+$0x11000] =	vst v19;
	v12 =	vld.idx.msk [tilespmem:v21+s25+$0x0], $0xffff  }
0x390: {  	v7 =	vand.u32 $0xFFFFFC00, v7;
	v11 =	vld.idx.msk [tilespmem:v10+s25+$0x0], $0xffff  }
0x391: {  	s8 =	sadd.s32 $0x1, s8;
	v10 =	vor.u32 $0x180, v2;
	v13 =	vld.idx.msk [tilespmem:v5+s25+$0x0], $0xffff;
	[tilespmem:s22+$0x200] =	vst v9  }
0x392: {  	s18 =	sadd.s32 $0x20, s18;
	s29 =	sadd.s32 $0x20, s29;
	s23 =	sadd.s32 $0x100, s23;
	v9 =	vor.u32 $0x100, v3;
	[tilespmem:s13+$0x180] =	vst v22;
	v16 =	vld.idx.msk [tilespmem:v16+s25+$0x0], $0xffff  }
0x393: {  	v19 =	vld [tilespmem:s15+$0x0];
	v7 =	vor.u32 v6, v7;
	_ =	sdelay $0x4  }
0x394: {  	[tilespmem:s20+$0x100] =	vst v14;
	v20 =	vshll.u32 v19, $0x3;
	v14 =	vld.idx.msk [tilespmem:v7+s25+$0x0], $0xffff  }
0x395: {  	[tilespmem:s26+$0x80] =	vst v15;
	v15 =	vor.u32 $0x80, v7;
	v19 =	vand.u32 $0x7F, v19;
	v6 =	vand.u32 $0xFFFFFC00, v20  }
0x396: {  	s0 =	sor.u32 $0x380, s5;
	s31 =	sand.u32 $0x3C00, s23;
	v6 =	vor.u32 v19, v6  }
0x397: {  	v17 =	vld.idx.msk [tilespmem:v17+s25+$0x0], $0xffff;
	s6 =	sor.u32 s6, s17;
	[tilespmem:s0+$0x11000] =	vst v12;
	s0 =	sadd.s32 $0x11000, s31  }
0x398: {  	v10 =	vld.idx.msk [tilespmem:v10+s25+$0x0], $0xffff;
	s9 =	sor.u32 s1, s0;
	[tilespmem:s6+$0x0] =	vst v13  }
0x399: {  	s30 =	sor.u32 $0x380, s30;
	v13 =	vor.u32 $0x300, v1;
	v8 =	vld.idx.msk [tilespmem:v8+s25+$0x0], $0xffff;
	[tilespmem:s9+$0x0] =	vst v14  }
0x39a: {  	[tilespmem:s30+$0x11000] =	vst v11;
	v14 =	vor.u32 $0x100, v5;
	v15 =	vld.idx.msk [tilespmem:v15+s25+$0x0], $0xffff  }
0x39b: {  	[tilespmem:s22+$0x280] =	vst v16;
	v16 =	vor.u32 $0x100, v7;
	v19 =	vld.idx.msk [tilespmem:v6+s25+$0x0], $0xffff  }
0x39c: {  	v9 =	vld.idx.msk [tilespmem:v9+s25+$0x0], $0xffff;
	[tilespmem:s21+$0x280] =	vst v17;
	v12 =	vor.u32 $0x80, v6  }
0x39d: {  	v11 =	vld.idx.msk [tilespmem:v18+s25+$0x0], $0xffff;
	[tilespmem:s20+$0x180] =	vst v10  }
0x39e: {  	v13 =	vld.idx.msk [tilespmem:v13+s25+$0x0], $0xffff;
	[tilespmem:s6+$0x80] =	vst v8  }
0x39f: {  	s17 =	sshll.u32 s4, $0x5;
	s16 =	sor.u32 s3, s0;
	v8 =	vor.u32 $0x180, v3;
	v14 =	vld.idx.msk [tilespmem:v14+s25+$0x0], $0xffff;
	[tilespmem:s9+$0x80] =	vst v15  }
0x3a0: {  	s0 =	sadd.s32 s17, s14;
	v15 =	vor.u32 $0x180, v5;
	[tilespmem:s16+$0x0] =	vst v19;
	v16 =	vld.idx.msk [tilespmem:v16+s25+$0x0], $0xffff  }
0x3a1: {  	s18 =	sadd.s32 $0x10, s0;
	v10 =	vor.u32 $0x180, v7;
	[tilespmem:s26+$0x100] =	vst v9;
	v12 =	vld.idx.msk [tilespmem:v12+s25+$0x0], $0xffff  }
0x3a2: {  	s21 =	sor.u32 $0x300, s18;
	[tilespmem:s13+$0x200] =	vst v11;
	v17 =	vor.u32 $0x100, v6  }
0x3a3: {  	v11 =	vor.u32 $0x200, v2;
	[tilespmem:s21+$0x11000] =	vst v13  }
0x3a4: {  	v18 =	vor.u32 $0x300, v4;
	v8 =	vld.idx.msk [tilespmem:v8+s25+$0x0], $0xffff;
	[tilespmem:s6+$0x100] =	vst v14  }
0x3a5: {  	v13 =	vor.u32 $0x200, v3;
	v14 =	vld.idx.msk [tilespmem:v15+s25+$0x0], $0xffff;
	[tilespmem:s9+$0x100] =	vst v16  }
0x3a6: {  	v15 =	vor.u32 $0x200, v5;
	[tilespmem:s16+$0x80] =	vst v12;
	v10 =	vld.idx.msk [tilespmem:v10+s25+$0x0], $0xffff  }
0x3a7: {  	v1 =	vor.u32 $0x380, v1;
	v12 =	vld.idx.msk [tilespmem:v17+s25+$0x0], $0xffff  }
0x3a8: {  	v9 =	vor.u32 $0x180, v6;
	v11 =	vld.idx.msk [tilespmem:v11+s25+$0x0], $0xffff  }
0x3a9: {  	[tilespmem:s26+$0x180] =	vst v8;
	v8 =	vor.u32 $0x280, v2;
	v17 =	vld.idx.msk [tilespmem:v18+s25+$0x0], $0xffff  }
0x3aa: {  	v4 =	vor.u32 $0x380, v4;
	v13 =	vld.idx.msk [tilespmem:v13+s25+$0x0], $0xffff;
	[tilespmem:s6+$0x180] =	vst v14  }
0x3ab: {  	v14 =	vld.idx.msk [tilespmem:v15+s25+$0x0], $0xffff;
	v15 =	vor.u32 $0x280, v3;
	[tilespmem:s9+$0x180] =	vst v10  }
0x3ac: {  	v1 =	vld.idx.msk [tilespmem:v1+s25+$0x0], $0xffff;
	v10 =	vor.u32 $0x280, v5;
	[tilespmem:s16+$0x100] =	vst v12  }
0x3ad: {  	s22 =	sor.u32 $0x300, s0;
	[tilespmem:s20+$0x200] =	vst v11;
	v12 =	vor.u32 $0x200, v7;
	v9 =	vld.idx.msk [tilespmem:v9+s25+$0x0], $0xffff  }
0x3ae: {  	v11 =	vor.u32 $0x200, v6;
	v8 =	vld.idx.msk [tilespmem:v8+s25+$0x0], $0xffff;
	[tilespmem:s22+$0x11000] =	vst v17  }
0x3af: {  	[tilespmem:s26+$0x200] =	vst v13;
	v4 =	vld.idx.msk [tilespmem:v4+s25+$0x0], $0xffff  }
0x3b0: {  	s3 =	sor.u32 $0x380, s18;
	v16 =	vor.u32 $0x280, v0;
	[tilespmem:s6+$0x200] =	vst v14;
	v14 =	vld.idx.msk [tilespmem:v15+s25+$0x0], $0xffff  }
0x3b1: {  	[tilespmem:s3+$0x11000] =	vst v1;
	v13 =	vor.u32 $0x300, v2;
	v10 =	vld.idx.msk [tilespmem:v10+s25+$0x0], $0xffff  }
0x3b2: {  	v15 =	vor.u32 $0x300, v3;
	v12 =	vld.idx.msk [tilespmem:v12+s25+$0x0], $0xffff;
	[tilespmem:s16+$0x180] =	vst v9  }
0x3b3: {  	s0 =	sor.u32 $0x380, s0;
	[tilespmem:s20+$0x280] =	vst v8;
	v9 =	vor.u32 $0x280, v7;
	v1 =	vld.idx.msk [tilespmem:v11+s25+$0x0], $0xffff  }
0x3b4: {  	[tilespmem:s0+$0x11000] =	vst v4  }
0x3b5: {  	v4 =	vor.u32 $0x280, v6;
	v11 =	vld.idx.msk [tilespmem:v16+s25+$0x0], $0xffff;
	[tilespmem:s26+$0x280] =	vst v14  }
0x3b6: {  	s29 =	sadd.s32 $0x1, s8;
	v13 =	vld.idx.msk [tilespmem:v13+s25+$0x0], $0xffff;
	v16 =	vor.u32 $0x300, v0;
	[tilespmem:s6+$0x280] =	vst v10  }
0x3b7: {  	s28 =	sand.u32 $0x3, s8;
	s30 =	sand.u32 $0x3, s29;
	v10 =	vld.idx.msk [tilespmem:v15+s25+$0x0], $0xffff;
	[tilespmem:s9+$0x200] =	vst v12;
	v12 =	vor.u32 $0x300, v5  }
0x3b8: {  	s4 =	sshll.u32 s30, $0x5;
	v2 =	vor.u32 $0x380, v2;
	s0 =	sshll.u32 s28, $0x5;
	[tilespmem:s16+$0x200] =	vst v1;
	v1 =	vld.idx.msk [tilespmem:v9+s25+$0x0], $0xffff  }
0x3b9: {  	s4 =	sadd.s32 s4, s19;
	v3 =	vor.u32 $0x380, v3;
	s0 =	sadd.s32 s0, s12  }
0x3ba: {  	s12 =	sor.u32 $0x300, s0;
	[tilespmem:s13+$0x280] =	vst v11;
	v9 =	vor.u32 $0x300, v7;
	s13 =	sadd.s32 $0x10, s4;
	v4 =	vld.idx.msk [tilespmem:v4+s25+$0x0], $0xffff  }
0x3bb: {  	[tilespmem:s12+$0x11000] =	vst v13;
	v11 =	vor.u32 $0x300, v6;
	v8 =	vld.idx.msk [tilespmem:v16+s25+$0x0], $0xffff;
	s14 =	sor.u32 $0x300, s13  }
0x3bc: {  	v0 =	vor.u32 $0x380, v0;
	[tilespmem:s14+$0x11000] =	vst v10;
	v12 =	vld.idx.msk [tilespmem:v12+s25+$0x0], $0xffff  }
0x3bd: {  	v2 =	vld.idx.msk [tilespmem:v2+s25+$0x0], $0xffff;
	[tilespmem:s9+$0x280] =	vst v1;
	v1 =	vor.u32 $0x380, v5  }
0x3be: {  	s3 =	sadd.s32 $0x1, s29;
	s31 =	sadd.s32 $0x10, s0;
	v3 =	vld.idx.msk [tilespmem:v3+s25+$0x0], $0xffff  }
0x3bf: {  	s3 =	sand.u32 $0x3, s3;
	s9 =	sor.u32 $0x300, s31;
	[tilespmem:s16+$0x280] =	vst v4;
	v4 =	vld.idx.msk [tilespmem:v9+s25+$0x0], $0xffff  }
0x3c0: {  	s15 =	sor.u32 $0x300, s4;
	s3 =	sshll.u32 s3, $0x5;
	v7 =	vor.u32 $0x380, v7;
	[tilespmem:s9+$0x11000] =	vst v8;
	v5 =	vld.idx.msk [tilespmem:v11+s25+$0x0], $0xffff  }
0x3c1: {  	s3 =	sadd.s32 s3, s23;
	s0 =	sor.u32 $0x380, s0;
	v6 =	vor.u32 $0x380, v6;
	v0 =	vld.idx.msk [tilespmem:v0+s25+$0x0], $0xffff;
	[tilespmem:s15+$0x11000] =	vst v12  }
0x3c2: {  	s18 =	sor.u32 $0x380, s13;
	[tilespmem:s0+$0x11000] =	vst v2;
	s16 =	sadd.s32 $0x10, s3;
	v1 =	vld.idx.msk [tilespmem:v1+s25+$0x0], $0xffff  }
0x3c3: {  	s17 =	sor.u32 $0x300, s16;
	[tilespmem:s18+$0x11000] =	vst v3  }
0x3c4: {  	s9 =	sor.u32 $0x300, s3;
	[tilespmem:s17+$0x11000] =	vst v4  }
0x3c5: {  	s5 =	sor.u32 $0x380, s31;
	[tilespmem:s9+$0x11000] =	vst v5;
	v4 =	vld.idx.msk [tilespmem:v7+s25+$0x0], $0xffff  }
0x3c6: {  	s4 =	sor.u32 $0x380, s4;
	[tilespmem:s5+$0x11000] =	vst v0;
	v0 =	vld.idx.msk [tilespmem:v6+s25+$0x0], $0xffff  }
0x3c7: {  	[tilespmem:s4+$0x11000] =	vst v1  }
0x3c8: {  	s20 =	rddreg [dreg:$0xf]  }
0x3c9: {  	s19 =	sor.u32 $0x380, s16;
	s1 =	sadd.s32 s11, s20  }
0x3ca: {  	s21 =	rddreg [dreg:$0x2];
	s3 =	sor.u32 $0x380, s3;
	[tilespmem:s19+$0x11000] =	vst v4;
	s12 =	sshll.u32 s1, $0x9  }
0x3cb: {  	s22 =	simm.s32 $0x11000;
	s13 =	simm.s32 $0x0;
	[tilespmem:s3+$0x11000] =	vst v0;
	s0 =	sadd.s32 s21, s12  }
0x3cc: {  	[hbm4b:s0+s13] =	stream.linear.scatter [tilespmem:s22], [sflag:$0x3], $0x4000, $0x38;
	[tilespmem:$0x19000] =	vst v63  }
0x3cd: {  	_ =	swait.ge [sflag:s2], $0x4000  }
0x3ce: {  	[sflag:s2] =	ssyncset.done $0x0  }
0x3cf: {  	s23 =	simm.s32 $0x810;
	[sflag:s2] =	ssyncadd.s32 $0xFFFFC000  }
0x3d0: {  	v0 =	vld [tilespmem:s23+$0x0];
	_ =	sdelay $0x4  }
0x3d1: {  	v1 =	vshll.u32 v0, $0x3  }
0x3d2: {  	v0 =	vand.u32 $0x7F, v0;
	v1 =	vand.u32 $0xFFFFFC00, v1  }
0x3d3: {  	v3 =	vor.u32 v0, v1  }
0x3d4: {  	v0 =	vld [tilespmem:s23+$0xFFFFFFF0];
	_ =	sdelay $0x3  }
0x3d5: {  	v1 =	vld.idx.msk [tilespmem:v3+s25+$0x0], $0xffff  }
0x3d6: {  	v4 =	vor.u32 $0x80, v3;
	v2 =	vshll.u32 v0, $0x3  }
0x3d7: {  	s28 =	simm.s32 $0x80;
	s26 =	simm.s32 $0x10;
	v0 =	vand.u32 $0x7F, v0;
	v2 =	vand.u32 $0xFFFFFC00, v2  }
0x3d8: {  	s29 =	simm.s32 $0x830;
	s1 =	sand.u32 $0xFFFFFC00, s28;
	s0 =	sand.u32 $0x70, s26;
	v2 =	vor.u32 v0, v2  }
0x3d9: {  	s0 =	sor.u32 s0, s1;
	v0 =	vld [tilespmem:s29+$0x0]  }
0x3da: {  	[tilespmem:s0+$0x15000] =	vst v1;
	v1 =	vld [tilespmem:s29+$0xFFFFFFF0]  }
0x3db: {  	v4 =	vld.idx.msk [tilespmem:v4+s25+$0x0], $0xffff  }
0x3dc: {  	v5 =	vor.u32 $0x100, v3  }
0x3dd: {  	v6 =	vld.idx.msk [tilespmem:v2+s25+$0x0], $0xffff  }
0x3de: {  	v7 =	vor.u32 $0x80, v2;
	v8 =	vshll.u32 v0, $0x3  }
0x3df: {  	s30 =	simm.s32 $0x4000;
	s31 =	simm.s32 $0x800;
	s1 =	sadd.s32 $0x15000, s0;
	v0 =	vand.u32 $0x7F, v0;
	v8 =	vand.u32 $0xFFFFFC00, v8;
	v9 =	vshll.u32 v1, $0x3  }
0x3e0: {  	s4 =	sand.u32 $0x60, s31;
	s3 =	sand.u32 $0x7C00, s30;
	v0 =	vor.u32 v0, v8;
	v1 =	vand.u32 $0x7F, v1;
	[tilespmem:s1+$0x80] =	vst v4;
	v4 =	vand.u32 $0xFFFFFC00, v9  }
0x3e1: {  	s14 =	sor.u32 s4, s3;
	v5 =	vld.idx.msk [tilespmem:v5+s25+$0x0], $0xffff;
	v8 =	vor.u32 v1, v4  }
0x3e2: {  	[tilespmem:s14+$0x11000] =	vst v6;
	v1 =	vor.u32 $0x180, v3  }
0x3e3: {  	v4 =	vld.idx.msk [tilespmem:v7+s25+$0x0], $0xffff  }
0x3e4: {  	v6 =	vor.u32 $0x100, v2  }
0x3e5: {  	v7 =	vld.idx.msk [tilespmem:v0+s25+$0x0], $0xffff  }
0x3e6: {  	s8 =	simm.s32 $0x850;
	v10 =	vor.u32 $0x80, v0;
	v9 =	vld.idx.msk [tilespmem:v8+s25+$0x0], $0xffff;
	[tilespmem:s1+$0x100] =	vst v5  }
0x3e7: {  	s6 =	simm.s32 $0x180;
	s5 =	simm.s32 $0x30;
	s9 =	simm.s32 $0x820;
	v1 =	vld.idx.msk [tilespmem:v1+s25+$0x0], $0xffff  }
0x3e8: {  	s20 =	simm.s32 $0x4100;
	s3 =	sand.u32 $0xFFFFFC00, s6;
	v11 =	vor.u32 $0x200, v3;
	s0 =	sand.u32 $0x70, s5;
	[tilespmem:s14+$0x11080] =	vst v4;
	v4 =	vld [tilespmem:s8+$0x0]  }
0x3e9: {  	s15 =	sand.u32 $0x7C00, s20;
	s5 =	sand.u32 $0x60, s9;
	s0 =	sor.u32 s0, s3;
	v6 =	vld.idx.msk [tilespmem:v6+s25+$0x0], $0xffff  }
0x3ea: {  	s19 =	sor.u32 s5, s15;
	v5 =	vor.u32 $0x80, v8;
	[tilespmem:s0+$0x15000] =	vst v7;
	v7 =	vld [tilespmem:s8+$0xFFFFFFF0]  }
0x3eb: {  	v12 =	vor.u32 $0x180, v2;
	v10 =	vld.idx.msk [tilespmem:v10+s25+$0x0], $0xffff;
	[tilespmem:s19+$0x11000] =	vst v9  }
0x3ec: {  	v9 =	vor.u32 $0x100, v0;
	[tilespmem:s1+$0x180] =	vst v1  }
0x3ed: {  	v1 =	vshll.u32 v4, $0x3;
	v11 =	vld.idx.msk [tilespmem:v11+s25+$0x0], $0xffff  }
0x3ee: {  	v4 =	vand.u32 $0x7F, v4;
	[tilespmem:s14+$0x11100] =	vst v6;
	v1 =	vand.u32 $0xFFFFFC00, v1;
	v6 =	vor.u32 $0x280, v3  }
0x3ef: {  	s23 =	sadd.s32 $0x15000, s0;
	v5 =	vld.idx.msk [tilespmem:v5+s25+$0x0], $0xffff;
	v14 =	vshll.u32 v7, $0x3;
	v1 =	vor.u32 v4, v1  }
0x3f0: {  	v13 =	vor.u32 $0x100, v8;
	v7 =	vand.u32 $0x7F, v7;
	v12 =	vld.idx.msk [tilespmem:v12+s25+$0x0], $0xffff;
	[tilespmem:s23+$0x80] =	vst v10;
	v10 =	vand.u32 $0xFFFFFC00, v14  }
0x3f1: {  	s18 =	simm.s32 $0x870;
	v10 =	vor.u32 v7, v10;
	v9 =	vld.idx.msk [tilespmem:v9+s25+$0x0], $0xffff  }
0x3f2: {  	v15 =	vld [tilespmem:s18+$0x0];
	v7 =	vor.u32 $0x180, v0;
	[tilespmem:s1+$0x200] =	vst v11  }
0x3f3: {  	v4 =	vor.u32 $0x200, v2;
	v6 =	vld.idx.msk [tilespmem:v6+s25+$0x0], $0xffff  }
0x3f4: {  	[tilespmem:s19+$0x11080] =	vst v5;
	v11 =	vld.idx.msk [tilespmem:v1+s25+$0x0], $0xffff  }
0x3f5: {  	v5 =	vld.idx.msk [tilespmem:v13+s25+$0x0], $0xffff;
	[tilespmem:s14+$0x11180] =	vst v12;
	v12 =	vor.u32 $0x300, v3  }
0x3f6: {  	s16 =	simm.s32 $0x50;
	s17 =	simm.s32 $0x280;
	v14 =	vor.u32 $0x80, v1;
	v13 =	vld.idx.msk [tilespmem:v10+s25+$0x0], $0xffff;
	[tilespmem:s23+$0x100] =	vst v9  }
0x3f7: {  	s3 =	sand.u32 $0xFFFFFC00, s17;
	s0 =	sand.u32 $0x70, s16;
	v9 =	vor.u32 $0x80, v10;
	v7 =	vld.idx.msk [tilespmem:v7+s25+$0x0], $0xffff  }
0x3f8: {  	s21 =	simm.s32 $0x4200;
	s26 =	simm.s32 $0x840;
	v16 =	vor.u32 $0x200, v0;
	s0 =	sor.u32 s0, s3;
	v4 =	vld.idx.msk [tilespmem:v4+s25+$0x0], $0xffff;
	[tilespmem:s1+$0x280] =	vst v6  }
0x3f9: {  	s28 =	sand.u32 $0x7C00, s21;
	s5 =	sand.u32 $0x60, s26;
	v6 =	vor.u32 $0x180, v8;
	[tilespmem:s0+$0x15000] =	vst v11;
	v11 =	vld [tilespmem:s18+$0xFFFFFFF0]  }
0x3fa: {  	v17 =	vor.u32 $0x280, v2;
	s22 =	sor.u32 s5, s28;
	v12 =	vld.idx.msk [tilespmem:v12+s25+$0x0], $0xffff  }
0x3fb: {  	v3 =	vor.u32 $0x380, v3;
	v14 =	vld.idx.msk [tilespmem:v14+s25+$0x0], $0xffff;
	[tilespmem:s22+$0x11000] =	vst v13  }
0x3fc: {  	v13 =	vor.u32 $0x100, v1;
	v9 =	vld.idx.msk [tilespmem:v9+s25+$0x0], $0xffff;
	[tilespmem:s23+$0x180] =	vst v7  }
0x3fd: {  	[tilespmem:s19+$0x11100] =	vst v5;
	v7 =	vor.u32 $0x100, v10;
	v5 =	vld.idx.msk [tilespmem:v16+s25+$0x0], $0xffff;
	v16 =	vshll.u32 v15, $0x3  }
0x3fe: {  	[tilespmem:s14+$0x11200] =	vst v4;
	v4 =	vand.u32 $0x7F, v15;
	v15 =	vor.u32 $0x280, v0;
	v18 =	vld.idx.msk [tilespmem:v6+s25+$0x0], $0xffff;
	v6 =	vand.u32 $0xFFFFFC00, v16  }
0x3ff: {  	s6 =	sadd.s32 $0x15000, s0;
	v16 =	vld.idx.msk [tilespmem:v17+s25+$0x0], $0xffff;
	[tilespmem:s1+$0x300] =	vst v12;
	v12 =	vshll.u32 v11, $0x3;
	v6 =	vor.u32 v4, v6  }
0x400: {  	s29 =	sand.u32 $0x7, s13;
	v17 =	vor.u32 $0x200, v8;
	v4 =	vand.u32 $0x7F, v11;
	[tilespmem:s6+$0x80] =	vst v14;
	v21 =	vld.idx.msk [tilespmem:v3+s25+$0x0], $0xffff;
	v3 =	vand.u32 $0xFFFFFC00, v12  }
0x401: {  	s0 =	sshll.u32 s29, $0x4;
	v14 =	vld.idx.msk [tilespmem:v13+s25+$0x0], $0xffff;
	[tilespmem:s22+$0x11080] =	vst v9;
	v23 =	vor.u32 v4, v3  }
0x402: {  	v27 =	vor.u32 $0x300, v2;
	v24 =	vor.u32 $0x180, v1;
	s0 =	sadd.s32 $0x4000, s0;
	v28 =	vld.idx.msk [tilespmem:v7+s25+$0x0], $0xffff;
	[tilespmem:s23+$0x200] =	vst v5  }
0x403: {  	s0 =	sadd.s32 $0xFFFFC090, s0;
	v11 =	vor.u32 $0x280, v10;
	v9 =	vor.u32 $0x280, v8;
	v13 =	vor.u32 $0x180, v10;
	v19 =	vld.idx.msk [tilespmem:v15+s25+$0x0], $0xffff  }
0x404: {  	s0 =	sor.u32 $0x300, s0;
	v12 =	vor.u32 $0x200, v10;
	v26 =	vor.u32 $0x80, v6;
	v4 =	vor.u32 $0x380, v2;
	[tilespmem:s19+$0x11180] =	vst v18;
	v22 =	vld.idx.msk [tilespmem:v6+s25+$0x0], $0xffff  }
0x405: {  	s30 =	simm.s32 $0x70;
	v3 =	vor.u32 $0x380, v8;
	v7 =	vor.u32 $0x300, v10;
	v20 =	vld.idx.msk [tilespmem:v17+s25+$0x0], $0xffff;
	[tilespmem:s0+$0x15000] =	vst v21;
	v21 =	vor.u32 $0x300, v0  }
0x406: {  	s31 =	simm.s32 $0x380;
	s4 =	simm.s32 $0x890;
	s15 =	sand.u32 $0x70, s30;
	v2 =	vor.u32 $0x380, v10;
	v5 =	vor.u32 $0x300, v8;
	v8 =	vor.u32 $0x380, v23;
	[tilespmem:s6+$0x100] =	vst v14;
	v25 =	vld.idx.msk [tilespmem:v23+s25+$0x0], $0xffff  }
0x407: {  	s8 =	simm.s32 $0x4300;
	s3 =	simm.s32 $0x860;
	v10 =	vor.u32 $0x300, v23;
	[tilespmem:s14+$0x11280] =	vst v16;
	v18 =	vor.u32 $0x80, v23;
	v15 =	vor.u32 $0x100, v23;
	v24 =	vld.idx.msk [tilespmem:v24+s25+$0x0], $0xffff  }
0x408: {  	s16 =	sand.u32 $0xFFFFFC00, s31;
	s5 =	sand.u32 $0x60, s3;
	s1 =	simm.s32 $0x86;
	v16 =	vor.u32 $0x280, v23;
	v17 =	vor.u32 $0x180, v23;
	v14 =	vor.u32 $0x200, v23;
	[tilespmem:s22+$0x11100] =	vst v28;
	v23 =	vld.idx.msk [tilespmem:v27+s25+$0x0], $0xffff  }
.LBB2_17:
0x409: {  	v27 =	vld [tilespmem:s4+$0x0];
	s0 =	sand.u32 $0x7C00, s8;
	s9 =	sor.u32 s15, s16;
	v28 =	vor.u32 $0x200, v1;
	[tilespmem:s23+$0x280] =	vst v19;
	s15 =	smov.u32 s14  }
0x40a: {  	s1 =	sadd.s32 $0x2, s1;
	s14 =	smov.u32 s19;
	s0 =	sor.u32 s5, s0;
	[tilespmem:s9+$0x15000] =	vst v22;
	v19 =	vld.idx.msk [tilespmem:v21+s25+$0x0], $0xffff  }
0x40b: {  	s19 =	smov.u32 s22;
	p0 =	slt.u32 s1, $0xFE;
	v21 =	vld.idx.msk [tilespmem:v26+s25+$0x0], $0xffff;
	[tilespmem:s14+$0x11200] =	vst v20;
	s22 =	smov.u32 s0  }
0x40c: {  	v22 =	vor.u32 $0x380, v0;
	v0 =	vmov v1;
	v1 =	vmov v6;
	v20 =	vld [tilespmem:s4+$0xFFFFFFF0];
	[tilespmem:s22+$0x11000] =	vst v25  }
0x40d: {  	v25 =	vor.u32 $0x100, v1;
	v18 =	vld.idx.msk [tilespmem:v18+s25+$0x0], $0xffff;
	[tilespmem:s6+$0x180] =	vst v24  }
0x40e: {  	v24 =	vld.idx.msk [tilespmem:v28+s25+$0x0], $0xffff;
	[tilespmem:s15+$0x11300] =	vst v23  }
0x40f: {  	v6 =	vshll.u32 v27, $0x3;
	v23 =	vld.idx.msk [tilespmem:v13+s25+$0x0], $0xffff;
	v13 =	vmov v17  }
0x410: {  	v26 =	vor.u32 $0x280, v0;
	v17 =	vand.u32 $0x7F, v27;
	v6 =	vand.u32 $0xFFFFFC00, v6;
	v27 =	vld.idx.msk [tilespmem:v9+s25+$0x0], $0xffff;
	[tilespmem:s23+$0x300] =	vst v19;
	v9 =	vmovc v11;
	v11 =	vmovc v16;
	s23 =	smov.u32 s6;
	s6 =	sadd.s32 $0x15000, s9  }
0x411: {  	s13 =	sadd.s32 $0x2, s13;
	v6 =	vor.u32 v17, v6;
	v16 =	vand.u32 $0x7F, v20;
	v19 =	vshll.u32 v20, $0x3;
	[tilespmem:s6+$0x80] =	vst v21;
	v28 =	vld.idx.msk [tilespmem:v22+s25+$0x0], $0xffff  }
0x412: {  	s0 =	sand.u32 $0x7, s13;
	v17 =	vand.u32 $0xFFFFFC00, v19;
	v29 =	vld.idx.msk [tilespmem:v25+s25+$0x0], $0xffff  }
0x413: {  	s0 =	sshll.u32 s0, $0x4;
	v25 =	vor.u32 v16, v17;
	[tilespmem:s22+$0x11080] =	vst v18;
	v30 =	vld.idx.msk [tilespmem:v4+s25+$0x0], $0xffff;
	v4 =	vmovc v3;
	v3 =	vmov v2;
	v2 =	vmov v8  }
0x414: {  	v32 =	vor.u32 $0x180, v1;
	s0 =	sadd.s32 s20, s0;
	s20 =	smov.u32 s21;
	s21 =	smov.u32 s8;
	v18 =	vor.u32 $0x80, v25;
	v31 =	vld.idx.msk [tilespmem:v15+s25+$0x0], $0xffff;
	v15 =	vor.u32 $0x100, v25;
	[tilespmem:s23+$0x200] =	vst v24  }
0x415: {  	s0 =	sadd.s32 $0xFFFFC090, s0;
	v17 =	vor.u32 $0x180, v25;
	v24 =	vor.u32 $0x200, v25;
	v16 =	vor.u32 $0x280, v25;
	[tilespmem:s19+$0x11180] =	vst v23;
	v19 =	vld.idx.msk [tilespmem:v26+s25+$0x0], $0xffff  }
.Ltmp7:
0x416: {  	s0 =	sor.u32 $0x300, s0;
	v33 =	vor.u32 $0x300, v25;
	v8 =	vor.u32 $0x380, v25;
	v22 =	vld.idx.msk [tilespmem:v6+s25+$0x0], $0xffff;
	[tilespmem:s14+$0x11280] =	vst v27;
	(pc) =	sbr.rel @p0 .LBB2_17-.Ltmp7, $4  }
0x417: {  	v21 =	vor.u32 $0x300, v0;
	v20 =	vld.idx.msk [tilespmem:v12+s25+$0x0], $0xffff;
	[tilespmem:s0+$0x15000] =	vst v28;
	v12 =	vmov v14;
	v14 =	vmov v24  }
0x418: {  	s3 =	sadd.s32 $0x20, s3;
	s8 =	sadd.s32 $0x100, s8;
	v26 =	vor.u32 $0x80, v6;
	v25 =	vld.idx.msk [tilespmem:v25+s25+$0x0], $0xffff;
	[tilespmem:s6+$0x100] =	vst v29  }
0x419: {  	s5 =	sand.u32 $0x60, s3;
	s9 =	sadd.s32 $0xFFFFC080, s8;
	s0 =	sadd.s32 $0xFFFFF810, s3;
	v24 =	vld.idx.msk [tilespmem:v32+s25+$0x0], $0xffff;
	[tilespmem:s15+$0x11380] =	vst v30  }
0x41a: {  	s4 =	sadd.s32 $0x20, s4;
	s16 =	sand.u32 $0xFFFFFC00, s9;
	s15 =	sand.u32 $0x70, s0;
	[tilespmem:s22+$0x11100] =	vst v31;
	v23 =	vld.idx.msk [tilespmem:v5+s25+$0x0], $0xffff;
	v5 =	vmov v7;
	v7 =	vmov v10;
	v10 =	vmov v33  }
0x41b: {  	_ =	sdelay $0x1  }
0x41c: {  	s0 =	sor.u32 s15, s16;
	s1 =	sand.u32 $0x7C00, s8  }
0x41d: {  	[tilespmem:s0+$0x15000] =	vst v22;
	s1 =	sor.u32 s5, s1  }
0x41e: {  	v22 =	vld.idx.msk [tilespmem:v26+s25+$0x0], $0xffff;
	[tilespmem:s1+$0x11000] =	vst v25  }
0x41f: {  	v45 =	vor.u32 $0x100, v6;
	v18 =	vld.idx.msk [tilespmem:v18+s25+$0x0], $0xffff;
	_ =	sdelay $0x2  }
0x420: {  	s3 =	sadd.s32 $0x15000, s0  }
0x421: {  	[tilespmem:s3+$0x80] =	vst v22  }
0x422: {  	v22 =	vld.idx.msk [tilespmem:v45+s25+$0x0], $0xffff;
	[tilespmem:s1+$0x11080] =	vst v18  }
0x423: {  	v46 =	vor.u32 $0x180, v6;
	v15 =	vld.idx.msk [tilespmem:v15+s25+$0x0], $0xffff;
	_ =	sdelay $0x2  }
0x424: {  	v13 =	vld.idx.msk [tilespmem:v13+s25+$0x0], $0xffff  }
0x425: {  	[tilespmem:s3+$0x100] =	vst v22  }
0x426: {  	v47 =	vor.u32 $0x200, v1;
	v18 =	vld.idx.msk [tilespmem:v46+s25+$0x0], $0xffff;
	[tilespmem:s1+$0x11100] =	vst v15  }
0x427: {  	v48 =	vor.u32 $0x200, v6;
	v17 =	vld.idx.msk [tilespmem:v17+s25+$0x0], $0xffff  }
0x428: {  	[tilespmem:s23+$0x280] =	vst v19  }
0x429: {  	[tilespmem:s22+$0x11180] =	vst v13  }
0x42a: {  	[tilespmem:s6+$0x180] =	vst v24;
	v12 =	vld.idx.msk [tilespmem:v12+s25+$0x0], $0xffff  }
0x42b: {  	v49 =	vld.idx.msk [tilespmem:v47+s25+$0x0], $0xffff;
	[tilespmem:s3+$0x180] =	vst v18  }
0x42c: {  	v50 =	vor.u32 $0x280, v1;
	v51 =	vld.idx.msk [tilespmem:v48+s25+$0x0], $0xffff;
	[tilespmem:s1+$0x11180] =	vst v17  }
0x42d: {  	v52 =	vor.u32 $0x280, v6;
	[tilespmem:s19+$0x11200] =	vst v20;
	v14 =	vld.idx.msk [tilespmem:v14+s25+$0x0], $0xffff  }
0x42e: {  	v53 =	vld.idx.msk [tilespmem:v21+s25+$0x0], $0xffff;
	[tilespmem:s14+$0x11300] =	vst v23  }
0x42f: {  	v0 =	vor.u32 $0x380, v0;
	v9 =	vld.idx.msk [tilespmem:v9+s25+$0x0], $0xffff;
	[tilespmem:s22+$0x11200] =	vst v12  }
0x430: {  	[tilespmem:s6+$0x200] =	vst v49;
	v11 =	vld.idx.msk [tilespmem:v11+s25+$0x0], $0xffff  }
0x431: {  	v54 =	vld.idx.msk [tilespmem:v50+s25+$0x0], $0xffff;
	[tilespmem:s3+$0x200] =	vst v51  }
0x432: {  	v55 =	vor.u32 $0x300, v1;
	v56 =	vld.idx.msk [tilespmem:v52+s25+$0x0], $0xffff;
	[tilespmem:s1+$0x11200] =	vst v14  }
0x433: {  	v57 =	vor.u32 $0x300, v6;
	s18 =	sadd.s32 $0x2, s13;
	[tilespmem:s23+$0x300] =	vst v53;
	v14 =	vld.idx.msk [tilespmem:v16+s25+$0x0], $0xffff  }
0x434: {  	s4 =	sand.u32 $0x7, s18;
	v0 =	vld.idx.msk [tilespmem:v0+s25+$0x0], $0xffff;
	[tilespmem:s19+$0x11280] =	vst v9  }
0x435: {  	s4 =	sshll.u32 s4, $0x4;
	v5 =	vld.idx.msk [tilespmem:v5+s25+$0x0], $0xffff;
	[tilespmem:s22+$0x11280] =	vst v11  }
0x436: {  	s4 =	sadd.s32 s20, s4;
	[tilespmem:s6+$0x280] =	vst v54;
	v7 =	vld.idx.msk [tilespmem:v7+s25+$0x0], $0xffff  }
0x437: {  	s4 =	sadd.s32 $0xFFFFC090, s4;
	v58 =	vld.idx.msk [tilespmem:v55+s25+$0x0], $0xffff;
	[tilespmem:s3+$0x280] =	vst v56  }
0x438: {  	v59 =	vor.u32 $0x380, v1;
	s4 =	sor.u32 $0x300, s4;
	v60 =	vld.idx.msk [tilespmem:v57+s25+$0x0], $0xffff;
	[tilespmem:s1+$0x11280] =	vst v14  }
0x439: {  	v61 =	vor.u32 $0x380, v6;
	[tilespmem:s4+$0x15000] =	vst v0;
	v62 =	vld.idx.msk [tilespmem:v10+s25+$0x0], $0xffff  }
0x43a: {  	v4 =	vld.idx.msk [tilespmem:v4+s25+$0x0], $0xffff;
	[tilespmem:s19+$0x11300] =	vst v5  }
0x43b: {  	v3 =	vld.idx.msk [tilespmem:v3+s25+$0x0], $0xffff;
	[tilespmem:s22+$0x11300] =	vst v7  }
0x43c: {  	s0 =	sadd.s32 $0x2, s18;
	[tilespmem:s6+$0x300] =	vst v58;
	v2 =	vld.idx.msk [tilespmem:v2+s25+$0x0], $0xffff  }
0x43d: {  	s23 =	sand.u32 $0x7, s0;
	s0 =	sadd.s32 $0x2, s0;
	v1 =	vld.idx.msk [tilespmem:v59+s25+$0x0], $0xffff;
	[tilespmem:s3+$0x300] =	vst v60  }
0x43e: {  	s0 =	sand.u32 $0x7, s0;
	s4 =	sshll.u32 s23, $0x4;
	v63 =	vld.idx.msk [tilespmem:v61+s25+$0x0], $0xffff;
	[tilespmem:s1+$0x11300] =	vst v62  }
0x43f: {  	s0 =	sshll.u32 s0, $0x4;
	[tilespmem:s14+$0x11380] =	vst v4;
	s26 =	sadd.s32 s21, s4;
	v0 =	vld.idx.msk [tilespmem:v8+s25+$0x0], $0xffff  }
0x440: {  	s0 =	sadd.s32 s8, s0;
	[tilespmem:s19+$0x11380] =	vst v3;
	s3 =	sadd.s32 $0xFFFFC090, s26  }
0x441: {  	s0 =	sadd.s32 $0xFFFFC090, s0;
	[tilespmem:s22+$0x11380] =	vst v2;
	s3 =	sor.u32 $0x300, s3  }
0x442: {  	s0 =	sor.u32 $0x300, s0;
	[tilespmem:s3+$0x15000] =	vst v1  }
0x443: {  	[tilespmem:s0+$0x15000] =	vst v63  }
0x444: {  	[tilespmem:s1+$0x11380] =	vst v0  }
0x445: {  	s29 =	simm.s32 $0x0;
	s10 =	sadd.s32 $0x1, s10;
	s0 =	rddreg [dreg:$0x7]  }
0x446: {  	s28 =	simm.s32 $0x15000;
	p0 =	sne.s32 s10, $0xE;
	s0 =	sadd.s32 s12, s0  }
0x447: {  	[hbm4b:s0+s29] =	stream.linear.scatter [tilespmem:s28], [sflag:$0x4], $0x4000, $0x38;
	[tilespmem:$0x19000] =	vst v63  }
.Ltmp8:
0x448: {  	s30 =	rddreg [dreg:$0x10];
	(pc) =	sbr.rel @p0 .LBB2_10-.Ltmp8, $4  }
0x449: {  	s0 =	sadd.s32 s11, s30  }
0x44a: {  	s31 =	rddreg [dreg:$0x0];
	s0 =	sshll.u32 s0, $0x9  }
0x44b: {  	s0 =	sadd.s32 s31, s0  }
0x44c: {  	[tilespmem:s25], [sflag:$0x2] =	stream.linear.gather [hbm4b:s0+s29], $0x8000, $0x38;
	[tilespmem:$0x19000] =	vst v63  }
0x44d: {  	s0 =	simm.s32 $0x1  }
0x44e: {  	_ =	swait.ge [sflag:s0], $0x8000  }
0x44f: {  	[sflag:s0] =	ssyncset.done $0x0  }
0x450: {  	s4 =	simm.s32 $0x0;
	s5 =	simm.s32 $0x3;
	[sflag:s0] =	ssyncadd.s32 $0xFFFF8000  }
0x451: {  	s13 =	sand.u32 $0x60, s4;
	_ =	swait.ge [sflag:s5], $0x4000  }
0x452: {  	s3 =	sand.u32 $0x780, s4;
	s1 =	sor.u32 $0x10, s13;
	[sflag:s5] =	ssyncset.done $0x0  }
0x453: {  	s3 =	sor.u32 s1, s3;
	[sflag:s5] =	ssyncadd.s32 $0xFFFFC000  }
0x454: {  	v0 =	vld [tilespmem:s3+$0x0];
	_ =	sdelay $0x3  }
0x455: {  	v2 =	vld [tilespmem:s4+$0x0]  }
0x456: {  	v1 =	vshll.u32 v0, $0x3  }
0x457: {  	v0 =	vand.u32 $0x7F, v0;
	v1 =	vand.u32 $0xFFFFFC00, v1  }
0x458: {  	s14 =	simm.s32 $0x20;
	v5 =	vor.u32 v0, v1  }
0x459: {  	s15 =	sand.u32 $0x60, s14  }
0x45a: {  	s7 =	sand.u32 $0x780, s14;
	s6 =	sor.u32 $0x10, s15;
	v0 =	vshll.u32 v2, $0x3  }
0x45b: {  	s7 =	sor.u32 s6, s7;
	v1 =	vand.u32 $0x7F, v2;
	v0 =	vand.u32 $0xFFFFFC00, v0  }
0x45c: {  	v6 =	vor.u32 v1, v0;
	v0 =	vld [tilespmem:s7+$0x0]  }
0x45d: {  	v2 =	vld.idx.msk [tilespmem:v5+s24+$0x0], $0xffff  }
0x45e: {  	v1 =	vor.u32 $0x80, v5  }
0x45f: {  	s16 =	sand.u32 $0x3C00, s4  }
0x460: {  	s7 =	sadd.s32 $0x11000, s16  }
0x461: {  	s1 =	sor.u32 s1, s7;
	v3 =	vld.idx.msk [tilespmem:v6+s24+$0x0], $0xffff  }
0x462: {  	v4 =	vor.u32 $0x80, v6;
	[tilespmem:s1+$0x0] =	vst v2;
	v2 =	vshll.u32 v0, $0x3  }
0x463: {  	v0 =	vand.u32 $0x7F, v0;
	v7 =	vld.idx.msk [tilespmem:v1+s24+$0x0], $0xffff;
	v1 =	vand.u32 $0xFFFFFC00, v2  }
0x464: {  	v1 =	vor.u32 v0, v1;
	v0 =	vld [tilespmem:s14+$0x0]  }
0x465: {  	s8 =	sor.u32 s13, s7  }
0x466: {  	s17 =	simm.s32 $0x40;
	v2 =	vor.u32 $0x100, v5;
	[tilespmem:s8+$0x0] =	vst v3  }
0x467: {  	s18 =	sand.u32 $0x60, s17;
	v3 =	vld.idx.msk [tilespmem:v4+s24+$0x0], $0xffff  }
0x468: {  	s19 =	sand.u32 $0x780, s17;
	s10 =	sor.u32 $0x10, s18;
	v8 =	vor.u32 $0x100, v6  }
0x469: {  	s7 =	sor.u32 s10, s19;
	[tilespmem:s1+$0x80] =	vst v7;
	v7 =	vld.idx.msk [tilespmem:v1+s24+$0x0], $0xffff;
	v4 =	vshll.u32 v0, $0x3  }
0x46a: {  	s11 =	simm.s32 $0x100;
	v10 =	vld [tilespmem:s7+$0x0];
	v9 =	vor.u32 $0x80, v1;
	v0 =	vand.u32 $0x7F, v0;
	v4 =	vand.u32 $0xFFFFFC00, v4  }
0x46b: {  	s20 =	sand.u32 $0x3C00, s11;
	v2 =	vld.idx.msk [tilespmem:v2+s24+$0x0], $0xffff;
	v4 =	vor.u32 v0, v4  }
0x46c: {  	s7 =	sadd.s32 $0x11000, s20;
	[tilespmem:s8+$0x80] =	vst v3;
	v0 =	vor.u32 $0x180, v5  }
0x46d: {  	s14 =	sor.u32 s6, s7;
	v3 =	vld.idx.msk [tilespmem:v8+s24+$0x0], $0xffff  }
0x46e: {  	[tilespmem:s14+$0x0] =	vst v7;
	v7 =	vor.u32 $0x180, v6  }
0x46f: {  	v8 =	vld.idx.msk [tilespmem:v9+s24+$0x0], $0xffff  }
0x470: {  	v11 =	vor.u32 $0x100, v1;
	[tilespmem:s1+$0x100] =	vst v2;
	v2 =	vshll.u32 v10, $0x3;
	v9 =	vld.idx.msk [tilespmem:v4+s24+$0x0], $0xffff  }
0x471: {  	v13 =	vor.u32 $0x80, v4;
	v2 =	vand.u32 $0xFFFFFC00, v2;
	v12 =	vld.idx.msk [tilespmem:v0+s24+$0x0], $0xffff;
	v0 =	vand.u32 $0x7F, v10  }
0x472: {  	[tilespmem:s8+$0x100] =	vst v3;
	v0 =	vor.u32 v0, v2;
	v2 =	vld [tilespmem:s17+$0x0]  }
0x473: {  	v3 =	vor.u32 $0x200, v5;
	v7 =	vld.idx.msk [tilespmem:v7+s24+$0x0], $0xffff  }
0x474: {  	s19 =	sor.u32 s15, s7;
	[tilespmem:s14+$0x80] =	vst v8;
	v8 =	vor.u32 $0x200, v6  }
0x475: {  	[tilespmem:s19+$0x0] =	vst v9;
	v9 =	vld.idx.msk [tilespmem:v11+s24+$0x0], $0xffff  }
0x476: {  	s21 =	simm.s32 $0x60;
	v11 =	vor.u32 $0x180, v1;
	v10 =	vld.idx.msk [tilespmem:v13+s24+$0x0], $0xffff  }
0x477: {  	s6 =	sand.u32 $0x60, s21;
	v14 =	vor.u32 $0x100, v4;
	[tilespmem:s1+$0x180] =	vst v12;
	v12 =	vld.idx.msk [tilespmem:v0+s24+$0x0], $0xffff;
	v13 =	vshll.u32 v2, $0x3  }
0x478: {  	s9 =	sand.u32 $0x780, s21;
	s7 =	simm.s32 $0x200;
	s22 =	sor.u32 $0x10, s6;
	v15 =	vor.u32 $0x80, v0;
	v3 =	vld.idx.msk [tilespmem:v3+s24+$0x0], $0xffff;
	v2 =	vand.u32 $0x7F, v2;
	v13 =	vand.u32 $0xFFFFFC00, v13;
	[tilespmem:s8+$0x180] =	vst v7  }
0x479: {  	s12 =	sand.u32 $0x3C00, s7;
	s9 =	sor.u32 s22, s9;
	v2 =	vor.u32 v2, v13;
	v7 =	vld.idx.msk [tilespmem:v8+s24+$0x0], $0xffff  }
0x47a: {  	s23 =	sadd.s32 $0x11000, s12;
	v8 =	vld [tilespmem:s9+$0x0];
	[tilespmem:s14+$0x100] =	vst v9;
	v9 =	vor.u32 $0x280, v6  }
0x47b: {  	s10 =	sor.u32 s10, s23;
	[tilespmem:s19+$0x80] =	vst v10;
	v10 =	vld.idx.msk [tilespmem:v11+s24+$0x0], $0xffff;
	v11 =	vor.u32 $0x280, v5  }
0x47c: {  	[tilespmem:s10+$0x0] =	vst v12;
	v12 =	vld.idx.msk [tilespmem:v14+s24+$0x0], $0xffff  }
0x47d: {  	v13 =	vor.u32 $0x200, v1;
	v14 =	vld.idx.msk [tilespmem:v15+s24+$0x0], $0xffff  }
0x47e: {  	v16 =	vor.u32 $0x180, v4;
	v15 =	vld.idx.msk [tilespmem:v2+s24+$0x0], $0xffff;
	[tilespmem:s8+$0x200] =	vst v7  }
0x47f: {  	[tilespmem:s1+$0x200] =	vst v3;
	v3 =	vshll.u32 v8, $0x3;
	v7 =	vor.u32 $0x100, v0;
	v9 =	vld.idx.msk [tilespmem:v9+s24+$0x0], $0xffff  }
0x480: {  	v17 =	vor.u32 $0x80, v2;
	v8 =	vand.u32 $0x7F, v8;
	v3 =	vand.u32 $0xFFFFFC00, v3;
	[tilespmem:s14+$0x180] =	vst v10;
	v10 =	vld.idx.msk [tilespmem:v11+s24+$0x0], $0xffff  }
0x481: {  	v3 =	vor.u32 v8, v3;
	v11 =	vld [tilespmem:s21+$0x0]  }
0x482: {  	v8 =	vld.idx.msk [tilespmem:v13+s24+$0x0], $0xffff;
	[tilespmem:s19+$0x100] =	vst v12;
	v12 =	vor.u32 $0x300, v5  }
0x483: {  	s13 =	sor.u32 s18, s23;
	[tilespmem:s10+$0x80] =	vst v14;
	v13 =	vor.u32 $0x300, v6;
	v14 =	vld.idx.msk [tilespmem:v16+s24+$0x0], $0xffff  }
0x484: {  	[tilespmem:s13+$0x0] =	vst v15;
	v7 =	vld.idx.msk [tilespmem:v7+s24+$0x0], $0xffff  }
0x485: {  	s15 =	simm.s32 $0x80;
	v16 =	vor.u32 $0x200, v4;
	v15 =	vld.idx.msk [tilespmem:v17+s24+$0x0], $0xffff  }
0x486: {  	s3 =	sand.u32 $0x60, s15;
	v18 =	vor.u32 $0x180, v0;
	v17 =	vld.idx.msk [tilespmem:v3+s24+$0x0], $0xffff;
	[tilespmem:s1+$0x280] =	vst v10  }
0x487: {  	s26 =	sand.u32 $0x780, s15;
	[tilespmem:s8+$0x280] =	vst v9;
	v9 =	vor.u32 $0x100, v2;
	s1 =	sor.u32 $0x10, s3;
	v10 =	vld.idx.msk [tilespmem:v12+s24+$0x0], $0xffff  }
0x488: {  	s4 =	sand.u32 $0x3, s4;
	s12 =	simm.s32 $0x300;
	s0 =	sor.u32 s1, s26;
	v12 =	vor.u32 $0x80, v3;
	v13 =	vld.idx.msk [tilespmem:v13+s24+$0x0], $0xffff  }
0x489: {  	s4 =	sshll.u32 s4, $0x5;
	v21 =	vor.u32 $0x380, v5;
	s28 =	sand.u32 $0x3C00, s12;
	v19 =	vshll.u32 v11, $0x3;
	[tilespmem:s19+$0x180] =	vst v14;
	v20 =	vld [tilespmem:s0+$0x0]  }
0x48a: {  	s23 =	sadd.s32 $0x0, s4;
	s17 =	sadd.s32 $0x11000, s28;
	v6 =	vor.u32 $0x380, v6;
	v11 =	vand.u32 $0x7F, v11;
	v5 =	vand.u32 $0xFFFFFC00, v19;
	[tilespmem:s10+$0x100] =	vst v7;
	v7 =	vld.idx.msk [tilespmem:v16+s24+$0x0], $0xffff  }
0x48b: {  	s5 =	sadd.s32 $0x10, s23;
	s21 =	sor.u32 s22, s17;
	v5 =	vor.u32 v11, v5;
	[tilespmem:s13+$0x80] =	vst v15;
	v16 =	vld.idx.msk [tilespmem:v18+s24+$0x0], $0xffff  }
0x48c: {  	s30 =	sor.u32 $0x300, s5;
	v19 =	vor.u32 $0x280, v4;
	v14 =	vld.idx.msk [tilespmem:v9+s24+$0x0], $0xffff;
	[tilespmem:s21+$0x0] =	vst v17  }
0x48d: {  	s4 =	sor.u32 $0x300, s23;
	v17 =	vor.u32 $0x280, v1;
	v15 =	vld.idx.msk [tilespmem:v12+s24+$0x0], $0xffff;
	[tilespmem:s30+$0x11000] =	vst v10  }
0x48e: {  	v18 =	vor.u32 $0x200, v0;
	[tilespmem:s4+$0x11000] =	vst v13;
	v12 =	vld.idx.msk [tilespmem:v21+s24+$0x0], $0xffff  }
0x48f: {  	s31 =	simm.s32 $0x1;
	[tilespmem:s14+$0x200] =	vst v8;
	v11 =	vld.idx.msk [tilespmem:v6+s24+$0x0], $0xffff  }
0x490: {  	s16 =	simm.s32 $0x8;
	s20 =	simm.s32 $0x400;
	s18 =	simm.s32 $0xA0;
	v8 =	vor.u32 $0x80, v5;
	v10 =	vor.u32 $0x180, v2;
	v9 =	vshll.u32 v20, $0x3;
	v13 =	vld.idx.msk [tilespmem:v5+s24+$0x0], $0xffff;
	[tilespmem:s19+$0x200] =	vst v7  }
0x491: {  	s22 =	simm.s32 $0xA0;
	s8 =	simm.s32 $0x2;
	s4 =	sand.u32 $0x3, s31;
	v6 =	vand.u32 $0x7F, v20;
	v7 =	vand.u32 $0xFFFFFC00, v9;
	v9 =	vor.u32 $0x100, v3;
	[tilespmem:s10+$0x180] =	vst v16;
	v16 =	vld.idx.msk [tilespmem:v19+s24+$0x0], $0xffff  }
.LBB2_20:
0x492: {  	s0 =	sand.u32 $0x60, s18;
	s16 =	sadd.s32 $0x2, s16;
	[tilespmem:s13+$0x100] =	vst v14;
	v14 =	vld.idx.msk [tilespmem:v17+s24+$0x0], $0xffff;
	s9 =	sor.u32 $0x380, s23  }
0x493: {  	s23 =	sand.u32 $0x780, s18;
	v6 =	vor.u32 v6, v7;
	s5 =	sor.u32 $0x380, s5;
	s26 =	sor.u32 $0x10, s0;
	[tilespmem:s21+$0x80] =	vst v15;
	v7 =	vld.idx.msk [tilespmem:v18+s24+$0x0], $0xffff  }
0x494: {  	s28 =	sand.u32 $0x3, s8;
	v17 =	vor.u32 $0x300, v4;
	p0 =	slt.u32 s16, $0x7E;
	v18 =	vor.u32 $0x300, v1;
	s23 =	sor.u32 s26, s23;
	v15 =	vld [tilespmem:s15+$0x0];
	[tilespmem:s5+$0x11000] =	vst v12  }
0x495: {  	s5 =	sor.u32 s6, s17;
	s6 =	smov.u32 s3;
	s3 =	smov.u32 s0;
	v10 =	vld.idx.msk [tilespmem:v10+s24+$0x0], $0xffff;
	[tilespmem:s9+$0x11000] =	vst v11  }
0x496: {  	s15 =	smov.u32 s22;
	[tilespmem:s5+$0x0] =	vst v13;
	v9 =	vld.idx.msk [tilespmem:v9+s24+$0x0], $0xffff  }
0x497: {  	v11 =	vor.u32 $0x200, v2;
	v8 =	vld.idx.msk [tilespmem:v8+s24+$0x0], $0xffff;
	[tilespmem:s19+$0x280] =	vst v16;
	s19 =	smov.u32 s13;
	s13 =	smov.u32 s5  }
0x498: {  	v13 =	vor.u32 $0x180, v3;
	v12 =	vld.idx.msk [tilespmem:v6+s24+$0x0], $0xffff;
	[tilespmem:s14+$0x280] =	vst v14;
	s14 =	smov.u32 s10;
	s10 =	smov.u32 s21  }
0x499: {  	v16 =	vor.u32 $0x100, v5;
	v14 =	vshll.u32 v15, $0x3;
	[tilespmem:s14+$0x200] =	vst v7;
	v7 =	vld.idx.msk [tilespmem:v18+s24+$0x0], $0xffff  }
0x49a: {  	v18 =	vor.u32 $0x80, v6;
	v14 =	vand.u32 $0xFFFFFC00, v14;
	v19 =	vld.idx.msk [tilespmem:v17+s24+$0x0], $0xffff  }
0x49b: {  	v21 =	vor.u32 $0x380, v1;
	v1 =	vmovc v0;
	v0 =	vmovc v3;
	s0 =	sand.u32 $0x3C00, s20;
	v3 =	vmov v6;
	s5 =	sshll.u32 s4, $0x5;
	s4 =	smov.u32 s28;
	v20 =	vld [tilespmem:s23+$0x0];
	[tilespmem:s19+$0x180] =	vst v10;
	v10 =	vor.u32 $0x380, v4  }
0x49c: {  	s17 =	sadd.s32 $0x11000, s0;
	v6 =	vand.u32 $0x7F, v15;
	s23 =	sadd.s32 s5, s11;
	v4 =	vmov v2;
	v2 =	vmov v5;
	s11 =	smov.u32 s7;
	[tilespmem:s10+$0x100] =	vst v9;
	v9 =	vld.idx.msk [tilespmem:v11+s24+$0x0], $0xffff  }
0x49d: {  	s21 =	sor.u32 s1, s17;
	s1 =	smov.u32 s26;
	v5 =	vor.u32 v6, v14;
	s5 =	sadd.s32 $0x10, s23;
	[tilespmem:s13+$0x80] =	vst v8;
	v22 =	vld.idx.msk [tilespmem:v13+s24+$0x0], $0xffff  }
0x49e: {  	s7 =	smov.u32 s12;
	s0 =	sor.u32 $0x300, s23;
	v8 =	vor.u32 $0x80, v5;
	s9 =	sor.u32 $0x300, s5;
	[tilespmem:s21+$0x0] =	vst v12;
	v14 =	vld.idx.msk [tilespmem:v16+s24+$0x0], $0xffff;
	v16 =	vor.u32 $0x280, v4  }
.Ltmp9:
0x49f: {  	v17 =	vor.u32 $0x280, v1;
	s12 =	smov.u32 s20;
	v15 =	vld.idx.msk [tilespmem:v18+s24+$0x0], $0xffff;
	[tilespmem:s9+$0x11000] =	vst v7;
	(pc) =	sbr.rel @p0 .LBB2_20-.Ltmp9, $4  }
0x4a0: {  	v18 =	vor.u32 $0x200, v0;
	v6 =	vand.u32 $0x7F, v20;
	v7 =	vshll.u32 v20, $0x3;
	[tilespmem:s0+$0x11000] =	vst v19;
	v12 =	vld.idx.msk [tilespmem:v21+s24+$0x0], $0xffff  }
0x4a1: {  	v7 =	vand.u32 $0xFFFFFC00, v7;
	v11 =	vld.idx.msk [tilespmem:v10+s24+$0x0], $0xffff  }
0x4a2: {  	s8 =	sadd.s32 $0x1, s8;
	v10 =	vor.u32 $0x180, v2;
	v13 =	vld.idx.msk [tilespmem:v5+s24+$0x0], $0xffff;
	[tilespmem:s19+$0x200] =	vst v9  }
0x4a3: {  	s18 =	sadd.s32 $0x20, s18;
	s22 =	sadd.s32 $0x20, s22;
	s20 =	sadd.s32 $0x100, s20;
	v9 =	vor.u32 $0x100, v3;
	[tilespmem:s10+$0x180] =	vst v22;
	v16 =	vld.idx.msk [tilespmem:v16+s24+$0x0], $0xffff  }
0x4a4: {  	v19 =	vld [tilespmem:s15+$0x0];
	_ =	sdelay $0x4  }
0x4a5: {  	v20 =	vshll.u32 v19, $0x3  }
0x4a6: {  	v7 =	vor.u32 v6, v7;
	v19 =	vand.u32 $0x7F, v19;
	v6 =	vand.u32 $0xFFFFFC00, v20  }
0x4a7: {  	v6 =	vor.u32 v19, v6;
	_ =	sdelay $0x3  }
0x4a8: {  	[tilespmem:s13+$0x100] =	vst v14;
	v14 =	vld.idx.msk [tilespmem:v7+s24+$0x0], $0xffff  }
0x4a9: {  	[tilespmem:s21+$0x80] =	vst v15;
	s0 =	sor.u32 $0x380, s5;
	v15 =	vor.u32 $0x80, v7;
	v19 =	vld.idx.msk [tilespmem:v6+s24+$0x0], $0xffff  }
0x4aa: {  	s18 =	sor.u32 $0x380, s23;
	s22 =	sand.u32 $0x3C00, s20;
	[tilespmem:s0+$0x11000] =	vst v12;
	v12 =	vor.u32 $0x80, v6  }
0x4ab: {  	v17 =	vld.idx.msk [tilespmem:v17+s24+$0x0], $0xffff;
	s23 =	sor.u32 s6, s17;
	s0 =	sadd.s32 $0x11000, s22;
	[tilespmem:s18+$0x11000] =	vst v11  }
0x4ac: {  	v11 =	vld.idx.msk [tilespmem:v18+s24+$0x0], $0xffff;
	s26 =	sor.u32 s1, s0;
	[tilespmem:s23+$0x0] =	vst v13  }
0x4ad: {  	s28 =	sor.u32 s3, s0;
	v13 =	vor.u32 $0x300, v1;
	v8 =	vld.idx.msk [tilespmem:v8+s24+$0x0], $0xffff;
	[tilespmem:s26+$0x0] =	vst v14  }
0x4ae: {  	v14 =	vor.u32 $0x100, v5;
	v15 =	vld.idx.msk [tilespmem:v15+s24+$0x0], $0xffff;
	[tilespmem:s28+$0x0] =	vst v19  }
0x4af: {  	[tilespmem:s19+$0x280] =	vst v16;
	v16 =	vor.u32 $0x100, v7;
	v12 =	vld.idx.msk [tilespmem:v12+s24+$0x0], $0xffff  }
0x4b0: {  	v10 =	vld.idx.msk [tilespmem:v10+s24+$0x0], $0xffff;
	[tilespmem:s14+$0x280] =	vst v17;
	v17 =	vor.u32 $0x100, v6  }
0x4b1: {  	v9 =	vld.idx.msk [tilespmem:v9+s24+$0x0], $0xffff;
	[tilespmem:s10+$0x200] =	vst v11;
	v11 =	vor.u32 $0x200, v2  }
0x4b2: {  	v18 =	vor.u32 $0x300, v4;
	v13 =	vld.idx.msk [tilespmem:v13+s24+$0x0], $0xffff;
	[tilespmem:s23+$0x80] =	vst v8  }
0x4b3: {  	s30 =	sshll.u32 s4, $0x5;
	v8 =	vor.u32 $0x180, v3;
	v14 =	vld.idx.msk [tilespmem:v14+s24+$0x0], $0xffff;
	[tilespmem:s26+$0x80] =	vst v15  }
0x4b4: {  	s0 =	sadd.s32 s30, s11;
	v15 =	vor.u32 $0x180, v5;
	v16 =	vld.idx.msk [tilespmem:v16+s24+$0x0], $0xffff;
	[tilespmem:s28+$0x80] =	vst v12  }
0x4b5: {  	s31 =	sadd.s32 $0x10, s0;
	[tilespmem:s13+$0x180] =	vst v10;
	v10 =	vor.u32 $0x180, v7;
	v12 =	vld.idx.msk [tilespmem:v17+s24+$0x0], $0xffff  }
0x4b6: {  	s5 =	sor.u32 $0x300, s31;
	[tilespmem:s21+$0x100] =	vst v9;
	v9 =	vor.u32 $0x180, v6;
	v11 =	vld.idx.msk [tilespmem:v11+s24+$0x0], $0xffff  }
0x4b7: {  	v1 =	vor.u32 $0x380, v1;
	[tilespmem:s5+$0x11000] =	vst v13;
	v17 =	vld.idx.msk [tilespmem:v18+s24+$0x0], $0xffff  }
0x4b8: {  	v4 =	vor.u32 $0x380, v4;
	v8 =	vld.idx.msk [tilespmem:v8+s24+$0x0], $0xffff;
	[tilespmem:s23+$0x100] =	vst v14  }
0x4b9: {  	v13 =	vor.u32 $0x200, v3;
	v14 =	vld.idx.msk [tilespmem:v15+s24+$0x0], $0xffff;
	[tilespmem:s26+$0x100] =	vst v16  }
0x4ba: {  	v15 =	vor.u32 $0x200, v5;
	v10 =	vld.idx.msk [tilespmem:v10+s24+$0x0], $0xffff;
	[tilespmem:s28+$0x100] =	vst v12  }
0x4bb: {  	s9 =	sor.u32 $0x300, s0;
	[tilespmem:s13+$0x200] =	vst v11;
	v12 =	vor.u32 $0x200, v7;
	v9 =	vld.idx.msk [tilespmem:v9+s24+$0x0], $0xffff  }
0x4bc: {  	v1 =	vld.idx.msk [tilespmem:v1+s24+$0x0], $0xffff;
	v11 =	vor.u32 $0x200, v6;
	[tilespmem:s9+$0x11000] =	vst v17  }
0x4bd: {  	[tilespmem:s21+$0x180] =	vst v8;
	v16 =	vor.u32 $0x280, v0;
	v4 =	vld.idx.msk [tilespmem:v4+s24+$0x0], $0xffff  }
0x4be: {  	v8 =	vor.u32 $0x280, v2;
	v13 =	vld.idx.msk [tilespmem:v13+s24+$0x0], $0xffff;
	[tilespmem:s23+$0x180] =	vst v14  }
0x4bf: {  	v14 =	vld.idx.msk [tilespmem:v15+s24+$0x0], $0xffff;
	v15 =	vor.u32 $0x280, v3;
	[tilespmem:s26+$0x180] =	vst v10  }
0x4c0: {  	s3 =	sor.u32 $0x380, s31;
	v10 =	vor.u32 $0x280, v5;
	v12 =	vld.idx.msk [tilespmem:v12+s24+$0x0], $0xffff;
	[tilespmem:s28+$0x180] =	vst v9  }
0x4c1: {  	s0 =	sor.u32 $0x380, s0;
	[tilespmem:s3+$0x11000] =	vst v1;
	v9 =	vor.u32 $0x280, v7;
	v1 =	vld.idx.msk [tilespmem:v11+s24+$0x0], $0xffff  }
0x4c2: {  	[tilespmem:s0+$0x11000] =	vst v4;
	v4 =	vor.u32 $0x280, v6;
	v11 =	vld.idx.msk [tilespmem:v16+s24+$0x0], $0xffff  }
0x4c3: {  	v8 =	vld.idx.msk [tilespmem:v8+s24+$0x0], $0xffff;
	[tilespmem:s21+$0x200] =	vst v13;
	v16 =	vor.u32 $0x300, v0  }
0x4c4: {  	v13 =	vor.u32 $0x300, v2;
	[tilespmem:s23+$0x200] =	vst v14;
	v14 =	vld.idx.msk [tilespmem:v15+s24+$0x0], $0xffff  }
0x4c5: {  	v15 =	vor.u32 $0x300, v3;
	v10 =	vld.idx.msk [tilespmem:v10+s24+$0x0], $0xffff;
	[tilespmem:s26+$0x200] =	vst v12  }
0x4c6: {  	v12 =	vor.u32 $0x300, v5;
	[tilespmem:s28+$0x200] =	vst v1;
	v1 =	vld.idx.msk [tilespmem:v9+s24+$0x0], $0xffff  }
0x4c7: {  	[tilespmem:s10+$0x280] =	vst v11;
	v9 =	vor.u32 $0x300, v7;
	v4 =	vld.idx.msk [tilespmem:v4+s24+$0x0], $0xffff  }
0x4c8: {  	s11 =	sand.u32 $0x3, s8;
	[tilespmem:s13+$0x280] =	vst v8;
	v11 =	vor.u32 $0x300, v6;
	v8 =	vld.idx.msk [tilespmem:v16+s24+$0x0], $0xffff  }
0x4c9: {  	s14 =	sadd.s32 $0x1, s8;
	v13 =	vld.idx.msk [tilespmem:v13+s24+$0x0], $0xffff;
	s0 =	sshll.u32 s11, $0x5;
	v0 =	vor.u32 $0x380, v0;
	[tilespmem:s21+$0x280] =	vst v14  }
0x4ca: {  	s16 =	sand.u32 $0x3, s14;
	v2 =	vor.u32 $0x380, v2;
	s0 =	sadd.s32 s0, s7;
	[tilespmem:s23+$0x280] =	vst v10;
	v10 =	vld.idx.msk [tilespmem:v15+s24+$0x0], $0xffff  }
0x4cb: {  	s4 =	sshll.u32 s16, $0x5;
	s3 =	sadd.s32 $0x1, s14;
	v3 =	vor.u32 $0x380, v3;
	s17 =	sadd.s32 $0x10, s0;
	v12 =	vld.idx.msk [tilespmem:v12+s24+$0x0], $0xffff;
	[tilespmem:s26+$0x280] =	vst v1  }
0x4cc: {  	s4 =	sadd.s32 s4, s12;
	s3 =	sand.u32 $0x3, s3;
	s18 =	sor.u32 $0x300, s17;
	v1 =	vor.u32 $0x380, v5;
	[tilespmem:s28+$0x280] =	vst v4;
	v4 =	vld.idx.msk [tilespmem:v9+s24+$0x0], $0xffff  }
0x4cd: {  	s3 =	sshll.u32 s3, $0x5;
	s19 =	sor.u32 $0x300, s0;
	s21 =	sadd.s32 $0x10, s4;
	v7 =	vor.u32 $0x380, v7;
	[tilespmem:s18+$0x11000] =	vst v8;
	v5 =	vld.idx.msk [tilespmem:v11+s24+$0x0], $0xffff  }
0x4ce: {  	s3 =	sadd.s32 s3, s20;
	[tilespmem:s19+$0x11000] =	vst v13;
	s22 =	sor.u32 $0x300, s21;
	v6 =	vor.u32 $0x380, v6;
	v0 =	vld.idx.msk [tilespmem:v0+s24+$0x0], $0xffff  }
0x4cf: {  	s23 =	sor.u32 $0x300, s4;
	v2 =	vld.idx.msk [tilespmem:v2+s24+$0x0], $0xffff;
	[tilespmem:s22+$0x11000] =	vst v10;
	s26 =	sadd.s32 $0x10, s3  }
0x4d0: {  	v3 =	vld.idx.msk [tilespmem:v3+s24+$0x0], $0xffff;
	s28 =	sor.u32 $0x300, s26;
	[tilespmem:s23+$0x11000] =	vst v12  }
0x4d1: {  	s30 =	sor.u32 $0x300, s3;
	v1 =	vld.idx.msk [tilespmem:v1+s24+$0x0], $0xffff;
	[tilespmem:s28+$0x11000] =	vst v4  }
0x4d2: {  	s5 =	sor.u32 $0x380, s17;
	[tilespmem:s30+$0x11000] =	vst v5;
	v4 =	vld.idx.msk [tilespmem:v7+s24+$0x0], $0xffff  }
0x4d3: {  	s0 =	sor.u32 $0x380, s0;
	[tilespmem:s5+$0x11000] =	vst v0;
	v0 =	vld.idx.msk [tilespmem:v6+s24+$0x0], $0xffff  }
0x4d4: {  	s31 =	sor.u32 $0x380, s21;
	[tilespmem:s0+$0x11000] =	vst v2  }
0x4d5: {  	s4 =	sor.u32 $0x380, s4;
	[tilespmem:s31+$0x11000] =	vst v3  }
0x4d6: {  	[tilespmem:s4+$0x11000] =	vst v1;
	s4 =	sor.u32 $0x380, s26  }
0x4d7: {  	s5 =	sor.u32 $0x380, s3;
	[tilespmem:s4+$0x11000] =	vst v4  }
0x4d8: {  	[tilespmem:s5+$0x11000] =	vst v0  }
0x4d9: {  	s6 =	simm.s32 $0x11000;
	s7 =	simm.s32 $0x0;
	s0 =	rddreg [dreg:$0x11]  }
0x4da: {  	[hbm4b:s0+s7] =	stream.linear.scatter [tilespmem:s6], [sflag:$0x3], $0x4000, $0x38;
	[tilespmem:$0x19000] =	vst v63  }
0x4db: {  	_ =	swait.ge [sflag:s2], $0x4000  }
0x4dc: {  	[sflag:s2] =	ssyncset.done $0x0  }
0x4dd: {  	s8 =	simm.s32 $0x810;
	[sflag:s2] =	ssyncadd.s32 $0xFFFFC000  }
0x4de: {  	v0 =	vld [tilespmem:s8+$0x0];
	_ =	sdelay $0x4  }
0x4df: {  	v1 =	vshll.u32 v0, $0x3  }
0x4e0: {  	v0 =	vand.u32 $0x7F, v0;
	v1 =	vand.u32 $0xFFFFFC00, v1  }
0x4e1: {  	v3 =	vor.u32 v0, v1  }
0x4e2: {  	v0 =	vld [tilespmem:s8+$0xFFFFFFF0];
	_ =	sdelay $0x3  }
0x4e3: {  	v1 =	vld.idx.msk [tilespmem:v3+s24+$0x0], $0xffff  }
0x4e4: {  	v4 =	vor.u32 $0x80, v3;
	v2 =	vshll.u32 v0, $0x3  }
0x4e5: {  	s9 =	simm.s32 $0x10;
	s10 =	simm.s32 $0x80;
	v0 =	vand.u32 $0x7F, v0;
	v2 =	vand.u32 $0xFFFFFC00, v2  }
0x4e6: {  	s11 =	simm.s32 $0x830;
	s1 =	sand.u32 $0xFFFFFC00, s10;
	s0 =	sand.u32 $0x70, s9;
	v2 =	vor.u32 v0, v2  }
0x4e7: {  	s0 =	sor.u32 s0, s1;
	v0 =	vld [tilespmem:s11+$0x0]  }
0x4e8: {  	[tilespmem:s0+$0x15000] =	vst v1;
	v1 =	vld [tilespmem:s11+$0xFFFFFFF0]  }
0x4e9: {  	v4 =	vld.idx.msk [tilespmem:v4+s24+$0x0], $0xffff  }
0x4ea: {  	v5 =	vor.u32 $0x100, v3  }
0x4eb: {  	v6 =	vld.idx.msk [tilespmem:v2+s24+$0x0], $0xffff  }
0x4ec: {  	v7 =	vor.u32 $0x80, v2;
	v8 =	vshll.u32 v0, $0x3  }
0x4ed: {  	s12 =	simm.s32 $0x4000;
	s13 =	simm.s32 $0x800;
	s1 =	sadd.s32 $0x15000, s0;
	v0 =	vand.u32 $0x7F, v0;
	v8 =	vand.u32 $0xFFFFFC00, v8;
	v9 =	vshll.u32 v1, $0x3  }
0x4ee: {  	s14 =	sand.u32 $0x60, s13;
	s3 =	sand.u32 $0x7C00, s12;
	v0 =	vor.u32 v0, v8;
	v1 =	vand.u32 $0x7F, v1;
	[tilespmem:s1+$0x80] =	vst v4;
	v4 =	vand.u32 $0xFFFFFC00, v9  }
0x4ef: {  	s10 =	sor.u32 s14, s3;
	v5 =	vld.idx.msk [tilespmem:v5+s24+$0x0], $0xffff;
	v8 =	vor.u32 v1, v4  }
0x4f0: {  	[tilespmem:s10+$0x11000] =	vst v6;
	v1 =	vor.u32 $0x180, v3  }
0x4f1: {  	v4 =	vld.idx.msk [tilespmem:v7+s24+$0x0], $0xffff  }
0x4f2: {  	v6 =	vor.u32 $0x100, v2  }
0x4f3: {  	v7 =	vld.idx.msk [tilespmem:v0+s24+$0x0], $0xffff  }
0x4f4: {  	s15 =	simm.s32 $0x30;
	v10 =	vor.u32 $0x80, v0;
	v9 =	vld.idx.msk [tilespmem:v8+s24+$0x0], $0xffff;
	[tilespmem:s1+$0x100] =	vst v5  }
0x4f5: {  	s16 =	simm.s32 $0x180;
	s17 =	simm.s32 $0x850;
	s18 =	simm.s32 $0x820;
	v1 =	vld.idx.msk [tilespmem:v1+s24+$0x0], $0xffff  }
0x4f6: {  	s12 =	simm.s32 $0x4100;
	s3 =	sand.u32 $0xFFFFFC00, s16;
	v11 =	vor.u32 $0x200, v3;
	s0 =	sand.u32 $0x70, s15;
	[tilespmem:s10+$0x11080] =	vst v4;
	v4 =	vld [tilespmem:s17+$0x0]  }
0x4f7: {  	s19 =	sand.u32 $0x7C00, s12;
	s5 =	sand.u32 $0x60, s18;
	s0 =	sor.u32 s0, s3;
	v6 =	vld.idx.msk [tilespmem:v6+s24+$0x0], $0xffff  }
0x4f8: {  	s11 =	sor.u32 s5, s19;
	v5 =	vor.u32 $0x80, v8;
	[tilespmem:s0+$0x15000] =	vst v7;
	v7 =	vld [tilespmem:s17+$0xFFFFFFF0]  }
0x4f9: {  	v12 =	vor.u32 $0x180, v2;
	v10 =	vld.idx.msk [tilespmem:v10+s24+$0x0], $0xffff;
	[tilespmem:s11+$0x11000] =	vst v9  }
0x4fa: {  	v9 =	vor.u32 $0x100, v0;
	[tilespmem:s1+$0x180] =	vst v1  }
0x4fb: {  	v1 =	vshll.u32 v4, $0x3;
	v11 =	vld.idx.msk [tilespmem:v11+s24+$0x0], $0xffff  }
0x4fc: {  	v4 =	vand.u32 $0x7F, v4;
	[tilespmem:s10+$0x11100] =	vst v6;
	v1 =	vand.u32 $0xFFFFFC00, v1;
	v6 =	vor.u32 $0x280, v3  }
0x4fd: {  	s19 =	sadd.s32 $0x15000, s0;
	v5 =	vld.idx.msk [tilespmem:v5+s24+$0x0], $0xffff;
	v14 =	vshll.u32 v7, $0x3;
	v1 =	vor.u32 v4, v1  }
0x4fe: {  	v13 =	vor.u32 $0x100, v8;
	v7 =	vand.u32 $0x7F, v7;
	v12 =	vld.idx.msk [tilespmem:v12+s24+$0x0], $0xffff;
	[tilespmem:s19+$0x80] =	vst v10;
	v10 =	vand.u32 $0xFFFFFC00, v14  }
0x4ff: {  	s22 =	simm.s32 $0x870;
	v10 =	vor.u32 v7, v10;
	v9 =	vld.idx.msk [tilespmem:v9+s24+$0x0], $0xffff  }
0x500: {  	v15 =	vld [tilespmem:s22+$0x0];
	v7 =	vor.u32 $0x180, v0;
	[tilespmem:s1+$0x200] =	vst v11  }
0x501: {  	v4 =	vor.u32 $0x200, v2;
	v6 =	vld.idx.msk [tilespmem:v6+s24+$0x0], $0xffff  }
0x502: {  	[tilespmem:s11+$0x11080] =	vst v5;
	v11 =	vld.idx.msk [tilespmem:v1+s24+$0x0], $0xffff  }
0x503: {  	v5 =	vld.idx.msk [tilespmem:v13+s24+$0x0], $0xffff;
	[tilespmem:s10+$0x11180] =	vst v12;
	v12 =	vor.u32 $0x300, v3  }
0x504: {  	s20 =	simm.s32 $0x50;
	s21 =	simm.s32 $0x280;
	v14 =	vor.u32 $0x80, v1;
	v13 =	vld.idx.msk [tilespmem:v10+s24+$0x0], $0xffff;
	[tilespmem:s19+$0x100] =	vst v9  }
0x505: {  	s3 =	sand.u32 $0xFFFFFC00, s21;
	s0 =	sand.u32 $0x70, s20;
	v9 =	vor.u32 $0x80, v10;
	v7 =	vld.idx.msk [tilespmem:v7+s24+$0x0], $0xffff  }
0x506: {  	s13 =	simm.s32 $0x4200;
	s23 =	simm.s32 $0x840;
	v16 =	vor.u32 $0x200, v0;
	s0 =	sor.u32 s0, s3;
	v4 =	vld.idx.msk [tilespmem:v4+s24+$0x0], $0xffff;
	[tilespmem:s1+$0x280] =	vst v6  }
0x507: {  	s26 =	sand.u32 $0x7C00, s13;
	s5 =	sand.u32 $0x60, s23;
	v6 =	vor.u32 $0x180, v8;
	[tilespmem:s0+$0x15000] =	vst v11;
	v11 =	vld [tilespmem:s22+$0xFFFFFFF0]  }
0x508: {  	v17 =	vor.u32 $0x280, v2;
	s14 =	sor.u32 s5, s26;
	v12 =	vld.idx.msk [tilespmem:v12+s24+$0x0], $0xffff  }
0x509: {  	v3 =	vor.u32 $0x380, v3;
	v14 =	vld.idx.msk [tilespmem:v14+s24+$0x0], $0xffff;
	[tilespmem:s14+$0x11000] =	vst v13  }
0x50a: {  	v13 =	vor.u32 $0x100, v1;
	v9 =	vld.idx.msk [tilespmem:v9+s24+$0x0], $0xffff;
	[tilespmem:s19+$0x180] =	vst v7  }
0x50b: {  	[tilespmem:s11+$0x11100] =	vst v5;
	v7 =	vor.u32 $0x100, v10;
	v5 =	vld.idx.msk [tilespmem:v16+s24+$0x0], $0xffff;
	v16 =	vshll.u32 v15, $0x3  }
0x50c: {  	[tilespmem:s10+$0x11200] =	vst v4;
	v4 =	vand.u32 $0x7F, v15;
	v15 =	vor.u32 $0x280, v0;
	v18 =	vld.idx.msk [tilespmem:v6+s24+$0x0], $0xffff;
	v6 =	vand.u32 $0xFFFFFC00, v16  }
0x50d: {  	s6 =	sadd.s32 $0x15000, s0;
	v16 =	vld.idx.msk [tilespmem:v17+s24+$0x0], $0xffff;
	[tilespmem:s1+$0x300] =	vst v12;
	v12 =	vshll.u32 v11, $0x3;
	v6 =	vor.u32 v4, v6  }
0x50e: {  	s28 =	sand.u32 $0x7, s7;
	v17 =	vor.u32 $0x200, v8;
	v4 =	vand.u32 $0x7F, v11;
	[tilespmem:s6+$0x80] =	vst v14;
	v21 =	vld.idx.msk [tilespmem:v3+s24+$0x0], $0xffff;
	v3 =	vand.u32 $0xFFFFFC00, v12  }
0x50f: {  	s0 =	sshll.u32 s28, $0x4;
	v14 =	vld.idx.msk [tilespmem:v13+s24+$0x0], $0xffff;
	[tilespmem:s14+$0x11080] =	vst v9;
	v23 =	vor.u32 v4, v3  }
0x510: {  	v27 =	vor.u32 $0x300, v2;
	v24 =	vor.u32 $0x180, v1;
	s0 =	sadd.s32 $0x4000, s0;
	v28 =	vld.idx.msk [tilespmem:v7+s24+$0x0], $0xffff;
	[tilespmem:s19+$0x200] =	vst v5  }
0x511: {  	s0 =	sadd.s32 $0xFFFFC090, s0;
	v11 =	vor.u32 $0x280, v10;
	v9 =	vor.u32 $0x280, v8;
	v13 =	vor.u32 $0x180, v10;
	v19 =	vld.idx.msk [tilespmem:v15+s24+$0x0], $0xffff  }
0x512: {  	s0 =	sor.u32 $0x300, s0;
	v12 =	vor.u32 $0x200, v10;
	v26 =	vor.u32 $0x80, v6;
	v4 =	vor.u32 $0x380, v2;
	[tilespmem:s11+$0x11180] =	vst v18;
	v22 =	vld.idx.msk [tilespmem:v6+s24+$0x0], $0xffff  }
0x513: {  	s31 =	simm.s32 $0x380;
	v3 =	vor.u32 $0x380, v8;
	v7 =	vor.u32 $0x300, v10;
	v20 =	vld.idx.msk [tilespmem:v17+s24+$0x0], $0xffff;
	[tilespmem:s0+$0x15000] =	vst v21;
	v21 =	vor.u32 $0x300, v0  }
0x514: {  	s30 =	simm.s32 $0x70;
	s16 =	sand.u32 $0xFFFFFC00, s31;
	s4 =	simm.s32 $0x890;
	v2 =	vor.u32 $0x380, v10;
	v5 =	vor.u32 $0x300, v8;
	v8 =	vor.u32 $0x380, v23;
	[tilespmem:s6+$0x100] =	vst v14;
	v25 =	vld.idx.msk [tilespmem:v23+s24+$0x0], $0xffff  }
0x515: {  	s8 =	simm.s32 $0x4300;
	s3 =	simm.s32 $0x860;
	v10 =	vor.u32 $0x300, v23;
	[tilespmem:s10+$0x11280] =	vst v16;
	v18 =	vor.u32 $0x80, v23;
	v15 =	vor.u32 $0x100, v23;
	v24 =	vld.idx.msk [tilespmem:v24+s24+$0x0], $0xffff  }
0x516: {  	s15 =	sand.u32 $0x70, s30;
	s5 =	sand.u32 $0x60, s3;
	s1 =	simm.s32 $0x86;
	v16 =	vor.u32 $0x280, v23;
	v17 =	vor.u32 $0x180, v23;
	v14 =	vor.u32 $0x200, v23;
	[tilespmem:s14+$0x11100] =	vst v28;
	v23 =	vld.idx.msk [tilespmem:v27+s24+$0x0], $0xffff  }
.LBB2_22:
0x517: {  	v27 =	vld [tilespmem:s4+$0x0];
	s0 =	sand.u32 $0x7C00, s8;
	s9 =	sor.u32 s15, s16;
	v28 =	vor.u32 $0x200, v1;
	[tilespmem:s19+$0x280] =	vst v19;
	s15 =	smov.u32 s10  }
0x518: {  	s1 =	sadd.s32 $0x2, s1;
	s10 =	smov.u32 s11;
	s0 =	sor.u32 s5, s0;
	[tilespmem:s9+$0x15000] =	vst v22;
	v19 =	vld.idx.msk [tilespmem:v21+s24+$0x0], $0xffff  }
0x519: {  	s11 =	smov.u32 s14;
	p0 =	slt.u32 s1, $0xFE;
	v21 =	vld.idx.msk [tilespmem:v26+s24+$0x0], $0xffff;
	[tilespmem:s10+$0x11200] =	vst v20;
	s14 =	smov.u32 s0  }
0x51a: {  	v22 =	vor.u32 $0x380, v0;
	v0 =	vmov v1;
	v1 =	vmov v6;
	v20 =	vld [tilespmem:s4+$0xFFFFFFF0];
	[tilespmem:s14+$0x11000] =	vst v25  }
0x51b: {  	v25 =	vor.u32 $0x100, v1;
	v18 =	vld.idx.msk [tilespmem:v18+s24+$0x0], $0xffff;
	[tilespmem:s6+$0x180] =	vst v24  }
0x51c: {  	v24 =	vld.idx.msk [tilespmem:v28+s24+$0x0], $0xffff;
	[tilespmem:s15+$0x11300] =	vst v23  }
0x51d: {  	v6 =	vshll.u32 v27, $0x3;
	v23 =	vld.idx.msk [tilespmem:v13+s24+$0x0], $0xffff;
	v13 =	vmov v17  }
0x51e: {  	v26 =	vor.u32 $0x280, v0;
	v17 =	vand.u32 $0x7F, v27;
	v6 =	vand.u32 $0xFFFFFC00, v6;
	v27 =	vld.idx.msk [tilespmem:v9+s24+$0x0], $0xffff;
	[tilespmem:s19+$0x300] =	vst v19;
	v9 =	vmovc v11;
	v11 =	vmovc v16;
	s19 =	smov.u32 s6;
	s6 =	sadd.s32 $0x15000, s9  }
0x51f: {  	s7 =	sadd.s32 $0x2, s7;
	v6 =	vor.u32 v17, v6;
	v16 =	vand.u32 $0x7F, v20;
	v19 =	vshll.u32 v20, $0x3;
	[tilespmem:s6+$0x80] =	vst v21;
	v28 =	vld.idx.msk [tilespmem:v22+s24+$0x0], $0xffff  }
0x520: {  	s0 =	sand.u32 $0x7, s7;
	v17 =	vand.u32 $0xFFFFFC00, v19;
	v29 =	vld.idx.msk [tilespmem:v25+s24+$0x0], $0xffff  }
0x521: {  	s0 =	sshll.u32 s0, $0x4;
	v25 =	vor.u32 v16, v17;
	[tilespmem:s14+$0x11080] =	vst v18;
	v30 =	vld.idx.msk [tilespmem:v4+s24+$0x0], $0xffff;
	v4 =	vmovc v3;
	v3 =	vmov v2;
	v2 =	vmov v8  }
0x522: {  	v32 =	vor.u32 $0x180, v1;
	s0 =	sadd.s32 s12, s0;
	s12 =	smov.u32 s13;
	s13 =	smov.u32 s8;
	v18 =	vor.u32 $0x80, v25;
	v31 =	vld.idx.msk [tilespmem:v15+s24+$0x0], $0xffff;
	v15 =	vor.u32 $0x100, v25;
	[tilespmem:s19+$0x200] =	vst v24  }
0x523: {  	s0 =	sadd.s32 $0xFFFFC090, s0;
	v17 =	vor.u32 $0x180, v25;
	v24 =	vor.u32 $0x200, v25;
	v16 =	vor.u32 $0x280, v25;
	[tilespmem:s11+$0x11180] =	vst v23;
	v19 =	vld.idx.msk [tilespmem:v26+s24+$0x0], $0xffff  }
.Ltmp10:
0x524: {  	s0 =	sor.u32 $0x300, s0;
	v33 =	vor.u32 $0x300, v25;
	v8 =	vor.u32 $0x380, v25;
	v22 =	vld.idx.msk [tilespmem:v6+s24+$0x0], $0xffff;
	[tilespmem:s10+$0x11280] =	vst v27;
	(pc) =	sbr.rel @p0 .LBB2_22-.Ltmp10, $4  }
0x525: {  	v21 =	vor.u32 $0x300, v0;
	v20 =	vld.idx.msk [tilespmem:v12+s24+$0x0], $0xffff;
	[tilespmem:s0+$0x15000] =	vst v28;
	v12 =	vmov v14;
	v14 =	vmov v24  }
0x526: {  	s3 =	sadd.s32 $0x20, s3;
	s8 =	sadd.s32 $0x100, s8;
	v26 =	vor.u32 $0x80, v6;
	v25 =	vld.idx.msk [tilespmem:v25+s24+$0x0], $0xffff;
	[tilespmem:s6+$0x100] =	vst v29  }
0x527: {  	s5 =	sand.u32 $0x60, s3;
	s9 =	sadd.s32 $0xFFFFC080, s8;
	s0 =	sadd.s32 $0xFFFFF810, s3;
	v24 =	vld.idx.msk [tilespmem:v32+s24+$0x0], $0xffff;
	[tilespmem:s15+$0x11380] =	vst v30  }
0x528: {  	s4 =	sadd.s32 $0x20, s4;
	s16 =	sand.u32 $0xFFFFFC00, s9;
	s15 =	sand.u32 $0x70, s0;
	[tilespmem:s14+$0x11100] =	vst v31;
	v23 =	vld.idx.msk [tilespmem:v5+s24+$0x0], $0xffff;
	v5 =	vmov v7;
	v7 =	vmov v10;
	v10 =	vmov v33  }
0x529: {  	_ =	sdelay $0x1  }
0x52a: {  	s0 =	sor.u32 s15, s16;
	s1 =	sand.u32 $0x7C00, s8  }
0x52b: {  	[tilespmem:s0+$0x15000] =	vst v22;
	s1 =	sor.u32 s5, s1  }
0x52c: {  	v22 =	vld.idx.msk [tilespmem:v26+s24+$0x0], $0xffff;
	[tilespmem:s1+$0x11000] =	vst v25  }
0x52d: {  	v60 =	vor.u32 $0x100, v6;
	v18 =	vld.idx.msk [tilespmem:v18+s24+$0x0], $0xffff;
	_ =	sdelay $0x2  }
0x52e: {  	s3 =	sadd.s32 $0x15000, s0  }
0x52f: {  	[tilespmem:s3+$0x80] =	vst v22  }
0x530: {  	v22 =	vld.idx.msk [tilespmem:v60+s24+$0x0], $0xffff;
	[tilespmem:s1+$0x11080] =	vst v18  }
0x531: {  	v18 =	vor.u32 $0x180, v6;
	v15 =	vld.idx.msk [tilespmem:v15+s24+$0x0], $0xffff;
	_ =	sdelay $0x2  }
0x532: {  	v13 =	vld.idx.msk [tilespmem:v13+s24+$0x0], $0xffff  }
0x533: {  	[tilespmem:s3+$0x100] =	vst v22  }
0x534: {  	v61 =	vor.u32 $0x200, v1;
	v18 =	vld.idx.msk [tilespmem:v18+s24+$0x0], $0xffff;
	[tilespmem:s1+$0x11100] =	vst v15  }
0x535: {  	v15 =	vor.u32 $0x200, v6;
	v17 =	vld.idx.msk [tilespmem:v17+s24+$0x0], $0xffff  }
0x536: {  	[tilespmem:s19+$0x280] =	vst v19  }
0x537: {  	[tilespmem:s14+$0x11180] =	vst v13  }
0x538: {  	[tilespmem:s6+$0x180] =	vst v24;
	v12 =	vld.idx.msk [tilespmem:v12+s24+$0x0], $0xffff  }
0x539: {  	v19 =	vld.idx.msk [tilespmem:v61+s24+$0x0], $0xffff;
	[tilespmem:s3+$0x180] =	vst v18  }
0x53a: {  	v62 =	vor.u32 $0x280, v1;
	v13 =	vld.idx.msk [tilespmem:v15+s24+$0x0], $0xffff;
	[tilespmem:s1+$0x11180] =	vst v17  }
0x53b: {  	[tilespmem:s11+$0x11200] =	vst v20;
	v15 =	vor.u32 $0x280, v6;
	v14 =	vld.idx.msk [tilespmem:v14+s24+$0x0], $0xffff  }
0x53c: {  	[tilespmem:s10+$0x11300] =	vst v23;
	v17 =	vld.idx.msk [tilespmem:v21+s24+$0x0], $0xffff  }
0x53d: {  	v0 =	vor.u32 $0x380, v0;
	v9 =	vld.idx.msk [tilespmem:v9+s24+$0x0], $0xffff;
	[tilespmem:s14+$0x11200] =	vst v12  }
0x53e: {  	[tilespmem:s6+$0x200] =	vst v19;
	v11 =	vld.idx.msk [tilespmem:v11+s24+$0x0], $0xffff  }
0x53f: {  	v18 =	vld.idx.msk [tilespmem:v62+s24+$0x0], $0xffff;
	[tilespmem:s3+$0x200] =	vst v13  }
0x540: {  	v19 =	vor.u32 $0x300, v1;
	v12 =	vld.idx.msk [tilespmem:v15+s24+$0x0], $0xffff;
	[tilespmem:s1+$0x11200] =	vst v14  }
0x541: {  	s9 =	sadd.s32 $0x2, s7;
	v13 =	vor.u32 $0x300, v6;
	[tilespmem:s19+$0x300] =	vst v17;
	v14 =	vld.idx.msk [tilespmem:v16+s24+$0x0], $0xffff  }
0x542: {  	s4 =	sand.u32 $0x7, s9;
	[tilespmem:s11+$0x11280] =	vst v9;
	v0 =	vld.idx.msk [tilespmem:v0+s24+$0x0], $0xffff  }
0x543: {  	s4 =	sshll.u32 s4, $0x4;
	v5 =	vld.idx.msk [tilespmem:v5+s24+$0x0], $0xffff;
	[tilespmem:s14+$0x11280] =	vst v11  }
0x544: {  	s4 =	sadd.s32 s12, s4;
	v7 =	vld.idx.msk [tilespmem:v7+s24+$0x0], $0xffff;
	[tilespmem:s6+$0x280] =	vst v18  }
0x545: {  	s4 =	sadd.s32 $0xFFFFC090, s4;
	v9 =	vld.idx.msk [tilespmem:v19+s24+$0x0], $0xffff;
	[tilespmem:s3+$0x280] =	vst v12  }
0x546: {  	s4 =	sor.u32 $0x300, s4;
	v1 =	vor.u32 $0x380, v1;
	v11 =	vld.idx.msk [tilespmem:v13+s24+$0x0], $0xffff;
	[tilespmem:s1+$0x11280] =	vst v14  }
0x547: {  	v6 =	vor.u32 $0x380, v6;
	[tilespmem:s4+$0x15000] =	vst v0;
	v0 =	vld.idx.msk [tilespmem:v10+s24+$0x0], $0xffff  }
0x548: {  	v4 =	vld.idx.msk [tilespmem:v4+s24+$0x0], $0xffff;
	[tilespmem:s11+$0x11300] =	vst v5  }
0x549: {  	v3 =	vld.idx.msk [tilespmem:v3+s24+$0x0], $0xffff;
	[tilespmem:s14+$0x11300] =	vst v7  }
0x54a: {  	s0 =	sadd.s32 $0x2, s9;
	v2 =	vld.idx.msk [tilespmem:v2+s24+$0x0], $0xffff;
	[tilespmem:s6+$0x300] =	vst v9  }
0x54b: {  	s12 =	sand.u32 $0x7, s0;
	s0 =	sadd.s32 $0x2, s0;
	v1 =	vld.idx.msk [tilespmem:v1+s24+$0x0], $0xffff;
	[tilespmem:s3+$0x300] =	vst v11  }
0x54c: {  	s0 =	sand.u32 $0x7, s0;
	s4 =	sshll.u32 s12, $0x4;
	v5 =	vld.idx.msk [tilespmem:v6+s24+$0x0], $0xffff;
	[tilespmem:s1+$0x11300] =	vst v0  }
0x54d: {  	s0 =	sshll.u32 s0, $0x4;
	[tilespmem:s10+$0x11380] =	vst v4;
	s15 =	sadd.s32 s13, s4;
	v0 =	vld.idx.msk [tilespmem:v8+s24+$0x0], $0xffff  }
0x54e: {  	s0 =	sadd.s32 s8, s0;
	[tilespmem:s11+$0x11380] =	vst v3;
	s3 =	sadd.s32 $0xFFFFC090, s15  }
0x54f: {  	s0 =	sadd.s32 $0xFFFFC090, s0;
	[tilespmem:s14+$0x11380] =	vst v2;
	s3 =	sor.u32 $0x300, s3  }
0x550: {  	s0 =	sor.u32 $0x300, s0;
	[tilespmem:s3+$0x15000] =	vst v1  }
0x551: {  	[tilespmem:s0+$0x15000] =	vst v5  }
0x552: {  	s16 =	simm.s32 $0x15000;
	[tilespmem:s1+$0x11380] =	vst v0  }
0x553: {  	s17 =	simm.s32 $0x2;
	s4 =	simm.s32 $0x0;
	s0 =	rddreg [dreg:$0x12]  }
0x554: {  	[hbm4b:s0+s4] =	stream.linear.scatter [tilespmem:s16], [sflag:$0x4], $0x4000, $0x38;
	[tilespmem:$0x19000] =	vst v63  }
0x555: {  	_ =	swait.ge [sflag:s17], $0x8000  }
0x556: {  	[sflag:s17] =	ssyncset.done $0x0  }
0x557: {  	s18 =	simm.s32 $0x3;
	[sflag:s17] =	ssyncadd.s32 $0xFFFF8000  }
0x558: {  	s19 =	sand.u32 $0x60, s4;
	_ =	swait.ge [sflag:s18], $0x4000  }
0x559: {  	s21 =	sand.u32 $0x780, s4;
	s20 =	sor.u32 $0x10, s19;
	[sflag:s18] =	ssyncset.done $0x0  }
0x55a: {  	s3 =	sor.u32 s20, s21;
	[sflag:s18] =	ssyncadd.s32 $0xFFFFC000  }
0x55b: {  	v0 =	vld [tilespmem:s3+$0x0];
	_ =	sdelay $0x3  }
0x55c: {  	v2 =	vld [tilespmem:s4+$0x0]  }
0x55d: {  	v1 =	vshll.u32 v0, $0x3  }
0x55e: {  	v0 =	vand.u32 $0x7F, v0;
	v1 =	vand.u32 $0xFFFFFC00, v1  }
0x55f: {  	s22 =	simm.s32 $0x20;
	v5 =	vor.u32 v0, v1  }
0x560: {  	s23 =	sand.u32 $0x60, s22  }
0x561: {  	s28 =	sand.u32 $0x780, s22;
	s26 =	sor.u32 $0x10, s23;
	v0 =	vshll.u32 v2, $0x3  }
0x562: {  	s7 =	sor.u32 s26, s28;
	v1 =	vand.u32 $0x7F, v2;
	v0 =	vand.u32 $0xFFFFFC00, v0  }
0x563: {  	v6 =	vor.u32 v1, v0;
	v0 =	vld [tilespmem:s7+$0x0]  }
0x564: {  	v2 =	vld.idx.msk [tilespmem:v5+s25+$0x0], $0xffff  }
0x565: {  	v1 =	vor.u32 $0x80, v5  }
0x566: {  	s30 =	sand.u32 $0x3C00, s4  }
0x567: {  	s7 =	sadd.s32 $0x11000, s30  }
0x568: {  	s1 =	sor.u32 s20, s7;
	v3 =	vld.idx.msk [tilespmem:v6+s25+$0x0], $0xffff  }
0x569: {  	v4 =	vor.u32 $0x80, v6;
	[tilespmem:s1+$0x0] =	vst v2;
	v2 =	vshll.u32 v0, $0x3  }
0x56a: {  	v0 =	vand.u32 $0x7F, v0;
	v7 =	vld.idx.msk [tilespmem:v1+s25+$0x0], $0xffff;
	v1 =	vand.u32 $0xFFFFFC00, v2  }
0x56b: {  	v1 =	vor.u32 v0, v1;
	v0 =	vld [tilespmem:s22+$0x0]  }
0x56c: {  	s31 =	sor.u32 s19, s7  }
0x56d: {  	s15 =	simm.s32 $0x40;
	v2 =	vor.u32 $0x100, v5;
	[tilespmem:s31+$0x0] =	vst v3  }
0x56e: {  	s16 =	sand.u32 $0x60, s15;
	v3 =	vld.idx.msk [tilespmem:v4+s25+$0x0], $0xffff  }
0x56f: {  	s17 =	sor.u32 $0x10, s16;
	s18 =	sand.u32 $0x780, s15;
	v8 =	vor.u32 $0x100, v6  }
0x570: {  	s7 =	sor.u32 s17, s18;
	[tilespmem:s1+$0x80] =	vst v7;
	v7 =	vld.idx.msk [tilespmem:v1+s25+$0x0], $0xffff;
	v4 =	vshll.u32 v0, $0x3  }
0x571: {  	s11 =	simm.s32 $0x100;
	v10 =	vld [tilespmem:s7+$0x0];
	v9 =	vor.u32 $0x80, v1;
	v0 =	vand.u32 $0x7F, v0;
	v4 =	vand.u32 $0xFFFFFC00, v4  }
0x572: {  	s19 =	sand.u32 $0x3C00, s11;
	v2 =	vld.idx.msk [tilespmem:v2+s25+$0x0], $0xffff;
	v4 =	vor.u32 v0, v4  }
0x573: {  	s7 =	sadd.s32 $0x11000, s19;
	[tilespmem:s31+$0x80] =	vst v3;
	v0 =	vor.u32 $0x180, v5  }
0x574: {  	s14 =	sor.u32 s26, s7;
	v3 =	vld.idx.msk [tilespmem:v8+s25+$0x0], $0xffff  }
0x575: {  	[tilespmem:s14+$0x0] =	vst v7;
	v7 =	vor.u32 $0x180, v6  }
0x576: {  	v8 =	vld.idx.msk [tilespmem:v9+s25+$0x0], $0xffff  }
0x577: {  	v11 =	vor.u32 $0x100, v1;
	[tilespmem:s1+$0x100] =	vst v2;
	v2 =	vshll.u32 v10, $0x3;
	v9 =	vld.idx.msk [tilespmem:v4+s25+$0x0], $0xffff  }
0x578: {  	v13 =	vor.u32 $0x80, v4;
	v2 =	vand.u32 $0xFFFFFC00, v2;
	v12 =	vld.idx.msk [tilespmem:v0+s25+$0x0], $0xffff;
	v0 =	vand.u32 $0x7F, v10  }
0x579: {  	[tilespmem:s31+$0x100] =	vst v3;
	v0 =	vor.u32 v0, v2;
	v2 =	vld [tilespmem:s15+$0x0]  }
0x57a: {  	v3 =	vor.u32 $0x200, v5;
	v7 =	vld.idx.msk [tilespmem:v7+s25+$0x0], $0xffff  }
0x57b: {  	s19 =	sor.u32 s23, s7;
	[tilespmem:s14+$0x80] =	vst v8;
	v8 =	vor.u32 $0x200, v6  }
0x57c: {  	[tilespmem:s19+$0x0] =	vst v9;
	v9 =	vld.idx.msk [tilespmem:v11+s25+$0x0], $0xffff  }
0x57d: {  	s20 =	simm.s32 $0x60;
	v11 =	vor.u32 $0x180, v1;
	v10 =	vld.idx.msk [tilespmem:v13+s25+$0x0], $0xffff  }
0x57e: {  	s6 =	sand.u32 $0x60, s20;
	v14 =	vor.u32 $0x100, v4;
	[tilespmem:s1+$0x180] =	vst v12;
	v12 =	vld.idx.msk [tilespmem:v0+s25+$0x0], $0xffff;
	v13 =	vshll.u32 v2, $0x3  }
0x57f: {  	s9 =	sand.u32 $0x780, s20;
	s7 =	simm.s32 $0x200;
	s21 =	sor.u32 $0x10, s6;
	v15 =	vor.u32 $0x80, v0;
	v3 =	vld.idx.msk [tilespmem:v3+s25+$0x0], $0xffff;
	v2 =	vand.u32 $0x7F, v2;
	v13 =	vand.u32 $0xFFFFFC00, v13;
	[tilespmem:s31+$0x180] =	vst v7  }
0x580: {  	s9 =	sor.u32 s21, s9;
	s22 =	sand.u32 $0x3C00, s7;
	v2 =	vor.u32 v2, v13;
	v7 =	vld.idx.msk [tilespmem:v8+s25+$0x0], $0xffff  }
0x581: {  	s23 =	sadd.s32 $0x11000, s22;
	v8 =	vld [tilespmem:s9+$0x0];
	[tilespmem:s14+$0x100] =	vst v9;
	v9 =	vor.u32 $0x280, v6  }
0x582: {  	s10 =	sor.u32 s17, s23;
	[tilespmem:s19+$0x80] =	vst v10;
	v10 =	vld.idx.msk [tilespmem:v11+s25+$0x0], $0xffff;
	v11 =	vor.u32 $0x280, v5  }
0x583: {  	[tilespmem:s10+$0x0] =	vst v12;
	v12 =	vld.idx.msk [tilespmem:v14+s25+$0x0], $0xffff  }
0x584: {  	v13 =	vor.u32 $0x200, v1;
	v14 =	vld.idx.msk [tilespmem:v15+s25+$0x0], $0xffff  }
0x585: {  	v16 =	vor.u32 $0x180, v4;
	v15 =	vld.idx.msk [tilespmem:v2+s25+$0x0], $0xffff;
	[tilespmem:s31+$0x200] =	vst v7  }
0x586: {  	[tilespmem:s1+$0x200] =	vst v3;
	v3 =	vshll.u32 v8, $0x3;
	v7 =	vor.u32 $0x100, v0;
	v9 =	vld.idx.msk [tilespmem:v9+s25+$0x0], $0xffff  }
0x587: {  	v17 =	vor.u32 $0x80, v2;
	v8 =	vand.u32 $0x7F, v8;
	v3 =	vand.u32 $0xFFFFFC00, v3;
	[tilespmem:s14+$0x180] =	vst v10;
	v10 =	vld.idx.msk [tilespmem:v11+s25+$0x0], $0xffff  }
0x588: {  	v3 =	vor.u32 v8, v3;
	v11 =	vld [tilespmem:s20+$0x0]  }
0x589: {  	v8 =	vld.idx.msk [tilespmem:v13+s25+$0x0], $0xffff;
	[tilespmem:s19+$0x100] =	vst v12;
	v12 =	vor.u32 $0x300, v5  }
0x58a: {  	s13 =	sor.u32 s16, s23;
	[tilespmem:s10+$0x80] =	vst v14;
	v13 =	vor.u32 $0x300, v6;
	v14 =	vld.idx.msk [tilespmem:v16+s25+$0x0], $0xffff  }
0x58b: {  	[tilespmem:s13+$0x0] =	vst v15;
	v7 =	vld.idx.msk [tilespmem:v7+s25+$0x0], $0xffff  }
0x58c: {  	s15 =	simm.s32 $0x80;
	v16 =	vor.u32 $0x200, v4;
	v15 =	vld.idx.msk [tilespmem:v17+s25+$0x0], $0xffff  }
0x58d: {  	s3 =	sand.u32 $0x60, s15;
	v18 =	vor.u32 $0x180, v0;
	v17 =	vld.idx.msk [tilespmem:v3+s25+$0x0], $0xffff;
	[tilespmem:s1+$0x280] =	vst v10  }
0x58e: {  	s26 =	sand.u32 $0x780, s15;
	[tilespmem:s31+$0x280] =	vst v9;
	v9 =	vor.u32 $0x100, v2;
	s1 =	sor.u32 $0x10, s3;
	v10 =	vld.idx.msk [tilespmem:v12+s25+$0x0], $0xffff  }
0x58f: {  	s12 =	simm.s32 $0x300;
	s4 =	sand.u32 $0x3, s4;
	s0 =	sor.u32 s1, s26;
	v12 =	vor.u32 $0x80, v3;
	v13 =	vld.idx.msk [tilespmem:v13+s25+$0x0], $0xffff  }
0x590: {  	s28 =	sand.u32 $0x3C00, s12;
	s4 =	sshll.u32 s4, $0x5;
	v63 =	vor.u32 $0x380, v5;
	v19 =	vshll.u32 v11, $0x3;
	v20 =	vld [tilespmem:s0+$0x0];
	[tilespmem:s19+$0x180] =	vst v14  }
0x591: {  	s17 =	sadd.s32 $0x11000, s28;
	s23 =	sadd.s32 $0x0, s4;
	v6 =	vor.u32 $0x380, v6;
	v11 =	vand.u32 $0x7F, v11;
	v5 =	vand.u32 $0xFFFFFC00, v19;
	[tilespmem:s10+$0x100] =	vst v7;
	v7 =	vld.idx.msk [tilespmem:v16+s25+$0x0], $0xffff  }
0x592: {  	s21 =	sor.u32 s21, s17;
	s5 =	sadd.s32 $0x10, s23;
	v5 =	vor.u32 v11, v5;
	[tilespmem:s13+$0x80] =	vst v15;
	v16 =	vld.idx.msk [tilespmem:v18+s25+$0x0], $0xffff  }
0x593: {  	s30 =	sor.u32 $0x300, s5;
	v19 =	vor.u32 $0x280, v4;
	v14 =	vld.idx.msk [tilespmem:v9+s25+$0x0], $0xffff;
	[tilespmem:s21+$0x0] =	vst v17  }
0x594: {  	s4 =	sor.u32 $0x300, s23;
	v17 =	vor.u32 $0x280, v1;
	v15 =	vld.idx.msk [tilespmem:v12+s25+$0x0], $0xffff;
	[tilespmem:s30+$0x11000] =	vst v10  }
0x595: {  	v18 =	vor.u32 $0x200, v0;
	[tilespmem:s4+$0x11000] =	vst v13;
	v12 =	vld.idx.msk [tilespmem:v63+s25+$0x0], $0xffff  }
0x596: {  	s8 =	simm.s32 $0x2;
	[tilespmem:s14+$0x200] =	vst v8;
	v11 =	vld.idx.msk [tilespmem:v6+s25+$0x0], $0xffff  }
0x597: {  	s18 =	simm.s32 $0xA0;
	s22 =	simm.s32 $0xA0;
	s31 =	simm.s32 $0x1;
	v8 =	vor.u32 $0x80, v5;
	v10 =	vor.u32 $0x180, v2;
	v9 =	vshll.u32 v20, $0x3;
	v13 =	vld.idx.msk [tilespmem:v5+s25+$0x0], $0xffff;
	[tilespmem:s19+$0x200] =	vst v7  }
0x598: {  	s16 =	simm.s32 $0x8;
	s20 =	simm.s32 $0x400;
	s4 =	sand.u32 $0x3, s31;
	v6 =	vand.u32 $0x7F, v20;
	v7 =	vand.u32 $0xFFFFFC00, v9;
	v9 =	vor.u32 $0x100, v3;
	[tilespmem:s10+$0x180] =	vst v16;
	v16 =	vld.idx.msk [tilespmem:v19+s25+$0x0], $0xffff  }
.LBB2_24:
0x599: {  	s0 =	sand.u32 $0x60, s18;
	s16 =	sadd.s32 $0x2, s16;
	[tilespmem:s13+$0x100] =	vst v14;
	v14 =	vld.idx.msk [tilespmem:v17+s25+$0x0], $0xffff;
	s9 =	sor.u32 $0x380, s23  }
0x59a: {  	s23 =	sand.u32 $0x780, s18;
	v6 =	vor.u32 v6, v7;
	s5 =	sor.u32 $0x380, s5;
	s26 =	sor.u32 $0x10, s0;
	[tilespmem:s21+$0x80] =	vst v15;
	v7 =	vld.idx.msk [tilespmem:v18+s25+$0x0], $0xffff  }
0x59b: {  	s28 =	sand.u32 $0x3, s8;
	v17 =	vor.u32 $0x300, v4;
	p0 =	slt.u32 s16, $0x7E;
	v18 =	vor.u32 $0x300, v1;
	s23 =	sor.u32 s26, s23;
	v15 =	vld [tilespmem:s15+$0x0];
	[tilespmem:s5+$0x11000] =	vst v12  }
0x59c: {  	s5 =	sor.u32 s6, s17;
	s6 =	smov.u32 s3;
	s3 =	smov.u32 s0;
	v10 =	vld.idx.msk [tilespmem:v10+s25+$0x0], $0xffff;
	[tilespmem:s9+$0x11000] =	vst v11  }
0x59d: {  	s15 =	smov.u32 s22;
	[tilespmem:s5+$0x0] =	vst v13;
	v9 =	vld.idx.msk [tilespmem:v9+s25+$0x0], $0xffff  }
0x59e: {  	v11 =	vor.u32 $0x200, v2;
	v8 =	vld.idx.msk [tilespmem:v8+s25+$0x0], $0xffff;
	[tilespmem:s19+$0x280] =	vst v16;
	s19 =	smov.u32 s13;
	s13 =	smov.u32 s5  }
0x59f: {  	v13 =	vor.u32 $0x180, v3;
	v12 =	vld.idx.msk [tilespmem:v6+s25+$0x0], $0xffff;
	[tilespmem:s14+$0x280] =	vst v14;
	s14 =	smov.u32 s10;
	s10 =	smov.u32 s21  }
0x5a0: {  	v16 =	vor.u32 $0x100, v5;
	v14 =	vshll.u32 v15, $0x3;
	[tilespmem:s14+$0x200] =	vst v7;
	v7 =	vld.idx.msk [tilespmem:v18+s25+$0x0], $0xffff  }
0x5a1: {  	v18 =	vor.u32 $0x80, v6;
	v14 =	vand.u32 $0xFFFFFC00, v14;
	v19 =	vld.idx.msk [tilespmem:v17+s25+$0x0], $0xffff  }
0x5a2: {  	v21 =	vor.u32 $0x380, v1;
	v1 =	vmovc v0;
	v0 =	vmovc v3;
	s0 =	sand.u32 $0x3C00, s20;
	v3 =	vmov v6;
	s5 =	sshll.u32 s4, $0x5;
	s4 =	smov.u32 s28;
	v20 =	vld [tilespmem:s23+$0x0];
	[tilespmem:s19+$0x180] =	vst v10;
	v10 =	vor.u32 $0x380, v4  }
0x5a3: {  	s17 =	sadd.s32 $0x11000, s0;
	v6 =	vand.u32 $0x7F, v15;
	s23 =	sadd.s32 s5, s11;
	v4 =	vmov v2;
	v2 =	vmov v5;
	s11 =	smov.u32 s7;
	[tilespmem:s10+$0x100] =	vst v9;
	v9 =	vld.idx.msk [tilespmem:v11+s25+$0x0], $0xffff  }
0x5a4: {  	s21 =	sor.u32 s1, s17;
	s1 =	smov.u32 s26;
	v5 =	vor.u32 v6, v14;
	s5 =	sadd.s32 $0x10, s23;
	[tilespmem:s13+$0x80] =	vst v8;
	v22 =	vld.idx.msk [tilespmem:v13+s25+$0x0], $0xffff  }
0x5a5: {  	s7 =	smov.u32 s12;
	s0 =	sor.u32 $0x300, s23;
	v8 =	vor.u32 $0x80, v5;
	s9 =	sor.u32 $0x300, s5;
	[tilespmem:s21+$0x0] =	vst v12;
	v14 =	vld.idx.msk [tilespmem:v16+s25+$0x0], $0xffff;
	v16 =	vor.u32 $0x280, v4  }
.Ltmp11:
0x5a6: {  	v17 =	vor.u32 $0x280, v1;
	s12 =	smov.u32 s20;
	v15 =	vld.idx.msk [tilespmem:v18+s25+$0x0], $0xffff;
	[tilespmem:s9+$0x11000] =	vst v7;
	(pc) =	sbr.rel @p0 .LBB2_24-.Ltmp11, $4  }
0x5a7: {  	v18 =	vor.u32 $0x200, v0;
	v6 =	vand.u32 $0x7F, v20;
	v7 =	vshll.u32 v20, $0x3;
	[tilespmem:s0+$0x11000] =	vst v19;
	v12 =	vld.idx.msk [tilespmem:v21+s25+$0x0], $0xffff  }
0x5a8: {  	v7 =	vand.u32 $0xFFFFFC00, v7;
	v11 =	vld.idx.msk [tilespmem:v10+s25+$0x0], $0xffff  }
0x5a9: {  	s8 =	sadd.s32 $0x1, s8;
	v10 =	vor.u32 $0x180, v2;
	v13 =	vld.idx.msk [tilespmem:v5+s25+$0x0], $0xffff;
	[tilespmem:s19+$0x200] =	vst v9  }
0x5aa: {  	s18 =	sadd.s32 $0x20, s18;
	s22 =	sadd.s32 $0x20, s22;
	s20 =	sadd.s32 $0x100, s20;
	v9 =	vor.u32 $0x100, v3;
	[tilespmem:s10+$0x180] =	vst v22;
	v16 =	vld.idx.msk [tilespmem:v16+s25+$0x0], $0xffff  }
0x5ab: {  	v19 =	vld [tilespmem:s15+$0x0];
	_ =	sdelay $0x4  }
0x5ac: {  	v20 =	vshll.u32 v19, $0x3  }
0x5ad: {  	v7 =	vor.u32 v6, v7;
	v19 =	vand.u32 $0x7F, v19;
	v6 =	vand.u32 $0xFFFFFC00, v20  }
0x5ae: {  	v6 =	vor.u32 v19, v6;
	_ =	sdelay $0x3  }
0x5af: {  	[tilespmem:s13+$0x100] =	vst v14;
	v14 =	vld.idx.msk [tilespmem:v7+s25+$0x0], $0xffff  }
0x5b0: {  	[tilespmem:s21+$0x80] =	vst v15;
	s0 =	sor.u32 $0x380, s5;
	v15 =	vor.u32 $0x80, v7;
	v19 =	vld.idx.msk [tilespmem:v6+s25+$0x0], $0xffff  }
0x5b1: {  	s18 =	sor.u32 $0x380, s23;
	s22 =	sand.u32 $0x3C00, s20;
	[tilespmem:s0+$0x11000] =	vst v12;
	v12 =	vor.u32 $0x80, v6  }
0x5b2: {  	v17 =	vld.idx.msk [tilespmem:v17+s25+$0x0], $0xffff;
	s23 =	sor.u32 s6, s17;
	s0 =	sadd.s32 $0x11000, s22;
	[tilespmem:s18+$0x11000] =	vst v11  }
0x5b3: {  	v11 =	vld.idx.msk [tilespmem:v18+s25+$0x0], $0xffff;
	s26 =	sor.u32 s1, s0;
	[tilespmem:s23+$0x0] =	vst v13  }
0x5b4: {  	s28 =	sor.u32 s3, s0;
	v13 =	vor.u32 $0x300, v1;
	v8 =	vld.idx.msk [tilespmem:v8+s25+$0x0], $0xffff;
	[tilespmem:s26+$0x0] =	vst v14  }
0x5b5: {  	v14 =	vor.u32 $0x100, v5;
	v15 =	vld.idx.msk [tilespmem:v15+s25+$0x0], $0xffff;
	[tilespmem:s28+$0x0] =	vst v19  }
0x5b6: {  	[tilespmem:s19+$0x280] =	vst v16;
	v16 =	vor.u32 $0x100, v7;
	v12 =	vld.idx.msk [tilespmem:v12+s25+$0x0], $0xffff  }
0x5b7: {  	v10 =	vld.idx.msk [tilespmem:v10+s25+$0x0], $0xffff;
	[tilespmem:s14+$0x280] =	vst v17;
	v17 =	vor.u32 $0x100, v6  }
0x5b8: {  	v9 =	vld.idx.msk [tilespmem:v9+s25+$0x0], $0xffff;
	[tilespmem:s10+$0x200] =	vst v11;
	v11 =	vor.u32 $0x200, v2  }
0x5b9: {  	v18 =	vor.u32 $0x300, v4;
	v13 =	vld.idx.msk [tilespmem:v13+s25+$0x0], $0xffff;
	[tilespmem:s23+$0x80] =	vst v8  }
0x5ba: {  	s30 =	sshll.u32 s4, $0x5;
	v8 =	vor.u32 $0x180, v3;
	v14 =	vld.idx.msk [tilespmem:v14+s25+$0x0], $0xffff;
	[tilespmem:s26+$0x80] =	vst v15  }
0x5bb: {  	s0 =	sadd.s32 s30, s11;
	v15 =	vor.u32 $0x180, v5;
	v16 =	vld.idx.msk [tilespmem:v16+s25+$0x0], $0xffff;
	[tilespmem:s28+$0x80] =	vst v12  }
0x5bc: {  	s31 =	sadd.s32 $0x10, s0;
	[tilespmem:s13+$0x180] =	vst v10;
	v10 =	vor.u32 $0x180, v7;
	v12 =	vld.idx.msk [tilespmem:v17+s25+$0x0], $0xffff  }
0x5bd: {  	s5 =	sor.u32 $0x300, s31;
	[tilespmem:s21+$0x100] =	vst v9;
	v9 =	vor.u32 $0x180, v6;
	v11 =	vld.idx.msk [tilespmem:v11+s25+$0x0], $0xffff  }
0x5be: {  	v1 =	vor.u32 $0x380, v1;
	[tilespmem:s5+$0x11000] =	vst v13;
	v17 =	vld.idx.msk [tilespmem:v18+s25+$0x0], $0xffff  }
0x5bf: {  	v4 =	vor.u32 $0x380, v4;
	v8 =	vld.idx.msk [tilespmem:v8+s25+$0x0], $0xffff;
	[tilespmem:s23+$0x100] =	vst v14  }
0x5c0: {  	v13 =	vor.u32 $0x200, v3;
	v14 =	vld.idx.msk [tilespmem:v15+s25+$0x0], $0xffff;
	[tilespmem:s26+$0x100] =	vst v16  }
0x5c1: {  	v15 =	vor.u32 $0x200, v5;
	v10 =	vld.idx.msk [tilespmem:v10+s25+$0x0], $0xffff;
	[tilespmem:s28+$0x100] =	vst v12  }
0x5c2: {  	s9 =	sor.u32 $0x300, s0;
	[tilespmem:s13+$0x200] =	vst v11;
	v12 =	vor.u32 $0x200, v7;
	v9 =	vld.idx.msk [tilespmem:v9+s25+$0x0], $0xffff  }
0x5c3: {  	v1 =	vld.idx.msk [tilespmem:v1+s25+$0x0], $0xffff;
	v11 =	vor.u32 $0x200, v6;
	[tilespmem:s9+$0x11000] =	vst v17  }
0x5c4: {  	[tilespmem:s21+$0x180] =	vst v8;
	v16 =	vor.u32 $0x280, v0;
	v4 =	vld.idx.msk [tilespmem:v4+s25+$0x0], $0xffff  }
0x5c5: {  	v8 =	vor.u32 $0x280, v2;
	v13 =	vld.idx.msk [tilespmem:v13+s25+$0x0], $0xffff;
	[tilespmem:s23+$0x180] =	vst v14  }
0x5c6: {  	v14 =	vld.idx.msk [tilespmem:v15+s25+$0x0], $0xffff;
	v15 =	vor.u32 $0x280, v3;
	[tilespmem:s26+$0x180] =	vst v10  }
0x5c7: {  	s3 =	sor.u32 $0x380, s31;
	v10 =	vor.u32 $0x280, v5;
	v12 =	vld.idx.msk [tilespmem:v12+s25+$0x0], $0xffff;
	[tilespmem:s28+$0x180] =	vst v9  }
0x5c8: {  	s0 =	sor.u32 $0x380, s0;
	[tilespmem:s3+$0x11000] =	vst v1;
	v9 =	vor.u32 $0x280, v7;
	v1 =	vld.idx.msk [tilespmem:v11+s25+$0x0], $0xffff  }
0x5c9: {  	[tilespmem:s0+$0x11000] =	vst v4;
	v4 =	vor.u32 $0x280, v6;
	v11 =	vld.idx.msk [tilespmem:v16+s25+$0x0], $0xffff  }
0x5ca: {  	v8 =	vld.idx.msk [tilespmem:v8+s25+$0x0], $0xffff;
	[tilespmem:s21+$0x200] =	vst v13;
	v16 =	vor.u32 $0x300, v0  }
0x5cb: {  	v13 =	vor.u32 $0x300, v2;
	[tilespmem:s23+$0x200] =	vst v14;
	v14 =	vld.idx.msk [tilespmem:v15+s25+$0x0], $0xffff  }
0x5cc: {  	v15 =	vor.u32 $0x300, v3;
	v10 =	vld.idx.msk [tilespmem:v10+s25+$0x0], $0xffff;
	[tilespmem:s26+$0x200] =	vst v12  }
0x5cd: {  	v12 =	vor.u32 $0x300, v5;
	[tilespmem:s28+$0x200] =	vst v1;
	v1 =	vld.idx.msk [tilespmem:v9+s25+$0x0], $0xffff  }
0x5ce: {  	[tilespmem:s10+$0x280] =	vst v11;
	v9 =	vor.u32 $0x300, v7;
	v4 =	vld.idx.msk [tilespmem:v4+s25+$0x0], $0xffff  }
0x5cf: {  	s11 =	sand.u32 $0x3, s8;
	[tilespmem:s13+$0x280] =	vst v8;
	v11 =	vor.u32 $0x300, v6;
	v8 =	vld.idx.msk [tilespmem:v16+s25+$0x0], $0xffff  }
0x5d0: {  	s14 =	sadd.s32 $0x1, s8;
	v13 =	vld.idx.msk [tilespmem:v13+s25+$0x0], $0xffff;
	s0 =	sshll.u32 s11, $0x5;
	v0 =	vor.u32 $0x380, v0;
	[tilespmem:s21+$0x280] =	vst v14  }
0x5d1: {  	s16 =	sand.u32 $0x3, s14;
	v2 =	vor.u32 $0x380, v2;
	s0 =	sadd.s32 s0, s7;
	[tilespmem:s23+$0x280] =	vst v10;
	v10 =	vld.idx.msk [tilespmem:v15+s25+$0x0], $0xffff  }
0x5d2: {  	s4 =	sshll.u32 s16, $0x5;
	s3 =	sadd.s32 $0x1, s14;
	v3 =	vor.u32 $0x380, v3;
	s17 =	sadd.s32 $0x10, s0;
	v12 =	vld.idx.msk [tilespmem:v12+s25+$0x0], $0xffff;
	[tilespmem:s26+$0x280] =	vst v1  }
0x5d3: {  	s4 =	sadd.s32 s4, s12;
	s3 =	sand.u32 $0x3, s3;
	s18 =	sor.u32 $0x300, s17;
	v1 =	vor.u32 $0x380, v5;
	[tilespmem:s28+$0x280] =	vst v4;
	v4 =	vld.idx.msk [tilespmem:v9+s25+$0x0], $0xffff  }
0x5d4: {  	s3 =	sshll.u32 s3, $0x5;
	s19 =	sor.u32 $0x300, s0;
	s21 =	sadd.s32 $0x10, s4;
	v7 =	vor.u32 $0x380, v7;
	[tilespmem:s18+$0x11000] =	vst v8;
	v5 =	vld.idx.msk [tilespmem:v11+s25+$0x0], $0xffff  }
0x5d5: {  	s3 =	sadd.s32 s3, s20;
	[tilespmem:s19+$0x11000] =	vst v13;
	s22 =	sor.u32 $0x300, s21;
	v6 =	vor.u32 $0x380, v6;
	v0 =	vld.idx.msk [tilespmem:v0+s25+$0x0], $0xffff  }
0x5d6: {  	s23 =	sor.u32 $0x300, s4;
	v2 =	vld.idx.msk [tilespmem:v2+s25+$0x0], $0xffff;
	[tilespmem:s22+$0x11000] =	vst v10;
	s26 =	sadd.s32 $0x10, s3  }
0x5d7: {  	v3 =	vld.idx.msk [tilespmem:v3+s25+$0x0], $0xffff;
	s28 =	sor.u32 $0x300, s26;
	[tilespmem:s23+$0x11000] =	vst v12  }
0x5d8: {  	s30 =	sor.u32 $0x300, s3;
	v1 =	vld.idx.msk [tilespmem:v1+s25+$0x0], $0xffff;
	[tilespmem:s28+$0x11000] =	vst v4  }
0x5d9: {  	s5 =	sor.u32 $0x380, s17;
	[tilespmem:s30+$0x11000] =	vst v5;
	v4 =	vld.idx.msk [tilespmem:v7+s25+$0x0], $0xffff  }
0x5da: {  	s0 =	sor.u32 $0x380, s0;
	[tilespmem:s5+$0x11000] =	vst v0;
	v0 =	vld.idx.msk [tilespmem:v6+s25+$0x0], $0xffff  }
0x5db: {  	s31 =	sor.u32 $0x380, s21;
	[tilespmem:s0+$0x11000] =	vst v2  }
0x5dc: {  	s4 =	sor.u32 $0x380, s4;
	[tilespmem:s31+$0x11000] =	vst v3  }
0x5dd: {  	[tilespmem:s4+$0x11000] =	vst v1;
	s4 =	sor.u32 $0x380, s26  }
0x5de: {  	s5 =	sor.u32 $0x380, s3;
	[tilespmem:s4+$0x11000] =	vst v4  }
0x5df: {  	[tilespmem:s5+$0x11000] =	vst v0  }
0x5e0: {  	s6 =	simm.s32 $0x11000;
	s7 =	simm.s32 $0x0;
	s0 =	rddreg [dreg:$0x13]  }
0x5e1: {  	[hbm4b:s0+s7] =	stream.linear.scatter [tilespmem:s6], [sflag:$0x3], $0x4000, $0x38;
	[tilespmem:$0x19000] =	vst v63  }
0x5e2: {  	_ =	swait.ge [sflag:s2], $0x4000  }
0x5e3: {  	[sflag:s2] =	ssyncset.done $0x0  }
0x5e4: {  	s8 =	simm.s32 $0x810;
	[sflag:s2] =	ssyncadd.s32 $0xFFFFC000  }
0x5e5: {  	v0 =	vld [tilespmem:s8+$0x0];
	_ =	sdelay $0x4  }
0x5e6: {  	v1 =	vshll.u32 v0, $0x3  }
0x5e7: {  	v0 =	vand.u32 $0x7F, v0;
	v1 =	vand.u32 $0xFFFFFC00, v1  }
0x5e8: {  	v3 =	vor.u32 v0, v1  }
0x5e9: {  	v0 =	vld [tilespmem:s8+$0xFFFFFFF0];
	_ =	sdelay $0x3  }
0x5ea: {  	v1 =	vld.idx.msk [tilespmem:v3+s25+$0x0], $0xffff  }
0x5eb: {  	v4 =	vor.u32 $0x80, v3;
	v2 =	vshll.u32 v0, $0x3  }
0x5ec: {  	s9 =	simm.s32 $0x10;
	s10 =	simm.s32 $0x80;
	v0 =	vand.u32 $0x7F, v0;
	v2 =	vand.u32 $0xFFFFFC00, v2  }
0x5ed: {  	s11 =	simm.s32 $0x830;
	s1 =	sand.u32 $0xFFFFFC00, s10;
	s0 =	sand.u32 $0x70, s9;
	v2 =	vor.u32 v0, v2  }
0x5ee: {  	s0 =	sor.u32 s0, s1;
	v0 =	vld [tilespmem:s11+$0x0]  }
0x5ef: {  	[tilespmem:s0+$0x15000] =	vst v1;
	v1 =	vld [tilespmem:s11+$0xFFFFFFF0]  }
0x5f0: {  	v4 =	vld.idx.msk [tilespmem:v4+s25+$0x0], $0xffff  }
0x5f1: {  	v5 =	vor.u32 $0x100, v3  }
0x5f2: {  	v6 =	vld.idx.msk [tilespmem:v2+s25+$0x0], $0xffff  }
0x5f3: {  	v7 =	vor.u32 $0x80, v2;
	v8 =	vshll.u32 v0, $0x3  }
0x5f4: {  	s12 =	simm.s32 $0x4000;
	s13 =	simm.s32 $0x800;
	s1 =	sadd.s32 $0x15000, s0;
	v0 =	vand.u32 $0x7F, v0;
	v8 =	vand.u32 $0xFFFFFC00, v8;
	v9 =	vshll.u32 v1, $0x3  }
0x5f5: {  	s14 =	sand.u32 $0x60, s13;
	s3 =	sand.u32 $0x7C00, s12;
	v0 =	vor.u32 v0, v8;
	v1 =	vand.u32 $0x7F, v1;
	[tilespmem:s1+$0x80] =	vst v4;
	v4 =	vand.u32 $0xFFFFFC00, v9  }
0x5f6: {  	s10 =	sor.u32 s14, s3;
	v5 =	vld.idx.msk [tilespmem:v5+s25+$0x0], $0xffff;
	v8 =	vor.u32 v1, v4  }
0x5f7: {  	[tilespmem:s10+$0x11000] =	vst v6;
	v1 =	vor.u32 $0x180, v3  }
0x5f8: {  	v4 =	vld.idx.msk [tilespmem:v7+s25+$0x0], $0xffff  }
0x5f9: {  	v6 =	vor.u32 $0x100, v2  }
0x5fa: {  	v7 =	vld.idx.msk [tilespmem:v0+s25+$0x0], $0xffff  }
0x5fb: {  	s15 =	simm.s32 $0x30;
	v10 =	vor.u32 $0x80, v0;
	v9 =	vld.idx.msk [tilespmem:v8+s25+$0x0], $0xffff;
	[tilespmem:s1+$0x100] =	vst v5  }
0x5fc: {  	s16 =	simm.s32 $0x180;
	s17 =	simm.s32 $0x850;
	s18 =	simm.s32 $0x820;
	v1 =	vld.idx.msk [tilespmem:v1+s25+$0x0], $0xffff  }
0x5fd: {  	s12 =	simm.s32 $0x4100;
	s3 =	sand.u32 $0xFFFFFC00, s16;
	v11 =	vor.u32 $0x200, v3;
	s0 =	sand.u32 $0x70, s15;
	[tilespmem:s10+$0x11080] =	vst v4;
	v4 =	vld [tilespmem:s17+$0x0]  }
0x5fe: {  	s19 =	sand.u32 $0x7C00, s12;
	s5 =	sand.u32 $0x60, s18;
	s0 =	sor.u32 s0, s3;
	v6 =	vld.idx.msk [tilespmem:v6+s25+$0x0], $0xffff  }
0x5ff: {  	s11 =	sor.u32 s5, s19;
	v5 =	vor.u32 $0x80, v8;
	[tilespmem:s0+$0x15000] =	vst v7;
	v7 =	vld [tilespmem:s17+$0xFFFFFFF0]  }
0x600: {  	v12 =	vor.u32 $0x180, v2;
	v10 =	vld.idx.msk [tilespmem:v10+s25+$0x0], $0xffff;
	[tilespmem:s11+$0x11000] =	vst v9  }
0x601: {  	v9 =	vor.u32 $0x100, v0;
	[tilespmem:s1+$0x180] =	vst v1  }
0x602: {  	v1 =	vshll.u32 v4, $0x3;
	v11 =	vld.idx.msk [tilespmem:v11+s25+$0x0], $0xffff  }
0x603: {  	v4 =	vand.u32 $0x7F, v4;
	[tilespmem:s10+$0x11100] =	vst v6;
	v1 =	vand.u32 $0xFFFFFC00, v1;
	v6 =	vor.u32 $0x280, v3  }
0x604: {  	s19 =	sadd.s32 $0x15000, s0;
	v5 =	vld.idx.msk [tilespmem:v5+s25+$0x0], $0xffff;
	v14 =	vshll.u32 v7, $0x3;
	v1 =	vor.u32 v4, v1  }
0x605: {  	v13 =	vor.u32 $0x100, v8;
	v7 =	vand.u32 $0x7F, v7;
	v12 =	vld.idx.msk [tilespmem:v12+s25+$0x0], $0xffff;
	[tilespmem:s19+$0x80] =	vst v10;
	v10 =	vand.u32 $0xFFFFFC00, v14  }
0x606: {  	s22 =	simm.s32 $0x870;
	v10 =	vor.u32 v7, v10;
	v9 =	vld.idx.msk [tilespmem:v9+s25+$0x0], $0xffff  }
0x607: {  	v15 =	vld [tilespmem:s22+$0x0];
	v7 =	vor.u32 $0x180, v0;
	[tilespmem:s1+$0x200] =	vst v11  }
0x608: {  	v4 =	vor.u32 $0x200, v2;
	v6 =	vld.idx.msk [tilespmem:v6+s25+$0x0], $0xffff  }
0x609: {  	[tilespmem:s11+$0x11080] =	vst v5;
	v11 =	vld.idx.msk [tilespmem:v1+s25+$0x0], $0xffff  }
0x60a: {  	v5 =	vld.idx.msk [tilespmem:v13+s25+$0x0], $0xffff;
	[tilespmem:s10+$0x11180] =	vst v12;
	v12 =	vor.u32 $0x300, v3  }
0x60b: {  	s20 =	simm.s32 $0x50;
	s21 =	simm.s32 $0x280;
	v14 =	vor.u32 $0x80, v1;
	v13 =	vld.idx.msk [tilespmem:v10+s25+$0x0], $0xffff;
	[tilespmem:s19+$0x100] =	vst v9  }
0x60c: {  	s3 =	sand.u32 $0xFFFFFC00, s21;
	s0 =	sand.u32 $0x70, s20;
	v9 =	vor.u32 $0x80, v10;
	v7 =	vld.idx.msk [tilespmem:v7+s25+$0x0], $0xffff  }
0x60d: {  	s13 =	simm.s32 $0x4200;
	s23 =	simm.s32 $0x840;
	v16 =	vor.u32 $0x200, v0;
	s0 =	sor.u32 s0, s3;
	v4 =	vld.idx.msk [tilespmem:v4+s25+$0x0], $0xffff;
	[tilespmem:s1+$0x280] =	vst v6  }
0x60e: {  	s26 =	sand.u32 $0x7C00, s13;
	s5 =	sand.u32 $0x60, s23;
	v6 =	vor.u32 $0x180, v8;
	[tilespmem:s0+$0x15000] =	vst v11;
	v11 =	vld [tilespmem:s22+$0xFFFFFFF0]  }
0x60f: {  	v17 =	vor.u32 $0x280, v2;
	s14 =	sor.u32 s5, s26;
	v12 =	vld.idx.msk [tilespmem:v12+s25+$0x0], $0xffff  }
0x610: {  	v3 =	vor.u32 $0x380, v3;
	v14 =	vld.idx.msk [tilespmem:v14+s25+$0x0], $0xffff;
	[tilespmem:s14+$0x11000] =	vst v13  }
0x611: {  	v13 =	vor.u32 $0x100, v1;
	v9 =	vld.idx.msk [tilespmem:v9+s25+$0x0], $0xffff;
	[tilespmem:s19+$0x180] =	vst v7  }
0x612: {  	[tilespmem:s11+$0x11100] =	vst v5;
	v7 =	vor.u32 $0x100, v10;
	v5 =	vld.idx.msk [tilespmem:v16+s25+$0x0], $0xffff;
	v16 =	vshll.u32 v15, $0x3  }
0x613: {  	[tilespmem:s10+$0x11200] =	vst v4;
	v4 =	vand.u32 $0x7F, v15;
	v15 =	vor.u32 $0x280, v0;
	v18 =	vld.idx.msk [tilespmem:v6+s25+$0x0], $0xffff;
	v6 =	vand.u32 $0xFFFFFC00, v16  }
0x614: {  	s6 =	sadd.s32 $0x15000, s0;
	v16 =	vld.idx.msk [tilespmem:v17+s25+$0x0], $0xffff;
	[tilespmem:s1+$0x300] =	vst v12;
	v12 =	vshll.u32 v11, $0x3;
	v6 =	vor.u32 v4, v6  }
0x615: {  	s28 =	sand.u32 $0x7, s7;
	v17 =	vor.u32 $0x200, v8;
	v4 =	vand.u32 $0x7F, v11;
	[tilespmem:s6+$0x80] =	vst v14;
	v21 =	vld.idx.msk [tilespmem:v3+s25+$0x0], $0xffff;
	v3 =	vand.u32 $0xFFFFFC00, v12  }
0x616: {  	s0 =	sshll.u32 s28, $0x4;
	v14 =	vld.idx.msk [tilespmem:v13+s25+$0x0], $0xffff;
	[tilespmem:s14+$0x11080] =	vst v9;
	v23 =	vor.u32 v4, v3  }
0x617: {  	v27 =	vor.u32 $0x300, v2;
	v24 =	vor.u32 $0x180, v1;
	s0 =	sadd.s32 $0x4000, s0;
	v28 =	vld.idx.msk [tilespmem:v7+s25+$0x0], $0xffff;
	[tilespmem:s19+$0x200] =	vst v5  }
0x618: {  	s0 =	sadd.s32 $0xFFFFC090, s0;
	v11 =	vor.u32 $0x280, v10;
	v9 =	vor.u32 $0x280, v8;
	v13 =	vor.u32 $0x180, v10;
	v19 =	vld.idx.msk [tilespmem:v15+s25+$0x0], $0xffff  }
0x619: {  	s0 =	sor.u32 $0x300, s0;
	v12 =	vor.u32 $0x200, v10;
	v26 =	vor.u32 $0x80, v6;
	v4 =	vor.u32 $0x380, v2;
	[tilespmem:s11+$0x11180] =	vst v18;
	v22 =	vld.idx.msk [tilespmem:v6+s25+$0x0], $0xffff  }
0x61a: {  	s31 =	simm.s32 $0x380;
	v3 =	vor.u32 $0x380, v8;
	v7 =	vor.u32 $0x300, v10;
	v20 =	vld.idx.msk [tilespmem:v17+s25+$0x0], $0xffff;
	[tilespmem:s0+$0x15000] =	vst v21;
	v21 =	vor.u32 $0x300, v0  }
0x61b: {  	s30 =	simm.s32 $0x70;
	s16 =	sand.u32 $0xFFFFFC00, s31;
	s4 =	simm.s32 $0x890;
	v2 =	vor.u32 $0x380, v10;
	v5 =	vor.u32 $0x300, v8;
	v8 =	vor.u32 $0x380, v23;
	[tilespmem:s6+$0x100] =	vst v14;
	v25 =	vld.idx.msk [tilespmem:v23+s25+$0x0], $0xffff  }
0x61c: {  	s8 =	simm.s32 $0x4300;
	s3 =	simm.s32 $0x860;
	v10 =	vor.u32 $0x300, v23;
	[tilespmem:s10+$0x11280] =	vst v16;
	v18 =	vor.u32 $0x80, v23;
	v15 =	vor.u32 $0x100, v23;
	v24 =	vld.idx.msk [tilespmem:v24+s25+$0x0], $0xffff  }
0x61d: {  	s15 =	sand.u32 $0x70, s30;
	s5 =	sand.u32 $0x60, s3;
	s1 =	simm.s32 $0x86;
	v16 =	vor.u32 $0x280, v23;
	v17 =	vor.u32 $0x180, v23;
	v14 =	vor.u32 $0x200, v23;
	[tilespmem:s14+$0x11100] =	vst v28;
	v23 =	vld.idx.msk [tilespmem:v27+s25+$0x0], $0xffff  }
.LBB2_26:
0x61e: {  	v27 =	vld [tilespmem:s4+$0x0];
	s0 =	sand.u32 $0x7C00, s8;
	s9 =	sor.u32 s15, s16;
	v28 =	vor.u32 $0x200, v1;
	[tilespmem:s19+$0x280] =	vst v19;
	s15 =	smov.u32 s10  }
0x61f: {  	s1 =	sadd.s32 $0x2, s1;
	s10 =	smov.u32 s11;
	s0 =	sor.u32 s5, s0;
	[tilespmem:s9+$0x15000] =	vst v22;
	v19 =	vld.idx.msk [tilespmem:v21+s25+$0x0], $0xffff  }
0x620: {  	s11 =	smov.u32 s14;
	p0 =	slt.u32 s1, $0xFE;
	v21 =	vld.idx.msk [tilespmem:v26+s25+$0x0], $0xffff;
	[tilespmem:s10+$0x11200] =	vst v20;
	s14 =	smov.u32 s0  }
0x621: {  	v22 =	vor.u32 $0x380, v0;
	v0 =	vmov v1;
	v1 =	vmov v6;
	v20 =	vld [tilespmem:s4+$0xFFFFFFF0];
	[tilespmem:s14+$0x11000] =	vst v25  }
0x622: {  	v25 =	vor.u32 $0x100, v1;
	v18 =	vld.idx.msk [tilespmem:v18+s25+$0x0], $0xffff;
	[tilespmem:s6+$0x180] =	vst v24  }
0x623: {  	v24 =	vld.idx.msk [tilespmem:v28+s25+$0x0], $0xffff;
	[tilespmem:s15+$0x11300] =	vst v23  }
0x624: {  	v6 =	vshll.u32 v27, $0x3;
	v23 =	vld.idx.msk [tilespmem:v13+s25+$0x0], $0xffff;
	v13 =	vmov v17  }
0x625: {  	v26 =	vor.u32 $0x280, v0;
	v17 =	vand.u32 $0x7F, v27;
	v6 =	vand.u32 $0xFFFFFC00, v6;
	v27 =	vld.idx.msk [tilespmem:v9+s25+$0x0], $0xffff;
	[tilespmem:s19+$0x300] =	vst v19;
	v9 =	vmovc v11;
	v11 =	vmovc v16;
	s19 =	smov.u32 s6;
	s6 =	sadd.s32 $0x15000, s9  }
0x626: {  	s7 =	sadd.s32 $0x2, s7;
	v6 =	vor.u32 v17, v6;
	v16 =	vand.u32 $0x7F, v20;
	v19 =	vshll.u32 v20, $0x3;
	[tilespmem:s6+$0x80] =	vst v21;
	v28 =	vld.idx.msk [tilespmem:v22+s25+$0x0], $0xffff  }
0x627: {  	s0 =	sand.u32 $0x7, s7;
	v17 =	vand.u32 $0xFFFFFC00, v19;
	v29 =	vld.idx.msk [tilespmem:v25+s25+$0x0], $0xffff  }
0x628: {  	s0 =	sshll.u32 s0, $0x4;
	v25 =	vor.u32 v16, v17;
	[tilespmem:s14+$0x11080] =	vst v18;
	v30 =	vld.idx.msk [tilespmem:v4+s25+$0x0], $0xffff;
	v4 =	vmovc v3;
	v3 =	vmov v2;
	v2 =	vmov v8  }
0x629: {  	v32 =	vor.u32 $0x180, v1;
	s0 =	sadd.s32 s12, s0;
	s12 =	smov.u32 s13;
	s13 =	smov.u32 s8;
	v18 =	vor.u32 $0x80, v25;
	v31 =	vld.idx.msk [tilespmem:v15+s25+$0x0], $0xffff;
	v15 =	vor.u32 $0x100, v25;
	[tilespmem:s19+$0x200] =	vst v24  }
0x62a: {  	s0 =	sadd.s32 $0xFFFFC090, s0;
	v17 =	vor.u32 $0x180, v25;
	v24 =	vor.u32 $0x200, v25;
	v16 =	vor.u32 $0x280, v25;
	[tilespmem:s11+$0x11180] =	vst v23;
	v19 =	vld.idx.msk [tilespmem:v26+s25+$0x0], $0xffff  }
.Ltmp12:
0x62b: {  	s0 =	sor.u32 $0x300, s0;
	v33 =	vor.u32 $0x300, v25;
	v8 =	vor.u32 $0x380, v25;
	v22 =	vld.idx.msk [tilespmem:v6+s25+$0x0], $0xffff;
	[tilespmem:s10+$0x11280] =	vst v27;
	(pc) =	sbr.rel @p0 .LBB2_26-.Ltmp12, $4  }
0x62c: {  	v21 =	vor.u32 $0x300, v0;
	v20 =	vld.idx.msk [tilespmem:v12+s25+$0x0], $0xffff;
	[tilespmem:s0+$0x15000] =	vst v28;
	v12 =	vmov v14;
	v14 =	vmov v24  }
0x62d: {  	s3 =	sadd.s32 $0x20, s3;
	s8 =	sadd.s32 $0x100, s8;
	v26 =	vor.u32 $0x80, v6;
	v25 =	vld.idx.msk [tilespmem:v25+s25+$0x0], $0xffff;
	[tilespmem:s6+$0x100] =	vst v29  }
0x62e: {  	s5 =	sand.u32 $0x60, s3;
	s9 =	sadd.s32 $0xFFFFC080, s8;
	s0 =	sadd.s32 $0xFFFFF810, s3;
	v24 =	vld.idx.msk [tilespmem:v32+s25+$0x0], $0xffff;
	[tilespmem:s15+$0x11380] =	vst v30  }
0x62f: {  	s4 =	sadd.s32 $0x20, s4;
	s16 =	sand.u32 $0xFFFFFC00, s9;
	s15 =	sand.u32 $0x70, s0;
	[tilespmem:s14+$0x11100] =	vst v31;
	v23 =	vld.idx.msk [tilespmem:v5+s25+$0x0], $0xffff;
	v5 =	vmov v7;
	v7 =	vmov v10;
	v10 =	vmov v33  }
0x630: {  	_ =	sdelay $0x1  }
0x631: {  	s0 =	sor.u32 s15, s16;
	s1 =	sand.u32 $0x7C00, s8  }
0x632: {  	[tilespmem:s0+$0x15000] =	vst v22;
	s1 =	sor.u32 s5, s1  }
0x633: {  	v22 =	vld.idx.msk [tilespmem:v26+s25+$0x0], $0xffff;
	[tilespmem:s1+$0x11000] =	vst v25  }
0x634: {  	v45 =	vor.u32 $0x100, v6;
	v18 =	vld.idx.msk [tilespmem:v18+s25+$0x0], $0xffff;
	_ =	sdelay $0x2  }
0x635: {  	s3 =	sadd.s32 $0x15000, s0  }
0x636: {  	[tilespmem:s3+$0x80] =	vst v22  }
0x637: {  	v22 =	vld.idx.msk [tilespmem:v45+s25+$0x0], $0xffff;
	[tilespmem:s1+$0x11080] =	vst v18  }
0x638: {  	v46 =	vor.u32 $0x180, v6;
	v15 =	vld.idx.msk [tilespmem:v15+s25+$0x0], $0xffff;
	_ =	sdelay $0x2  }
0x639: {  	v13 =	vld.idx.msk [tilespmem:v13+s25+$0x0], $0xffff  }
0x63a: {  	[tilespmem:s3+$0x100] =	vst v22  }
0x63b: {  	v47 =	vor.u32 $0x200, v1;
	v18 =	vld.idx.msk [tilespmem:v46+s25+$0x0], $0xffff;
	[tilespmem:s1+$0x11100] =	vst v15  }
0x63c: {  	v48 =	vor.u32 $0x200, v6;
	v17 =	vld.idx.msk [tilespmem:v17+s25+$0x0], $0xffff  }
0x63d: {  	[tilespmem:s19+$0x280] =	vst v19  }
0x63e: {  	[tilespmem:s14+$0x11180] =	vst v13  }
0x63f: {  	[tilespmem:s6+$0x180] =	vst v24;
	v12 =	vld.idx.msk [tilespmem:v12+s25+$0x0], $0xffff  }
0x640: {  	v49 =	vld.idx.msk [tilespmem:v47+s25+$0x0], $0xffff;
	[tilespmem:s3+$0x180] =	vst v18  }
0x641: {  	v50 =	vor.u32 $0x280, v1;
	v51 =	vld.idx.msk [tilespmem:v48+s25+$0x0], $0xffff;
	[tilespmem:s1+$0x11180] =	vst v17  }
0x642: {  	v52 =	vor.u32 $0x280, v6;
	[tilespmem:s11+$0x11200] =	vst v20;
	v14 =	vld.idx.msk [tilespmem:v14+s25+$0x0], $0xffff  }
0x643: {  	v53 =	vld.idx.msk [tilespmem:v21+s25+$0x0], $0xffff;
	[tilespmem:s10+$0x11300] =	vst v23  }
0x644: {  	v0 =	vor.u32 $0x380, v0;
	v9 =	vld.idx.msk [tilespmem:v9+s25+$0x0], $0xffff;
	[tilespmem:s14+$0x11200] =	vst v12  }
0x645: {  	[tilespmem:s6+$0x200] =	vst v49;
	v11 =	vld.idx.msk [tilespmem:v11+s25+$0x0], $0xffff  }
0x646: {  	v54 =	vld.idx.msk [tilespmem:v50+s25+$0x0], $0xffff;
	[tilespmem:s3+$0x200] =	vst v51  }
0x647: {  	v55 =	vor.u32 $0x300, v1;
	v56 =	vld.idx.msk [tilespmem:v52+s25+$0x0], $0xffff;
	[tilespmem:s1+$0x11200] =	vst v14  }
0x648: {  	v57 =	vor.u32 $0x300, v6;
	s21 =	sadd.s32 $0x2, s7;
	[tilespmem:s19+$0x300] =	vst v53;
	v14 =	vld.idx.msk [tilespmem:v16+s25+$0x0], $0xffff  }
0x649: {  	s4 =	sand.u32 $0x7, s21;
	v0 =	vld.idx.msk [tilespmem:v0+s25+$0x0], $0xffff;
	[tilespmem:s11+$0x11280] =	vst v9  }
0x64a: {  	s4 =	sshll.u32 s4, $0x4;
	v5 =	vld.idx.msk [tilespmem:v5+s25+$0x0], $0xffff;
	[tilespmem:s14+$0x11280] =	vst v11  }
0x64b: {  	s4 =	sadd.s32 s12, s4;
	[tilespmem:s6+$0x280] =	vst v54;
	v7 =	vld.idx.msk [tilespmem:v7+s25+$0x0], $0xffff  }
0x64c: {  	s4 =	sadd.s32 $0xFFFFC090, s4;
	v58 =	vld.idx.msk [tilespmem:v55+s25+$0x0], $0xffff;
	[tilespmem:s3+$0x280] =	vst v56  }
0x64d: {  	v59 =	vor.u32 $0x380, v1;
	s4 =	sor.u32 $0x300, s4;
	v60 =	vld.idx.msk [tilespmem:v57+s25+$0x0], $0xffff;
	[tilespmem:s1+$0x11280] =	vst v14  }
0x64e: {  	v61 =	vor.u32 $0x380, v6;
	[tilespmem:s4+$0x15000] =	vst v0;
	v62 =	vld.idx.msk [tilespmem:v10+s25+$0x0], $0xffff  }
0x64f: {  	v4 =	vld.idx.msk [tilespmem:v4+s25+$0x0], $0xffff;
	[tilespmem:s11+$0x11300] =	vst v5  }
0x650: {  	v3 =	vld.idx.msk [tilespmem:v3+s25+$0x0], $0xffff;
	[tilespmem:s14+$0x11300] =	vst v7  }
0x651: {  	s0 =	sadd.s32 $0x2, s21;
	[tilespmem:s6+$0x300] =	vst v58;
	v2 =	vld.idx.msk [tilespmem:v2+s25+$0x0], $0xffff  }
0x652: {  	s22 =	sand.u32 $0x7, s0;
	s0 =	sadd.s32 $0x2, s0;
	v1 =	vld.idx.msk [tilespmem:v59+s25+$0x0], $0xffff;
	[tilespmem:s3+$0x300] =	vst v60  }
0x653: {  	s0 =	sand.u32 $0x7, s0;
	s4 =	sshll.u32 s22, $0x4;
	v63 =	vld.idx.msk [tilespmem:v61+s25+$0x0], $0xffff;
	[tilespmem:s1+$0x11300] =	vst v62  }
0x654: {  	s0 =	sshll.u32 s0, $0x4;
	[tilespmem:s10+$0x11380] =	vst v4;
	s23 =	sadd.s32 s13, s4;
	v0 =	vld.idx.msk [tilespmem:v8+s25+$0x0], $0xffff  }
0x655: {  	s0 =	sadd.s32 s8, s0;
	[tilespmem:s11+$0x11380] =	vst v3;
	s3 =	sadd.s32 $0xFFFFC090, s23  }
0x656: {  	s0 =	sadd.s32 $0xFFFFC090, s0;
	[tilespmem:s14+$0x11380] =	vst v2;
	s3 =	sor.u32 $0x300, s3  }
0x657: {  	s0 =	sor.u32 $0x300, s0;
	[tilespmem:s3+$0x15000] =	vst v1  }
0x658: {  	[tilespmem:s0+$0x15000] =	vst v63  }
0x659: {  	[tilespmem:s1+$0x11380] =	vst v0  }
0x65a: {  	s26 =	simm.s32 $0x15000;
	s28 =	simm.s32 $0x3;
	s0 =	rddreg [dreg:$0x14]  }
0x65b: {  	[hbm4b:s0+s29] =	stream.linear.scatter [tilespmem:s26], [sflag:$0x4], $0x4000, $0x38;
	[tilespmem:$0x19000] =	vst v63  }
0x65c: {  	_ =	swait.ge [sflag:s28], $0x4000  }
0x65d: {  	[sflag:s28] =	ssyncset.done $0x0  }
0x65e: {  	[sflag:s28] =	ssyncadd.s32 $0xFFFFC000  }
0x65f: {  	_ =	swait.ge [sflag:s2], $0x4000  }
0x660: {  	s30 =	rddreg [dreg:$0x16]  }
0x661: {  	s31 =	rddreg [dreg:$0x15];
	s1 =	sadd.s32 $0x1, s30  }
0x662: {  	p0 =	sne.s32 s1, s31  }
.Ltmp13:
0x663: {  	_ = 	snop;
	(pc) =	sbr.rel @p0 .LBB2_1-.Ltmp13, $3  }
0x664: {  	_ =	sdelay $0x1  }
0x665: {  	[sflag:s2] =	ssyncset.done $0x0  }
0x666: {  	[sflag:s2] =	ssyncadd.s32 $0xFFFFC000  }
0x667: {  	_ =	sfence.sel $0x180000  }
0x668: {  	[bflag:$0x0] =	sbarrier.arrive $0xFFFF  }
0x669: {  	_ =	strace $0x90000047  }
0x66a: {  	s0 =	stileid.u32;
	[bflag:$0x2] =	sbarrier.arrive $0xFFFF  }
0x66b: {  	p0 =	sne.s32 s0, $0x0;
	s0 =	rddreg [dreg:$0x3]  }
0x66c: {  	s0 =	sadd.s32 @!p0 $0x100000, s0  }
0x66d: {  	[sflag:s0] =	ssyncadd.tile.s32 @!p0 $0x1;
	_ =	shalt  }
.Lfunc_end2:
_tile_overlayer_lowered:
.L_overlay_start_2:
0x66e: {  	(tag) =	ssettag $0x2  }
0x66f: {  	s0 =	rddreg [dreg:$0x0];
	s2 =	stileid.u32  }
0x670: {  	s1 =	rddreg [dreg:$0x1];
	p0 =	sne.s32 s2, $0x0  }
0x671: {  	s3 =	rddreg [dreg:$0x2];
	[bflag:$0x3] =	sbarrier.arrive $0xFFFF;
	s2 =	simm.s32 @!p0 $0x1C05  }
0x672: {  	[timem:s3], [sflag:s2] =	dma.local @!p0 [hbm:s0], s1  }
0x673: {  	s0 =	simm.s32 @!p0 $0x5  }
0x674: {  	_ =	swait.ge @!p0 [sflag:s0], s1  }
0x675: {  	s1 =	ssub.s32 @!p0 $0x0, s1;
	[sflag:s0] =	ssyncset.done @!p0 $0x0  }
0x676: {  	[sflag:s0] =	ssyncadd.s32 @!p0 s1  }
0x677: {  	[bflag:$0x3] =	sbarrier.arrive $0xFFFF  }
0x678: {  	_ =	shalt  }

</sc_bundles>
